<compile_context>
chip_gen: v7x
topology: tpu7x:2x2x1
jax: 0.10.2.dev20260603
libtpu: 0.0.44.dev20260713+nightly
codegen_flags: <defaults>
</compile_context>

<pallas_src>
import functools

import jax
import jax.numpy as jnp
from jax import lax
from jax.experimental import pallas as pl
from jax.experimental.pallas import tpu as pltpu
from jax.experimental.pallas import tpu_sc as plsc

N = 10000
E = 320000
G = 32
C = 10
EPS = 1e-5

NC = 2
NS = 16
NW = NC * NS
EPW = E // NW
CH = 80
NCH = EPW // CH
NPAD = 10240
RPS = NPAD // NS
RB = 1000
GRID = N // RB



def _sc_agg(t, src, dst, D, with_cnt):
    mesh = plsc.VectorSubcoreMesh(core_axis_name="c", subcore_axis_name="s")
    out_type = [jax.ShapeDtypeStruct((NC, NPAD, D), jnp.float32)]
    scratch = [
        pltpu.VMEM((CH,), jnp.int32),
        pltpu.VMEM((CH,), jnp.int32),
        pltpu.VMEM((CH,), jnp.int32),
        pltpu.VMEM((CH,), jnp.int32),
        pltpu.VMEM((CH, D), jnp.float32),
        pltpu.VMEM((CH, D), jnp.float32),
        pltpu.VMEM_SHARED((NPAD, D), jnp.float32),
        pltpu.SemaphoreType.DMA,
        pltpu.SemaphoreType.DMA,
    ]
    if with_cnt:
        out_type.append(jax.ShapeDtypeStruct((NC, NS, NPAD), jnp.float32))
        scratch.append(pltpu.VMEM((NPAD,), jnp.float32))

    def body(t_hbm, src_hbm, dst_hbm, z_hbm, *rest):
        if with_cnt:
            (zc_hbm, out_hbm, cnt_hbm, isa, ida, isb, idb, rowsa, rowsb,
             acc, sema, semb, cloc) = rest
        else:
            (out_hbm, isa, ida, isb, idb, rowsa, rowsb,
             acc, sema, semb) = rest
        c = lax.axis_index("c")
        s = lax.axis_index("s")
        wid = s * NC + c
        r0 = s * RPS
        base = wid * EPW

        def load_idx(i_s, i_d, off):
            pltpu.sync_copy(src_hbm.at[pl.ds(off, CH)], i_s)
            pltpu.sync_copy(dst_hbm.at[pl.ds(off, CH)], i_d)

        def fire(i_s, rows, sem):
            pltpu.async_copy(t_hbm.at[i_s], rows, sem)

        def drain(rows, sem):
            pltpu.make_async_copy(t_hbm.at[pl.ds(0, CH)], rows, sem).wait()

        def commit(rows, i_d):
            pltpu.sync_copy(rows, acc.at[i_d], add=True)
            if with_cnt:
                for j in range(CH // 16):
                    iv = i_d[pl.ds(j * 16, 16)]
                    cnts, lastm = plsc.scan_count(iv)
                    plsc.addupdate_scatter(cloc, [iv],
                                           cnts.astype(jnp.float32),
                                           mask=lastm)

        for k in range(RPS // CH):
            pltpu.sync_copy(z_hbm.at[pl.ds(r0 + k * CH, CH)], rowsa)
            pltpu.sync_copy(rowsa, acc.at[pl.ds(r0 + k * CH, CH)])
        if with_cnt:
            pltpu.sync_copy(zc_hbm, cloc)
        plsc.subcore_barrier()

        load_idx(isa, ida, base)
        fire(isa, rowsa, sema)

        @pl.loop(0, (NCH - 1) // 2)
        def _pair(k):
            off_b = pl.multiple_of(base + (2 * k + 1) * CH, 8)
            off_a2 = pl.multiple_of(base + (2 * k + 2) * CH, 8)
            load_idx(isb, idb, off_b)
            drain(rowsa, sema)
            fire(isb, rowsb, semb)
            commit(rowsa, ida)
            load_idx(isa, ida, off_a2)
            drain(rowsb, semb)
            fire(isa, rowsa, sema)
            commit(rowsb, idb)

        drain(rowsa, sema)
        commit(rowsa, ida)

        plsc.subcore_barrier()

        for k in range(RPS // CH):
            pltpu.sync_copy(acc.at[pl.ds(r0 + k * CH, CH)], rowsa)
            pltpu.sync_copy(rowsa, out_hbm.at[c, pl.ds(r0 + k * CH, CH)])
        if with_cnt:
            pltpu.sync_copy(cloc, cnt_hbm.at[c, s])

    f = pl.kernel(body, out_type=tuple(out_type), mesh=mesh,
                  scratch_types=tuple(scratch),
                  compiler_params=pltpu.CompilerParams(
                      needs_layout_passes=False))
    zargs = (jnp.zeros((NPAD, D), jnp.float32),)
    if with_cnt:
        zargs += (jnp.zeros((NPAD,), jnp.float32),)
    return f(t, src, dst, *zargs)



def _row_spec(width):
    return pl.BlockSpec((RB, width), lambda i: (i, 0))


def _full_spec(shape):
    return pl.BlockSpec(shape, lambda i: tuple(0 for _ in shape))


def _tc_a1_body(aggp, cntp, x, W1l, W1r, b1, p_out, cnt_out, s_out, q_out):
    i = pl.program_id(0)
    cnt = jnp.sum(cntp[...], axis=1, keepdims=True)
    cnt_out[...] = cnt
    mean = (aggp[0] + aggp[1]) / jnp.maximum(cnt, 1.0)
    p = (jnp.dot(mean, W1l[...], preferred_element_type=jnp.float32)
         + jnp.dot(x[...], W1r[...], preferred_element_type=jnp.float32)
         + b1[...])
    p_out[...] = p
    ps = jnp.sum(p, axis=0, keepdims=True)
    qs = jnp.sum(p * p, axis=0, keepdims=True)

    @pl.when(i == 0)
    def _():
        s_out[...] = jnp.zeros_like(s_out)
        q_out[...] = jnp.zeros_like(q_out)

    s_out[...] += ps
    q_out[...] += qs


def _tc_a23_body(aggp, cnt, u, p_out, s_out, q_out, *, D):
    i = pl.program_id(0)
    mean = (aggp[0][:, :D] + aggp[1][:, :D]) / jnp.maximum(cnt[...], 1.0)
    p = mean + u[...]
    p_out[...] = p

    @pl.when(i == 0)
    def _():
        s_out[...] = jnp.zeros_like(s_out)
        q_out[...] = jnp.zeros_like(q_out)

    s_out[...] += jnp.sum(p, axis=0, keepdims=True)
    q_out[...] += jnp.sum(p * p, axis=0, keepdims=True)


def _tc_b_body(p_in, s_in, q_in, g, be, Wl, Wr, b, t_out, u_out):
    mu = s_in[...] * (1.0 / N)
    var = q_in[...] * (1.0 / N) - mu * mu
    h = (p_in[...] - mu) * lax.rsqrt(var + EPS) * g[...] + be[...]
    h = jnp.maximum(h, 0.0)
    t_out[...] = jnp.dot(h, Wl[...], preferred_element_type=jnp.float32)
    u_out[...] = jnp.dot(h, Wr[...], preferred_element_type=jnp.float32) + b[...]


def _tc_c_body(p_in, s_in, q_in, g, be, batch, fcW1, fcb1, fcW2, fcb2,
               out, ps_acc, pc_acc):
    i = pl.program_id(0)
    mu = s_in[...] * (1.0 / N)
    var = q_in[...] * (1.0 / N) - mu * mu
    h = (p_in[...] - mu) * lax.rsqrt(var + EPS) * g[...] + be[...]
    h = jnp.maximum(h, 0.0)
    gids = lax.broadcasted_iota(jnp.int32, (G, RB), 0)
    oht = (gids == batch[0]).astype(jnp.float32)

    @pl.when(i == 0)
    def _():
        ps_acc[...] = jnp.zeros_like(ps_acc)
        pc_acc[...] = jnp.zeros_like(pc_acc)

    ps_acc[...] += jnp.dot(oht, h, preferred_element_type=jnp.float32)
    pc_acc[...] += jnp.sum(oht, axis=1, keepdims=True)

    @pl.when(i == GRID - 1)
    def _():
        pooled = ps_acc[...] / jnp.maximum(pc_acc[...], 1.0)
        hf = jnp.maximum(
            jnp.dot(pooled, fcW1[...], preferred_element_type=jnp.float32)
            + fcb1[...], 0.0)
        out[...] = (jnp.dot(hf, fcW2[...], preferred_element_type=jnp.float32)
                    + fcb2[...])


def _tc_a1(aggp, cntp, x, W1l, W1r, b1):
    return pl.pallas_call(
        _tc_a1_body,
        grid=(GRID,),
        in_specs=[
            pl.BlockSpec((NC, RB, 128), lambda i: (0, i, 0)),
            pl.BlockSpec((RB, NW), lambda i: (i, 0)),
            _row_spec(128),
            _full_spec((128, 256)), _full_spec((128, 256)), _full_spec((1, 256)),
        ],
        out_specs=[
            _row_spec(256), _row_spec(1),
            _full_spec((1, 256)), _full_spec((1, 256)),
        ],
        out_shape=[
            jax.ShapeDtypeStruct((N, 256), jnp.float32),
            jax.ShapeDtypeStruct((N, 1), jnp.float32),
            jax.ShapeDtypeStruct((1, 256), jnp.float32),
            jax.ShapeDtypeStruct((1, 256), jnp.float32),
        ],
    )(aggp, cntp, x, W1l, W1r, b1)


def _tc_a23(aggp, cnt, u, Dagg, D):
    return pl.pallas_call(
        functools.partial(_tc_a23_body, D=D),
        grid=(GRID,),
        in_specs=[
            pl.BlockSpec((NC, RB, Dagg), lambda i: (0, i, 0)),
            _row_spec(1), _row_spec(D),
        ],
        out_specs=[_row_spec(D), _full_spec((1, D)), _full_spec((1, D))],
        out_shape=[
            jax.ShapeDtypeStruct((N, D), jnp.float32),
            jax.ShapeDtypeStruct((1, D), jnp.float32),
            jax.ShapeDtypeStruct((1, D), jnp.float32),
        ],
    )(aggp, cnt, u)


def _tc_b(p, s, q, g, be, Wl, Wr, b, Din, Dt, Du):
    return pl.pallas_call(
        _tc_b_body,
        grid=(GRID,),
        in_specs=[
            _row_spec(Din),
            _full_spec((1, Din)), _full_spec((1, Din)),
            _full_spec((1, Din)), _full_spec((1, Din)),
            _full_spec((Din, Dt)), _full_spec((Din, Du)),
            _full_spec((1, Du)),
        ],
        out_specs=[_row_spec(Dt), _row_spec(Du)],
        out_shape=[
            jax.ShapeDtypeStruct((N, Dt), jnp.float32),
            jax.ShapeDtypeStruct((N, Du), jnp.float32),
        ],
    )(p, s, q, g, be, Wl, Wr, b)


def _tc_c(p, s, q, g, be, batch2d, fcW1, fcb1, fcW2, fcb2):
    return pl.pallas_call(
        _tc_c_body,
        grid=(GRID,),
        in_specs=[
            _row_spec(64),
            _full_spec((1, 64)), _full_spec((1, 64)),
            _full_spec((1, 64)), _full_spec((1, 64)),
            pl.BlockSpec((1, 1, RB), lambda i: (i, 0, 0)),
            _full_spec((64, 32)), _full_spec((1, 32)),
            _full_spec((32, C)), _full_spec((1, C)),
        ],
        out_specs=_full_spec((G, C)),
        out_shape=jax.ShapeDtypeStruct((G, C), jnp.float32),
        scratch_shapes=[
            pltpu.VMEM((G, 64), jnp.float32),
            pltpu.VMEM((G, 1), jnp.float32),
        ],
    )(p, s, q, g, be, batch2d, fcW1, fcb1, fcW2, fcb2)



def kernel(x, edge_index, batch, W1l, W1r, b1, g1, be1, W2l, W2r, b2, g2, be2,
           W3l, W3r, b3, g3, be3, fcW1, fcb1, fcW2, fcb2):
    src = edge_index[0]
    dst = edge_index[1]

    r1 = lambda v: v.reshape(1, -1)

    aggp1, cntp = _sc_agg(x, src, dst, 128, True)
    p1, cnt, s1, q1 = _tc_a1(aggp1, cntp.reshape(NW, NPAD).T, x,
                             W1l, W1r, r1(b1))
    t2, u2 = _tc_b(p1, s1, q1, r1(g1), r1(be1), W2l, W2r, r1(b2), 256, 128, 128)

    (aggp2,) = _sc_agg(t2, src, dst, 128, False)
    p2, s2, q2 = _tc_a23(aggp2, cnt, u2, 128, 128)
    W3lp = jnp.concatenate([W3l, jnp.zeros((128, 64), jnp.float32)], axis=1)
    t3, u3 = _tc_b(p2, s2, q2, r1(g2), r1(be2), W3lp, W3r, r1(b3), 128, 128, 64)

    (aggp3,) = _sc_agg(t3, src, dst, 128, False)
    p3, s3, q3 = _tc_a23(aggp3, cnt, u3, 128, 64)

    return _tc_c(p3, s3, q3, r1(g3), r1(be3), batch.reshape(GRID, 1, RB),
                 fcW1, r1(fcb1), fcW2, r1(fcb2))

# --- scband reference (transcript-rebuilt; emitter-appended) ---
"""Pipeline reference for scband-edgnet-gpu-80917183856717 (READ-ONLY COPY).

The authoritative reference and input builder live on the scoring server;
editing this copy changes nothing except your own understanding.
"""

import jax, jax.numpy as jnp
import numpy as np

N = 10000
E = 320000
F_IN = 128
H = 256
C = 10
G = 32
EPS = 1e-5


def _w(k, shape):
    return (jax.random.normal(k, shape, dtype=jnp.float32) * 0.05)


def setup_inputs(seed: int = 0) -> dict:
    key = jax.random.key(seed)
    ks = jax.random.split(key, 24)
    x = jax.random.normal(ks[0], (N, F_IN), dtype=jnp.float32)
    edge_index = jax.random.randint(ks[1], (2, E), 0, N, dtype=jnp.int32)
    batch = jnp.sort(jax.random.randint(ks[2], (N,), 0, G, dtype=jnp.int32))
    return {
        'x': x, 'edge_index': edge_index, 'batch': batch,
        'W1l': _w(ks[3], (F_IN, H)), 'W1r': _w(ks[4], (F_IN, H)), 'b1': jnp.zeros((H,), jnp.float32),
        'g1': jnp.ones((H,), jnp.float32), 'be1': jnp.zeros((H,), jnp.float32),
        'W2l': _w(ks[5], (H, H // 2)), 'W2r': _w(ks[6], (H, H // 2)), 'b2': jnp.zeros((H // 2,), jnp.float32),
        'g2': jnp.ones((H // 2,), jnp.float32), 'be2': jnp.zeros((H // 2,), jnp.float32),
        'W3l': _w(ks[7], (H // 2, H // 4)), 'W3r': _w(ks[8], (H // 2, H // 4)), 'b3': jnp.zeros((H // 4,), jnp.float32),
        'g3': jnp.ones((H // 4,), jnp.float32), 'be3': jnp.zeros((H // 4,), jnp.float32),
        'fcW1': _w(ks[9], (H // 4, H // 8)), 'fcb1': jnp.zeros((H // 8,), jnp.float32),
        'fcW2': _w(ks[10], (H // 8, C)), 'fcb2': jnp.zeros((C,), jnp.float32),
    }


def _sage(x, src, dst, Wl, Wr, b, n):
    msg = jnp.take(x, src, axis=0)
    agg = jax.ops.segment_sum(msg, dst, num_segments=n)
    cnt = jax.ops.segment_sum(jnp.ones((src.shape[0], 1), x.dtype), dst, num_segments=n)
    mean = agg / jnp.maximum(cnt, 1.0)
    return mean @ Wl + x @ Wr + b


def _bn(h, g, b):
    mu = h.mean(axis=0)
    var = h.var(axis=0)
    return (h - mu) / jnp.sqrt(var + EPS) * g + b


def reference(x, edge_index, batch, W1l, W1r, b1, g1, be1, W2l, W2r, b2, g2, be2, W3l, W3r, b3, g3, be3, fcW1, fcb1, fcW2, fcb2):
    src = edge_index[0]
    dst = edge_index[1]
    h = jax.nn.relu(_bn(_sage(x, src, dst, W1l, W1r, b1, N), g1, be1))
    h = jax.nn.relu(_bn(_sage(h, src, dst, W2l, W2r, b2, N), g2, be2))
    h = jax.nn.relu(_bn(_sage(h, src, dst, W3l, W3r, b3, N), g3, be3))
    ps = jax.ops.segment_sum(h, batch, num_segments=G)
    pc = jax.ops.segment_sum(jnp.ones((N, 1), h.dtype), batch, num_segments=G)
    pooled = ps / jnp.maximum(pc, 1.0)
    h = jax.nn.relu(pooled @ fcW1 + fcb1)
    out = h @ fcW2 + fcb2
    return out

if __name__ == "__main__":
    import jax
    _d = setup_inputs()
    print(jax.jit(kernel)(*tuple(_d.values())))

</pallas_src>

<mosaic_0001>
#map = affine_map<(d0, d1) -> (0, 0)>
#map1 = affine_map<(d0, d1) -> (0)>
#map2 = affine_map<(d0, d1) -> (0, 0, 0)>
module attributes {stable_mosaic.version = 14 : i64} {
  func.func @body(%arg0: i32, %arg1: i32, %arg2: memref<10000x128xf32, #tpu.memory_space<hbm>>, %arg3: memref<320000xi32, #tpu.memory_space<hbm>>, %arg4: memref<320000xi32, #tpu.memory_space<hbm>>, %arg5: memref<10240x128xf32, #tpu.memory_space<hbm>>, %arg6: memref<2x10240x128xf32, #tpu.memory_space<hbm>>, %arg7: memref<80xi32, #tpu.memory_space<vmem>>, %arg8: memref<80xi32, #tpu.memory_space<vmem>>, %arg9: memref<80xi32, #tpu.memory_space<vmem>>, %arg10: memref<80xi32, #tpu.memory_space<vmem>>, %arg11: memref<80x128xf32, #tpu.memory_space<vmem>>, %arg12: memref<80x128xf32, #tpu.memory_space<vmem>>, %arg13: memref<10240x128xf32, #tpu.memory_space<vmem_shared>>, %arg14: memref<!tpu.dma_semaphore, #tpu.memory_space<semaphore_mem>>, %arg15: memref<!tpu.dma_semaphore, #tpu.memory_space<semaphore_mem>>) attributes {dimension_semantics = [#tpu.dimension_semantics<core_parallel>, #tpu.dimension_semantics<subcore_parallel>], iteration_bounds = array<i64: 2, 16>, scalar_prefetch = 0 : i64, scratch_operands = 9 : i64, tpu.core_type = #tpu.core_type<sc_vector_subcore>, window_params = [{transform_indices = #map}, {transform_indices = #map1}, {transform_indices = #map1}, {transform_indices = #map}, {transform_indices = #map2}]} {
    %mul3A = arith.constant 2 : i32
    %mul3A_0 = arith.muli %arg1, %mul3A : i32
    %add3A = arith.addi %mul3A_0, %arg0 : i32
    %mul3A_1 = arith.constant 640 : i32
    %mul3A_2 = arith.muli %arg1, %mul3A_1 : i32
    %mul3A_3 = arith.constant 10000 : i32
    %mul3A_4 = arith.muli %add3A, %mul3A_3 : i32
    %add3A_5 = arith.constant 0 : i32
    %add3A_6 = arith.addi %mul3A_2, %add3A_5 : i32
    "tpu.region"() ({
      %run_scoped3A = tpu.sem_alloc : memref<!tpu.dma_semaphore, #tpu.memory_space<semaphore_mem>>
      %dma_start3A_81 = arith.constant 0 : i32
      %dma_start3A_82 = tpu.memref_slice %arg5[%add3A_6, %dma_start3A_81] : memref<10240x128xf32, #tpu.memory_space<hbm>> -> memref<80x128xf32, #tpu.memory_space<hbm>>
      %dma_start3A_83 = arith.constant 0 : i32
      %dma_start3A_84 = tpu.memref_slice %arg5[%add3A_6, %dma_start3A_83] : memref<10240x128xf32, #tpu.memory_space<hbm>> -> memref<80x128xf32, #tpu.memory_space<hbm>>
      tpu.enqueue_dma source(%dma_start3A_84 : memref<80x128xf32, #tpu.memory_space<hbm>>) target(%arg11 : memref<80x128xf32, #tpu.memory_space<vmem>>) target_semaphore(%run_scoped3A : memref<!tpu.dma_semaphore, #tpu.memory_space<semaphore_mem>>)
      %dma_wait3A_85 = arith.constant 0 : i32
      %dma_wait3A_86 = tpu.memref_slice %arg5[%add3A_6, %dma_wait3A_85] : memref<10240x128xf32, #tpu.memory_space<hbm>> -> memref<80x128xf32, #tpu.memory_space<hbm>>
      %dma_wait3A_87 = arith.constant 0 : i32
      %dma_wait3A_88 = tpu.memref_slice %arg5[%add3A_6, %dma_wait3A_87] : memref<10240x128xf32, #tpu.memory_space<hbm>> -> memref<80x128xf32, #tpu.memory_space<hbm>>
      tpu.wait_dma2 semaphore(%run_scoped3A : memref<!tpu.dma_semaphore, #tpu.memory_space<semaphore_mem>>) src(%dma_wait3A_88 : memref<80x128xf32, #tpu.memory_space<hbm>>) dst(%arg11 : memref<80x128xf32, #tpu.memory_space<vmem>>)
      tpu.yield
    }) : () -> ()
    %add3A_7 = arith.constant 0 : i32
    %add3A_8 = arith.addi %mul3A_2, %add3A_7 : i32
    "tpu.region"() ({
      %run_scoped3A = tpu.sem_alloc : memref<!tpu.dma_semaphore, #tpu.memory_space<semaphore_mem>>
      %dma_start3A_81 = arith.constant 0 : i32
      %dma_start3A_82 = tpu.memref_slice %arg13[%add3A_8, %dma_start3A_81] : memref<10240x128xf32, #tpu.memory_space<vmem_shared>> -> memref<80x128xf32, #tpu.memory_space<vmem_shared>>
      %dma_start3A_83 = arith.constant 0 : i32
      %dma_start3A_84 = tpu.memref_slice %arg13[%add3A_8, %dma_start3A_83] : memref<10240x128xf32, #tpu.memory_space<vmem_shared>> -> memref<80x128xf32, #tpu.memory_space<vmem_shared>>
      tpu.enqueue_dma source(%arg11 : memref<80x128xf32, #tpu.memory_space<vmem>>) target(%dma_start3A_84 : memref<80x128xf32, #tpu.memory_space<vmem_shared>>) target_semaphore(%run_scoped3A : memref<!tpu.dma_semaphore, #tpu.memory_space<semaphore_mem>>)
      %dma_wait3A_85 = arith.constant 0 : i32
      %dma_wait3A_86 = tpu.memref_slice %arg13[%add3A_8, %dma_wait3A_85] : memref<10240x128xf32, #tpu.memory_space<vmem_shared>> -> memref<80x128xf32, #tpu.memory_space<vmem_shared>>
      %dma_wait3A_87 = arith.constant 0 : i32
      %dma_wait3A_88 = tpu.memref_slice %arg13[%add3A_8, %dma_wait3A_87] : memref<10240x128xf32, #tpu.memory_space<vmem_shared>> -> memref<80x128xf32, #tpu.memory_space<vmem_shared>>
      tpu.wait_dma2 semaphore(%run_scoped3A : memref<!tpu.dma_semaphore, #tpu.memory_space<semaphore_mem>>) src(%arg11 : memref<80x128xf32, #tpu.memory_space<vmem>>) dst(%dma_wait3A_88 : memref<80x128xf32, #tpu.memory_space<vmem_shared>>)
      tpu.yield
    }) : () -> ()
    %add3A_9 = arith.constant 80 : i32
    %add3A_10 = arith.addi %mul3A_2, %add3A_9 : i32
    "tpu.region"() ({
      %run_scoped3A = tpu.sem_alloc : memref<!tpu.dma_semaphore, #tpu.memory_space<semaphore_mem>>
      %dma_start3A_81 = arith.constant 0 : i32
      %dma_start3A_82 = tpu.memref_slice %arg5[%add3A_10, %dma_start3A_81] : memref<10240x128xf32, #tpu.memory_space<hbm>> -> memref<80x128xf32, #tpu.memory_space<hbm>>
      %dma_start3A_83 = arith.constant 0 : i32
      %dma_start3A_84 = tpu.memref_slice %arg5[%add3A_10, %dma_start3A_83] : memref<10240x128xf32, #tpu.memory_space<hbm>> -> memref<80x128xf32, #tpu.memory_space<hbm>>
      tpu.enqueue_dma source(%dma_start3A_84 : memref<80x128xf32, #tpu.memory_space<hbm>>) target(%arg11 : memref<80x128xf32, #tpu.memory_space<vmem>>) target_semaphore(%run_scoped3A : memref<!tpu.dma_semaphore, #tpu.memory_space<semaphore_mem>>)
      %dma_wait3A_85 = arith.constant 0 : i32
      %dma_wait3A_86 = tpu.memref_slice %arg5[%add3A_10, %dma_wait3A_85] : memref<10240x128xf32, #tpu.memory_space<hbm>> -> memref<80x128xf32, #tpu.memory_space<hbm>>
      %dma_wait3A_87 = arith.constant 0 : i32
      %dma_wait3A_88 = tpu.memref_slice %arg5[%add3A_10, %dma_wait3A_87] : memref<10240x128xf32, #tpu.memory_space<hbm>> -> memref<80x128xf32, #tpu.memory_space<hbm>>
      tpu.wait_dma2 semaphore(%run_scoped3A : memref<!tpu.dma_semaphore, #tpu.memory_space<semaphore_mem>>) src(%dma_wait3A_88 : memref<80x128xf32, #tpu.memory_space<hbm>>) dst(%arg11 : memref<80x128xf32, #tpu.memory_space<vmem>>)
      tpu.yield
    }) : () -> ()
    %add3A_11 = arith.constant 80 : i32
    %add3A_12 = arith.addi %mul3A_2, %add3A_11 : i32
    "tpu.region"() ({
      %run_scoped3A = tpu.sem_alloc : memref<!tpu.dma_semaphore, #tpu.memory_space<semaphore_mem>>
      %dma_start3A_81 = arith.constant 0 : i32
      %dma_start3A_82 = tpu.memref_slice %arg13[%add3A_12, %dma_start3A_81] : memref<10240x128xf32, #tpu.memory_space<vmem_shared>> -> memref<80x128xf32, #tpu.memory_space<vmem_shared>>
      %dma_start3A_83 = arith.constant 0 : i32
      %dma_start3A_84 = tpu.memref_slice %arg13[%add3A_12, %dma_start3A_83] : memref<10240x128xf32, #tpu.memory_space<vmem_shared>> -> memref<80x128xf32, #tpu.memory_space<vmem_shared>>
      tpu.enqueue_dma source(%arg11 : memref<80x128xf32, #tpu.memory_space<vmem>>) target(%dma_start3A_84 : memref<80x128xf32, #tpu.memory_space<vmem_shared>>) target_semaphore(%run_scoped3A : memref<!tpu.dma_semaphore, #tpu.memory_space<semaphore_mem>>)
      %dma_wait3A_85 = arith.constant 0 : i32
      %dma_wait3A_86 = tpu.memref_slice %arg13[%add3A_12, %dma_wait3A_85] : memref<10240x128xf32, #tpu.memory_space<vmem_shared>> -> memref<80x128xf32, #tpu.memory_space<vmem_shared>>
      %dma_wait3A_87 = arith.constant 0 : i32
      %dma_wait3A_88 = tpu.memref_slice %arg13[%add3A_12, %dma_wait3A_87] : memref<10240x128xf32, #tpu.memory_space<vmem_shared>> -> memref<80x128xf32, #tpu.memory_space<vmem_shared>>
      tpu.wait_dma2 semaphore(%run_scoped3A : memref<!tpu.dma_semaphore, #tpu.memory_space<semaphore_mem>>) src(%arg11 : memref<80x128xf32, #tpu.memory_space<vmem>>) dst(%dma_wait3A_88 : memref<80x128xf32, #tpu.memory_space<vmem_shared>>)
      tpu.yield
    }) : () -> ()
    %add3A_13 = arith.constant 160 : i32
    %add3A_14 = arith.addi %mul3A_2, %add3A_13 : i32
    "tpu.region"() ({
      %run_scoped3A = tpu.sem_alloc : memref<!tpu.dma_semaphore, #tpu.memory_space<semaphore_mem>>
      %dma_start3A_81 = arith.constant 0 : i32
      %dma_start3A_82 = tpu.memref_slice %arg5[%add3A_14, %dma_start3A_81] : memref<10240x128xf32, #tpu.memory_space<hbm>> -> memref<80x128xf32, #tpu.memory_space<hbm>>
      %dma_start3A_83 = arith.constant 0 : i32
      %dma_start3A_84 = tpu.memref_slice %arg5[%add3A_14, %dma_start3A_83] : memref<10240x128xf32, #tpu.memory_space<hbm>> -> memref<80x128xf32, #tpu.memory_space<hbm>>
      tpu.enqueue_dma source(%dma_start3A_84 : memref<80x128xf32, #tpu.memory_space<hbm>>) target(%arg11 : memref<80x128xf32, #tpu.memory_space<vmem>>) target_semaphore(%run_scoped3A : memref<!tpu.dma_semaphore, #tpu.memory_space<semaphore_mem>>)
      %dma_wait3A_85 = arith.constant 0 : i32
      %dma_wait3A_86 = tpu.memref_slice %arg5[%add3A_14, %dma_wait3A_85] : memref<10240x128xf32, #tpu.memory_space<hbm>> -> memref<80x128xf32, #tpu.memory_space<hbm>>
      %dma_wait3A_87 = arith.constant 0 : i32
      %dma_wait3A_88 = tpu.memref_slice %arg5[%add3A_14, %dma_wait3A_87] : memref<10240x128xf32, #tpu.memory_space<hbm>> -> memref<80x128xf32, #tpu.memory_space<hbm>>
      tpu.wait_dma2 semaphore(%run_scoped3A : memref<!tpu.dma_semaphore, #tpu.memory_space<semaphore_mem>>) src(%dma_wait3A_88 : memref<80x128xf32, #tpu.memory_space<hbm>>) dst(%arg11 : memref<80x128xf32, #tpu.memory_space<vmem>>)
      tpu.yield
    }) : () -> ()
    %add3A_15 = arith.constant 160 : i32
    %add3A_16 = arith.addi %mul3A_2, %add3A_15 : i32
    "tpu.region"() ({
      %run_scoped3A = tpu.sem_alloc : memref<!tpu.dma_semaphore, #tpu.memory_space<semaphore_mem>>
      %dma_start3A_81 = arith.constant 0 : i32
      %dma_start3A_82 = tpu.memref_slice %arg13[%add3A_16, %dma_start3A_81] : memref<10240x128xf32, #tpu.memory_space<vmem_shared>> -> memref<80x128xf32, #tpu.memory_space<vmem_shared>>
      %dma_start3A_83 = arith.constant 0 : i32
      %dma_start3A_84 = tpu.memref_slice %arg13[%add3A_16, %dma_start3A_83] : memref<10240x128xf32, #tpu.memory_space<vmem_shared>> -> memref<80x128xf32, #tpu.memory_space<vmem_shared>>
      tpu.enqueue_dma source(%arg11 : memref<80x128xf32, #tpu.memory_space<vmem>>) target(%dma_start3A_84 : memref<80x128xf32, #tpu.memory_space<vmem_shared>>) target_semaphore(%run_scoped3A : memref<!tpu.dma_semaphore, #tpu.memory_space<semaphore_mem>>)
      %dma_wait3A_85 = arith.constant 0 : i32
      %dma_wait3A_86 = tpu.memref_slice %arg13[%add3A_16, %dma_wait3A_85] : memref<10240x128xf32, #tpu.memory_space<vmem_shared>> -> memref<80x128xf32, #tpu.memory_space<vmem_shared>>
      %dma_wait3A_87 = arith.constant 0 : i32
      %dma_wait3A_88 = tpu.memref_slice %arg13[%add3A_16, %dma_wait3A_87] : memref<10240x128xf32, #tpu.memory_space<vmem_shared>> -> memref<80x128xf32, #tpu.memory_space<vmem_shared>>
      tpu.wait_dma2 semaphore(%run_scoped3A : memref<!tpu.dma_semaphore, #tpu.memory_space<semaphore_mem>>) src(%arg11 : memref<80x128xf32, #tpu.memory_space<vmem>>) dst(%dma_wait3A_88 : memref<80x128xf32, #tpu.memory_space<vmem_shared>>)
      tpu.yield
    }) : () -> ()
    %add3A_17 = arith.constant 240 : i32
    %add3A_18 = arith.addi %mul3A_2, %add3A_17 : i32
    "tpu.region"() ({
      %run_scoped3A = tpu.sem_alloc : memref<!tpu.dma_semaphore, #tpu.memory_space<semaphore_mem>>
      %dma_start3A_81 = arith.constant 0 : i32
      %dma_start3A_82 = tpu.memref_slice %arg5[%add3A_18, %dma_start3A_81] : memref<10240x128xf32, #tpu.memory_space<hbm>> -> memref<80x128xf32, #tpu.memory_space<hbm>>
      %dma_start3A_83 = arith.constant 0 : i32
      %dma_start3A_84 = tpu.memref_slice %arg5[%add3A_18, %dma_start3A_83] : memref<10240x128xf32, #tpu.memory_space<hbm>> -> memref<80x128xf32, #tpu.memory_space<hbm>>
      tpu.enqueue_dma source(%dma_start3A_84 : memref<80x128xf32, #tpu.memory_space<hbm>>) target(%arg11 : memref<80x128xf32, #tpu.memory_space<vmem>>) target_semaphore(%run_scoped3A : memref<!tpu.dma_semaphore, #tpu.memory_space<semaphore_mem>>)
      %dma_wait3A_85 = arith.constant 0 : i32
      %dma_wait3A_86 = tpu.memref_slice %arg5[%add3A_18, %dma_wait3A_85] : memref<10240x128xf32, #tpu.memory_space<hbm>> -> memref<80x128xf32, #tpu.memory_space<hbm>>
      %dma_wait3A_87 = arith.constant 0 : i32
      %dma_wait3A_88 = tpu.memref_slice %arg5[%add3A_18, %dma_wait3A_87] : memref<10240x128xf32, #tpu.memory_space<hbm>> -> memref<80x128xf32, #tpu.memory_space<hbm>>
      tpu.wait_dma2 semaphore(%run_scoped3A : memref<!tpu.dma_semaphore, #tpu.memory_space<semaphore_mem>>) src(%dma_wait3A_88 : memref<80x128xf32, #tpu.memory_space<hbm>>) dst(%arg11 : memref<80x128xf32, #tpu.memory_space<vmem>>)
      tpu.yield
    }) : () -> ()
    %add3A_19 = arith.constant 240 : i32
    %add3A_20 = arith.addi %mul3A_2, %add3A_19 : i32
    "tpu.region"() ({
      %run_scoped3A = tpu.sem_alloc : memref<!tpu.dma_semaphore, #tpu.memory_space<semaphore_mem>>
      %dma_start3A_81 = arith.constant 0 : i32
      %dma_start3A_82 = tpu.memref_slice %arg13[%add3A_20, %dma_start3A_81] : memref<10240x128xf32, #tpu.memory_space<vmem_shared>> -> memref<80x128xf32, #tpu.memory_space<vmem_shared>>
      %dma_start3A_83 = arith.constant 0 : i32
      %dma_start3A_84 = tpu.memref_slice %arg13[%add3A_20, %dma_start3A_83] : memref<10240x128xf32, #tpu.memory_space<vmem_shared>> -> memref<80x128xf32, #tpu.memory_space<vmem_shared>>
      tpu.enqueue_dma source(%arg11 : memref<80x128xf32, #tpu.memory_space<vmem>>) target(%dma_start3A_84 : memref<80x128xf32, #tpu.memory_space<vmem_shared>>) target_semaphore(%run_scoped3A : memref<!tpu.dma_semaphore, #tpu.memory_space<semaphore_mem>>)
      %dma_wait3A_85 = arith.constant 0 : i32
      %dma_wait3A_86 = tpu.memref_slice %arg13[%add3A_20, %dma_wait3A_85] : memref<10240x128xf32, #tpu.memory_space<vmem_shared>> -> memref<80x128xf32, #tpu.memory_space<vmem_shared>>
      %dma_wait3A_87 = arith.constant 0 : i32
      %dma_wait3A_88 = tpu.memref_slice %arg13[%add3A_20, %dma_wait3A_87] : memref<10240x128xf32, #tpu.memory_space<vmem_shared>> -> memref<80x128xf32, #tpu.memory_space<vmem_shared>>
      tpu.wait_dma2 semaphore(%run_scoped3A : memref<!tpu.dma_semaphore, #tpu.memory_space<semaphore_mem>>) src(%arg11 : memref<80x128xf32, #tpu.memory_space<vmem>>) dst(%dma_wait3A_88 : memref<80x128xf32, #tpu.memory_space<vmem_shared>>)
      tpu.yield
    }) : () -> ()
    %add3A_21 = arith.constant 320 : i32
    %add3A_22 = arith.addi %mul3A_2, %add3A_21 : i32
    "tpu.region"() ({
      %run_scoped3A = tpu.sem_alloc : memref<!tpu.dma_semaphore, #tpu.memory_space<semaphore_mem>>
      %dma_start3A_81 = arith.constant 0 : i32
      %dma_start3A_82 = tpu.memref_slice %arg5[%add3A_22, %dma_start3A_81] : memref<10240x128xf32, #tpu.memory_space<hbm>> -> memref<80x128xf32, #tpu.memory_space<hbm>>
      %dma_start3A_83 = arith.constant 0 : i32
      %dma_start3A_84 = tpu.memref_slice %arg5[%add3A_22, %dma_start3A_83] : memref<10240x128xf32, #tpu.memory_space<hbm>> -> memref<80x128xf32, #tpu.memory_space<hbm>>
      tpu.enqueue_dma source(%dma_start3A_84 : memref<80x128xf32, #tpu.memory_space<hbm>>) target(%arg11 : memref<80x128xf32, #tpu.memory_space<vmem>>) target_semaphore(%run_scoped3A : memref<!tpu.dma_semaphore, #tpu.memory_space<semaphore_mem>>)
      %dma_wait3A_85 = arith.constant 0 : i32
      %dma_wait3A_86 = tpu.memref_slice %arg5[%add3A_22, %dma_wait3A_85] : memref<10240x128xf32, #tpu.memory_space<hbm>> -> memref<80x128xf32, #tpu.memory_space<hbm>>
      %dma_wait3A_87 = arith.constant 0 : i32
      %dma_wait3A_88 = tpu.memref_slice %arg5[%add3A_22, %dma_wait3A_87] : memref<10240x128xf32, #tpu.memory_space<hbm>> -> memref<80x128xf32, #tpu.memory_space<hbm>>
      tpu.wait_dma2 semaphore(%run_scoped3A : memref<!tpu.dma_semaphore, #tpu.memory_space<semaphore_mem>>) src(%dma_wait3A_88 : memref<80x128xf32, #tpu.memory_space<hbm>>) dst(%arg11 : memref<80x128xf32, #tpu.memory_space<vmem>>)
      tpu.yield
    }) : () -> ()
    %add3A_23 = arith.constant 320 : i32
    %add3A_24 = arith.addi %mul3A_2, %add3A_23 : i32
    "tpu.region"() ({
      %run_scoped3A = tpu.sem_alloc : memref<!tpu.dma_semaphore, #tpu.memory_space<semaphore_mem>>
      %dma_start3A_81 = arith.constant 0 : i32
      %dma_start3A_82 = tpu.memref_slice %arg13[%add3A_24, %dma_start3A_81] : memref<10240x128xf32, #tpu.memory_space<vmem_shared>> -> memref<80x128xf32, #tpu.memory_space<vmem_shared>>
      %dma_start3A_83 = arith.constant 0 : i32
      %dma_start3A_84 = tpu.memref_slice %arg13[%add3A_24, %dma_start3A_83] : memref<10240x128xf32, #tpu.memory_space<vmem_shared>> -> memref<80x128xf32, #tpu.memory_space<vmem_shared>>
      tpu.enqueue_dma source(%arg11 : memref<80x128xf32, #tpu.memory_space<vmem>>) target(%dma_start3A_84 : memref<80x128xf32, #tpu.memory_space<vmem_shared>>) target_semaphore(%run_scoped3A : memref<!tpu.dma_semaphore, #tpu.memory_space<semaphore_mem>>)
      %dma_wait3A_85 = arith.constant 0 : i32
      %dma_wait3A_86 = tpu.memref_slice %arg13[%add3A_24, %dma_wait3A_85] : memref<10240x128xf32, #tpu.memory_space<vmem_shared>> -> memref<80x128xf32, #tpu.memory_space<vmem_shared>>
      %dma_wait3A_87 = arith.constant 0 : i32
      %dma_wait3A_88 = tpu.memref_slice %arg13[%add3A_24, %dma_wait3A_87] : memref<10240x128xf32, #tpu.memory_space<vmem_shared>> -> memref<80x128xf32, #tpu.memory_space<vmem_shared>>
      tpu.wait_dma2 semaphore(%run_scoped3A : memref<!tpu.dma_semaphore, #tpu.memory_space<semaphore_mem>>) src(%arg11 : memref<80x128xf32, #tpu.memory_space<vmem>>) dst(%dma_wait3A_88 : memref<80x128xf32, #tpu.memory_space<vmem_shared>>)
      tpu.yield
    }) : () -> ()
    %add3A_25 = arith.constant 400 : i32
    %add3A_26 = arith.addi %mul3A_2, %add3A_25 : i32
    "tpu.region"() ({
      %run_scoped3A = tpu.sem_alloc : memref<!tpu.dma_semaphore, #tpu.memory_space<semaphore_mem>>
      %dma_start3A_81 = arith.constant 0 : i32
      %dma_start3A_82 = tpu.memref_slice %arg5[%add3A_26, %dma_start3A_81] : memref<10240x128xf32, #tpu.memory_space<hbm>> -> memref<80x128xf32, #tpu.memory_space<hbm>>
      %dma_start3A_83 = arith.constant 0 : i32
      %dma_start3A_84 = tpu.memref_slice %arg5[%add3A_26, %dma_start3A_83] : memref<10240x128xf32, #tpu.memory_space<hbm>> -> memref<80x128xf32, #tpu.memory_space<hbm>>
      tpu.enqueue_dma source(%dma_start3A_84 : memref<80x128xf32, #tpu.memory_space<hbm>>) target(%arg11 : memref<80x128xf32, #tpu.memory_space<vmem>>) target_semaphore(%run_scoped3A : memref<!tpu.dma_semaphore, #tpu.memory_space<semaphore_mem>>)
      %dma_wait3A_85 = arith.constant 0 : i32
      %dma_wait3A_86 = tpu.memref_slice %arg5[%add3A_26, %dma_wait3A_85] : memref<10240x128xf32, #tpu.memory_space<hbm>> -> memref<80x128xf32, #tpu.memory_space<hbm>>
      %dma_wait3A_87 = arith.constant 0 : i32
      %dma_wait3A_88 = tpu.memref_slice %arg5[%add3A_26, %dma_wait3A_87] : memref<10240x128xf32, #tpu.memory_space<hbm>> -> memref<80x128xf32, #tpu.memory_space<hbm>>
      tpu.wait_dma2 semaphore(%run_scoped3A : memref<!tpu.dma_semaphore, #tpu.memory_space<semaphore_mem>>) src(%dma_wait3A_88 : memref<80x128xf32, #tpu.memory_space<hbm>>) dst(%arg11 : memref<80x128xf32, #tpu.memory_space<vmem>>)
      tpu.yield
    }) : () -> ()
    %add3A_27 = arith.constant 400 : i32
    %add3A_28 = arith.addi %mul3A_2, %add3A_27 : i32
    "tpu.region"() ({
      %run_scoped3A = tpu.sem_alloc : memref<!tpu.dma_semaphore, #tpu.memory_space<semaphore_mem>>
      %dma_start3A_81 = arith.constant 0 : i32
      %dma_start3A_82 = tpu.memref_slice %arg13[%add3A_28, %dma_start3A_81] : memref<10240x128xf32, #tpu.memory_space<vmem_shared>> -> memref<80x128xf32, #tpu.memory_space<vmem_shared>>
      %dma_start3A_83 = arith.constant 0 : i32
      %dma_start3A_84 = tpu.memref_slice %arg13[%add3A_28, %dma_start3A_83] : memref<10240x128xf32, #tpu.memory_space<vmem_shared>> -> memref<80x128xf32, #tpu.memory_space<vmem_shared>>
      tpu.enqueue_dma source(%arg11 : memref<80x128xf32, #tpu.memory_space<vmem>>) target(%dma_start3A_84 : memref<80x128xf32, #tpu.memory_space<vmem_shared>>) target_semaphore(%run_scoped3A : memref<!tpu.dma_semaphore, #tpu.memory_space<semaphore_mem>>)
      %dma_wait3A_85 = arith.constant 0 : i32
      %dma_wait3A_86 = tpu.memref_slice %arg13[%add3A_28, %dma_wait3A_85] : memref<10240x128xf32, #tpu.memory_space<vmem_shared>> -> memref<80x128xf32, #tpu.memory_space<vmem_shared>>
      %dma_wait3A_87 = arith.constant 0 : i32
      %dma_wait3A_88 = tpu.memref_slice %arg13[%add3A_28, %dma_wait3A_87] : memref<10240x128xf32, #tpu.memory_space<vmem_shared>> -> memref<80x128xf32, #tpu.memory_space<vmem_shared>>
      tpu.wait_dma2 semaphore(%run_scoped3A : memref<!tpu.dma_semaphore, #tpu.memory_space<semaphore_mem>>) src(%arg11 : memref<80x128xf32, #tpu.memory_space<vmem>>) dst(%dma_wait3A_88 : memref<80x128xf32, #tpu.memory_space<vmem_shared>>)
      tpu.yield
    }) : () -> ()
    %add3A_29 = arith.constant 480 : i32
    %add3A_30 = arith.addi %mul3A_2, %add3A_29 : i32
    "tpu.region"() ({
      %run_scoped3A = tpu.sem_alloc : memref<!tpu.dma_semaphore, #tpu.memory_space<semaphore_mem>>
      %dma_start3A_81 = arith.constant 0 : i32
      %dma_start3A_82 = tpu.memref_slice %arg5[%add3A_30, %dma_start3A_81] : memref<10240x128xf32, #tpu.memory_space<hbm>> -> memref<80x128xf32, #tpu.memory_space<hbm>>
      %dma_start3A_83 = arith.constant 0 : i32
      %dma_start3A_84 = tpu.memref_slice %arg5[%add3A_30, %dma_start3A_83] : memref<10240x128xf32, #tpu.memory_space<hbm>> -> memref<80x128xf32, #tpu.memory_space<hbm>>
      tpu.enqueue_dma source(%dma_start3A_84 : memref<80x128xf32, #tpu.memory_space<hbm>>) target(%arg11 : memref<80x128xf32, #tpu.memory_space<vmem>>) target_semaphore(%run_scoped3A : memref<!tpu.dma_semaphore, #tpu.memory_space<semaphore_mem>>)
      %dma_wait3A_85 = arith.constant 0 : i32
      %dma_wait3A_86 = tpu.memref_slice %arg5[%add3A_30, %dma_wait3A_85] : memref<10240x128xf32, #tpu.memory_space<hbm>> -> memref<80x128xf32, #tpu.memory_space<hbm>>
      %dma_wait3A_87 = arith.constant 0 : i32
      %dma_wait3A_88 = tpu.memref_slice %arg5[%add3A_30, %dma_wait3A_87] : memref<10240x128xf32, #tpu.memory_space<hbm>> -> memref<80x128xf32, #tpu.memory_space<hbm>>
      tpu.wait_dma2 semaphore(%run_scoped3A : memref<!tpu.dma_semaphore, #tpu.memory_space<semaphore_mem>>) src(%dma_wait3A_88 : memref<80x128xf32, #tpu.memory_space<hbm>>) dst(%arg11 : memref<80x128xf32, #tpu.memory_space<vmem>>)
      tpu.yield
    }) : () -> ()
    %add3A_31 = arith.constant 480 : i32
    %add3A_32 = arith.addi %mul3A_2, %add3A_31 : i32
    "tpu.region"() ({
      %run_scoped3A = tpu.sem_alloc : memref<!tpu.dma_semaphore, #tpu.memory_space<semaphore_mem>>
      %dma_start3A_81 = arith.constant 0 : i32
      %dma_start3A_82 = tpu.memref_slice %arg13[%add3A_32, %dma_start3A_81] : memref<10240x128xf32, #tpu.memory_space<vmem_shared>> -> memref<80x128xf32, #tpu.memory_space<vmem_shared>>
      %dma_start3A_83 = arith.constant 0 : i32
      %dma_start3A_84 = tpu.memref_slice %arg13[%add3A_32, %dma_start3A_83] : memref<10240x128xf32, #tpu.memory_space<vmem_shared>> -> memref<80x128xf32, #tpu.memory_space<vmem_shared>>
      tpu.enqueue_dma source(%arg11 : memref<80x128xf32, #tpu.memory_space<vmem>>) target(%dma_start3A_84 : memref<80x128xf32, #tpu.memory_space<vmem_shared>>) target_semaphore(%run_scoped3A : memref<!tpu.dma_semaphore, #tpu.memory_space<semaphore_mem>>)
      %dma_wait3A_85 = arith.constant 0 : i32
      %dma_wait3A_86 = tpu.memref_slice %arg13[%add3A_32, %dma_wait3A_85] : memref<10240x128xf32, #tpu.memory_space<vmem_shared>> -> memref<80x128xf32, #tpu.memory_space<vmem_shared>>
      %dma_wait3A_87 = arith.constant 0 : i32
      %dma_wait3A_88 = tpu.memref_slice %arg13[%add3A_32, %dma_wait3A_87] : memref<10240x128xf32, #tpu.memory_space<vmem_shared>> -> memref<80x128xf32, #tpu.memory_space<vmem_shared>>
      tpu.wait_dma2 semaphore(%run_scoped3A : memref<!tpu.dma_semaphore, #tpu.memory_space<semaphore_mem>>) src(%arg11 : memref<80x128xf32, #tpu.memory_space<vmem>>) dst(%dma_wait3A_88 : memref<80x128xf32, #tpu.memory_space<vmem_shared>>)
      tpu.yield
    }) : () -> ()
    %add3A_33 = arith.constant 560 : i32
    %add3A_34 = arith.addi %mul3A_2, %add3A_33 : i32
    "tpu.region"() ({
      %run_scoped3A = tpu.sem_alloc : memref<!tpu.dma_semaphore, #tpu.memory_space<semaphore_mem>>
      %dma_start3A_81 = arith.constant 0 : i32
      %dma_start3A_82 = tpu.memref_slice %arg5[%add3A_34, %dma_start3A_81] : memref<10240x128xf32, #tpu.memory_space<hbm>> -> memref<80x128xf32, #tpu.memory_space<hbm>>
      %dma_start3A_83 = arith.constant 0 : i32
      %dma_start3A_84 = tpu.memref_slice %arg5[%add3A_34, %dma_start3A_83] : memref<10240x128xf32, #tpu.memory_space<hbm>> -> memref<80x128xf32, #tpu.memory_space<hbm>>
      tpu.enqueue_dma source(%dma_start3A_84 : memref<80x128xf32, #tpu.memory_space<hbm>>) target(%arg11 : memref<80x128xf32, #tpu.memory_space<vmem>>) target_semaphore(%run_scoped3A : memref<!tpu.dma_semaphore, #tpu.memory_space<semaphore_mem>>)
      %dma_wait3A_85 = arith.constant 0 : i32
      %dma_wait3A_86 = tpu.memref_slice %arg5[%add3A_34, %dma_wait3A_85] : memref<10240x128xf32, #tpu.memory_space<hbm>> -> memref<80x128xf32, #tpu.memory_space<hbm>>
      %dma_wait3A_87 = arith.constant 0 : i32
      %dma_wait3A_88 = tpu.memref_slice %arg5[%add3A_34, %dma_wait3A_87] : memref<10240x128xf32, #tpu.memory_space<hbm>> -> memref<80x128xf32, #tpu.memory_space<hbm>>
      tpu.wait_dma2 semaphore(%run_scoped3A : memref<!tpu.dma_semaphore, #tpu.memory_space<semaphore_mem>>) src(%dma_wait3A_88 : memref<80x128xf32, #tpu.memory_space<hbm>>) dst(%arg11 : memref<80x128xf32, #tpu.memory_space<vmem>>)
      tpu.yield
    }) : () -> ()
    %add3A_35 = arith.constant 560 : i32
    %add3A_36 = arith.addi %mul3A_2, %add3A_35 : i32
    "tpu.region"() ({
      %run_scoped3A = tpu.sem_alloc : memref<!tpu.dma_semaphore, #tpu.memory_space<semaphore_mem>>
      %dma_start3A_81 = arith.constant 0 : i32
      %dma_start3A_82 = tpu.memref_slice %arg13[%add3A_36, %dma_start3A_81] : memref<10240x128xf32, #tpu.memory_space<vmem_shared>> -> memref<80x128xf32, #tpu.memory_space<vmem_shared>>
      %dma_start3A_83 = arith.constant 0 : i32
      %dma_start3A_84 = tpu.memref_slice %arg13[%add3A_36, %dma_start3A_83] : memref<10240x128xf32, #tpu.memory_space<vmem_shared>> -> memref<80x128xf32, #tpu.memory_space<vmem_shared>>
      tpu.enqueue_dma source(%arg11 : memref<80x128xf32, #tpu.memory_space<vmem>>) target(%dma_start3A_84 : memref<80x128xf32, #tpu.memory_space<vmem_shared>>) target_semaphore(%run_scoped3A : memref<!tpu.dma_semaphore, #tpu.memory_space<semaphore_mem>>)
      %dma_wait3A_85 = arith.constant 0 : i32
      %dma_wait3A_86 = tpu.memref_slice %arg13[%add3A_36, %dma_wait3A_85] : memref<10240x128xf32, #tpu.memory_space<vmem_shared>> -> memref<80x128xf32, #tpu.memory_space<vmem_shared>>
      %dma_wait3A_87 = arith.constant 0 : i32
      %dma_wait3A_88 = tpu.memref_slice %arg13[%add3A_36, %dma_wait3A_87] : memref<10240x128xf32, #tpu.memory_space<vmem_shared>> -> memref<80x128xf32, #tpu.memory_space<vmem_shared>>
      tpu.wait_dma2 semaphore(%run_scoped3A : memref<!tpu.dma_semaphore, #tpu.memory_space<semaphore_mem>>) src(%arg11 : memref<80x128xf32, #tpu.memory_space<vmem>>) dst(%dma_wait3A_88 : memref<80x128xf32, #tpu.memory_space<vmem_shared>>)
      tpu.yield
    }) : () -> ()
    %barrier3A = arith.constant 0 : index
    tpu.barrier barrier_id(%barrier3A)
    "tpu.region"() ({
      %run_scoped3A = tpu.sem_alloc : memref<!tpu.dma_semaphore, #tpu.memory_space<semaphore_mem>>
      %dma_start3A_81 = tpu.memref_slice %arg3[%mul3A_4] : memref<320000xi32, #tpu.memory_space<hbm>> -> memref<80xi32, #tpu.memory_space<hbm>>
      %dma_start3A_82 = tpu.memref_slice %arg3[%mul3A_4] : memref<320000xi32, #tpu.memory_space<hbm>> -> memref<80xi32, #tpu.memory_space<hbm>>
      tpu.enqueue_dma source(%dma_start3A_82 : memref<80xi32, #tpu.memory_space<hbm>>) target(%arg7 : memref<80xi32, #tpu.memory_space<vmem>>) target_semaphore(%run_scoped3A : memref<!tpu.dma_semaphore, #tpu.memory_space<semaphore_mem>>)
      %dma_wait3A_83 = tpu.memref_slice %arg3[%mul3A_4] : memref<320000xi32, #tpu.memory_space<hbm>> -> memref<80xi32, #tpu.memory_space<hbm>>
      %dma_wait3A_84 = tpu.memref_slice %arg3[%mul3A_4] : memref<320000xi32, #tpu.memory_space<hbm>> -> memref<80xi32, #tpu.memory_space<hbm>>
      tpu.wait_dma2 semaphore(%run_scoped3A : memref<!tpu.dma_semaphore, #tpu.memory_space<semaphore_mem>>) src(%dma_wait3A_84 : memref<80xi32, #tpu.memory_space<hbm>>) dst(%arg7 : memref<80xi32, #tpu.memory_space<vmem>>)
      tpu.yield
    }) : () -> ()
    "tpu.region"() ({
      %run_scoped3A = tpu.sem_alloc : memref<!tpu.dma_semaphore, #tpu.memory_space<semaphore_mem>>
      %dma_start3A_81 = tpu.memref_slice %arg4[%mul3A_4] : memref<320000xi32, #tpu.memory_space<hbm>> -> memref<80xi32, #tpu.memory_space<hbm>>
      %dma_start3A_82 = tpu.memref_slice %arg4[%mul3A_4] : memref<320000xi32, #tpu.memory_space<hbm>> -> memref<80xi32, #tpu.memory_space<hbm>>
      tpu.enqueue_dma source(%dma_start3A_82 : memref<80xi32, #tpu.memory_space<hbm>>) target(%arg8 : memref<80xi32, #tpu.memory_space<vmem>>) target_semaphore(%run_scoped3A : memref<!tpu.dma_semaphore, #tpu.memory_space<semaphore_mem>>)
      %dma_wait3A_83 = tpu.memref_slice %arg4[%mul3A_4] : memref<320000xi32, #tpu.memory_space<hbm>> -> memref<80xi32, #tpu.memory_space<hbm>>
      %dma_wait3A_84 = tpu.memref_slice %arg4[%mul3A_4] : memref<320000xi32, #tpu.memory_space<hbm>> -> memref<80xi32, #tpu.memory_space<hbm>>
      tpu.wait_dma2 semaphore(%run_scoped3A : memref<!tpu.dma_semaphore, #tpu.memory_space<semaphore_mem>>) src(%dma_wait3A_84 : memref<80xi32, #tpu.memory_space<hbm>>) dst(%arg8 : memref<80xi32, #tpu.memory_space<vmem>>)
      tpu.yield
    }) : () -> ()
    %dma_start3A = arith.constant 0 : i32
    %dma_start3A_37 = arith.constant 0 : i32
    %dma_start3A_38 = tpu.memref_slice %arg2[%dma_start3A, %dma_start3A_37] : memref<10000x128xf32, #tpu.memory_space<hbm>> -> memref<10000x128xf32, #tpu.memory_space<hbm>>
    tpu.enqueue_indirect_dma source(%dma_start3A_38 : memref<10000x128xf32, #tpu.memory_space<hbm>>) target(%arg11 : memref<80x128xf32, #tpu.memory_space<vmem>>) offsets(%arg7 : memref<80xi32, #tpu.memory_space<vmem>>) semaphore(%arg14 : memref<!tpu.dma_semaphore, #tpu.memory_space<semaphore_mem>>)
    %scan3A = arith.constant 0 : i32
    %scan3A_39 = arith.constant 62 : i32
    %scan3A_40 = arith.addi %scan3A, %scan3A_39 : i32
    %scan3A_41 = arith.constant 1 : i32
    scf.for %scan3A_81 = %scan3A to %scan3A_40 step %scan3A_41  : i32 {
      %mul3A_82 = arith.constant 1 : i32
      %mul3A_83 = arith.muli %scan3A_81, %mul3A_82 : i32
      %add3A_84 = arith.constant 0 : i32
      %add3A_85 = arith.addi %add3A_84, %mul3A_83 : i32
      %mul3A_86 = arith.constant 2 : i32
      %mul3A_87 = arith.muli %mul3A_86, %add3A_85 : i32
      %add3A_88 = arith.constant 1 : i32
      %add3A_89 = arith.addi %mul3A_87, %add3A_88 : i32
      %mul3A_90 = arith.constant 80 : i32
      %mul3A_91 = arith.muli %add3A_89, %mul3A_90 : i32
      %add3A_92 = arith.addi %mul3A_4, %mul3A_91 : i32
      %multiple_of3A = tpu.assume_multiple %add3A_92, 8 : i32
      %mul3A_93 = arith.constant 2 : i32
      %mul3A_94 = arith.muli %mul3A_93, %add3A_85 : i32
      %add3A_95 = arith.constant 2 : i32
      %add3A_96 = arith.addi %mul3A_94, %add3A_95 : i32
      %mul3A_97 = arith.constant 80 : i32
      %mul3A_98 = arith.muli %add3A_96, %mul3A_97 : i32
      %add3A_99 = arith.addi %mul3A_4, %mul3A_98 : i32
      %multiple_of3A_100 = tpu.assume_multiple %add3A_99, 8 : i32
      "tpu.region"() ({
        %run_scoped3A = tpu.sem_alloc : memref<!tpu.dma_semaphore, #tpu.memory_space<semaphore_mem>>
        %dma_start3A_119 = tpu.memref_slice %arg3[%multiple_of3A] : memref<320000xi32, #tpu.memory_space<hbm>> -> memref<80xi32, #tpu.memory_space<hbm>>
        %dma_start3A_120 = tpu.memref_slice %arg3[%multiple_of3A] : memref<320000xi32, #tpu.memory_space<hbm>> -> memref<80xi32, #tpu.memory_space<hbm>>
        tpu.enqueue_dma source(%dma_start3A_120 : memref<80xi32, #tpu.memory_space<hbm>>) target(%arg9 : memref<80xi32, #tpu.memory_space<vmem>>) target_semaphore(%run_scoped3A : memref<!tpu.dma_semaphore, #tpu.memory_space<semaphore_mem>>)
        %dma_wait3A_121 = tpu.memref_slice %arg3[%multiple_of3A] : memref<320000xi32, #tpu.memory_space<hbm>> -> memref<80xi32, #tpu.memory_space<hbm>>
        %dma_wait3A_122 = tpu.memref_slice %arg3[%multiple_of3A] : memref<320000xi32, #tpu.memory_space<hbm>> -> memref<80xi32, #tpu.memory_space<hbm>>
        tpu.wait_dma2 semaphore(%run_scoped3A : memref<!tpu.dma_semaphore, #tpu.memory_space<semaphore_mem>>) src(%dma_wait3A_122 : memref<80xi32, #tpu.memory_space<hbm>>) dst(%arg9 : memref<80xi32, #tpu.memory_space<vmem>>)
        tpu.yield
      }) : () -> ()
      "tpu.region"() ({
        %run_scoped3A = tpu.sem_alloc : memref<!tpu.dma_semaphore, #tpu.memory_space<semaphore_mem>>
        %dma_start3A_119 = tpu.memref_slice %arg4[%multiple_of3A] : memref<320000xi32, #tpu.memory_space<hbm>> -> memref<80xi32, #tpu.memory_space<hbm>>
        %dma_start3A_120 = tpu.memref_slice %arg4[%multiple_of3A] : memref<320000xi32, #tpu.memory_space<hbm>> -> memref<80xi32, #tpu.memory_space<hbm>>
        tpu.enqueue_dma source(%dma_start3A_120 : memref<80xi32, #tpu.memory_space<hbm>>) target(%arg10 : memref<80xi32, #tpu.memory_space<vmem>>) target_semaphore(%run_scoped3A : memref<!tpu.dma_semaphore, #tpu.memory_space<semaphore_mem>>)
        %dma_wait3A_121 = tpu.memref_slice %arg4[%multiple_of3A] : memref<320000xi32, #tpu.memory_space<hbm>> -> memref<80xi32, #tpu.memory_space<hbm>>
        %dma_wait3A_122 = tpu.memref_slice %arg4[%multiple_of3A] : memref<320000xi32, #tpu.memory_space<hbm>> -> memref<80xi32, #tpu.memory_space<hbm>>
        tpu.wait_dma2 semaphore(%run_scoped3A : memref<!tpu.dma_semaphore, #tpu.memory_space<semaphore_mem>>) src(%dma_wait3A_122 : memref<80xi32, #tpu.memory_space<hbm>>) dst(%arg10 : memref<80xi32, #tpu.memory_space<vmem>>)
        tpu.yield
      }) : () -> ()
      %dma_wait3A_101 = arith.constant 0 : i32
      %dma_wait3A_102 = arith.constant 0 : i32
      %dma_wait3A_103 = tpu.memref_slice %arg2[%dma_wait3A_101, %dma_wait3A_102] : memref<10000x128xf32, #tpu.memory_space<hbm>> -> memref<80x128xf32, #tpu.memory_space<hbm>>
      %dma_wait3A_104 = arith.constant 0 : i32
      %dma_wait3A_105 = arith.constant 0 : i32
      %dma_wait3A_106 = tpu.memref_slice %arg2[%dma_wait3A_104, %dma_wait3A_105] : memref<10000x128xf32, #tpu.memory_space<hbm>> -> memref<80x128xf32, #tpu.memory_space<hbm>>
      tpu.wait_dma2 semaphore(%arg14 : memref<!tpu.dma_semaphore, #tpu.memory_space<semaphore_mem>>) src(%dma_wait3A_106 : memref<80x128xf32, #tpu.memory_space<hbm>>) dst(%arg11 : memref<80x128xf32, #tpu.memory_space<vmem>>)
      %dma_start3A_107 = arith.constant 0 : i32
      %dma_start3A_108 = arith.constant 0 : i32
      %dma_start3A_109 = tpu.memref_slice %arg2[%dma_start3A_107, %dma_start3A_108] : memref<10000x128xf32, #tpu.memory_space<hbm>> -> memref<10000x128xf32, #tpu.memory_space<hbm>>
      tpu.enqueue_indirect_dma source(%dma_start3A_109 : memref<10000x128xf32, #tpu.memory_space<hbm>>) target(%arg12 : memref<80x128xf32, #tpu.memory_space<vmem>>) offsets(%arg9 : memref<80xi32, #tpu.memory_space<vmem>>) semaphore(%arg15 : memref<!tpu.dma_semaphore, #tpu.memory_space<semaphore_mem>>)
      "tpu.region"() ({
        %run_scoped3A = tpu.sem_alloc : memref<!tpu.dma_semaphore, #tpu.memory_space<semaphore_mem>>
        %dma_start3A_119 = arith.constant 0 : i32
        %dma_start3A_120 = arith.constant 0 : i32
        %dma_start3A_121 = tpu.memref_slice %arg13[%dma_start3A_119, %dma_start3A_120] : memref<10240x128xf32, #tpu.memory_space<vmem_shared>> -> memref<10240x128xf32, #tpu.memory_space<vmem_shared>>
        tpu.enqueue_indirect_dma source(%arg11 : memref<80x128xf32, #tpu.memory_space<vmem>>) target(%dma_start3A_121 : memref<10240x128xf32, #tpu.memory_space<vmem_shared>>) offsets(%arg8 : memref<80xi32, #tpu.memory_space<vmem>>) semaphore(%run_scoped3A : memref<!tpu.dma_semaphore, #tpu.memory_space<semaphore_mem>>) {add = true}
        %dma_wait3A_122 = arith.constant 0 : i32
        %dma_wait3A_123 = arith.constant 0 : i32
        %dma_wait3A_124 = tpu.memref_slice %arg13[%dma_wait3A_122, %dma_wait3A_123] : memref<10240x128xf32, #tpu.memory_space<vmem_shared>> -> memref<10240x128xf32, #tpu.memory_space<vmem_shared>>
        tpu.wait_indirect_dma semaphore(%run_scoped3A : memref<!tpu.dma_semaphore, #tpu.memory_space<semaphore_mem>>) src(%arg11 : memref<80x128xf32, #tpu.memory_space<vmem>>) dst(%dma_wait3A_124 : memref<10240x128xf32, #tpu.memory_space<vmem_shared>>)
        tpu.yield
      }) : () -> ()
      "tpu.region"() ({
        %run_scoped3A = tpu.sem_alloc : memref<!tpu.dma_semaphore, #tpu.memory_space<semaphore_mem>>
        %dma_start3A_119 = tpu.memref_slice %arg3[%multiple_of3A_100] : memref<320000xi32, #tpu.memory_space<hbm>> -> memref<80xi32, #tpu.memory_space<hbm>>
        %dma_start3A_120 = tpu.memref_slice %arg3[%multiple_of3A_100] : memref<320000xi32, #tpu.memory_space<hbm>> -> memref<80xi32, #tpu.memory_space<hbm>>
        tpu.enqueue_dma source(%dma_start3A_120 : memref<80xi32, #tpu.memory_space<hbm>>) target(%arg7 : memref<80xi32, #tpu.memory_space<vmem>>) target_semaphore(%run_scoped3A : memref<!tpu.dma_semaphore, #tpu.memory_space<semaphore_mem>>)
        %dma_wait3A_121 = tpu.memref_slice %arg3[%multiple_of3A_100] : memref<320000xi32, #tpu.memory_space<hbm>> -> memref<80xi32, #tpu.memory_space<hbm>>
        %dma_wait3A_122 = tpu.memref_slice %arg3[%multiple_of3A_100] : memref<320000xi32, #tpu.memory_space<hbm>> -> memref<80xi32, #tpu.memory_space<hbm>>
        tpu.wait_dma2 semaphore(%run_scoped3A : memref<!tpu.dma_semaphore, #tpu.memory_space<semaphore_mem>>) src(%dma_wait3A_122 : memref<80xi32, #tpu.memory_space<hbm>>) dst(%arg7 : memref<80xi32, #tpu.memory_space<vmem>>)
        tpu.yield
      }) : () -> ()
      "tpu.region"() ({
        %run_scoped3A = tpu.sem_alloc : memref<!tpu.dma_semaphore, #tpu.memory_space<semaphore_mem>>
        %dma_start3A_119 = tpu.memref_slice %arg4[%multiple_of3A_100] : memref<320000xi32, #tpu.memory_space<hbm>> -> memref<80xi32, #tpu.memory_space<hbm>>
        %dma_start3A_120 = tpu.memref_slice %arg4[%multiple_of3A_100] : memref<320000xi32, #tpu.memory_space<hbm>> -> memref<80xi32, #tpu.memory_space<hbm>>
        tpu.enqueue_dma source(%dma_start3A_120 : memref<80xi32, #tpu.memory_space<hbm>>) target(%arg8 : memref<80xi32, #tpu.memory_space<vmem>>) target_semaphore(%run_scoped3A : memref<!tpu.dma_semaphore, #tpu.memory_space<semaphore_mem>>)
        %dma_wait3A_121 = tpu.memref_slice %arg4[%multiple_of3A_100] : memref<320000xi32, #tpu.memory_space<hbm>> -> memref<80xi32, #tpu.memory_space<hbm>>
        %dma_wait3A_122 = tpu.memref_slice %arg4[%multiple_of3A_100] : memref<320000xi32, #tpu.memory_space<hbm>> -> memref<80xi32, #tpu.memory_space<hbm>>
        tpu.wait_dma2 semaphore(%run_scoped3A : memref<!tpu.dma_semaphore, #tpu.memory_space<semaphore_mem>>) src(%dma_wait3A_122 : memref<80xi32, #tpu.memory_space<hbm>>) dst(%arg8 : memref<80xi32, #tpu.memory_space<vmem>>)
        tpu.yield
      }) : () -> ()
      %dma_wait3A_110 = arith.constant 0 : i32
      %dma_wait3A_111 = arith.constant 0 : i32
      %dma_wait3A_112 = tpu.memref_slice %arg2[%dma_wait3A_110, %dma_wait3A_111] : memref<10000x128xf32, #tpu.memory_space<hbm>> -> memref<80x128xf32, #tpu.memory_space<hbm>>
      %dma_wait3A_113 = arith.constant 0 : i32
      %dma_wait3A_114 = arith.constant 0 : i32
      %dma_wait3A_115 = tpu.memref_slice %arg2[%dma_wait3A_113, %dma_wait3A_114] : memref<10000x128xf32, #tpu.memory_space<hbm>> -> memref<80x128xf32, #tpu.memory_space<hbm>>
      tpu.wait_dma2 semaphore(%arg15 : memref<!tpu.dma_semaphore, #tpu.memory_space<semaphore_mem>>) src(%dma_wait3A_115 : memref<80x128xf32, #tpu.memory_space<hbm>>) dst(%arg12 : memref<80x128xf32, #tpu.memory_space<vmem>>)
      %dma_start3A_116 = arith.constant 0 : i32
      %dma_start3A_117 = arith.constant 0 : i32
      %dma_start3A_118 = tpu.memref_slice %arg2[%dma_start3A_116, %dma_start3A_117] : memref<10000x128xf32, #tpu.memory_space<hbm>> -> memref<10000x128xf32, #tpu.memory_space<hbm>>
      tpu.enqueue_indirect_dma source(%dma_start3A_118 : memref<10000x128xf32, #tpu.memory_space<hbm>>) target(%arg11 : memref<80x128xf32, #tpu.memory_space<vmem>>) offsets(%arg7 : memref<80xi32, #tpu.memory_space<vmem>>) semaphore(%arg14 : memref<!tpu.dma_semaphore, #tpu.memory_space<semaphore_mem>>)
      "tpu.region"() ({
        %run_scoped3A = tpu.sem_alloc : memref<!tpu.dma_semaphore, #tpu.memory_space<semaphore_mem>>
        %dma_start3A_119 = arith.constant 0 : i32
        %dma_start3A_120 = arith.constant 0 : i32
        %dma_start3A_121 = tpu.memref_slice %arg13[%dma_start3A_119, %dma_start3A_120] : memref<10240x128xf32, #tpu.memory_space<vmem_shared>> -> memref<10240x128xf32, #tpu.memory_space<vmem_shared>>
        tpu.enqueue_indirect_dma source(%arg12 : memref<80x128xf32, #tpu.memory_space<vmem>>) target(%dma_start3A_121 : memref<10240x128xf32, #tpu.memory_space<vmem_shared>>) offsets(%arg10 : memref<80xi32, #tpu.memory_space<vmem>>) semaphore(%run_scoped3A : memref<!tpu.dma_semaphore, #tpu.memory_space<semaphore_mem>>) {add = true}
        %dma_wait3A_122 = arith.constant 0 : i32
        %dma_wait3A_123 = arith.constant 0 : i32
        %dma_wait3A_124 = tpu.memref_slice %arg13[%dma_wait3A_122, %dma_wait3A_123] : memref<10240x128xf32, #tpu.memory_space<vmem_shared>> -> memref<10240x128xf32, #tpu.memory_space<vmem_shared>>
        tpu.wait_indirect_dma semaphore(%run_scoped3A : memref<!tpu.dma_semaphore, #tpu.memory_space<semaphore_mem>>) src(%arg12 : memref<80x128xf32, #tpu.memory_space<vmem>>) dst(%dma_wait3A_124 : memref<10240x128xf32, #tpu.memory_space<vmem_shared>>)
        tpu.yield
      }) : () -> ()
    }
    %scan3A_42 = arith.constant 62 : i32
    %dma_wait3A = arith.constant 0 : i32
    %dma_wait3A_43 = arith.constant 0 : i32
    %dma_wait3A_44 = tpu.memref_slice %arg2[%dma_wait3A, %dma_wait3A_43] : memref<10000x128xf32, #tpu.memory_space<hbm>> -> memref<80x128xf32, #tpu.memory_space<hbm>>
    %dma_wait3A_45 = arith.constant 0 : i32
    %dma_wait3A_46 = arith.constant 0 : i32
    %dma_wait3A_47 = tpu.memref_slice %arg2[%dma_wait3A_45, %dma_wait3A_46] : memref<10000x128xf32, #tpu.memory_space<hbm>> -> memref<80x128xf32, #tpu.memory_space<hbm>>
    tpu.wait_dma2 semaphore(%arg14 : memref<!tpu.dma_semaphore, #tpu.memory_space<semaphore_mem>>) src(%dma_wait3A_47 : memref<80x128xf32, #tpu.memory_space<hbm>>) dst(%arg11 : memref<80x128xf32, #tpu.memory_space<vmem>>)
    "tpu.region"() ({
      %run_scoped3A = tpu.sem_alloc : memref<!tpu.dma_semaphore, #tpu.memory_space<semaphore_mem>>
      %dma_start3A_81 = arith.constant 0 : i32
      %dma_start3A_82 = arith.constant 0 : i32
      %dma_start3A_83 = tpu.memref_slice %arg13[%dma_start3A_81, %dma_start3A_82] : memref<10240x128xf32, #tpu.memory_space<vmem_shared>> -> memref<10240x128xf32, #tpu.memory_space<vmem_shared>>
      tpu.enqueue_indirect_dma source(%arg11 : memref<80x128xf32, #tpu.memory_space<vmem>>) target(%dma_start3A_83 : memref<10240x128xf32, #tpu.memory_space<vmem_shared>>) offsets(%arg8 : memref<80xi32, #tpu.memory_space<vmem>>) semaphore(%run_scoped3A : memref<!tpu.dma_semaphore, #tpu.memory_space<semaphore_mem>>) {add = true}
      %dma_wait3A_84 = arith.constant 0 : i32
      %dma_wait3A_85 = arith.constant 0 : i32
      %dma_wait3A_86 = tpu.memref_slice %arg13[%dma_wait3A_84, %dma_wait3A_85] : memref<10240x128xf32, #tpu.memory_space<vmem_shared>> -> memref<10240x128xf32, #tpu.memory_space<vmem_shared>>
      tpu.wait_indirect_dma semaphore(%run_scoped3A : memref<!tpu.dma_semaphore, #tpu.memory_space<semaphore_mem>>) src(%arg11 : memref<80x128xf32, #tpu.memory_space<vmem>>) dst(%dma_wait3A_86 : memref<10240x128xf32, #tpu.memory_space<vmem_shared>>)
      tpu.yield
    }) : () -> ()
    %barrier3A_48 = arith.constant 0 : index
    tpu.barrier barrier_id(%barrier3A_48)
    %add3A_49 = arith.constant 0 : i32
    %add3A_50 = arith.addi %mul3A_2, %add3A_49 : i32
    "tpu.region"() ({
      %run_scoped3A = tpu.sem_alloc : memref<!tpu.dma_semaphore, #tpu.memory_space<semaphore_mem>>
      %dma_start3A_81 = arith.constant 0 : i32
      %dma_start3A_82 = tpu.memref_slice %arg13[%add3A_50, %dma_start3A_81] : memref<10240x128xf32, #tpu.memory_space<vmem_shared>> -> memref<80x128xf32, #tpu.memory_space<vmem_shared>>
      %dma_start3A_83 = arith.constant 0 : i32
      %dma_start3A_84 = tpu.memref_slice %arg13[%add3A_50, %dma_start3A_83] : memref<10240x128xf32, #tpu.memory_space<vmem_shared>> -> memref<80x128xf32, #tpu.memory_space<vmem_shared>>
      tpu.enqueue_dma source(%dma_start3A_84 : memref<80x128xf32, #tpu.memory_space<vmem_shared>>) target(%arg11 : memref<80x128xf32, #tpu.memory_space<vmem>>) target_semaphore(%run_scoped3A : memref<!tpu.dma_semaphore, #tpu.memory_space<semaphore_mem>>)
      %dma_wait3A_85 = arith.constant 0 : i32
      %dma_wait3A_86 = tpu.memref_slice %arg13[%add3A_50, %dma_wait3A_85] : memref<10240x128xf32, #tpu.memory_space<vmem_shared>> -> memref<80x128xf32, #tpu.memory_space<vmem_shared>>
      %dma_wait3A_87 = arith.constant 0 : i32
      %dma_wait3A_88 = tpu.memref_slice %arg13[%add3A_50, %dma_wait3A_87] : memref<10240x128xf32, #tpu.memory_space<vmem_shared>> -> memref<80x128xf32, #tpu.memory_space<vmem_shared>>
      tpu.wait_dma2 semaphore(%run_scoped3A : memref<!tpu.dma_semaphore, #tpu.memory_space<semaphore_mem>>) src(%dma_wait3A_88 : memref<80x128xf32, #tpu.memory_space<vmem_shared>>) dst(%arg11 : memref<80x128xf32, #tpu.memory_space<vmem>>)
      tpu.yield
    }) : () -> ()
    %add3A_51 = arith.constant 0 : i32
    %add3A_52 = arith.addi %mul3A_2, %add3A_51 : i32
    "tpu.region"() ({
      %run_scoped3A = tpu.sem_alloc : memref<!tpu.dma_semaphore, #tpu.memory_space<semaphore_mem>>
      %dma_start3A_81 = arith.constant 0 : i32
      %dma_start3A_82 = tpu.memref_slice %arg6[%arg0, %add3A_52, %dma_start3A_81] : memref<2x10240x128xf32, #tpu.memory_space<hbm>> -> memref<1x80x128xf32, #tpu.memory_space<hbm>>
      %dma_start3A_83 = tpu.memref_squeeze %dma_start3A_82 : memref<1x80x128xf32, #tpu.memory_space<hbm>> -> memref<80x128xf32, #tpu.memory_space<hbm>>
      %dma_start3A_84 = arith.constant 0 : i32
      %dma_start3A_85 = tpu.memref_slice %arg6[%arg0, %add3A_52, %dma_start3A_84] : memref<2x10240x128xf32, #tpu.memory_space<hbm>> -> memref<1x80x128xf32, #tpu.memory_space<hbm>>
      %dma_start3A_86 = tpu.memref_squeeze %dma_start3A_85 : memref<1x80x128xf32, #tpu.memory_space<hbm>> -> memref<80x128xf32, #tpu.memory_space<hbm>>
      tpu.enqueue_dma source(%arg11 : memref<80x128xf32, #tpu.memory_space<vmem>>) target(%dma_start3A_86 : memref<80x128xf32, #tpu.memory_space<hbm>>) target_semaphore(%run_scoped3A : memref<!tpu.dma_semaphore, #tpu.memory_space<semaphore_mem>>)
      %dma_wait3A_87 = arith.constant 0 : i32
      %dma_wait3A_88 = tpu.memref_slice %arg6[%arg0, %add3A_52, %dma_wait3A_87] : memref<2x10240x128xf32, #tpu.memory_space<hbm>> -> memref<1x80x128xf32, #tpu.memory_space<hbm>>
      %dma_wait3A_89 = tpu.memref_squeeze %dma_wait3A_88 : memref<1x80x128xf32, #tpu.memory_space<hbm>> -> memref<80x128xf32, #tpu.memory_space<hbm>>
      %dma_wait3A_90 = arith.constant 0 : i32
      %dma_wait3A_91 = tpu.memref_slice %arg6[%arg0, %add3A_52, %dma_wait3A_90] : memref<2x10240x128xf32, #tpu.memory_space<hbm>> -> memref<1x80x128xf32, #tpu.memory_space<hbm>>
      %dma_wait3A_92 = tpu.memref_squeeze %dma_wait3A_91 : memref<1x80x128xf32, #tpu.memory_space<hbm>> -> memref<80x128xf32, #tpu.memory_space<hbm>>
      tpu.wait_dma2 semaphore(%run_scoped3A : memref<!tpu.dma_semaphore, #tpu.memory_space<semaphore_mem>>) src(%arg11 : memref<80x128xf32, #tpu.memory_space<vmem>>) dst(%dma_wait3A_92 : memref<80x128xf32, #tpu.memory_space<hbm>>)
      tpu.yield
    }) : () -> ()
    %add3A_53 = arith.constant 80 : i32
    %add3A_54 = arith.addi %mul3A_2, %add3A_53 : i32
    "tpu.region"() ({
      %run_scoped3A = tpu.sem_alloc : memref<!tpu.dma_semaphore, #tpu.memory_space<semaphore_mem>>
      %dma_start3A_81 = arith.constant 0 : i32
      %dma_start3A_82 = tpu.memref_slice %arg13[%add3A_54, %dma_start3A_81] : memref<10240x128xf32, #tpu.memory_space<vmem_shared>> -> memref<80x128xf32, #tpu.memory_space<vmem_shared>>
      %dma_start3A_83 = arith.constant 0 : i32
      %dma_start3A_84 = tpu.memref_slice %arg13[%add3A_54, %dma_start3A_83] : memref<10240x128xf32, #tpu.memory_space<vmem_shared>> -> memref<80x128xf32, #tpu.memory_space<vmem_shared>>
      tpu.enqueue_dma source(%dma_start3A_84 : memref<80x128xf32, #tpu.memory_space<vmem_shared>>) target(%arg11 : memref<80x128xf32, #tpu.memory_space<vmem>>) target_semaphore(%run_scoped3A : memref<!tpu.dma_semaphore, #tpu.memory_space<semaphore_mem>>)
      %dma_wait3A_85 = arith.constant 0 : i32
      %dma_wait3A_86 = tpu.memref_slice %arg13[%add3A_54, %dma_wait3A_85] : memref<10240x128xf32, #tpu.memory_space<vmem_shared>> -> memref<80x128xf32, #tpu.memory_space<vmem_shared>>
      %dma_wait3A_87 = arith.constant 0 : i32
      %dma_wait3A_88 = tpu.memref_slice %arg13[%add3A_54, %dma_wait3A_87] : memref<10240x128xf32, #tpu.memory_space<vmem_shared>> -> memref<80x128xf32, #tpu.memory_space<vmem_shared>>
      tpu.wait_dma2 semaphore(%run_scoped3A : memref<!tpu.dma_semaphore, #tpu.memory_space<semaphore_mem>>) src(%dma_wait3A_88 : memref<80x128xf32, #tpu.memory_space<vmem_shared>>) dst(%arg11 : memref<80x128xf32, #tpu.memory_space<vmem>>)
      tpu.yield
    }) : () -> ()
    %add3A_55 = arith.constant 80 : i32
    %add3A_56 = arith.addi %mul3A_2, %add3A_55 : i32
    "tpu.region"() ({
      %run_scoped3A = tpu.sem_alloc : memref<!tpu.dma_semaphore, #tpu.memory_space<semaphore_mem>>
      %dma_start3A_81 = arith.constant 0 : i32
      %dma_start3A_82 = tpu.memref_slice %arg6[%arg0, %add3A_56, %dma_start3A_81] : memref<2x10240x128xf32, #tpu.memory_space<hbm>> -> memref<1x80x128xf32, #tpu.memory_space<hbm>>
      %dma_start3A_83 = tpu.memref_squeeze %dma_start3A_82 : memref<1x80x128xf32, #tpu.memory_space<hbm>> -> memref<80x128xf32, #tpu.memory_space<hbm>>
      %dma_start3A_84 = arith.constant 0 : i32
      %dma_start3A_85 = tpu.memref_slice %arg6[%arg0, %add3A_56, %dma_start3A_84] : memref<2x10240x128xf32, #tpu.memory_space<hbm>> -> memref<1x80x128xf32, #tpu.memory_space<hbm>>
      %dma_start3A_86 = tpu.memref_squeeze %dma_start3A_85 : memref<1x80x128xf32, #tpu.memory_space<hbm>> -> memref<80x128xf32, #tpu.memory_space<hbm>>
      tpu.enqueue_dma source(%arg11 : memref<80x128xf32, #tpu.memory_space<vmem>>) target(%dma_start3A_86 : memref<80x128xf32, #tpu.memory_space<hbm>>) target_semaphore(%run_scoped3A : memref<!tpu.dma_semaphore, #tpu.memory_space<semaphore_mem>>)
      %dma_wait3A_87 = arith.constant 0 : i32
      %dma_wait3A_88 = tpu.memref_slice %arg6[%arg0, %add3A_56, %dma_wait3A_87] : memref<2x10240x128xf32, #tpu.memory_space<hbm>> -> memref<1x80x128xf32, #tpu.memory_space<hbm>>
      %dma_wait3A_89 = tpu.memref_squeeze %dma_wait3A_88 : memref<1x80x128xf32, #tpu.memory_space<hbm>> -> memref<80x128xf32, #tpu.memory_space<hbm>>
      %dma_wait3A_90 = arith.constant 0 : i32
      %dma_wait3A_91 = tpu.memref_slice %arg6[%arg0, %add3A_56, %dma_wait3A_90] : memref<2x10240x128xf32, #tpu.memory_space<hbm>> -> memref<1x80x128xf32, #tpu.memory_space<hbm>>
      %dma_wait3A_92 = tpu.memref_squeeze %dma_wait3A_91 : memref<1x80x128xf32, #tpu.memory_space<hbm>> -> memref<80x128xf32, #tpu.memory_space<hbm>>
      tpu.wait_dma2 semaphore(%run_scoped3A : memref<!tpu.dma_semaphore, #tpu.memory_space<semaphore_mem>>) src(%arg11 : memref<80x128xf32, #tpu.memory_space<vmem>>) dst(%dma_wait3A_92 : memref<80x128xf32, #tpu.memory_space<hbm>>)
      tpu.yield
    }) : () -> ()
    %add3A_57 = arith.constant 160 : i32
    %add3A_58 = arith.addi %mul3A_2, %add3A_57 : i32
    "tpu.region"() ({
      %run_scoped3A = tpu.sem_alloc : memref<!tpu.dma_semaphore, #tpu.memory_space<semaphore_mem>>
      %dma_start3A_81 = arith.constant 0 : i32
      %dma_start3A_82 = tpu.memref_slice %arg13[%add3A_58, %dma_start3A_81] : memref<10240x128xf32, #tpu.memory_space<vmem_shared>> -> memref<80x128xf32, #tpu.memory_space<vmem_shared>>
      %dma_start3A_83 = arith.constant 0 : i32
      %dma_start3A_84 = tpu.memref_slice %arg13[%add3A_58, %dma_start3A_83] : memref<10240x128xf32, #tpu.memory_space<vmem_shared>> -> memref<80x128xf32, #tpu.memory_space<vmem_shared>>
      tpu.enqueue_dma source(%dma_start3A_84 : memref<80x128xf32, #tpu.memory_space<vmem_shared>>) target(%arg11 : memref<80x128xf32, #tpu.memory_space<vmem>>) target_semaphore(%run_scoped3A : memref<!tpu.dma_semaphore, #tpu.memory_space<semaphore_mem>>)
      %dma_wait3A_85 = arith.constant 0 : i32
      %dma_wait3A_86 = tpu.memref_slice %arg13[%add3A_58, %dma_wait3A_85] : memref<10240x128xf32, #tpu.memory_space<vmem_shared>> -> memref<80x128xf32, #tpu.memory_space<vmem_shared>>
      %dma_wait3A_87 = arith.constant 0 : i32
      %dma_wait3A_88 = tpu.memref_slice %arg13[%add3A_58, %dma_wait3A_87] : memref<10240x128xf32, #tpu.memory_space<vmem_shared>> -> memref<80x128xf32, #tpu.memory_space<vmem_shared>>
      tpu.wait_dma2 semaphore(%run_scoped3A : memref<!tpu.dma_semaphore, #tpu.memory_space<semaphore_mem>>) src(%dma_wait3A_88 : memref<80x128xf32, #tpu.memory_space<vmem_shared>>) dst(%arg11 : memref<80x128xf32, #tpu.memory_space<vmem>>)
      tpu.yield
    }) : () -> ()
    %add3A_59 = arith.constant 160 : i32
    %add3A_60 = arith.addi %mul3A_2, %add3A_59 : i32
    "tpu.region"() ({
      %run_scoped3A = tpu.sem_alloc : memref<!tpu.dma_semaphore, #tpu.memory_space<semaphore_mem>>
      %dma_start3A_81 = arith.constant 0 : i32
      %dma_start3A_82 = tpu.memref_slice %arg6[%arg0, %add3A_60, %dma_start3A_81] : memref<2x10240x128xf32, #tpu.memory_space<hbm>> -> memref<1x80x128xf32, #tpu.memory_space<hbm>>
      %dma_start3A_83 = tpu.memref_squeeze %dma_start3A_82 : memref<1x80x128xf32, #tpu.memory_space<hbm>> -> memref<80x128xf32, #tpu.memory_space<hbm>>
      %dma_start3A_84 = arith.constant 0 : i32
      %dma_start3A_85 = tpu.memref_slice %arg6[%arg0, %add3A_60, %dma_start3A_84] : memref<2x10240x128xf32, #tpu.memory_space<hbm>> -> memref<1x80x128xf32, #tpu.memory_space<hbm>>
      %dma_start3A_86 = tpu.memref_squeeze %dma_start3A_85 : memref<1x80x128xf32, #tpu.memory_space<hbm>> -> memref<80x128xf32, #tpu.memory_space<hbm>>
      tpu.enqueue_dma source(%arg11 : memref<80x128xf32, #tpu.memory_space<vmem>>) target(%dma_start3A_86 : memref<80x128xf32, #tpu.memory_space<hbm>>) target_semaphore(%run_scoped3A : memref<!tpu.dma_semaphore, #tpu.memory_space<semaphore_mem>>)
      %dma_wait3A_87 = arith.constant 0 : i32
      %dma_wait3A_88 = tpu.memref_slice %arg6[%arg0, %add3A_60, %dma_wait3A_87] : memref<2x10240x128xf32, #tpu.memory_space<hbm>> -> memref<1x80x128xf32, #tpu.memory_space<hbm>>
      %dma_wait3A_89 = tpu.memref_squeeze %dma_wait3A_88 : memref<1x80x128xf32, #tpu.memory_space<hbm>> -> memref<80x128xf32, #tpu.memory_space<hbm>>
      %dma_wait3A_90 = arith.constant 0 : i32
      %dma_wait3A_91 = tpu.memref_slice %arg6[%arg0, %add3A_60, %dma_wait3A_90] : memref<2x10240x128xf32, #tpu.memory_space<hbm>> -> memref<1x80x128xf32, #tpu.memory_space<hbm>>
      %dma_wait3A_92 = tpu.memref_squeeze %dma_wait3A_91 : memref<1x80x128xf32, #tpu.memory_space<hbm>> -> memref<80x128xf32, #tpu.memory_space<hbm>>
      tpu.wait_dma2 semaphore(%run_scoped3A : memref<!tpu.dma_semaphore, #tpu.memory_space<semaphore_mem>>) src(%arg11 : memref<80x128xf32, #tpu.memory_space<vmem>>) dst(%dma_wait3A_92 : memref<80x128xf32, #tpu.memory_space<hbm>>)
      tpu.yield
    }) : () -> ()
    %add3A_61 = arith.constant 240 : i32
    %add3A_62 = arith.addi %mul3A_2, %add3A_61 : i32
    "tpu.region"() ({
      %run_scoped3A = tpu.sem_alloc : memref<!tpu.dma_semaphore, #tpu.memory_space<semaphore_mem>>
      %dma_start3A_81 = arith.constant 0 : i32
      %dma_start3A_82 = tpu.memref_slice %arg13[%add3A_62, %dma_start3A_81] : memref<10240x128xf32, #tpu.memory_space<vmem_shared>> -> memref<80x128xf32, #tpu.memory_space<vmem_shared>>
      %dma_start3A_83 = arith.constant 0 : i32
      %dma_start3A_84 = tpu.memref_slice %arg13[%add3A_62, %dma_start3A_83] : memref<10240x128xf32, #tpu.memory_space<vmem_shared>> -> memref<80x128xf32, #tpu.memory_space<vmem_shared>>
      tpu.enqueue_dma source(%dma_start3A_84 : memref<80x128xf32, #tpu.memory_space<vmem_shared>>) target(%arg11 : memref<80x128xf32, #tpu.memory_space<vmem>>) target_semaphore(%run_scoped3A : memref<!tpu.dma_semaphore, #tpu.memory_space<semaphore_mem>>)
      %dma_wait3A_85 = arith.constant 0 : i32
      %dma_wait3A_86 = tpu.memref_slice %arg13[%add3A_62, %dma_wait3A_85] : memref<10240x128xf32, #tpu.memory_space<vmem_shared>> -> memref<80x128xf32, #tpu.memory_space<vmem_shared>>
      %dma_wait3A_87 = arith.constant 0 : i32
      %dma_wait3A_88 = tpu.memref_slice %arg13[%add3A_62, %dma_wait3A_87] : memref<10240x128xf32, #tpu.memory_space<vmem_shared>> -> memref<80x128xf32, #tpu.memory_space<vmem_shared>>
      tpu.wait_dma2 semaphore(%run_scoped3A : memref<!tpu.dma_semaphore, #tpu.memory_space<semaphore_mem>>) src(%dma_wait3A_88 : memref<80x128xf32, #tpu.memory_space<vmem_shared>>) dst(%arg11 : memref<80x128xf32, #tpu.memory_space<vmem>>)
      tpu.yield
    }) : () -> ()
    %add3A_63 = arith.constant 240 : i32
    %add3A_64 = arith.addi %mul3A_2, %add3A_63 : i32
    "tpu.region"() ({
      %run_scoped3A = tpu.sem_alloc : memref<!tpu.dma_semaphore, #tpu.memory_space<semaphore_mem>>
      %dma_start3A_81 = arith.constant 0 : i32
      %dma_start3A_82 = tpu.memref_slice %arg6[%arg0, %add3A_64, %dma_start3A_81] : memref<2x10240x128xf32, #tpu.memory_space<hbm>> -> memref<1x80x128xf32, #tpu.memory_space<hbm>>
      %dma_start3A_83 = tpu.memref_squeeze %dma_start3A_82 : memref<1x80x128xf32, #tpu.memory_space<hbm>> -> memref<80x128xf32, #tpu.memory_space<hbm>>
      %dma_start3A_84 = arith.constant 0 : i32
      %dma_start3A_85 = tpu.memref_slice %arg6[%arg0, %add3A_64, %dma_start3A_84] : memref<2x10240x128xf32, #tpu.memory_space<hbm>> -> memref<1x80x128xf32, #tpu.memory_space<hbm>>
      %dma_start3A_86 = tpu.memref_squeeze %dma_start3A_85 : memref<1x80x128xf32, #tpu.memory_space<hbm>> -> memref<80x128xf32, #tpu.memory_space<hbm>>
      tpu.enqueue_dma source(%arg11 : memref<80x128xf32, #tpu.memory_space<vmem>>) target(%dma_start3A_86 : memref<80x128xf32, #tpu.memory_space<hbm>>) target_semaphore(%run_scoped3A : memref<!tpu.dma_semaphore, #tpu.memory_space<semaphore_mem>>)
      %dma_wait3A_87 = arith.constant 0 : i32
      %dma_wait3A_88 = tpu.memref_slice %arg6[%arg0, %add3A_64, %dma_wait3A_87] : memref<2x10240x128xf32, #tpu.memory_space<hbm>> -> memref<1x80x128xf32, #tpu.memory_space<hbm>>
      %dma_wait3A_89 = tpu.memref_squeeze %dma_wait3A_88 : memref<1x80x128xf32, #tpu.memory_space<hbm>> -> memref<80x128xf32, #tpu.memory_space<hbm>>
      %dma_wait3A_90 = arith.constant 0 : i32
      %dma_wait3A_91 = tpu.memref_slice %arg6[%arg0, %add3A_64, %dma_wait3A_90] : memref<2x10240x128xf32, #tpu.memory_space<hbm>> -> memref<1x80x128xf32, #tpu.memory_space<hbm>>
      %dma_wait3A_92 = tpu.memref_squeeze %dma_wait3A_91 : memref<1x80x128xf32, #tpu.memory_space<hbm>> -> memref<80x128xf32, #tpu.memory_space<hbm>>
      tpu.wait_dma2 semaphore(%run_scoped3A : memref<!tpu.dma_semaphore, #tpu.memory_space<semaphore_mem>>) src(%arg11 : memref<80x128xf32, #tpu.memory_space<vmem>>) dst(%dma_wait3A_92 : memref<80x128xf32, #tpu.memory_space<hbm>>)
      tpu.yield
    }) : () -> ()
    %add3A_65 = arith.constant 320 : i32
    %add3A_66 = arith.addi %mul3A_2, %add3A_65 : i32
    "tpu.region"() ({
      %run_scoped3A = tpu.sem_alloc : memref<!tpu.dma_semaphore, #tpu.memory_space<semaphore_mem>>
      %dma_start3A_81 = arith.constant 0 : i32
      %dma_start3A_82 = tpu.memref_slice %arg13[%add3A_66, %dma_start3A_81] : memref<10240x128xf32, #tpu.memory_space<vmem_shared>> -> memref<80x128xf32, #tpu.memory_space<vmem_shared>>
      %dma_start3A_83 = arith.constant 0 : i32
      %dma_start3A_84 = tpu.memref_slice %arg13[%add3A_66, %dma_start3A_83] : memref<10240x128xf32, #tpu.memory_space<vmem_shared>> -> memref<80x128xf32, #tpu.memory_space<vmem_shared>>
      tpu.enqueue_dma source(%dma_start3A_84 : memref<80x128xf32, #tpu.memory_space<vmem_shared>>) target(%arg11 : memref<80x128xf32, #tpu.memory_space<vmem>>) target_semaphore(%run_scoped3A : memref<!tpu.dma_semaphore, #tpu.memory_space<semaphore_mem>>)
      %dma_wait3A_85 = arith.constant 0 : i32
      %dma_wait3A_86 = tpu.memref_slice %arg13[%add3A_66, %dma_wait3A_85] : memref<10240x128xf32, #tpu.memory_space<vmem_shared>> -> memref<80x128xf32, #tpu.memory_space<vmem_shared>>
      %dma_wait3A_87 = arith.constant 0 : i32
      %dma_wait3A_88 = tpu.memref_slice %arg13[%add3A_66, %dma_wait3A_87] : memref<10240x128xf32, #tpu.memory_space<vmem_shared>> -> memref<80x128xf32, #tpu.memory_space<vmem_shared>>
      tpu.wait_dma2 semaphore(%run_scoped3A : memref<!tpu.dma_semaphore, #tpu.memory_space<semaphore_mem>>) src(%dma_wait3A_88 : memref<80x128xf32, #tpu.memory_space<vmem_shared>>) dst(%arg11 : memref<80x128xf32, #tpu.memory_space<vmem>>)
      tpu.yield
    }) : () -> ()
    %add3A_67 = arith.constant 320 : i32
    %add3A_68 = arith.addi %mul3A_2, %add3A_67 : i32
    "tpu.region"() ({
      %run_scoped3A = tpu.sem_alloc : memref<!tpu.dma_semaphore, #tpu.memory_space<semaphore_mem>>
      %dma_start3A_81 = arith.constant 0 : i32
      %dma_start3A_82 = tpu.memref_slice %arg6[%arg0, %add3A_68, %dma_start3A_81] : memref<2x10240x128xf32, #tpu.memory_space<hbm>> -> memref<1x80x128xf32, #tpu.memory_space<hbm>>
      %dma_start3A_83 = tpu.memref_squeeze %dma_start3A_82 : memref<1x80x128xf32, #tpu.memory_space<hbm>> -> memref<80x128xf32, #tpu.memory_space<hbm>>
      %dma_start3A_84 = arith.constant 0 : i32
      %dma_start3A_85 = tpu.memref_slice %arg6[%arg0, %add3A_68, %dma_start3A_84] : memref<2x10240x128xf32, #tpu.memory_space<hbm>> -> memref<1x80x128xf32, #tpu.memory_space<hbm>>
      %dma_start3A_86 = tpu.memref_squeeze %dma_start3A_85 : memref<1x80x128xf32, #tpu.memory_space<hbm>> -> memref<80x128xf32, #tpu.memory_space<hbm>>
      tpu.enqueue_dma source(%arg11 : memref<80x128xf32, #tpu.memory_space<vmem>>) target(%dma_start3A_86 : memref<80x128xf32, #tpu.memory_space<hbm>>) target_semaphore(%run_scoped3A : memref<!tpu.dma_semaphore, #tpu.memory_space<semaphore_mem>>)
      %dma_wait3A_87 = arith.constant 0 : i32
      %dma_wait3A_88 = tpu.memref_slice %arg6[%arg0, %add3A_68, %dma_wait3A_87] : memref<2x10240x128xf32, #tpu.memory_space<hbm>> -> memref<1x80x128xf32, #tpu.memory_space<hbm>>
      %dma_wait3A_89 = tpu.memref_squeeze %dma_wait3A_88 : memref<1x80x128xf32, #tpu.memory_space<hbm>> -> memref<80x128xf32, #tpu.memory_space<hbm>>
      %dma_wait3A_90 = arith.constant 0 : i32
      %dma_wait3A_91 = tpu.memref_slice %arg6[%arg0, %add3A_68, %dma_wait3A_90] : memref<2x10240x128xf32, #tpu.memory_space<hbm>> -> memref<1x80x128xf32, #tpu.memory_space<hbm>>
      %dma_wait3A_92 = tpu.memref_squeeze %dma_wait3A_91 : memref<1x80x128xf32, #tpu.memory_space<hbm>> -> memref<80x128xf32, #tpu.memory_space<hbm>>
      tpu.wait_dma2 semaphore(%run_scoped3A : memref<!tpu.dma_semaphore, #tpu.memory_space<semaphore_mem>>) src(%arg11 : memref<80x128xf32, #tpu.memory_space<vmem>>) dst(%dma_wait3A_92 : memref<80x128xf32, #tpu.memory_space<hbm>>)
      tpu.yield
    }) : () -> ()
    %add3A_69 = arith.constant 400 : i32
    %add3A_70 = arith.addi %mul3A_2, %add3A_69 : i32
    "tpu.region"() ({
      %run_scoped3A = tpu.sem_alloc : memref<!tpu.dma_semaphore, #tpu.memory_space<semaphore_mem>>
      %dma_start3A_81 = arith.constant 0 : i32
      %dma_start3A_82 = tpu.memref_slice %arg13[%add3A_70, %dma_start3A_81] : memref<10240x128xf32, #tpu.memory_space<vmem_shared>> -> memref<80x128xf32, #tpu.memory_space<vmem_shared>>
      %dma_start3A_83 = arith.constant 0 : i32
      %dma_start3A_84 = tpu.memref_slice %arg13[%add3A_70, %dma_start3A_83] : memref<10240x128xf32, #tpu.memory_space<vmem_shared>> -> memref<80x128xf32, #tpu.memory_space<vmem_shared>>
      tpu.enqueue_dma source(%dma_start3A_84 : memref<80x128xf32, #tpu.memory_space<vmem_shared>>) target(%arg11 : memref<80x128xf32, #tpu.memory_space<vmem>>) target_semaphore(%run_scoped3A : memref<!tpu.dma_semaphore, #tpu.memory_space<semaphore_mem>>)
      %dma_wait3A_85 = arith.constant 0 : i32
      %dma_wait3A_86 = tpu.memref_slice %arg13[%add3A_70, %dma_wait3A_85] : memref<10240x128xf32, #tpu.memory_space<vmem_shared>> -> memref<80x128xf32, #tpu.memory_space<vmem_shared>>
      %dma_wait3A_87 = arith.constant 0 : i32
      %dma_wait3A_88 = tpu.memref_slice %arg13[%add3A_70, %dma_wait3A_87] : memref<10240x128xf32, #tpu.memory_space<vmem_shared>> -> memref<80x128xf32, #tpu.memory_space<vmem_shared>>
      tpu.wait_dma2 semaphore(%run_scoped3A : memref<!tpu.dma_semaphore, #tpu.memory_space<semaphore_mem>>) src(%dma_wait3A_88 : memref<80x128xf32, #tpu.memory_space<vmem_shared>>) dst(%arg11 : memref<80x128xf32, #tpu.memory_space<vmem>>)
      tpu.yield
    }) : () -> ()
    %add3A_71 = arith.constant 400 : i32
    %add3A_72 = arith.addi %mul3A_2, %add3A_71 : i32
    "tpu.region"() ({
      %run_scoped3A = tpu.sem_alloc : memref<!tpu.dma_semaphore, #tpu.memory_space<semaphore_mem>>
      %dma_start3A_81 = arith.constant 0 : i32
      %dma_start3A_82 = tpu.memref_slice %arg6[%arg0, %add3A_72, %dma_start3A_81] : memref<2x10240x128xf32, #tpu.memory_space<hbm>> -> memref<1x80x128xf32, #tpu.memory_space<hbm>>
      %dma_start3A_83 = tpu.memref_squeeze %dma_start3A_82 : memref<1x80x128xf32, #tpu.memory_space<hbm>> -> memref<80x128xf32, #tpu.memory_space<hbm>>
      %dma_start3A_84 = arith.constant 0 : i32
      %dma_start3A_85 = tpu.memref_slice %arg6[%arg0, %add3A_72, %dma_start3A_84] : memref<2x10240x128xf32, #tpu.memory_space<hbm>> -> memref<1x80x128xf32, #tpu.memory_space<hbm>>
      %dma_start3A_86 = tpu.memref_squeeze %dma_start3A_85 : memref<1x80x128xf32, #tpu.memory_space<hbm>> -> memref<80x128xf32, #tpu.memory_space<hbm>>
      tpu.enqueue_dma source(%arg11 : memref<80x128xf32, #tpu.memory_space<vmem>>) target(%dma_start3A_86 : memref<80x128xf32, #tpu.memory_space<hbm>>) target_semaphore(%run_scoped3A : memref<!tpu.dma_semaphore, #tpu.memory_space<semaphore_mem>>)
      %dma_wait3A_87 = arith.constant 0 : i32
      %dma_wait3A_88 = tpu.memref_slice %arg6[%arg0, %add3A_72, %dma_wait3A_87] : memref<2x10240x128xf32, #tpu.memory_space<hbm>> -> memref<1x80x128xf32, #tpu.memory_space<hbm>>
      %dma_wait3A_89 = tpu.memref_squeeze %dma_wait3A_88 : memref<1x80x128xf32, #tpu.memory_space<hbm>> -> memref<80x128xf32, #tpu.memory_space<hbm>>
      %dma_wait3A_90 = arith.constant 0 : i32
      %dma_wait3A_91 = tpu.memref_slice %arg6[%arg0, %add3A_72, %dma_wait3A_90] : memref<2x10240x128xf32, #tpu.memory_space<hbm>> -> memref<1x80x128xf32, #tpu.memory_space<hbm>>
      %dma_wait3A_92 = tpu.memref_squeeze %dma_wait3A_91 : memref<1x80x128xf32, #tpu.memory_space<hbm>> -> memref<80x128xf32, #tpu.memory_space<hbm>>
      tpu.wait_dma2 semaphore(%run_scoped3A : memref<!tpu.dma_semaphore, #tpu.memory_space<semaphore_mem>>) src(%arg11 : memref<80x128xf32, #tpu.memory_space<vmem>>) dst(%dma_wait3A_92 : memref<80x128xf32, #tpu.memory_space<hbm>>)
      tpu.yield
    }) : () -> ()
    %add3A_73 = arith.constant 480 : i32
    %add3A_74 = arith.addi %mul3A_2, %add3A_73 : i32
    "tpu.region"() ({
      %run_scoped3A = tpu.sem_alloc : memref<!tpu.dma_semaphore, #tpu.memory_space<semaphore_mem>>
      %dma_start3A_81 = arith.constant 0 : i32
      %dma_start3A_82 = tpu.memref_slice %arg13[%add3A_74, %dma_start3A_81] : memref<10240x128xf32, #tpu.memory_space<vmem_shared>> -> memref<80x128xf32, #tpu.memory_space<vmem_shared>>
      %dma_start3A_83 = arith.constant 0 : i32
      %dma_start3A_84 = tpu.memref_slice %arg13[%add3A_74, %dma_start3A_83] : memref<10240x128xf32, #tpu.memory_space<vmem_shared>> -> memref<80x128xf32, #tpu.memory_space<vmem_shared>>
      tpu.enqueue_dma source(%dma_start3A_84 : memref<80x128xf32, #tpu.memory_space<vmem_shared>>) target(%arg11 : memref<80x128xf32, #tpu.memory_space<vmem>>) target_semaphore(%run_scoped3A : memref<!tpu.dma_semaphore, #tpu.memory_space<semaphore_mem>>)
      %dma_wait3A_85 = arith.constant 0 : i32
      %dma_wait3A_86 = tpu.memref_slice %arg13[%add3A_74, %dma_wait3A_85] : memref<10240x128xf32, #tpu.memory_space<vmem_shared>> -> memref<80x128xf32, #tpu.memory_space<vmem_shared>>
      %dma_wait3A_87 = arith.constant 0 : i32
      %dma_wait3A_88 = tpu.memref_slice %arg13[%add3A_74, %dma_wait3A_87] : memref<10240x128xf32, #tpu.memory_space<vmem_shared>> -> memref<80x128xf32, #tpu.memory_space<vmem_shared>>
      tpu.wait_dma2 semaphore(%run_scoped3A : memref<!tpu.dma_semaphore, #tpu.memory_space<semaphore_mem>>) src(%dma_wait3A_88 : memref<80x128xf32, #tpu.memory_space<vmem_shared>>) dst(%arg11 : memref<80x128xf32, #tpu.memory_space<vmem>>)
      tpu.yield
    }) : () -> ()
    %add3A_75 = arith.constant 480 : i32
    %add3A_76 = arith.addi %mul3A_2, %add3A_75 : i32
    "tpu.region"() ({
      %run_scoped3A = tpu.sem_alloc : memref<!tpu.dma_semaphore, #tpu.memory_space<semaphore_mem>>
      %dma_start3A_81 = arith.constant 0 : i32
      %dma_start3A_82 = tpu.memref_slice %arg6[%arg0, %add3A_76, %dma_start3A_81] : memref<2x10240x128xf32, #tpu.memory_space<hbm>> -> memref<1x80x128xf32, #tpu.memory_space<hbm>>
      %dma_start3A_83 = tpu.memref_squeeze %dma_start3A_82 : memref<1x80x128xf32, #tpu.memory_space<hbm>> -> memref<80x128xf32, #tpu.memory_space<hbm>>
      %dma_start3A_84 = arith.constant 0 : i32
      %dma_start3A_85 = tpu.memref_slice %arg6[%arg0, %add3A_76, %dma_start3A_84] : memref<2x10240x128xf32, #tpu.memory_space<hbm>> -> memref<1x80x128xf32, #tpu.memory_space<hbm>>
      %dma_start3A_86 = tpu.memref_squeeze %dma_start3A_85 : memref<1x80x128xf32, #tpu.memory_space<hbm>> -> memref<80x128xf32, #tpu.memory_space<hbm>>
      tpu.enqueue_dma source(%arg11 : memref<80x128xf32, #tpu.memory_space<vmem>>) target(%dma_start3A_86 : memref<80x128xf32, #tpu.memory_space<hbm>>) target_semaphore(%run_scoped3A : memref<!tpu.dma_semaphore, #tpu.memory_space<semaphore_mem>>)
      %dma_wait3A_87 = arith.constant 0 : i32
      %dma_wait3A_88 = tpu.memref_slice %arg6[%arg0, %add3A_76, %dma_wait3A_87] : memref<2x10240x128xf32, #tpu.memory_space<hbm>> -> memref<1x80x128xf32, #tpu.memory_space<hbm>>
      %dma_wait3A_89 = tpu.memref_squeeze %dma_wait3A_88 : memref<1x80x128xf32, #tpu.memory_space<hbm>> -> memref<80x128xf32, #tpu.memory_space<hbm>>
      %dma_wait3A_90 = arith.constant 0 : i32
      %dma_wait3A_91 = tpu.memref_slice %arg6[%arg0, %add3A_76, %dma_wait3A_90] : memref<2x10240x128xf32, #tpu.memory_space<hbm>> -> memref<1x80x128xf32, #tpu.memory_space<hbm>>
      %dma_wait3A_92 = tpu.memref_squeeze %dma_wait3A_91 : memref<1x80x128xf32, #tpu.memory_space<hbm>> -> memref<80x128xf32, #tpu.memory_space<hbm>>
      tpu.wait_dma2 semaphore(%run_scoped3A : memref<!tpu.dma_semaphore, #tpu.memory_space<semaphore_mem>>) src(%arg11 : memref<80x128xf32, #tpu.memory_space<vmem>>) dst(%dma_wait3A_92 : memref<80x128xf32, #tpu.memory_space<hbm>>)
      tpu.yield
    }) : () -> ()
    %add3A_77 = arith.constant 560 : i32
    %add3A_78 = arith.addi %mul3A_2, %add3A_77 : i32
    "tpu.region"() ({
      %run_scoped3A = tpu.sem_alloc : memref<!tpu.dma_semaphore, #tpu.memory_space<semaphore_mem>>
      %dma_start3A_81 = arith.constant 0 : i32
      %dma_start3A_82 = tpu.memref_slice %arg13[%add3A_78, %dma_start3A_81] : memref<10240x128xf32, #tpu.memory_space<vmem_shared>> -> memref<80x128xf32, #tpu.memory_space<vmem_shared>>
      %dma_start3A_83 = arith.constant 0 : i32
      %dma_start3A_84 = tpu.memref_slice %arg13[%add3A_78, %dma_start3A_83] : memref<10240x128xf32, #tpu.memory_space<vmem_shared>> -> memref<80x128xf32, #tpu.memory_space<vmem_shared>>
      tpu.enqueue_dma source(%dma_start3A_84 : memref<80x128xf32, #tpu.memory_space<vmem_shared>>) target(%arg11 : memref<80x128xf32, #tpu.memory_space<vmem>>) target_semaphore(%run_scoped3A : memref<!tpu.dma_semaphore, #tpu.memory_space<semaphore_mem>>)
      %dma_wait3A_85 = arith.constant 0 : i32
      %dma_wait3A_86 = tpu.memref_slice %arg13[%add3A_78, %dma_wait3A_85] : memref<10240x128xf32, #tpu.memory_space<vmem_shared>> -> memref<80x128xf32, #tpu.memory_space<vmem_shared>>
      %dma_wait3A_87 = arith.constant 0 : i32
      %dma_wait3A_88 = tpu.memref_slice %arg13[%add3A_78, %dma_wait3A_87] : memref<10240x128xf32, #tpu.memory_space<vmem_shared>> -> memref<80x128xf32, #tpu.memory_space<vmem_shared>>
      tpu.wait_dma2 semaphore(%run_scoped3A : memref<!tpu.dma_semaphore, #tpu.memory_space<semaphore_mem>>) src(%dma_wait3A_88 : memref<80x128xf32, #tpu.memory_space<vmem_shared>>) dst(%arg11 : memref<80x128xf32, #tpu.memory_space<vmem>>)
      tpu.yield
    }) : () -> ()
    %add3A_79 = arith.constant 560 : i32
    %add3A_80 = arith.addi %mul3A_2, %add3A_79 : i32
    "tpu.region"() ({
      %run_scoped3A = tpu.sem_alloc : memref<!tpu.dma_semaphore, #tpu.memory_space<semaphore_mem>>
      %dma_start3A_81 = arith.constant 0 : i32
      %dma_start3A_82 = tpu.memref_slice %arg6[%arg0, %add3A_80, %dma_start3A_81] : memref<2x10240x128xf32, #tpu.memory_space<hbm>> -> memref<1x80x128xf32, #tpu.memory_space<hbm>>
      %dma_start3A_83 = tpu.memref_squeeze %dma_start3A_82 : memref<1x80x128xf32, #tpu.memory_space<hbm>> -> memref<80x128xf32, #tpu.memory_space<hbm>>
      %dma_start3A_84 = arith.constant 0 : i32
      %dma_start3A_85 = tpu.memref_slice %arg6[%arg0, %add3A_80, %dma_start3A_84] : memref<2x10240x128xf32, #tpu.memory_space<hbm>> -> memref<1x80x128xf32, #tpu.memory_space<hbm>>
      %dma_start3A_86 = tpu.memref_squeeze %dma_start3A_85 : memref<1x80x128xf32, #tpu.memory_space<hbm>> -> memref<80x128xf32, #tpu.memory_space<hbm>>
      tpu.enqueue_dma source(%arg11 : memref<80x128xf32, #tpu.memory_space<vmem>>) target(%dma_start3A_86 : memref<80x128xf32, #tpu.memory_space<hbm>>) target_semaphore(%run_scoped3A : memref<!tpu.dma_semaphore, #tpu.memory_space<semaphore_mem>>)
      %dma_wait3A_87 = arith.constant 0 : i32
      %dma_wait3A_88 = tpu.memref_slice %arg6[%arg0, %add3A_80, %dma_wait3A_87] : memref<2x10240x128xf32, #tpu.memory_space<hbm>> -> memref<1x80x128xf32, #tpu.memory_space<hbm>>
      %dma_wait3A_89 = tpu.memref_squeeze %dma_wait3A_88 : memref<1x80x128xf32, #tpu.memory_space<hbm>> -> memref<80x128xf32, #tpu.memory_space<hbm>>
      %dma_wait3A_90 = arith.constant 0 : i32
      %dma_wait3A_91 = tpu.memref_slice %arg6[%arg0, %add3A_80, %dma_wait3A_90] : memref<2x10240x128xf32, #tpu.memory_space<hbm>> -> memref<1x80x128xf32, #tpu.memory_space<hbm>>
      %dma_wait3A_92 = tpu.memref_squeeze %dma_wait3A_91 : memref<1x80x128xf32, #tpu.memory_space<hbm>> -> memref<80x128xf32, #tpu.memory_space<hbm>>
      tpu.wait_dma2 semaphore(%run_scoped3A : memref<!tpu.dma_semaphore, #tpu.memory_space<semaphore_mem>>) src(%arg11 : memref<80x128xf32, #tpu.memory_space<vmem>>) dst(%dma_wait3A_92 : memref<80x128xf32, #tpu.memory_space<hbm>>)
      tpu.yield
    }) : () -> ()
    return
  }
}

#map = affine_map<(d0, d1) -> (0, 0)>
#map1 = affine_map<(d0, d1) -> (0)>
#map2 = affine_map<(d0, d1) -> (0, 0, 0)>
module attributes {stable_mosaic.version = 14 : i64} {
  func.func @body(%arg0: i32, %arg1: i32, %arg2: memref<10000x128xf32, #tpu.memory_space<hbm>>, %arg3: memref<320000xi32, #tpu.memory_space<hbm>>, %arg4: memref<320000xi32, #tpu.memory_space<hbm>>, %arg5: memref<10240x128xf32, #tpu.memory_space<hbm>>, %arg6: memref<10240xf32, #tpu.memory_space<hbm>>, %arg7: memref<2x10240x128xf32, #tpu.memory_space<hbm>>, %arg8: memref<2x16x10240xf32, #tpu.memory_space<hbm>>, %arg9: memref<80xi32, #tpu.memory_space<vmem>>, %arg10: memref<80xi32, #tpu.memory_space<vmem>>, %arg11: memref<80xi32, #tpu.memory_space<vmem>>, %arg12: memref<80xi32, #tpu.memory_space<vmem>>, %arg13: memref<80x128xf32, #tpu.memory_space<vmem>>, %arg14: memref<80x128xf32, #tpu.memory_space<vmem>>, %arg15: memref<10240x128xf32, #tpu.memory_space<vmem_shared>>, %arg16: memref<!tpu.dma_semaphore, #tpu.memory_space<semaphore_mem>>, %arg17: memref<!tpu.dma_semaphore, #tpu.memory_space<semaphore_mem>>, %arg18: memref<10240xf32, #tpu.memory_space<vmem>>) attributes {dimension_semantics = [#tpu.dimension_semantics<core_parallel>, #tpu.dimension_semantics<subcore_parallel>], iteration_bounds = array<i64: 2, 16>, scalar_prefetch = 0 : i64, scratch_operands = 10 : i64, tpu.core_type = #tpu.core_type<sc_vector_subcore>, window_params = [{transform_indices = #map}, {transform_indices = #map1}, {transform_indices = #map1}, {transform_indices = #map}, {transform_indices = #map1}, {transform_indices = #map2}, {transform_indices = #map2}]} {
    %mul3A = arith.constant 2 : i32
    %mul3A_0 = arith.muli %arg1, %mul3A : i32
    %add3A = arith.addi %mul3A_0, %arg0 : i32
    %mul3A_1 = arith.constant 640 : i32
    %mul3A_2 = arith.muli %arg1, %mul3A_1 : i32
    %mul3A_3 = arith.constant 10000 : i32
    %mul3A_4 = arith.muli %add3A, %mul3A_3 : i32
    %add3A_5 = arith.constant 0 : i32
    %add3A_6 = arith.addi %mul3A_2, %add3A_5 : i32
    "tpu.region"() ({
      %run_scoped3A = tpu.sem_alloc : memref<!tpu.dma_semaphore, #tpu.memory_space<semaphore_mem>>
      %dma_start3A_112 = arith.constant 0 : i32
      %dma_start3A_113 = tpu.memref_slice %arg5[%add3A_6, %dma_start3A_112] : memref<10240x128xf32, #tpu.memory_space<hbm>> -> memref<80x128xf32, #tpu.memory_space<hbm>>
      %dma_start3A_114 = arith.constant 0 : i32
      %dma_start3A_115 = tpu.memref_slice %arg5[%add3A_6, %dma_start3A_114] : memref<10240x128xf32, #tpu.memory_space<hbm>> -> memref<80x128xf32, #tpu.memory_space<hbm>>
      tpu.enqueue_dma source(%dma_start3A_115 : memref<80x128xf32, #tpu.memory_space<hbm>>) target(%arg13 : memref<80x128xf32, #tpu.memory_space<vmem>>) target_semaphore(%run_scoped3A : memref<!tpu.dma_semaphore, #tpu.memory_space<semaphore_mem>>)
      %dma_wait3A_116 = arith.constant 0 : i32
      %dma_wait3A_117 = tpu.memref_slice %arg5[%add3A_6, %dma_wait3A_116] : memref<10240x128xf32, #tpu.memory_space<hbm>> -> memref<80x128xf32, #tpu.memory_space<hbm>>
      %dma_wait3A_118 = arith.constant 0 : i32
      %dma_wait3A_119 = tpu.memref_slice %arg5[%add3A_6, %dma_wait3A_118] : memref<10240x128xf32, #tpu.memory_space<hbm>> -> memref<80x128xf32, #tpu.memory_space<hbm>>
      tpu.wait_dma2 semaphore(%run_scoped3A : memref<!tpu.dma_semaphore, #tpu.memory_space<semaphore_mem>>) src(%dma_wait3A_119 : memref<80x128xf32, #tpu.memory_space<hbm>>) dst(%arg13 : memref<80x128xf32, #tpu.memory_space<vmem>>)
      tpu.yield
    }) : () -> ()
    %add3A_7 = arith.constant 0 : i32
    %add3A_8 = arith.addi %mul3A_2, %add3A_7 : i32
    "tpu.region"() ({
      %run_scoped3A = tpu.sem_alloc : memref<!tpu.dma_semaphore, #tpu.memory_space<semaphore_mem>>
      %dma_start3A_112 = arith.constant 0 : i32
      %dma_start3A_113 = tpu.memref_slice %arg15[%add3A_8, %dma_start3A_112] : memref<10240x128xf32, #tpu.memory_space<vmem_shared>> -> memref<80x128xf32, #tpu.memory_space<vmem_shared>>
      %dma_start3A_114 = arith.constant 0 : i32
      %dma_start3A_115 = tpu.memref_slice %arg15[%add3A_8, %dma_start3A_114] : memref<10240x128xf32, #tpu.memory_space<vmem_shared>> -> memref<80x128xf32, #tpu.memory_space<vmem_shared>>
      tpu.enqueue_dma source(%arg13 : memref<80x128xf32, #tpu.memory_space<vmem>>) target(%dma_start3A_115 : memref<80x128xf32, #tpu.memory_space<vmem_shared>>) target_semaphore(%run_scoped3A : memref<!tpu.dma_semaphore, #tpu.memory_space<semaphore_mem>>)
      %dma_wait3A_116 = arith.constant 0 : i32
      %dma_wait3A_117 = tpu.memref_slice %arg15[%add3A_8, %dma_wait3A_116] : memref<10240x128xf32, #tpu.memory_space<vmem_shared>> -> memref<80x128xf32, #tpu.memory_space<vmem_shared>>
      %dma_wait3A_118 = arith.constant 0 : i32
      %dma_wait3A_119 = tpu.memref_slice %arg15[%add3A_8, %dma_wait3A_118] : memref<10240x128xf32, #tpu.memory_space<vmem_shared>> -> memref<80x128xf32, #tpu.memory_space<vmem_shared>>
      tpu.wait_dma2 semaphore(%run_scoped3A : memref<!tpu.dma_semaphore, #tpu.memory_space<semaphore_mem>>) src(%arg13 : memref<80x128xf32, #tpu.memory_space<vmem>>) dst(%dma_wait3A_119 : memref<80x128xf32, #tpu.memory_space<vmem_shared>>)
      tpu.yield
    }) : () -> ()
    %add3A_9 = arith.constant 80 : i32
    %add3A_10 = arith.addi %mul3A_2, %add3A_9 : i32
    "tpu.region"() ({
      %run_scoped3A = tpu.sem_alloc : memref<!tpu.dma_semaphore, #tpu.memory_space<semaphore_mem>>
      %dma_start3A_112 = arith.constant 0 : i32
      %dma_start3A_113 = tpu.memref_slice %arg5[%add3A_10, %dma_start3A_112] : memref<10240x128xf32, #tpu.memory_space<hbm>> -> memref<80x128xf32, #tpu.memory_space<hbm>>
      %dma_start3A_114 = arith.constant 0 : i32
      %dma_start3A_115 = tpu.memref_slice %arg5[%add3A_10, %dma_start3A_114] : memref<10240x128xf32, #tpu.memory_space<hbm>> -> memref<80x128xf32, #tpu.memory_space<hbm>>
      tpu.enqueue_dma source(%dma_start3A_115 : memref<80x128xf32, #tpu.memory_space<hbm>>) target(%arg13 : memref<80x128xf32, #tpu.memory_space<vmem>>) target_semaphore(%run_scoped3A : memref<!tpu.dma_semaphore, #tpu.memory_space<semaphore_mem>>)
      %dma_wait3A_116 = arith.constant 0 : i32
      %dma_wait3A_117 = tpu.memref_slice %arg5[%add3A_10, %dma_wait3A_116] : memref<10240x128xf32, #tpu.memory_space<hbm>> -> memref<80x128xf32, #tpu.memory_space<hbm>>
      %dma_wait3A_118 = arith.constant 0 : i32
      %dma_wait3A_119 = tpu.memref_slice %arg5[%add3A_10, %dma_wait3A_118] : memref<10240x128xf32, #tpu.memory_space<hbm>> -> memref<80x128xf32, #tpu.memory_space<hbm>>
      tpu.wait_dma2 semaphore(%run_scoped3A : memref<!tpu.dma_semaphore, #tpu.memory_space<semaphore_mem>>) src(%dma_wait3A_119 : memref<80x128xf32, #tpu.memory_space<hbm>>) dst(%arg13 : memref<80x128xf32, #tpu.memory_space<vmem>>)
      tpu.yield
    }) : () -> ()
    %add3A_11 = arith.constant 80 : i32
    %add3A_12 = arith.addi %mul3A_2, %add3A_11 : i32
    "tpu.region"() ({
      %run_scoped3A = tpu.sem_alloc : memref<!tpu.dma_semaphore, #tpu.memory_space<semaphore_mem>>
      %dma_start3A_112 = arith.constant 0 : i32
      %dma_start3A_113 = tpu.memref_slice %arg15[%add3A_12, %dma_start3A_112] : memref<10240x128xf32, #tpu.memory_space<vmem_shared>> -> memref<80x128xf32, #tpu.memory_space<vmem_shared>>
      %dma_start3A_114 = arith.constant 0 : i32
      %dma_start3A_115 = tpu.memref_slice %arg15[%add3A_12, %dma_start3A_114] : memref<10240x128xf32, #tpu.memory_space<vmem_shared>> -> memref<80x128xf32, #tpu.memory_space<vmem_shared>>
      tpu.enqueue_dma source(%arg13 : memref<80x128xf32, #tpu.memory_space<vmem>>) target(%dma_start3A_115 : memref<80x128xf32, #tpu.memory_space<vmem_shared>>) target_semaphore(%run_scoped3A : memref<!tpu.dma_semaphore, #tpu.memory_space<semaphore_mem>>)
      %dma_wait3A_116 = arith.constant 0 : i32
      %dma_wait3A_117 = tpu.memref_slice %arg15[%add3A_12, %dma_wait3A_116] : memref<10240x128xf32, #tpu.memory_space<vmem_shared>> -> memref<80x128xf32, #tpu.memory_space<vmem_shared>>
      %dma_wait3A_118 = arith.constant 0 : i32
      %dma_wait3A_119 = tpu.memref_slice %arg15[%add3A_12, %dma_wait3A_118] : memref<10240x128xf32, #tpu.memory_space<vmem_shared>> -> memref<80x128xf32, #tpu.memory_space<vmem_shared>>
      tpu.wait_dma2 semaphore(%run_scoped3A : memref<!tpu.dma_semaphore, #tpu.memory_space<semaphore_mem>>) src(%arg13 : memref<80x128xf32, #tpu.memory_space<vmem>>) dst(%dma_wait3A_119 : memref<80x128xf32, #tpu.memory_space<vmem_shared>>)
      tpu.yield
    }) : () -> ()
    %add3A_13 = arith.constant 160 : i32
    %add3A_14 = arith.addi %mul3A_2, %add3A_13 : i32
    "tpu.region"() ({
      %run_scoped3A = tpu.sem_alloc : memref<!tpu.dma_semaphore, #tpu.memory_space<semaphore_mem>>
      %dma_start3A_112 = arith.constant 0 : i32
      %dma_start3A_113 = tpu.memref_slice %arg5[%add3A_14, %dma_start3A_112] : memref<10240x128xf32, #tpu.memory_space<hbm>> -> memref<80x128xf32, #tpu.memory_space<hbm>>
      %dma_start3A_114 = arith.constant 0 : i32
      %dma_start3A_115 = tpu.memref_slice %arg5[%add3A_14, %dma_start3A_114] : memref<10240x128xf32, #tpu.memory_space<hbm>> -> memref<80x128xf32, #tpu.memory_space<hbm>>
      tpu.enqueue_dma source(%dma_start3A_115 : memref<80x128xf32, #tpu.memory_space<hbm>>) target(%arg13 : memref<80x128xf32, #tpu.memory_space<vmem>>) target_semaphore(%run_scoped3A : memref<!tpu.dma_semaphore, #tpu.memory_space<semaphore_mem>>)
      %dma_wait3A_116 = arith.constant 0 : i32
      %dma_wait3A_117 = tpu.memref_slice %arg5[%add3A_14, %dma_wait3A_116] : memref<10240x128xf32, #tpu.memory_space<hbm>> -> memref<80x128xf32, #tpu.memory_space<hbm>>
      %dma_wait3A_118 = arith.constant 0 : i32
      %dma_wait3A_119 = tpu.memref_slice %arg5[%add3A_14, %dma_wait3A_118] : memref<10240x128xf32, #tpu.memory_space<hbm>> -> memref<80x128xf32, #tpu.memory_space<hbm>>
      tpu.wait_dma2 semaphore(%run_scoped3A : memref<!tpu.dma_semaphore, #tpu.memory_space<semaphore_mem>>) src(%dma_wait3A_119 : memref<80x128xf32, #tpu.memory_space<hbm>>) dst(%arg13 : memref<80x128xf32, #tpu.memory_space<vmem>>)
      tpu.yield
    }) : () -> ()
    %add3A_15 = arith.constant 160 : i32
    %add3A_16 = arith.addi %mul3A_2, %add3A_15 : i32
    "tpu.region"() ({
      %run_scoped3A = tpu.sem_alloc : memref<!tpu.dma_semaphore, #tpu.memory_space<semaphore_mem>>
      %dma_start3A_112 = arith.constant 0 : i32
      %dma_start3A_113 = tpu.memref_slice %arg15[%add3A_16, %dma_start3A_112] : memref<10240x128xf32, #tpu.memory_space<vmem_shared>> -> memref<80x128xf32, #tpu.memory_space<vmem_shared>>
      %dma_start3A_114 = arith.constant 0 : i32
      %dma_start3A_115 = tpu.memref_slice %arg15[%add3A_16, %dma_start3A_114] : memref<10240x128xf32, #tpu.memory_space<vmem_shared>> -> memref<80x128xf32, #tpu.memory_space<vmem_shared>>
      tpu.enqueue_dma source(%arg13 : memref<80x128xf32, #tpu.memory_space<vmem>>) target(%dma_start3A_115 : memref<80x128xf32, #tpu.memory_space<vmem_shared>>) target_semaphore(%run_scoped3A : memref<!tpu.dma_semaphore, #tpu.memory_space<semaphore_mem>>)
      %dma_wait3A_116 = arith.constant 0 : i32
      %dma_wait3A_117 = tpu.memref_slice %arg15[%add3A_16, %dma_wait3A_116] : memref<10240x128xf32, #tpu.memory_space<vmem_shared>> -> memref<80x128xf32, #tpu.memory_space<vmem_shared>>
      %dma_wait3A_118 = arith.constant 0 : i32
      %dma_wait3A_119 = tpu.memref_slice %arg15[%add3A_16, %dma_wait3A_118] : memref<10240x128xf32, #tpu.memory_space<vmem_shared>> -> memref<80x128xf32, #tpu.memory_space<vmem_shared>>
      tpu.wait_dma2 semaphore(%run_scoped3A : memref<!tpu.dma_semaphore, #tpu.memory_space<semaphore_mem>>) src(%arg13 : memref<80x128xf32, #tpu.memory_space<vmem>>) dst(%dma_wait3A_119 : memref<80x128xf32, #tpu.memory_space<vmem_shared>>)
      tpu.yield
    }) : () -> ()
    %add3A_17 = arith.constant 240 : i32
    %add3A_18 = arith.addi %mul3A_2, %add3A_17 : i32
    "tpu.region"() ({
      %run_scoped3A = tpu.sem_alloc : memref<!tpu.dma_semaphore, #tpu.memory_space<semaphore_mem>>
      %dma_start3A_112 = arith.constant 0 : i32
      %dma_start3A_113 = tpu.memref_slice %arg5[%add3A_18, %dma_start3A_112] : memref<10240x128xf32, #tpu.memory_space<hbm>> -> memref<80x128xf32, #tpu.memory_space<hbm>>
      %dma_start3A_114 = arith.constant 0 : i32
      %dma_start3A_115 = tpu.memref_slice %arg5[%add3A_18, %dma_start3A_114] : memref<10240x128xf32, #tpu.memory_space<hbm>> -> memref<80x128xf32, #tpu.memory_space<hbm>>
      tpu.enqueue_dma source(%dma_start3A_115 : memref<80x128xf32, #tpu.memory_space<hbm>>) target(%arg13 : memref<80x128xf32, #tpu.memory_space<vmem>>) target_semaphore(%run_scoped3A : memref<!tpu.dma_semaphore, #tpu.memory_space<semaphore_mem>>)
      %dma_wait3A_116 = arith.constant 0 : i32
      %dma_wait3A_117 = tpu.memref_slice %arg5[%add3A_18, %dma_wait3A_116] : memref<10240x128xf32, #tpu.memory_space<hbm>> -> memref<80x128xf32, #tpu.memory_space<hbm>>
      %dma_wait3A_118 = arith.constant 0 : i32
      %dma_wait3A_119 = tpu.memref_slice %arg5[%add3A_18, %dma_wait3A_118] : memref<10240x128xf32, #tpu.memory_space<hbm>> -> memref<80x128xf32, #tpu.memory_space<hbm>>
      tpu.wait_dma2 semaphore(%run_scoped3A : memref<!tpu.dma_semaphore, #tpu.memory_space<semaphore_mem>>) src(%dma_wait3A_119 : memref<80x128xf32, #tpu.memory_space<hbm>>) dst(%arg13 : memref<80x128xf32, #tpu.memory_space<vmem>>)
      tpu.yield
    }) : () -> ()
    %add3A_19 = arith.constant 240 : i32
    %add3A_20 = arith.addi %mul3A_2, %add3A_19 : i32
    "tpu.region"() ({
      %run_scoped3A = tpu.sem_alloc : memref<!tpu.dma_semaphore, #tpu.memory_space<semaphore_mem>>
      %dma_start3A_112 = arith.constant 0 : i32
      %dma_start3A_113 = tpu.memref_slice %arg15[%add3A_20, %dma_start3A_112] : memref<10240x128xf32, #tpu.memory_space<vmem_shared>> -> memref<80x128xf32, #tpu.memory_space<vmem_shared>>
      %dma_start3A_114 = arith.constant 0 : i32
      %dma_start3A_115 = tpu.memref_slice %arg15[%add3A_20, %dma_start3A_114] : memref<10240x128xf32, #tpu.memory_space<vmem_shared>> -> memref<80x128xf32, #tpu.memory_space<vmem_shared>>
      tpu.enqueue_dma source(%arg13 : memref<80x128xf32, #tpu.memory_space<vmem>>) target(%dma_start3A_115 : memref<80x128xf32, #tpu.memory_space<vmem_shared>>) target_semaphore(%run_scoped3A : memref<!tpu.dma_semaphore, #tpu.memory_space<semaphore_mem>>)
      %dma_wait3A_116 = arith.constant 0 : i32
      %dma_wait3A_117 = tpu.memref_slice %arg15[%add3A_20, %dma_wait3A_116] : memref<10240x128xf32, #tpu.memory_space<vmem_shared>> -> memref<80x128xf32, #tpu.memory_space<vmem_shared>>
      %dma_wait3A_118 = arith.constant 0 : i32
      %dma_wait3A_119 = tpu.memref_slice %arg15[%add3A_20, %dma_wait3A_118] : memref<10240x128xf32, #tpu.memory_space<vmem_shared>> -> memref<80x128xf32, #tpu.memory_space<vmem_shared>>
      tpu.wait_dma2 semaphore(%run_scoped3A : memref<!tpu.dma_semaphore, #tpu.memory_space<semaphore_mem>>) src(%arg13 : memref<80x128xf32, #tpu.memory_space<vmem>>) dst(%dma_wait3A_119 : memref<80x128xf32, #tpu.memory_space<vmem_shared>>)
      tpu.yield
    }) : () -> ()
    %add3A_21 = arith.constant 320 : i32
    %add3A_22 = arith.addi %mul3A_2, %add3A_21 : i32
    "tpu.region"() ({
      %run_scoped3A = tpu.sem_alloc : memref<!tpu.dma_semaphore, #tpu.memory_space<semaphore_mem>>
      %dma_start3A_112 = arith.constant 0 : i32
      %dma_start3A_113 = tpu.memref_slice %arg5[%add3A_22, %dma_start3A_112] : memref<10240x128xf32, #tpu.memory_space<hbm>> -> memref<80x128xf32, #tpu.memory_space<hbm>>
      %dma_start3A_114 = arith.constant 0 : i32
      %dma_start3A_115 = tpu.memref_slice %arg5[%add3A_22, %dma_start3A_114] : memref<10240x128xf32, #tpu.memory_space<hbm>> -> memref<80x128xf32, #tpu.memory_space<hbm>>
      tpu.enqueue_dma source(%dma_start3A_115 : memref<80x128xf32, #tpu.memory_space<hbm>>) target(%arg13 : memref<80x128xf32, #tpu.memory_space<vmem>>) target_semaphore(%run_scoped3A : memref<!tpu.dma_semaphore, #tpu.memory_space<semaphore_mem>>)
      %dma_wait3A_116 = arith.constant 0 : i32
      %dma_wait3A_117 = tpu.memref_slice %arg5[%add3A_22, %dma_wait3A_116] : memref<10240x128xf32, #tpu.memory_space<hbm>> -> memref<80x128xf32, #tpu.memory_space<hbm>>
      %dma_wait3A_118 = arith.constant 0 : i32
      %dma_wait3A_119 = tpu.memref_slice %arg5[%add3A_22, %dma_wait3A_118] : memref<10240x128xf32, #tpu.memory_space<hbm>> -> memref<80x128xf32, #tpu.memory_space<hbm>>
      tpu.wait_dma2 semaphore(%run_scoped3A : memref<!tpu.dma_semaphore, #tpu.memory_space<semaphore_mem>>) src(%dma_wait3A_119 : memref<80x128xf32, #tpu.memory_space<hbm>>) dst(%arg13 : memref<80x128xf32, #tpu.memory_space<vmem>>)
      tpu.yield
    }) : () -> ()
    %add3A_23 = arith.constant 320 : i32
    %add3A_24 = arith.addi %mul3A_2, %add3A_23 : i32
    "tpu.region"() ({
      %run_scoped3A = tpu.sem_alloc : memref<!tpu.dma_semaphore, #tpu.memory_space<semaphore_mem>>
      %dma_start3A_112 = arith.constant 0 : i32
      %dma_start3A_113 = tpu.memref_slice %arg15[%add3A_24, %dma_start3A_112] : memref<10240x128xf32, #tpu.memory_space<vmem_shared>> -> memref<80x128xf32, #tpu.memory_space<vmem_shared>>
      %dma_start3A_114 = arith.constant 0 : i32
      %dma_start3A_115 = tpu.memref_slice %arg15[%add3A_24, %dma_start3A_114] : memref<10240x128xf32, #tpu.memory_space<vmem_shared>> -> memref<80x128xf32, #tpu.memory_space<vmem_shared>>
      tpu.enqueue_dma source(%arg13 : memref<80x128xf32, #tpu.memory_space<vmem>>) target(%dma_start3A_115 : memref<80x128xf32, #tpu.memory_space<vmem_shared>>) target_semaphore(%run_scoped3A : memref<!tpu.dma_semaphore, #tpu.memory_space<semaphore_mem>>)
      %dma_wait3A_116 = arith.constant 0 : i32
      %dma_wait3A_117 = tpu.memref_slice %arg15[%add3A_24, %dma_wait3A_116] : memref<10240x128xf32, #tpu.memory_space<vmem_shared>> -> memref<80x128xf32, #tpu.memory_space<vmem_shared>>
      %dma_wait3A_118 = arith.constant 0 : i32
      %dma_wait3A_119 = tpu.memref_slice %arg15[%add3A_24, %dma_wait3A_118] : memref<10240x128xf32, #tpu.memory_space<vmem_shared>> -> memref<80x128xf32, #tpu.memory_space<vmem_shared>>
      tpu.wait_dma2 semaphore(%run_scoped3A : memref<!tpu.dma_semaphore, #tpu.memory_space<semaphore_mem>>) src(%arg13 : memref<80x128xf32, #tpu.memory_space<vmem>>) dst(%dma_wait3A_119 : memref<80x128xf32, #tpu.memory_space<vmem_shared>>)
      tpu.yield
    }) : () -> ()
    %add3A_25 = arith.constant 400 : i32
    %add3A_26 = arith.addi %mul3A_2, %add3A_25 : i32
    "tpu.region"() ({
      %run_scoped3A = tpu.sem_alloc : memref<!tpu.dma_semaphore, #tpu.memory_space<semaphore_mem>>
      %dma_start3A_112 = arith.constant 0 : i32
      %dma_start3A_113 = tpu.memref_slice %arg5[%add3A_26, %dma_start3A_112] : memref<10240x128xf32, #tpu.memory_space<hbm>> -> memref<80x128xf32, #tpu.memory_space<hbm>>
      %dma_start3A_114 = arith.constant 0 : i32
      %dma_start3A_115 = tpu.memref_slice %arg5[%add3A_26, %dma_start3A_114] : memref<10240x128xf32, #tpu.memory_space<hbm>> -> memref<80x128xf32, #tpu.memory_space<hbm>>
      tpu.enqueue_dma source(%dma_start3A_115 : memref<80x128xf32, #tpu.memory_space<hbm>>) target(%arg13 : memref<80x128xf32, #tpu.memory_space<vmem>>) target_semaphore(%run_scoped3A : memref<!tpu.dma_semaphore, #tpu.memory_space<semaphore_mem>>)
      %dma_wait3A_116 = arith.constant 0 : i32
      %dma_wait3A_117 = tpu.memref_slice %arg5[%add3A_26, %dma_wait3A_116] : memref<10240x128xf32, #tpu.memory_space<hbm>> -> memref<80x128xf32, #tpu.memory_space<hbm>>
      %dma_wait3A_118 = arith.constant 0 : i32
      %dma_wait3A_119 = tpu.memref_slice %arg5[%add3A_26, %dma_wait3A_118] : memref<10240x128xf32, #tpu.memory_space<hbm>> -> memref<80x128xf32, #tpu.memory_space<hbm>>
      tpu.wait_dma2 semaphore(%run_scoped3A : memref<!tpu.dma_semaphore, #tpu.memory_space<semaphore_mem>>) src(%dma_wait3A_119 : memref<80x128xf32, #tpu.memory_space<hbm>>) dst(%arg13 : memref<80x128xf32, #tpu.memory_space<vmem>>)
      tpu.yield
    }) : () -> ()
    %add3A_27 = arith.constant 400 : i32
    %add3A_28 = arith.addi %mul3A_2, %add3A_27 : i32
    "tpu.region"() ({
      %run_scoped3A = tpu.sem_alloc : memref<!tpu.dma_semaphore, #tpu.memory_space<semaphore_mem>>
      %dma_start3A_112 = arith.constant 0 : i32
      %dma_start3A_113 = tpu.memref_slice %arg15[%add3A_28, %dma_start3A_112] : memref<10240x128xf32, #tpu.memory_space<vmem_shared>> -> memref<80x128xf32, #tpu.memory_space<vmem_shared>>
      %dma_start3A_114 = arith.constant 0 : i32
      %dma_start3A_115 = tpu.memref_slice %arg15[%add3A_28, %dma_start3A_114] : memref<10240x128xf32, #tpu.memory_space<vmem_shared>> -> memref<80x128xf32, #tpu.memory_space<vmem_shared>>
      tpu.enqueue_dma source(%arg13 : memref<80x128xf32, #tpu.memory_space<vmem>>) target(%dma_start3A_115 : memref<80x128xf32, #tpu.memory_space<vmem_shared>>) target_semaphore(%run_scoped3A : memref<!tpu.dma_semaphore, #tpu.memory_space<semaphore_mem>>)
      %dma_wait3A_116 = arith.constant 0 : i32
      %dma_wait3A_117 = tpu.memref_slice %arg15[%add3A_28, %dma_wait3A_116] : memref<10240x128xf32, #tpu.memory_space<vmem_shared>> -> memref<80x128xf32, #tpu.memory_space<vmem_shared>>
      %dma_wait3A_118 = arith.constant 0 : i32
      %dma_wait3A_119 = tpu.memref_slice %arg15[%add3A_28, %dma_wait3A_118] : memref<10240x128xf32, #tpu.memory_space<vmem_shared>> -> memref<80x128xf32, #tpu.memory_space<vmem_shared>>
      tpu.wait_dma2 semaphore(%run_scoped3A : memref<!tpu.dma_semaphore, #tpu.memory_space<semaphore_mem>>) src(%arg13 : memref<80x128xf32, #tpu.memory_space<vmem>>) dst(%dma_wait3A_119 : memref<80x128xf32, #tpu.memory_space<vmem_shared>>)
      tpu.yield
    }) : () -> ()
    %add3A_29 = arith.constant 480 : i32
    %add3A_30 = arith.addi %mul3A_2, %add3A_29 : i32
    "tpu.region"() ({
      %run_scoped3A = tpu.sem_alloc : memref<!tpu.dma_semaphore, #tpu.memory_space<semaphore_mem>>
      %dma_start3A_112 = arith.constant 0 : i32
      %dma_start3A_113 = tpu.memref_slice %arg5[%add3A_30, %dma_start3A_112] : memref<10240x128xf32, #tpu.memory_space<hbm>> -> memref<80x128xf32, #tpu.memory_space<hbm>>
      %dma_start3A_114 = arith.constant 0 : i32
      %dma_start3A_115 = tpu.memref_slice %arg5[%add3A_30, %dma_start3A_114] : memref<10240x128xf32, #tpu.memory_space<hbm>> -> memref<80x128xf32, #tpu.memory_space<hbm>>
      tpu.enqueue_dma source(%dma_start3A_115 : memref<80x128xf32, #tpu.memory_space<hbm>>) target(%arg13 : memref<80x128xf32, #tpu.memory_space<vmem>>) target_semaphore(%run_scoped3A : memref<!tpu.dma_semaphore, #tpu.memory_space<semaphore_mem>>)
      %dma_wait3A_116 = arith.constant 0 : i32
      %dma_wait3A_117 = tpu.memref_slice %arg5[%add3A_30, %dma_wait3A_116] : memref<10240x128xf32, #tpu.memory_space<hbm>> -> memref<80x128xf32, #tpu.memory_space<hbm>>
      %dma_wait3A_118 = arith.constant 0 : i32
      %dma_wait3A_119 = tpu.memref_slice %arg5[%add3A_30, %dma_wait3A_118] : memref<10240x128xf32, #tpu.memory_space<hbm>> -> memref<80x128xf32, #tpu.memory_space<hbm>>
      tpu.wait_dma2 semaphore(%run_scoped3A : memref<!tpu.dma_semaphore, #tpu.memory_space<semaphore_mem>>) src(%dma_wait3A_119 : memref<80x128xf32, #tpu.memory_space<hbm>>) dst(%arg13 : memref<80x128xf32, #tpu.memory_space<vmem>>)
      tpu.yield
    }) : () -> ()
    %add3A_31 = arith.constant 480 : i32
    %add3A_32 = arith.addi %mul3A_2, %add3A_31 : i32
    "tpu.region"() ({
      %run_scoped3A = tpu.sem_alloc : memref<!tpu.dma_semaphore, #tpu.memory_space<semaphore_mem>>
      %dma_start3A_112 = arith.constant 0 : i32
      %dma_start3A_113 = tpu.memref_slice %arg15[%add3A_32, %dma_start3A_112] : memref<10240x128xf32, #tpu.memory_space<vmem_shared>> -> memref<80x128xf32, #tpu.memory_space<vmem_shared>>
      %dma_start3A_114 = arith.constant 0 : i32
      %dma_start3A_115 = tpu.memref_slice %arg15[%add3A_32, %dma_start3A_114] : memref<10240x128xf32, #tpu.memory_space<vmem_shared>> -> memref<80x128xf32, #tpu.memory_space<vmem_shared>>
      tpu.enqueue_dma source(%arg13 : memref<80x128xf32, #tpu.memory_space<vmem>>) target(%dma_start3A_115 : memref<80x128xf32, #tpu.memory_space<vmem_shared>>) target_semaphore(%run_scoped3A : memref<!tpu.dma_semaphore, #tpu.memory_space<semaphore_mem>>)
      %dma_wait3A_116 = arith.constant 0 : i32
      %dma_wait3A_117 = tpu.memref_slice %arg15[%add3A_32, %dma_wait3A_116] : memref<10240x128xf32, #tpu.memory_space<vmem_shared>> -> memref<80x128xf32, #tpu.memory_space<vmem_shared>>
      %dma_wait3A_118 = arith.constant 0 : i32
      %dma_wait3A_119 = tpu.memref_slice %arg15[%add3A_32, %dma_wait3A_118] : memref<10240x128xf32, #tpu.memory_space<vmem_shared>> -> memref<80x128xf32, #tpu.memory_space<vmem_shared>>
      tpu.wait_dma2 semaphore(%run_scoped3A : memref<!tpu.dma_semaphore, #tpu.memory_space<semaphore_mem>>) src(%arg13 : memref<80x128xf32, #tpu.memory_space<vmem>>) dst(%dma_wait3A_119 : memref<80x128xf32, #tpu.memory_space<vmem_shared>>)
      tpu.yield
    }) : () -> ()
    %add3A_33 = arith.constant 560 : i32
    %add3A_34 = arith.addi %mul3A_2, %add3A_33 : i32
    "tpu.region"() ({
      %run_scoped3A = tpu.sem_alloc : memref<!tpu.dma_semaphore, #tpu.memory_space<semaphore_mem>>
      %dma_start3A_112 = arith.constant 0 : i32
      %dma_start3A_113 = tpu.memref_slice %arg5[%add3A_34, %dma_start3A_112] : memref<10240x128xf32, #tpu.memory_space<hbm>> -> memref<80x128xf32, #tpu.memory_space<hbm>>
      %dma_start3A_114 = arith.constant 0 : i32
      %dma_start3A_115 = tpu.memref_slice %arg5[%add3A_34, %dma_start3A_114] : memref<10240x128xf32, #tpu.memory_space<hbm>> -> memref<80x128xf32, #tpu.memory_space<hbm>>
      tpu.enqueue_dma source(%dma_start3A_115 : memref<80x128xf32, #tpu.memory_space<hbm>>) target(%arg13 : memref<80x128xf32, #tpu.memory_space<vmem>>) target_semaphore(%run_scoped3A : memref<!tpu.dma_semaphore, #tpu.memory_space<semaphore_mem>>)
      %dma_wait3A_116 = arith.constant 0 : i32
      %dma_wait3A_117 = tpu.memref_slice %arg5[%add3A_34, %dma_wait3A_116] : memref<10240x128xf32, #tpu.memory_space<hbm>> -> memref<80x128xf32, #tpu.memory_space<hbm>>
      %dma_wait3A_118 = arith.constant 0 : i32
      %dma_wait3A_119 = tpu.memref_slice %arg5[%add3A_34, %dma_wait3A_118] : memref<10240x128xf32, #tpu.memory_space<hbm>> -> memref<80x128xf32, #tpu.memory_space<hbm>>
      tpu.wait_dma2 semaphore(%run_scoped3A : memref<!tpu.dma_semaphore, #tpu.memory_space<semaphore_mem>>) src(%dma_wait3A_119 : memref<80x128xf32, #tpu.memory_space<hbm>>) dst(%arg13 : memref<80x128xf32, #tpu.memory_space<vmem>>)
      tpu.yield
    }) : () -> ()
    %add3A_35 = arith.constant 560 : i32
    %add3A_36 = arith.addi %mul3A_2, %add3A_35 : i32
    "tpu.region"() ({
      %run_scoped3A = tpu.sem_alloc : memref<!tpu.dma_semaphore, #tpu.memory_space<semaphore_mem>>
      %dma_start3A_112 = arith.constant 0 : i32
      %dma_start3A_113 = tpu.memref_slice %arg15[%add3A_36, %dma_start3A_112] : memref<10240x128xf32, #tpu.memory_space<vmem_shared>> -> memref<80x128xf32, #tpu.memory_space<vmem_shared>>
      %dma_start3A_114 = arith.constant 0 : i32
      %dma_start3A_115 = tpu.memref_slice %arg15[%add3A_36, %dma_start3A_114] : memref<10240x128xf32, #tpu.memory_space<vmem_shared>> -> memref<80x128xf32, #tpu.memory_space<vmem_shared>>
      tpu.enqueue_dma source(%arg13 : memref<80x128xf32, #tpu.memory_space<vmem>>) target(%dma_start3A_115 : memref<80x128xf32, #tpu.memory_space<vmem_shared>>) target_semaphore(%run_scoped3A : memref<!tpu.dma_semaphore, #tpu.memory_space<semaphore_mem>>)
      %dma_wait3A_116 = arith.constant 0 : i32
      %dma_wait3A_117 = tpu.memref_slice %arg15[%add3A_36, %dma_wait3A_116] : memref<10240x128xf32, #tpu.memory_space<vmem_shared>> -> memref<80x128xf32, #tpu.memory_space<vmem_shared>>
      %dma_wait3A_118 = arith.constant 0 : i32
      %dma_wait3A_119 = tpu.memref_slice %arg15[%add3A_36, %dma_wait3A_118] : memref<10240x128xf32, #tpu.memory_space<vmem_shared>> -> memref<80x128xf32, #tpu.memory_space<vmem_shared>>
      tpu.wait_dma2 semaphore(%run_scoped3A : memref<!tpu.dma_semaphore, #tpu.memory_space<semaphore_mem>>) src(%arg13 : memref<80x128xf32, #tpu.memory_space<vmem>>) dst(%dma_wait3A_119 : memref<80x128xf32, #tpu.memory_space<vmem_shared>>)
      tpu.yield
    }) : () -> ()
    "tpu.region"() ({
      %run_scoped3A = tpu.sem_alloc : memref<!tpu.dma_semaphore, #tpu.memory_space<semaphore_mem>>
      tpu.enqueue_dma source(%arg6 : memref<10240xf32, #tpu.memory_space<hbm>>) target(%arg18 : memref<10240xf32, #tpu.memory_space<vmem>>) target_semaphore(%run_scoped3A : memref<!tpu.dma_semaphore, #tpu.memory_space<semaphore_mem>>)
      tpu.wait_dma2 semaphore(%run_scoped3A : memref<!tpu.dma_semaphore, #tpu.memory_space<semaphore_mem>>) src(%arg6 : memref<10240xf32, #tpu.memory_space<hbm>>) dst(%arg18 : memref<10240xf32, #tpu.memory_space<vmem>>)
      tpu.yield
    }) : () -> ()
    %barrier3A = arith.constant 0 : index
    tpu.barrier barrier_id(%barrier3A)
    "tpu.region"() ({
      %run_scoped3A = tpu.sem_alloc : memref<!tpu.dma_semaphore, #tpu.memory_space<semaphore_mem>>
      %dma_start3A_112 = tpu.memref_slice %arg3[%mul3A_4] : memref<320000xi32, #tpu.memory_space<hbm>> -> memref<80xi32, #tpu.memory_space<hbm>>
      %dma_start3A_113 = tpu.memref_slice %arg3[%mul3A_4] : memref<320000xi32, #tpu.memory_space<hbm>> -> memref<80xi32, #tpu.memory_space<hbm>>
      tpu.enqueue_dma source(%dma_start3A_113 : memref<80xi32, #tpu.memory_space<hbm>>) target(%arg9 : memref<80xi32, #tpu.memory_space<vmem>>) target_semaphore(%run_scoped3A : memref<!tpu.dma_semaphore, #tpu.memory_space<semaphore_mem>>)
      %dma_wait3A_114 = tpu.memref_slice %arg3[%mul3A_4] : memref<320000xi32, #tpu.memory_space<hbm>> -> memref<80xi32, #tpu.memory_space<hbm>>
      %dma_wait3A_115 = tpu.memref_slice %arg3[%mul3A_4] : memref<320000xi32, #tpu.memory_space<hbm>> -> memref<80xi32, #tpu.memory_space<hbm>>
      tpu.wait_dma2 semaphore(%run_scoped3A : memref<!tpu.dma_semaphore, #tpu.memory_space<semaphore_mem>>) src(%dma_wait3A_115 : memref<80xi32, #tpu.memory_space<hbm>>) dst(%arg9 : memref<80xi32, #tpu.memory_space<vmem>>)
      tpu.yield
    }) : () -> ()
    "tpu.region"() ({
      %run_scoped3A = tpu.sem_alloc : memref<!tpu.dma_semaphore, #tpu.memory_space<semaphore_mem>>
      %dma_start3A_112 = tpu.memref_slice %arg4[%mul3A_4] : memref<320000xi32, #tpu.memory_space<hbm>> -> memref<80xi32, #tpu.memory_space<hbm>>
      %dma_start3A_113 = tpu.memref_slice %arg4[%mul3A_4] : memref<320000xi32, #tpu.memory_space<hbm>> -> memref<80xi32, #tpu.memory_space<hbm>>
      tpu.enqueue_dma source(%dma_start3A_113 : memref<80xi32, #tpu.memory_space<hbm>>) target(%arg10 : memref<80xi32, #tpu.memory_space<vmem>>) target_semaphore(%run_scoped3A : memref<!tpu.dma_semaphore, #tpu.memory_space<semaphore_mem>>)
      %dma_wait3A_114 = tpu.memref_slice %arg4[%mul3A_4] : memref<320000xi32, #tpu.memory_space<hbm>> -> memref<80xi32, #tpu.memory_space<hbm>>
      %dma_wait3A_115 = tpu.memref_slice %arg4[%mul3A_4] : memref<320000xi32, #tpu.memory_space<hbm>> -> memref<80xi32, #tpu.memory_space<hbm>>
      tpu.wait_dma2 semaphore(%run_scoped3A : memref<!tpu.dma_semaphore, #tpu.memory_space<semaphore_mem>>) src(%dma_wait3A_115 : memref<80xi32, #tpu.memory_space<hbm>>) dst(%arg10 : memref<80xi32, #tpu.memory_space<vmem>>)
      tpu.yield
    }) : () -> ()
    %dma_start3A = arith.constant 0 : i32
    %dma_start3A_37 = arith.constant 0 : i32
    %dma_start3A_38 = tpu.memref_slice %arg2[%dma_start3A, %dma_start3A_37] : memref<10000x128xf32, #tpu.memory_space<hbm>> -> memref<10000x128xf32, #tpu.memory_space<hbm>>
    tpu.enqueue_indirect_dma source(%dma_start3A_38 : memref<10000x128xf32, #tpu.memory_space<hbm>>) target(%arg13 : memref<80x128xf32, #tpu.memory_space<vmem>>) offsets(%arg9 : memref<80xi32, #tpu.memory_space<vmem>>) semaphore(%arg16 : memref<!tpu.dma_semaphore, #tpu.memory_space<semaphore_mem>>)
    %scan3A = arith.constant 0 : i32
    %scan3A_39 = arith.constant 62 : i32
    %scan3A_40 = arith.addi %scan3A, %scan3A_39 : i32
    %scan3A_41 = arith.constant 1 : i32
    scf.for %scan3A_112 = %scan3A to %scan3A_40 step %scan3A_41  : i32 {
      %mul3A_113 = arith.constant 1 : i32
      %mul3A_114 = arith.muli %scan3A_112, %mul3A_113 : i32
      %add3A_115 = arith.constant 0 : i32
      %add3A_116 = arith.addi %add3A_115, %mul3A_114 : i32
      %mul3A_117 = arith.constant 2 : i32
      %mul3A_118 = arith.muli %mul3A_117, %add3A_116 : i32
      %add3A_119 = arith.constant 1 : i32
      %add3A_120 = arith.addi %mul3A_118, %add3A_119 : i32
      %mul3A_121 = arith.constant 80 : i32
      %mul3A_122 = arith.muli %add3A_120, %mul3A_121 : i32
      %add3A_123 = arith.addi %mul3A_4, %mul3A_122 : i32
      %multiple_of3A = tpu.assume_multiple %add3A_123, 8 : i32
      %mul3A_124 = arith.constant 2 : i32
      %mul3A_125 = arith.muli %mul3A_124, %add3A_116 : i32
      %add3A_126 = arith.constant 2 : i32
      %add3A_127 = arith.addi %mul3A_125, %add3A_126 : i32
      %mul3A_128 = arith.constant 80 : i32
      %mul3A_129 = arith.muli %add3A_127, %mul3A_128 : i32
      %add3A_130 = arith.addi %mul3A_4, %mul3A_129 : i32
      %multiple_of3A_131 = tpu.assume_multiple %add3A_130, 8 : i32
      "tpu.region"() ({
        %run_scoped3A = tpu.sem_alloc : memref<!tpu.dma_semaphore, #tpu.memory_space<semaphore_mem>>
        %dma_start3A_220 = tpu.memref_slice %arg3[%multiple_of3A] : memref<320000xi32, #tpu.memory_space<hbm>> -> memref<80xi32, #tpu.memory_space<hbm>>
        %dma_start3A_221 = tpu.memref_slice %arg3[%multiple_of3A] : memref<320000xi32, #tpu.memory_space<hbm>> -> memref<80xi32, #tpu.memory_space<hbm>>
        tpu.enqueue_dma source(%dma_start3A_221 : memref<80xi32, #tpu.memory_space<hbm>>) target(%arg11 : memref<80xi32, #tpu.memory_space<vmem>>) target_semaphore(%run_scoped3A : memref<!tpu.dma_semaphore, #tpu.memory_space<semaphore_mem>>)
        %dma_wait3A_222 = tpu.memref_slice %arg3[%multiple_of3A] : memref<320000xi32, #tpu.memory_space<hbm>> -> memref<80xi32, #tpu.memory_space<hbm>>
        %dma_wait3A_223 = tpu.memref_slice %arg3[%multiple_of3A] : memref<320000xi32, #tpu.memory_space<hbm>> -> memref<80xi32, #tpu.memory_space<hbm>>
        tpu.wait_dma2 semaphore(%run_scoped3A : memref<!tpu.dma_semaphore, #tpu.memory_space<semaphore_mem>>) src(%dma_wait3A_223 : memref<80xi32, #tpu.memory_space<hbm>>) dst(%arg11 : memref<80xi32, #tpu.memory_space<vmem>>)
        tpu.yield
      }) : () -> ()
      "tpu.region"() ({
        %run_scoped3A = tpu.sem_alloc : memref<!tpu.dma_semaphore, #tpu.memory_space<semaphore_mem>>
        %dma_start3A_220 = tpu.memref_slice %arg4[%multiple_of3A] : memref<320000xi32, #tpu.memory_space<hbm>> -> memref<80xi32, #tpu.memory_space<hbm>>
        %dma_start3A_221 = tpu.memref_slice %arg4[%multiple_of3A] : memref<320000xi32, #tpu.memory_space<hbm>> -> memref<80xi32, #tpu.memory_space<hbm>>
        tpu.enqueue_dma source(%dma_start3A_221 : memref<80xi32, #tpu.memory_space<hbm>>) target(%arg12 : memref<80xi32, #tpu.memory_space<vmem>>) target_semaphore(%run_scoped3A : memref<!tpu.dma_semaphore, #tpu.memory_space<semaphore_mem>>)
        %dma_wait3A_222 = tpu.memref_slice %arg4[%multiple_of3A] : memref<320000xi32, #tpu.memory_space<hbm>> -> memref<80xi32, #tpu.memory_space<hbm>>
        %dma_wait3A_223 = tpu.memref_slice %arg4[%multiple_of3A] : memref<320000xi32, #tpu.memory_space<hbm>> -> memref<80xi32, #tpu.memory_space<hbm>>
        tpu.wait_dma2 semaphore(%run_scoped3A : memref<!tpu.dma_semaphore, #tpu.memory_space<semaphore_mem>>) src(%dma_wait3A_223 : memref<80xi32, #tpu.memory_space<hbm>>) dst(%arg12 : memref<80xi32, #tpu.memory_space<vmem>>)
        tpu.yield
      }) : () -> ()
      %dma_wait3A_132 = arith.constant 0 : i32
      %dma_wait3A_133 = arith.constant 0 : i32
      %dma_wait3A_134 = tpu.memref_slice %arg2[%dma_wait3A_132, %dma_wait3A_133] : memref<10000x128xf32, #tpu.memory_space<hbm>> -> memref<80x128xf32, #tpu.memory_space<hbm>>
      %dma_wait3A_135 = arith.constant 0 : i32
      %dma_wait3A_136 = arith.constant 0 : i32
      %dma_wait3A_137 = tpu.memref_slice %arg2[%dma_wait3A_135, %dma_wait3A_136] : memref<10000x128xf32, #tpu.memory_space<hbm>> -> memref<80x128xf32, #tpu.memory_space<hbm>>
      tpu.wait_dma2 semaphore(%arg16 : memref<!tpu.dma_semaphore, #tpu.memory_space<semaphore_mem>>) src(%dma_wait3A_137 : memref<80x128xf32, #tpu.memory_space<hbm>>) dst(%arg13 : memref<80x128xf32, #tpu.memory_space<vmem>>)
      %dma_start3A_138 = arith.constant 0 : i32
      %dma_start3A_139 = arith.constant 0 : i32
      %dma_start3A_140 = tpu.memref_slice %arg2[%dma_start3A_138, %dma_start3A_139] : memref<10000x128xf32, #tpu.memory_space<hbm>> -> memref<10000x128xf32, #tpu.memory_space<hbm>>
      tpu.enqueue_indirect_dma source(%dma_start3A_140 : memref<10000x128xf32, #tpu.memory_space<hbm>>) target(%arg14 : memref<80x128xf32, #tpu.memory_space<vmem>>) offsets(%arg11 : memref<80xi32, #tpu.memory_space<vmem>>) semaphore(%arg17 : memref<!tpu.dma_semaphore, #tpu.memory_space<semaphore_mem>>)
      "tpu.region"() ({
        %run_scoped3A = tpu.sem_alloc : memref<!tpu.dma_semaphore, #tpu.memory_space<semaphore_mem>>
        %dma_start3A_220 = arith.constant 0 : i32
        %dma_start3A_221 = arith.constant 0 : i32
        %dma_start3A_222 = tpu.memref_slice %arg15[%dma_start3A_220, %dma_start3A_221] : memref<10240x128xf32, #tpu.memory_space<vmem_shared>> -> memref<10240x128xf32, #tpu.memory_space<vmem_shared>>
        tpu.enqueue_indirect_dma source(%arg13 : memref<80x128xf32, #tpu.memory_space<vmem>>) target(%dma_start3A_222 : memref<10240x128xf32, #tpu.memory_space<vmem_shared>>) offsets(%arg10 : memref<80xi32, #tpu.memory_space<vmem>>) semaphore(%run_scoped3A : memref<!tpu.dma_semaphore, #tpu.memory_space<semaphore_mem>>) {add = true}
        %dma_wait3A_223 = arith.constant 0 : i32
        %dma_wait3A_224 = arith.constant 0 : i32
        %dma_wait3A_225 = tpu.memref_slice %arg15[%dma_wait3A_223, %dma_wait3A_224] : memref<10240x128xf32, #tpu.memory_space<vmem_shared>> -> memref<10240x128xf32, #tpu.memory_space<vmem_shared>>
        tpu.wait_indirect_dma semaphore(%run_scoped3A : memref<!tpu.dma_semaphore, #tpu.memory_space<semaphore_mem>>) src(%arg13 : memref<80x128xf32, #tpu.memory_space<vmem>>) dst(%dma_wait3A_225 : memref<10240x128xf32, #tpu.memory_space<vmem_shared>>)
        tpu.yield
      }) : () -> ()
      %get3A_141 = arith.constant 0 : index
      %get3A_142 = tpu.vector_load %arg10[%get3A_141] {strides = array<i32>} : memref<80xi32, #tpu.memory_space<vmem>>, vector<16xi32>,
      %broadcast_in_dim3A_143 = arith.constant true
      %broadcast_in_dim3A_144 = vector.broadcast %broadcast_in_dim3A_143 : i1 to vector<16xi1>
      %unique3A_145, %unique3A_146 = tpu.scan_count mask(%broadcast_in_dim3A_144 : vector<16xi1>) value(%get3A_142 : vector<16xi32>) : vector<16xi1>, vector<16xi32>
      %convert_element_type3A_147 = arith.sitofp %unique3A_146 : vector<16xi32> to vector<16xf32>
      tpu.vector_store_idx %arg18[%get3A_142], %convert_element_type3A_147 masked %unique3A_145 {add = true} : memref<10240xf32, #tpu.memory_space<vmem>>[vector<16xi32>], vector<16xf32>, vector<16xi1>
      %get3A_148 = arith.constant 16 : index
      %get3A_149 = tpu.vector_load %arg10[%get3A_148] {strides = array<i32>} : memref<80xi32, #tpu.memory_space<vmem>>, vector<16xi32>,
      %broadcast_in_dim3A_150 = arith.constant true
      %broadcast_in_dim3A_151 = vector.broadcast %broadcast_in_dim3A_150 : i1 to vector<16xi1>
      %unique3A_152, %unique3A_153 = tpu.scan_count mask(%broadcast_in_dim3A_151 : vector<16xi1>) value(%get3A_149 : vector<16xi32>) : vector<16xi1>, vector<16xi32>
      %convert_element_type3A_154 = arith.sitofp %unique3A_153 : vector<16xi32> to vector<16xf32>
      tpu.vector_store_idx %arg18[%get3A_149], %convert_element_type3A_154 masked %unique3A_152 {add = true} : memref<10240xf32, #tpu.memory_space<vmem>>[vector<16xi32>], vector<16xf32>, vector<16xi1>
      %get3A_155 = arith.constant 32 : index
      %get3A_156 = tpu.vector_load %arg10[%get3A_155] {strides = array<i32>} : memref<80xi32, #tpu.memory_space<vmem>>, vector<16xi32>,
      %broadcast_in_dim3A_157 = arith.constant true
      %broadcast_in_dim3A_158 = vector.broadcast %broadcast_in_dim3A_157 : i1 to vector<16xi1>
      %unique3A_159, %unique3A_160 = tpu.scan_count mask(%broadcast_in_dim3A_158 : vector<16xi1>) value(%get3A_156 : vector<16xi32>) : vector<16xi1>, vector<16xi32>
      %convert_element_type3A_161 = arith.sitofp %unique3A_160 : vector<16xi32> to vector<16xf32>
      tpu.vector_store_idx %arg18[%get3A_156], %convert_element_type3A_161 masked %unique3A_159 {add = true} : memref<10240xf32, #tpu.memory_space<vmem>>[vector<16xi32>], vector<16xf32>, vector<16xi1>
      %get3A_162 = arith.constant 48 : index
      %get3A_163 = tpu.vector_load %arg10[%get3A_162] {strides = array<i32>} : memref<80xi32, #tpu.memory_space<vmem>>, vector<16xi32>,
      %broadcast_in_dim3A_164 = arith.constant true
      %broadcast_in_dim3A_165 = vector.broadcast %broadcast_in_dim3A_164 : i1 to vector<16xi1>
      %unique3A_166, %unique3A_167 = tpu.scan_count mask(%broadcast_in_dim3A_165 : vector<16xi1>) value(%get3A_163 : vector<16xi32>) : vector<16xi1>, vector<16xi32>
      %convert_element_type3A_168 = arith.sitofp %unique3A_167 : vector<16xi32> to vector<16xf32>
      tpu.vector_store_idx %arg18[%get3A_163], %convert_element_type3A_168 masked %unique3A_166 {add = true} : memref<10240xf32, #tpu.memory_space<vmem>>[vector<16xi32>], vector<16xf32>, vector<16xi1>
      %get3A_169 = arith.constant 64 : index
      %get3A_170 = tpu.vector_load %arg10[%get3A_169] {strides = array<i32>} : memref<80xi32, #tpu.memory_space<vmem>>, vector<16xi32>,
      %broadcast_in_dim3A_171 = arith.constant true
      %broadcast_in_dim3A_172 = vector.broadcast %broadcast_in_dim3A_171 : i1 to vector<16xi1>
      %unique3A_173, %unique3A_174 = tpu.scan_count mask(%broadcast_in_dim3A_172 : vector<16xi1>) value(%get3A_170 : vector<16xi32>) : vector<16xi1>, vector<16xi32>
      %convert_element_type3A_175 = arith.sitofp %unique3A_174 : vector<16xi32> to vector<16xf32>
      tpu.vector_store_idx %arg18[%get3A_170], %convert_element_type3A_175 masked %unique3A_173 {add = true} : memref<10240xf32, #tpu.memory_space<vmem>>[vector<16xi32>], vector<16xf32>, vector<16xi1>
      "tpu.region"() ({
        %run_scoped3A = tpu.sem_alloc : memref<!tpu.dma_semaphore, #tpu.memory_space<semaphore_mem>>
        %dma_start3A_220 = tpu.memref_slice %arg3[%multiple_of3A_131] : memref<320000xi32, #tpu.memory_space<hbm>> -> memref<80xi32, #tpu.memory_space<hbm>>
        %dma_start3A_221 = tpu.memref_slice %arg3[%multiple_of3A_131] : memref<320000xi32, #tpu.memory_space<hbm>> -> memref<80xi32, #tpu.memory_space<hbm>>
        tpu.enqueue_dma source(%dma_start3A_221 : memref<80xi32, #tpu.memory_space<hbm>>) target(%arg9 : memref<80xi32, #tpu.memory_space<vmem>>) target_semaphore(%run_scoped3A : memref<!tpu.dma_semaphore, #tpu.memory_space<semaphore_mem>>)
        %dma_wait3A_222 = tpu.memref_slice %arg3[%multiple_of3A_131] : memref<320000xi32, #tpu.memory_space<hbm>> -> memref<80xi32, #tpu.memory_space<hbm>>
        %dma_wait3A_223 = tpu.memref_slice %arg3[%multiple_of3A_131] : memref<320000xi32, #tpu.memory_space<hbm>> -> memref<80xi32, #tpu.memory_space<hbm>>
        tpu.wait_dma2 semaphore(%run_scoped3A : memref<!tpu.dma_semaphore, #tpu.memory_space<semaphore_mem>>) src(%dma_wait3A_223 : memref<80xi32, #tpu.memory_space<hbm>>) dst(%arg9 : memref<80xi32, #tpu.memory_space<vmem>>)
        tpu.yield
      }) : () -> ()
      "tpu.region"() ({
        %run_scoped3A = tpu.sem_alloc : memref<!tpu.dma_semaphore, #tpu.memory_space<semaphore_mem>>
        %dma_start3A_220 = tpu.memref_slice %arg4[%multiple_of3A_131] : memref<320000xi32, #tpu.memory_space<hbm>> -> memref<80xi32, #tpu.memory_space<hbm>>
        %dma_start3A_221 = tpu.memref_slice %arg4[%multiple_of3A_131] : memref<320000xi32, #tpu.memory_space<hbm>> -> memref<80xi32, #tpu.memory_space<hbm>>
        tpu.enqueue_dma source(%dma_start3A_221 : memref<80xi32, #tpu.memory_space<hbm>>) target(%arg10 : memref<80xi32, #tpu.memory_space<vmem>>) target_semaphore(%run_scoped3A : memref<!tpu.dma_semaphore, #tpu.memory_space<semaphore_mem>>)
        %dma_wait3A_222 = tpu.memref_slice %arg4[%multiple_of3A_131] : memref<320000xi32, #tpu.memory_space<hbm>> -> memref<80xi32, #tpu.memory_space<hbm>>
        %dma_wait3A_223 = tpu.memref_slice %arg4[%multiple_of3A_131] : memref<320000xi32, #tpu.memory_space<hbm>> -> memref<80xi32, #tpu.memory_space<hbm>>
        tpu.wait_dma2 semaphore(%run_scoped3A : memref<!tpu.dma_semaphore, #tpu.memory_space<semaphore_mem>>) src(%dma_wait3A_223 : memref<80xi32, #tpu.memory_space<hbm>>) dst(%arg10 : memref<80xi32, #tpu.memory_space<vmem>>)
        tpu.yield
      }) : () -> ()
      %dma_wait3A_176 = arith.constant 0 : i32
      %dma_wait3A_177 = arith.constant 0 : i32
      %dma_wait3A_178 = tpu.memref_slice %arg2[%dma_wait3A_176, %dma_wait3A_177] : memref<10000x128xf32, #tpu.memory_space<hbm>> -> memref<80x128xf32, #tpu.memory_space<hbm>>
      %dma_wait3A_179 = arith.constant 0 : i32
      %dma_wait3A_180 = arith.constant 0 : i32
      %dma_wait3A_181 = tpu.memref_slice %arg2[%dma_wait3A_179, %dma_wait3A_180] : memref<10000x128xf32, #tpu.memory_space<hbm>> -> memref<80x128xf32, #tpu.memory_space<hbm>>
      tpu.wait_dma2 semaphore(%arg17 : memref<!tpu.dma_semaphore, #tpu.memory_space<semaphore_mem>>) src(%dma_wait3A_181 : memref<80x128xf32, #tpu.memory_space<hbm>>) dst(%arg14 : memref<80x128xf32, #tpu.memory_space<vmem>>)
      %dma_start3A_182 = arith.constant 0 : i32
      %dma_start3A_183 = arith.constant 0 : i32
      %dma_start3A_184 = tpu.memref_slice %arg2[%dma_start3A_182, %dma_start3A_183] : memref<10000x128xf32, #tpu.memory_space<hbm>> -> memref<10000x128xf32, #tpu.memory_space<hbm>>
      tpu.enqueue_indirect_dma source(%dma_start3A_184 : memref<10000x128xf32, #tpu.memory_space<hbm>>) target(%arg13 : memref<80x128xf32, #tpu.memory_space<vmem>>) offsets(%arg9 : memref<80xi32, #tpu.memory_space<vmem>>) semaphore(%arg16 : memref<!tpu.dma_semaphore, #tpu.memory_space<semaphore_mem>>)
      "tpu.region"() ({
        %run_scoped3A = tpu.sem_alloc : memref<!tpu.dma_semaphore, #tpu.memory_space<semaphore_mem>>
        %dma_start3A_220 = arith.constant 0 : i32
        %dma_start3A_221 = arith.constant 0 : i32
        %dma_start3A_222 = tpu.memref_slice %arg15[%dma_start3A_220, %dma_start3A_221] : memref<10240x128xf32, #tpu.memory_space<vmem_shared>> -> memref<10240x128xf32, #tpu.memory_space<vmem_shared>>
        tpu.enqueue_indirect_dma source(%arg14 : memref<80x128xf32, #tpu.memory_space<vmem>>) target(%dma_start3A_222 : memref<10240x128xf32, #tpu.memory_space<vmem_shared>>) offsets(%arg12 : memref<80xi32, #tpu.memory_space<vmem>>) semaphore(%run_scoped3A : memref<!tpu.dma_semaphore, #tpu.memory_space<semaphore_mem>>) {add = true}
        %dma_wait3A_223 = arith.constant 0 : i32
        %dma_wait3A_224 = arith.constant 0 : i32
        %dma_wait3A_225 = tpu.memref_slice %arg15[%dma_wait3A_223, %dma_wait3A_224] : memref<10240x128xf32, #tpu.memory_space<vmem_shared>> -> memref<10240x128xf32, #tpu.memory_space<vmem_shared>>
        tpu.wait_indirect_dma semaphore(%run_scoped3A : memref<!tpu.dma_semaphore, #tpu.memory_space<semaphore_mem>>) src(%arg14 : memref<80x128xf32, #tpu.memory_space<vmem>>) dst(%dma_wait3A_225 : memref<10240x128xf32, #tpu.memory_space<vmem_shared>>)
        tpu.yield
      }) : () -> ()
      %get3A_185 = arith.constant 0 : index
      %get3A_186 = tpu.vector_load %arg12[%get3A_185] {strides = array<i32>} : memref<80xi32, #tpu.memory_space<vmem>>, vector<16xi32>,
      %broadcast_in_dim3A_187 = arith.constant true
      %broadcast_in_dim3A_188 = vector.broadcast %broadcast_in_dim3A_187 : i1 to vector<16xi1>
      %unique3A_189, %unique3A_190 = tpu.scan_count mask(%broadcast_in_dim3A_188 : vector<16xi1>) value(%get3A_186 : vector<16xi32>) : vector<16xi1>, vector<16xi32>
      %convert_element_type3A_191 = arith.sitofp %unique3A_190 : vector<16xi32> to vector<16xf32>
      tpu.vector_store_idx %arg18[%get3A_186], %convert_element_type3A_191 masked %unique3A_189 {add = true} : memref<10240xf32, #tpu.memory_space<vmem>>[vector<16xi32>], vector<16xf32>, vector<16xi1>
      %get3A_192 = arith.constant 16 : index
      %get3A_193 = tpu.vector_load %arg12[%get3A_192] {strides = array<i32>} : memref<80xi32, #tpu.memory_space<vmem>>, vector<16xi32>,
      %broadcast_in_dim3A_194 = arith.constant true
      %broadcast_in_dim3A_195 = vector.broadcast %broadcast_in_dim3A_194 : i1 to vector<16xi1>
      %unique3A_196, %unique3A_197 = tpu.scan_count mask(%broadcast_in_dim3A_195 : vector<16xi1>) value(%get3A_193 : vector<16xi32>) : vector<16xi1>, vector<16xi32>
      %convert_element_type3A_198 = arith.sitofp %unique3A_197 : vector<16xi32> to vector<16xf32>
      tpu.vector_store_idx %arg18[%get3A_193], %convert_element_type3A_198 masked %unique3A_196 {add = true} : memref<10240xf32, #tpu.memory_space<vmem>>[vector<16xi32>], vector<16xf32>, vector<16xi1>
      %get3A_199 = arith.constant 32 : index
      %get3A_200 = tpu.vector_load %arg12[%get3A_199] {strides = array<i32>} : memref<80xi32, #tpu.memory_space<vmem>>, vector<16xi32>,
      %broadcast_in_dim3A_201 = arith.constant true
      %broadcast_in_dim3A_202 = vector.broadcast %broadcast_in_dim3A_201 : i1 to vector<16xi1>
      %unique3A_203, %unique3A_204 = tpu.scan_count mask(%broadcast_in_dim3A_202 : vector<16xi1>) value(%get3A_200 : vector<16xi32>) : vector<16xi1>, vector<16xi32>
      %convert_element_type3A_205 = arith.sitofp %unique3A_204 : vector<16xi32> to vector<16xf32>
      tpu.vector_store_idx %arg18[%get3A_200], %convert_element_type3A_205 masked %unique3A_203 {add = true} : memref<10240xf32, #tpu.memory_space<vmem>>[vector<16xi32>], vector<16xf32>, vector<16xi1>
      %get3A_206 = arith.constant 48 : index
      %get3A_207 = tpu.vector_load %arg12[%get3A_206] {strides = array<i32>} : memref<80xi32, #tpu.memory_space<vmem>>, vector<16xi32>,
      %broadcast_in_dim3A_208 = arith.constant true
      %broadcast_in_dim3A_209 = vector.broadcast %broadcast_in_dim3A_208 : i1 to vector<16xi1>
      %unique3A_210, %unique3A_211 = tpu.scan_count mask(%broadcast_in_dim3A_209 : vector<16xi1>) value(%get3A_207 : vector<16xi32>) : vector<16xi1>, vector<16xi32>
      %convert_element_type3A_212 = arith.sitofp %unique3A_211 : vector<16xi32> to vector<16xf32>
      tpu.vector_store_idx %arg18[%get3A_207], %convert_element_type3A_212 masked %unique3A_210 {add = true} : memref<10240xf32, #tpu.memory_space<vmem>>[vector<16xi32>], vector<16xf32>, vector<16xi1>
      %get3A_213 = arith.constant 64 : index
      %get3A_214 = tpu.vector_load %arg12[%get3A_213] {strides = array<i32>} : memref<80xi32, #tpu.memory_space<vmem>>, vector<16xi32>,
      %broadcast_in_dim3A_215 = arith.constant true
      %broadcast_in_dim3A_216 = vector.broadcast %broadcast_in_dim3A_215 : i1 to vector<16xi1>
      %unique3A_217, %unique3A_218 = tpu.scan_count mask(%broadcast_in_dim3A_216 : vector<16xi1>) value(%get3A_214 : vector<16xi32>) : vector<16xi1>, vector<16xi32>
      %convert_element_type3A_219 = arith.sitofp %unique3A_218 : vector<16xi32> to vector<16xf32>
      tpu.vector_store_idx %arg18[%get3A_214], %convert_element_type3A_219 masked %unique3A_217 {add = true} : memref<10240xf32, #tpu.memory_space<vmem>>[vector<16xi32>], vector<16xf32>, vector<16xi1>
    }
    %scan3A_42 = arith.constant 62 : i32
    %dma_wait3A = arith.constant 0 : i32
    %dma_wait3A_43 = arith.constant 0 : i32
    %dma_wait3A_44 = tpu.memref_slice %arg2[%dma_wait3A, %dma_wait3A_43] : memref<10000x128xf32, #tpu.memory_space<hbm>> -> memref<80x128xf32, #tpu.memory_space<hbm>>
    %dma_wait3A_45 = arith.constant 0 : i32
    %dma_wait3A_46 = arith.constant 0 : i32
    %dma_wait3A_47 = tpu.memref_slice %arg2[%dma_wait3A_45, %dma_wait3A_46] : memref<10000x128xf32, #tpu.memory_space<hbm>> -> memref<80x128xf32, #tpu.memory_space<hbm>>
    tpu.wait_dma2 semaphore(%arg16 : memref<!tpu.dma_semaphore, #tpu.memory_space<semaphore_mem>>) src(%dma_wait3A_47 : memref<80x128xf32, #tpu.memory_space<hbm>>) dst(%arg13 : memref<80x128xf32, #tpu.memory_space<vmem>>)
    "tpu.region"() ({
      %run_scoped3A = tpu.sem_alloc : memref<!tpu.dma_semaphore, #tpu.memory_space<semaphore_mem>>
      %dma_start3A_112 = arith.constant 0 : i32
      %dma_start3A_113 = arith.constant 0 : i32
      %dma_start3A_114 = tpu.memref_slice %arg15[%dma_start3A_112, %dma_start3A_113] : memref<10240x128xf32, #tpu.memory_space<vmem_shared>> -> memref<10240x128xf32, #tpu.memory_space<vmem_shared>>
      tpu.enqueue_indirect_dma source(%arg13 : memref<80x128xf32, #tpu.memory_space<vmem>>) target(%dma_start3A_114 : memref<10240x128xf32, #tpu.memory_space<vmem_shared>>) offsets(%arg10 : memref<80xi32, #tpu.memory_space<vmem>>) semaphore(%run_scoped3A : memref<!tpu.dma_semaphore, #tpu.memory_space<semaphore_mem>>) {add = true}
      %dma_wait3A_115 = arith.constant 0 : i32
      %dma_wait3A_116 = arith.constant 0 : i32
      %dma_wait3A_117 = tpu.memref_slice %arg15[%dma_wait3A_115, %dma_wait3A_116] : memref<10240x128xf32, #tpu.memory_space<vmem_shared>> -> memref<10240x128xf32, #tpu.memory_space<vmem_shared>>
      tpu.wait_indirect_dma semaphore(%run_scoped3A : memref<!tpu.dma_semaphore, #tpu.memory_space<semaphore_mem>>) src(%arg13 : memref<80x128xf32, #tpu.memory_space<vmem>>) dst(%dma_wait3A_117 : memref<10240x128xf32, #tpu.memory_space<vmem_shared>>)
      tpu.yield
    }) : () -> ()
    %get3A = arith.constant 0 : index
    %get3A_48 = tpu.vector_load %arg10[%get3A] {strides = array<i32>} : memref<80xi32, #tpu.memory_space<vmem>>, vector<16xi32>,
    %broadcast_in_dim3A = arith.constant true
    %broadcast_in_dim3A_49 = vector.broadcast %broadcast_in_dim3A : i1 to vector<16xi1>
    %unique3A, %unique3A_50 = tpu.scan_count mask(%broadcast_in_dim3A_49 : vector<16xi1>) value(%get3A_48 : vector<16xi32>) : vector<16xi1>, vector<16xi32>
    %convert_element_type3A = arith.sitofp %unique3A_50 : vector<16xi32> to vector<16xf32>
    tpu.vector_store_idx %arg18[%get3A_48], %convert_element_type3A masked %unique3A {add = true} : memref<10240xf32, #tpu.memory_space<vmem>>[vector<16xi32>], vector<16xf32>, vector<16xi1>
    %get3A_51 = arith.constant 16 : index
    %get3A_52 = tpu.vector_load %arg10[%get3A_51] {strides = array<i32>} : memref<80xi32, #tpu.memory_space<vmem>>, vector<16xi32>,
    %broadcast_in_dim3A_53 = arith.constant true
    %broadcast_in_dim3A_54 = vector.broadcast %broadcast_in_dim3A_53 : i1 to vector<16xi1>
    %unique3A_55, %unique3A_56 = tpu.scan_count mask(%broadcast_in_dim3A_54 : vector<16xi1>) value(%get3A_52 : vector<16xi32>) : vector<16xi1>, vector<16xi32>
    %convert_element_type3A_57 = arith.sitofp %unique3A_56 : vector<16xi32> to vector<16xf32>
    tpu.vector_store_idx %arg18[%get3A_52], %convert_element_type3A_57 masked %unique3A_55 {add = true} : memref<10240xf32, #tpu.memory_space<vmem>>[vector<16xi32>], vector<16xf32>, vector<16xi1>
    %get3A_58 = arith.constant 32 : index
    %get3A_59 = tpu.vector_load %arg10[%get3A_58] {strides = array<i32>} : memref<80xi32, #tpu.memory_space<vmem>>, vector<16xi32>,
    %broadcast_in_dim3A_60 = arith.constant true
    %broadcast_in_dim3A_61 = vector.broadcast %broadcast_in_dim3A_60 : i1 to vector<16xi1>
    %unique3A_62, %unique3A_63 = tpu.scan_count mask(%broadcast_in_dim3A_61 : vector<16xi1>) value(%get3A_59 : vector<16xi32>) : vector<16xi1>, vector<16xi32>
    %convert_element_type3A_64 = arith.sitofp %unique3A_63 : vector<16xi32> to vector<16xf32>
    tpu.vector_store_idx %arg18[%get3A_59], %convert_element_type3A_64 masked %unique3A_62 {add = true} : memref<10240xf32, #tpu.memory_space<vmem>>[vector<16xi32>], vector<16xf32>, vector<16xi1>
    %get3A_65 = arith.constant 48 : index
    %get3A_66 = tpu.vector_load %arg10[%get3A_65] {strides = array<i32>} : memref<80xi32, #tpu.memory_space<vmem>>, vector<16xi32>,
    %broadcast_in_dim3A_67 = arith.constant true
    %broadcast_in_dim3A_68 = vector.broadcast %broadcast_in_dim3A_67 : i1 to vector<16xi1>
    %unique3A_69, %unique3A_70 = tpu.scan_count mask(%broadcast_in_dim3A_68 : vector<16xi1>) value(%get3A_66 : vector<16xi32>) : vector<16xi1>, vector<16xi32>
    %convert_element_type3A_71 = arith.sitofp %unique3A_70 : vector<16xi32> to vector<16xf32>
    tpu.vector_store_idx %arg18[%get3A_66], %convert_element_type3A_71 masked %unique3A_69 {add = true} : memref<10240xf32, #tpu.memory_space<vmem>>[vector<16xi32>], vector<16xf32>, vector<16xi1>
    %get3A_72 = arith.constant 64 : index
    %get3A_73 = tpu.vector_load %arg10[%get3A_72] {strides = array<i32>} : memref<80xi32, #tpu.memory_space<vmem>>, vector<16xi32>,
    %broadcast_in_dim3A_74 = arith.constant true
    %broadcast_in_dim3A_75 = vector.broadcast %broadcast_in_dim3A_74 : i1 to vector<16xi1>
    %unique3A_76, %unique3A_77 = tpu.scan_count mask(%broadcast_in_dim3A_75 : vector<16xi1>) value(%get3A_73 : vector<16xi32>) : vector<16xi1>, vector<16xi32>
    %convert_element_type3A_78 = arith.sitofp %unique3A_77 : vector<16xi32> to vector<16xf32>
    tpu.vector_store_idx %arg18[%get3A_73], %convert_element_type3A_78 masked %unique3A_76 {add = true} : memref<10240xf32, #tpu.memory_space<vmem>>[vector<16xi32>], vector<16xf32>, vector<16xi1>
    %barrier3A_79 = arith.constant 0 : index
    tpu.barrier barrier_id(%barrier3A_79)
    %add3A_80 = arith.constant 0 : i32
    %add3A_81 = arith.addi %mul3A_2, %add3A_80 : i32
    "tpu.region"() ({
      %run_scoped3A = tpu.sem_alloc : memref<!tpu.dma_semaphore, #tpu.memory_space<semaphore_mem>>
      %dma_start3A_112 = arith.constant 0 : i32
      %dma_start3A_113 = tpu.memref_slice %arg15[%add3A_81, %dma_start3A_112] : memref<10240x128xf32, #tpu.memory_space<vmem_shared>> -> memref<80x128xf32, #tpu.memory_space<vmem_shared>>
      %dma_start3A_114 = arith.constant 0 : i32
      %dma_start3A_115 = tpu.memref_slice %arg15[%add3A_81, %dma_start3A_114] : memref<10240x128xf32, #tpu.memory_space<vmem_shared>> -> memref<80x128xf32, #tpu.memory_space<vmem_shared>>
      tpu.enqueue_dma source(%dma_start3A_115 : memref<80x128xf32, #tpu.memory_space<vmem_shared>>) target(%arg13 : memref<80x128xf32, #tpu.memory_space<vmem>>) target_semaphore(%run_scoped3A : memref<!tpu.dma_semaphore, #tpu.memory_space<semaphore_mem>>)
      %dma_wait3A_116 = arith.constant 0 : i32
      %dma_wait3A_117 = tpu.memref_slice %arg15[%add3A_81, %dma_wait3A_116] : memref<10240x128xf32, #tpu.memory_space<vmem_shared>> -> memref<80x128xf32, #tpu.memory_space<vmem_shared>>
      %dma_wait3A_118 = arith.constant 0 : i32
      %dma_wait3A_119 = tpu.memref_slice %arg15[%add3A_81, %dma_wait3A_118] : memref<10240x128xf32, #tpu.memory_space<vmem_shared>> -> memref<80x128xf32, #tpu.memory_space<vmem_shared>>
      tpu.wait_dma2 semaphore(%run_scoped3A : memref<!tpu.dma_semaphore, #tpu.memory_space<semaphore_mem>>) src(%dma_wait3A_119 : memref<80x128xf32, #tpu.memory_space<vmem_shared>>) dst(%arg13 : memref<80x128xf32, #tpu.memory_space<vmem>>)
      tpu.yield
    }) : () -> ()
    %add3A_82 = arith.constant 0 : i32
    %add3A_83 = arith.addi %mul3A_2, %add3A_82 : i32
    "tpu.region"() ({
      %run_scoped3A = tpu.sem_alloc : memref<!tpu.dma_semaphore, #tpu.memory_space<semaphore_mem>>
      %dma_start3A_112 = arith.constant 0 : i32
      %dma_start3A_113 = tpu.memref_slice %arg7[%arg0, %add3A_83, %dma_start3A_112] : memref<2x10240x128xf32, #tpu.memory_space<hbm>> -> memref<1x80x128xf32, #tpu.memory_space<hbm>>
      %dma_start3A_114 = tpu.memref_squeeze %dma_start3A_113 : memref<1x80x128xf32, #tpu.memory_space<hbm>> -> memref<80x128xf32, #tpu.memory_space<hbm>>
      %dma_start3A_115 = arith.constant 0 : i32
      %dma_start3A_116 = tpu.memref_slice %arg7[%arg0, %add3A_83, %dma_start3A_115] : memref<2x10240x128xf32, #tpu.memory_space<hbm>> -> memref<1x80x128xf32, #tpu.memory_space<hbm>>
      %dma_start3A_117 = tpu.memref_squeeze %dma_start3A_116 : memref<1x80x128xf32, #tpu.memory_space<hbm>> -> memref<80x128xf32, #tpu.memory_space<hbm>>
      tpu.enqueue_dma source(%arg13 : memref<80x128xf32, #tpu.memory_space<vmem>>) target(%dma_start3A_117 : memref<80x128xf32, #tpu.memory_space<hbm>>) target_semaphore(%run_scoped3A : memref<!tpu.dma_semaphore, #tpu.memory_space<semaphore_mem>>)
      %dma_wait3A_118 = arith.constant 0 : i32
      %dma_wait3A_119 = tpu.memref_slice %arg7[%arg0, %add3A_83, %dma_wait3A_118] : memref<2x10240x128xf32, #tpu.memory_space<hbm>> -> memref<1x80x128xf32, #tpu.memory_space<hbm>>
      %dma_wait3A_120 = tpu.memref_squeeze %dma_wait3A_119 : memref<1x80x128xf32, #tpu.memory_space<hbm>> -> memref<80x128xf32, #tpu.memory_space<hbm>>
      %dma_wait3A_121 = arith.constant 0 : i32
      %dma_wait3A_122 = tpu.memref_slice %arg7[%arg0, %add3A_83, %dma_wait3A_121] : memref<2x10240x128xf32, #tpu.memory_space<hbm>> -> memref<1x80x128xf32, #tpu.memory_space<hbm>>
      %dma_wait3A_123 = tpu.memref_squeeze %dma_wait3A_122 : memref<1x80x128xf32, #tpu.memory_space<hbm>> -> memref<80x128xf32, #tpu.memory_space<hbm>>
      tpu.wait_dma2 semaphore(%run_scoped3A : memref<!tpu.dma_semaphore, #tpu.memory_space<semaphore_mem>>) src(%arg13 : memref<80x128xf32, #tpu.memory_space<vmem>>) dst(%dma_wait3A_123 : memref<80x128xf32, #tpu.memory_space<hbm>>)
      tpu.yield
    }) : () -> ()
    %add3A_84 = arith.constant 80 : i32
    %add3A_85 = arith.addi %mul3A_2, %add3A_84 : i32
    "tpu.region"() ({
      %run_scoped3A = tpu.sem_alloc : memref<!tpu.dma_semaphore, #tpu.memory_space<semaphore_mem>>
      %dma_start3A_112 = arith.constant 0 : i32
      %dma_start3A_113 = tpu.memref_slice %arg15[%add3A_85, %dma_start3A_112] : memref<10240x128xf32, #tpu.memory_space<vmem_shared>> -> memref<80x128xf32, #tpu.memory_space<vmem_shared>>
      %dma_start3A_114 = arith.constant 0 : i32
      %dma_start3A_115 = tpu.memref_slice %arg15[%add3A_85, %dma_start3A_114] : memref<10240x128xf32, #tpu.memory_space<vmem_shared>> -> memref<80x128xf32, #tpu.memory_space<vmem_shared>>
      tpu.enqueue_dma source(%dma_start3A_115 : memref<80x128xf32, #tpu.memory_space<vmem_shared>>) target(%arg13 : memref<80x128xf32, #tpu.memory_space<vmem>>) target_semaphore(%run_scoped3A : memref<!tpu.dma_semaphore, #tpu.memory_space<semaphore_mem>>)
      %dma_wait3A_116 = arith.constant 0 : i32
      %dma_wait3A_117 = tpu.memref_slice %arg15[%add3A_85, %dma_wait3A_116] : memref<10240x128xf32, #tpu.memory_space<vmem_shared>> -> memref<80x128xf32, #tpu.memory_space<vmem_shared>>
      %dma_wait3A_118 = arith.constant 0 : i32
      %dma_wait3A_119 = tpu.memref_slice %arg15[%add3A_85, %dma_wait3A_118] : memref<10240x128xf32, #tpu.memory_space<vmem_shared>> -> memref<80x128xf32, #tpu.memory_space<vmem_shared>>
      tpu.wait_dma2 semaphore(%run_scoped3A : memref<!tpu.dma_semaphore, #tpu.memory_space<semaphore_mem>>) src(%dma_wait3A_119 : memref<80x128xf32, #tpu.memory_space<vmem_shared>>) dst(%arg13 : memref<80x128xf32, #tpu.memory_space<vmem>>)
      tpu.yield
    }) : () -> ()
    %add3A_86 = arith.constant 80 : i32
    %add3A_87 = arith.addi %mul3A_2, %add3A_86 : i32
    "tpu.region"() ({
      %run_scoped3A = tpu.sem_alloc : memref<!tpu.dma_semaphore, #tpu.memory_space<semaphore_mem>>
      %dma_start3A_112 = arith.constant 0 : i32
      %dma_start3A_113 = tpu.memref_slice %arg7[%arg0, %add3A_87, %dma_start3A_112] : memref<2x10240x128xf32, #tpu.memory_space<hbm>> -> memref<1x80x128xf32, #tpu.memory_space<hbm>>
      %dma_start3A_114 = tpu.memref_squeeze %dma_start3A_113 : memref<1x80x128xf32, #tpu.memory_space<hbm>> -> memref<80x128xf32, #tpu.memory_space<hbm>>
      %dma_start3A_115 = arith.constant 0 : i32
      %dma_start3A_116 = tpu.memref_slice %arg7[%arg0, %add3A_87, %dma_start3A_115] : memref<2x10240x128xf32, #tpu.memory_space<hbm>> -> memref<1x80x128xf32, #tpu.memory_space<hbm>>
      %dma_start3A_117 = tpu.memref_squeeze %dma_start3A_116 : memref<1x80x128xf32, #tpu.memory_space<hbm>> -> memref<80x128xf32, #tpu.memory_space<hbm>>
      tpu.enqueue_dma source(%arg13 : memref<80x128xf32, #tpu.memory_space<vmem>>) target(%dma_start3A_117 : memref<80x128xf32, #tpu.memory_space<hbm>>) target_semaphore(%run_scoped3A : memref<!tpu.dma_semaphore, #tpu.memory_space<semaphore_mem>>)
      %dma_wait3A_118 = arith.constant 0 : i32
      %dma_wait3A_119 = tpu.memref_slice %arg7[%arg0, %add3A_87, %dma_wait3A_118] : memref<2x10240x128xf32, #tpu.memory_space<hbm>> -> memref<1x80x128xf32, #tpu.memory_space<hbm>>
      %dma_wait3A_120 = tpu.memref_squeeze %dma_wait3A_119 : memref<1x80x128xf32, #tpu.memory_space<hbm>> -> memref<80x128xf32, #tpu.memory_space<hbm>>
      %dma_wait3A_121 = arith.constant 0 : i32
      %dma_wait3A_122 = tpu.memref_slice %arg7[%arg0, %add3A_87, %dma_wait3A_121] : memref<2x10240x128xf32, #tpu.memory_space<hbm>> -> memref<1x80x128xf32, #tpu.memory_space<hbm>>
      %dma_wait3A_123 = tpu.memref_squeeze %dma_wait3A_122 : memref<1x80x128xf32, #tpu.memory_space<hbm>> -> memref<80x128xf32, #tpu.memory_space<hbm>>
      tpu.wait_dma2 semaphore(%run_scoped3A : memref<!tpu.dma_semaphore, #tpu.memory_space<semaphore_mem>>) src(%arg13 : memref<80x128xf32, #tpu.memory_space<vmem>>) dst(%dma_wait3A_123 : memref<80x128xf32, #tpu.memory_space<hbm>>)
      tpu.yield
    }) : () -> ()
    %add3A_88 = arith.constant 160 : i32
    %add3A_89 = arith.addi %mul3A_2, %add3A_88 : i32
    "tpu.region"() ({
      %run_scoped3A = tpu.sem_alloc : memref<!tpu.dma_semaphore, #tpu.memory_space<semaphore_mem>>
      %dma_start3A_112 = arith.constant 0 : i32
      %dma_start3A_113 = tpu.memref_slice %arg15[%add3A_89, %dma_start3A_112] : memref<10240x128xf32, #tpu.memory_space<vmem_shared>> -> memref<80x128xf32, #tpu.memory_space<vmem_shared>>
      %dma_start3A_114 = arith.constant 0 : i32
      %dma_start3A_115 = tpu.memref_slice %arg15[%add3A_89, %dma_start3A_114] : memref<10240x128xf32, #tpu.memory_space<vmem_shared>> -> memref<80x128xf32, #tpu.memory_space<vmem_shared>>
      tpu.enqueue_dma source(%dma_start3A_115 : memref<80x128xf32, #tpu.memory_space<vmem_shared>>) target(%arg13 : memref<80x128xf32, #tpu.memory_space<vmem>>) target_semaphore(%run_scoped3A : memref<!tpu.dma_semaphore, #tpu.memory_space<semaphore_mem>>)
      %dma_wait3A_116 = arith.constant 0 : i32
      %dma_wait3A_117 = tpu.memref_slice %arg15[%add3A_89, %dma_wait3A_116] : memref<10240x128xf32, #tpu.memory_space<vmem_shared>> -> memref<80x128xf32, #tpu.memory_space<vmem_shared>>
      %dma_wait3A_118 = arith.constant 0 : i32
      %dma_wait3A_119 = tpu.memref_slice %arg15[%add3A_89, %dma_wait3A_118] : memref<10240x128xf32, #tpu.memory_space<vmem_shared>> -> memref<80x128xf32, #tpu.memory_space<vmem_shared>>
      tpu.wait_dma2 semaphore(%run_scoped3A : memref<!tpu.dma_semaphore, #tpu.memory_space<semaphore_mem>>) src(%dma_wait3A_119 : memref<80x128xf32, #tpu.memory_space<vmem_shared>>) dst(%arg13 : memref<80x128xf32, #tpu.memory_space<vmem>>)
      tpu.yield
    }) : () -> ()
    %add3A_90 = arith.constant 160 : i32
    %add3A_91 = arith.addi %mul3A_2, %add3A_90 : i32
    "tpu.region"() ({
      %run_scoped3A = tpu.sem_alloc : memref<!tpu.dma_semaphore, #tpu.memory_space<semaphore_mem>>
      %dma_start3A_112 = arith.constant 0 : i32
      %dma_start3A_113 = tpu.memref_slice %arg7[%arg0, %add3A_91, %dma_start3A_112] : memref<2x10240x128xf32, #tpu.memory_space<hbm>> -> memref<1x80x128xf32, #tpu.memory_space<hbm>>
      %dma_start3A_114 = tpu.memref_squeeze %dma_start3A_113 : memref<1x80x128xf32, #tpu.memory_space<hbm>> -> memref<80x128xf32, #tpu.memory_space<hbm>>
      %dma_start3A_115 = arith.constant 0 : i32
      %dma_start3A_116 = tpu.memref_slice %arg7[%arg0, %add3A_91, %dma_start3A_115] : memref<2x10240x128xf32, #tpu.memory_space<hbm>> -> memref<1x80x128xf32, #tpu.memory_space<hbm>>
      %dma_start3A_117 = tpu.memref_squeeze %dma_start3A_116 : memref<1x80x128xf32, #tpu.memory_space<hbm>> -> memref<80x128xf32, #tpu.memory_space<hbm>>
      tpu.enqueue_dma source(%arg13 : memref<80x128xf32, #tpu.memory_space<vmem>>) target(%dma_start3A_117 : memref<80x128xf32, #tpu.memory_space<hbm>>) target_semaphore(%run_scoped3A : memref<!tpu.dma_semaphore, #tpu.memory_space<semaphore_mem>>)
      %dma_wait3A_118 = arith.constant 0 : i32
      %dma_wait3A_119 = tpu.memref_slice %arg7[%arg0, %add3A_91, %dma_wait3A_118] : memref<2x10240x128xf32, #tpu.memory_space<hbm>> -> memref<1x80x128xf32, #tpu.memory_space<hbm>>
      %dma_wait3A_120 = tpu.memref_squeeze %dma_wait3A_119 : memref<1x80x128xf32, #tpu.memory_space<hbm>> -> memref<80x128xf32, #tpu.memory_space<hbm>>
      %dma_wait3A_121 = arith.constant 0 : i32
      %dma_wait3A_122 = tpu.memref_slice %arg7[%arg0, %add3A_91, %dma_wait3A_121] : memref<2x10240x128xf32, #tpu.memory_space<hbm>> -> memref<1x80x128xf32, #tpu.memory_space<hbm>>
      %dma_wait3A_123 = tpu.memref_squeeze %dma_wait3A_122 : memref<1x80x128xf32, #tpu.memory_space<hbm>> -> memref<80x128xf32, #tpu.memory_space<hbm>>
      tpu.wait_dma2 semaphore(%run_scoped3A : memref<!tpu.dma_semaphore, #tpu.memory_space<semaphore_mem>>) src(%arg13 : memref<80x128xf32, #tpu.memory_space<vmem>>) dst(%dma_wait3A_123 : memref<80x128xf32, #tpu.memory_space<hbm>>)
      tpu.yield
    }) : () -> ()
    %add3A_92 = arith.constant 240 : i32
    %add3A_93 = arith.addi %mul3A_2, %add3A_92 : i32
    "tpu.region"() ({
      %run_scoped3A = tpu.sem_alloc : memref<!tpu.dma_semaphore, #tpu.memory_space<semaphore_mem>>
      %dma_start3A_112 = arith.constant 0 : i32
      %dma_start3A_113 = tpu.memref_slice %arg15[%add3A_93, %dma_start3A_112] : memref<10240x128xf32, #tpu.memory_space<vmem_shared>> -> memref<80x128xf32, #tpu.memory_space<vmem_shared>>
      %dma_start3A_114 = arith.constant 0 : i32
      %dma_start3A_115 = tpu.memref_slice %arg15[%add3A_93, %dma_start3A_114] : memref<10240x128xf32, #tpu.memory_space<vmem_shared>> -> memref<80x128xf32, #tpu.memory_space<vmem_shared>>
      tpu.enqueue_dma source(%dma_start3A_115 : memref<80x128xf32, #tpu.memory_space<vmem_shared>>) target(%arg13 : memref<80x128xf32, #tpu.memory_space<vmem>>) target_semaphore(%run_scoped3A : memref<!tpu.dma_semaphore, #tpu.memory_space<semaphore_mem>>)
      %dma_wait3A_116 = arith.constant 0 : i32
      %dma_wait3A_117 = tpu.memref_slice %arg15[%add3A_93, %dma_wait3A_116] : memref<10240x128xf32, #tpu.memory_space<vmem_shared>> -> memref<80x128xf32, #tpu.memory_space<vmem_shared>>
      %dma_wait3A_118 = arith.constant 0 : i32
      %dma_wait3A_119 = tpu.memref_slice %arg15[%add3A_93, %dma_wait3A_118] : memref<10240x128xf32, #tpu.memory_space<vmem_shared>> -> memref<80x128xf32, #tpu.memory_space<vmem_shared>>
      tpu.wait_dma2 semaphore(%run_scoped3A : memref<!tpu.dma_semaphore, #tpu.memory_space<semaphore_mem>>) src(%dma_wait3A_119 : memref<80x128xf32, #tpu.memory_space<vmem_shared>>) dst(%arg13 : memref<80x128xf32, #tpu.memory_space<vmem>>)
      tpu.yield
    }) : () -> ()
    %add3A_94 = arith.constant 240 : i32
    %add3A_95 = arith.addi %mul3A_2, %add3A_94 : i32
    "tpu.region"() ({
      %run_scoped3A = tpu.sem_alloc : memref<!tpu.dma_semaphore, #tpu.memory_space<semaphore_mem>>
      %dma_start3A_112 = arith.constant 0 : i32
      %dma_start3A_113 = tpu.memref_slice %arg7[%arg0, %add3A_95, %dma_start3A_112] : memref<2x10240x128xf32, #tpu.memory_space<hbm>> -> memref<1x80x128xf32, #tpu.memory_space<hbm>>
      %dma_start3A_114 = tpu.memref_squeeze %dma_start3A_113 : memref<1x80x128xf32, #tpu.memory_space<hbm>> -> memref<80x128xf32, #tpu.memory_space<hbm>>
      %dma_start3A_115 = arith.constant 0 : i32
      %dma_start3A_116 = tpu.memref_slice %arg7[%arg0, %add3A_95, %dma_start3A_115] : memref<2x10240x128xf32, #tpu.memory_space<hbm>> -> memref<1x80x128xf32, #tpu.memory_space<hbm>>
      %dma_start3A_117 = tpu.memref_squeeze %dma_start3A_116 : memref<1x80x128xf32, #tpu.memory_space<hbm>> -> memref<80x128xf32, #tpu.memory_space<hbm>>
      tpu.enqueue_dma source(%arg13 : memref<80x128xf32, #tpu.memory_space<vmem>>) target(%dma_start3A_117 : memref<80x128xf32, #tpu.memory_space<hbm>>) target_semaphore(%run_scoped3A : memref<!tpu.dma_semaphore, #tpu.memory_space<semaphore_mem>>)
      %dma_wait3A_118 = arith.constant 0 : i32
      %dma_wait3A_119 = tpu.memref_slice %arg7[%arg0, %add3A_95, %dma_wait3A_118] : memref<2x10240x128xf32, #tpu.memory_space<hbm>> -> memref<1x80x128xf32, #tpu.memory_space<hbm>>
      %dma_wait3A_120 = tpu.memref_squeeze %dma_wait3A_119 : memref<1x80x128xf32, #tpu.memory_space<hbm>> -> memref<80x128xf32, #tpu.memory_space<hbm>>
      %dma_wait3A_121 = arith.constant 0 : i32
      %dma_wait3A_122 = tpu.memref_slice %arg7[%arg0, %add3A_95, %dma_wait3A_121] : memref<2x10240x128xf32, #tpu.memory_space<hbm>> -> memref<1x80x128xf32, #tpu.memory_space<hbm>>
      %dma_wait3A_123 = tpu.memref_squeeze %dma_wait3A_122 : memref<1x80x128xf32, #tpu.memory_space<hbm>> -> memref<80x128xf32, #tpu.memory_space<hbm>>
      tpu.wait_dma2 semaphore(%run_scoped3A : memref<!tpu.dma_semaphore, #tpu.memory_space<semaphore_mem>>) src(%arg13 : memref<80x128xf32, #tpu.memory_space<vmem>>) dst(%dma_wait3A_123 : memref<80x128xf32, #tpu.memory_space<hbm>>)
      tpu.yield
    }) : () -> ()
    %add3A_96 = arith.constant 320 : i32
    %add3A_97 = arith.addi %mul3A_2, %add3A_96 : i32
    "tpu.region"() ({
      %run_scoped3A = tpu.sem_alloc : memref<!tpu.dma_semaphore, #tpu.memory_space<semaphore_mem>>
      %dma_start3A_112 = arith.constant 0 : i32
      %dma_start3A_113 = tpu.memref_slice %arg15[%add3A_97, %dma_start3A_112] : memref<10240x128xf32, #tpu.memory_space<vmem_shared>> -> memref<80x128xf32, #tpu.memory_space<vmem_shared>>
      %dma_start3A_114 = arith.constant 0 : i32
      %dma_start3A_115 = tpu.memref_slice %arg15[%add3A_97, %dma_start3A_114] : memref<10240x128xf32, #tpu.memory_space<vmem_shared>> -> memref<80x128xf32, #tpu.memory_space<vmem_shared>>
      tpu.enqueue_dma source(%dma_start3A_115 : memref<80x128xf32, #tpu.memory_space<vmem_shared>>) target(%arg13 : memref<80x128xf32, #tpu.memory_space<vmem>>) target_semaphore(%run_scoped3A : memref<!tpu.dma_semaphore, #tpu.memory_space<semaphore_mem>>)
      %dma_wait3A_116 = arith.constant 0 : i32
      %dma_wait3A_117 = tpu.memref_slice %arg15[%add3A_97, %dma_wait3A_116] : memref<10240x128xf32, #tpu.memory_space<vmem_shared>> -> memref<80x128xf32, #tpu.memory_space<vmem_shared>>
      %dma_wait3A_118 = arith.constant 0 : i32
      %dma_wait3A_119 = tpu.memref_slice %arg15[%add3A_97, %dma_wait3A_118] : memref<10240x128xf32, #tpu.memory_space<vmem_shared>> -> memref<80x128xf32, #tpu.memory_space<vmem_shared>>
      tpu.wait_dma2 semaphore(%run_scoped3A : memref<!tpu.dma_semaphore, #tpu.memory_space<semaphore_mem>>) src(%dma_wait3A_119 : memref<80x128xf32, #tpu.memory_space<vmem_shared>>) dst(%arg13 : memref<80x128xf32, #tpu.memory_space<vmem>>)
      tpu.yield
    }) : () -> ()
    %add3A_98 = arith.constant 320 : i32
    %add3A_99 = arith.addi %mul3A_2, %add3A_98 : i32
    "tpu.region"() ({
      %run_scoped3A = tpu.sem_alloc : memref<!tpu.dma_semaphore, #tpu.memory_space<semaphore_mem>>
      %dma_start3A_112 = arith.constant 0 : i32
      %dma_start3A_113 = tpu.memref_slice %arg7[%arg0, %add3A_99, %dma_start3A_112] : memref<2x10240x128xf32, #tpu.memory_space<hbm>> -> memref<1x80x128xf32, #tpu.memory_space<hbm>>
      %dma_start3A_114 = tpu.memref_squeeze %dma_start3A_113 : memref<1x80x128xf32, #tpu.memory_space<hbm>> -> memref<80x128xf32, #tpu.memory_space<hbm>>
      %dma_start3A_115 = arith.constant 0 : i32
      %dma_start3A_116 = tpu.memref_slice %arg7[%arg0, %add3A_99, %dma_start3A_115] : memref<2x10240x128xf32, #tpu.memory_space<hbm>> -> memref<1x80x128xf32, #tpu.memory_space<hbm>>
      %dma_start3A_117 = tpu.memref_squeeze %dma_start3A_116 : memref<1x80x128xf32, #tpu.memory_space<hbm>> -> memref<80x128xf32, #tpu.memory_space<hbm>>
      tpu.enqueue_dma source(%arg13 : memref<80x128xf32, #tpu.memory_space<vmem>>) target(%dma_start3A_117 : memref<80x128xf32, #tpu.memory_space<hbm>>) target_semaphore(%run_scoped3A : memref<!tpu.dma_semaphore, #tpu.memory_space<semaphore_mem>>)
      %dma_wait3A_118 = arith.constant 0 : i32
      %dma_wait3A_119 = tpu.memref_slice %arg7[%arg0, %add3A_99, %dma_wait3A_118] : memref<2x10240x128xf32, #tpu.memory_space<hbm>> -> memref<1x80x128xf32, #tpu.memory_space<hbm>>
      %dma_wait3A_120 = tpu.memref_squeeze %dma_wait3A_119 : memref<1x80x128xf32, #tpu.memory_space<hbm>> -> memref<80x128xf32, #tpu.memory_space<hbm>>
      %dma_wait3A_121 = arith.constant 0 : i32
      %dma_wait3A_122 = tpu.memref_slice %arg7[%arg0, %add3A_99, %dma_wait3A_121] : memref<2x10240x128xf32, #tpu.memory_space<hbm>> -> memref<1x80x128xf32, #tpu.memory_space<hbm>>
      %dma_wait3A_123 = tpu.memref_squeeze %dma_wait3A_122 : memref<1x80x128xf32, #tpu.memory_space<hbm>> -> memref<80x128xf32, #tpu.memory_space<hbm>>
      tpu.wait_dma2 semaphore(%run_scoped3A : memref<!tpu.dma_semaphore, #tpu.memory_space<semaphore_mem>>) src(%arg13 : memref<80x128xf32, #tpu.memory_space<vmem>>) dst(%dma_wait3A_123 : memref<80x128xf32, #tpu.memory_space<hbm>>)
      tpu.yield
    }) : () -> ()
    %add3A_100 = arith.constant 400 : i32
    %add3A_101 = arith.addi %mul3A_2, %add3A_100 : i32
    "tpu.region"() ({
      %run_scoped3A = tpu.sem_alloc : memref<!tpu.dma_semaphore, #tpu.memory_space<semaphore_mem>>
      %dma_start3A_112 = arith.constant 0 : i32
      %dma_start3A_113 = tpu.memref_slice %arg15[%add3A_101, %dma_start3A_112] : memref<10240x128xf32, #tpu.memory_space<vmem_shared>> -> memref<80x128xf32, #tpu.memory_space<vmem_shared>>
      %dma_start3A_114 = arith.constant 0 : i32
      %dma_start3A_115 = tpu.memref_slice %arg15[%add3A_101, %dma_start3A_114] : memref<10240x128xf32, #tpu.memory_space<vmem_shared>> -> memref<80x128xf32, #tpu.memory_space<vmem_shared>>
      tpu.enqueue_dma source(%dma_start3A_115 : memref<80x128xf32, #tpu.memory_space<vmem_shared>>) target(%arg13 : memref<80x128xf32, #tpu.memory_space<vmem>>) target_semaphore(%run_scoped3A : memref<!tpu.dma_semaphore, #tpu.memory_space<semaphore_mem>>)
      %dma_wait3A_116 = arith.constant 0 : i32
      %dma_wait3A_117 = tpu.memref_slice %arg15[%add3A_101, %dma_wait3A_116] : memref<10240x128xf32, #tpu.memory_space<vmem_shared>> -> memref<80x128xf32, #tpu.memory_space<vmem_shared>>
      %dma_wait3A_118 = arith.constant 0 : i32
      %dma_wait3A_119 = tpu.memref_slice %arg15[%add3A_101, %dma_wait3A_118] : memref<10240x128xf32, #tpu.memory_space<vmem_shared>> -> memref<80x128xf32, #tpu.memory_space<vmem_shared>>
      tpu.wait_dma2 semaphore(%run_scoped3A : memref<!tpu.dma_semaphore, #tpu.memory_space<semaphore_mem>>) src(%dma_wait3A_119 : memref<80x128xf32, #tpu.memory_space<vmem_shared>>) dst(%arg13 : memref<80x128xf32, #tpu.memory_space<vmem>>)
      tpu.yield
    }) : () -> ()
    %add3A_102 = arith.constant 400 : i32
    %add3A_103 = arith.addi %mul3A_2, %add3A_102 : i32
    "tpu.region"() ({
      %run_scoped3A = tpu.sem_alloc : memref<!tpu.dma_semaphore, #tpu.memory_space<semaphore_mem>>
      %dma_start3A_112 = arith.constant 0 : i32
      %dma_start3A_113 = tpu.memref_slice %arg7[%arg0, %add3A_103, %dma_start3A_112] : memref<2x10240x128xf32, #tpu.memory_space<hbm>> -> memref<1x80x128xf32, #tpu.memory_space<hbm>>
      %dma_start3A_114 = tpu.memref_squeeze %dma_start3A_113 : memref<1x80x128xf32, #tpu.memory_space<hbm>> -> memref<80x128xf32, #tpu.memory_space<hbm>>
      %dma_start3A_115 = arith.constant 0 : i32
      %dma_start3A_116 = tpu.memref_slice %arg7[%arg0, %add3A_103, %dma_start3A_115] : memref<2x10240x128xf32, #tpu.memory_space<hbm>> -> memref<1x80x128xf32, #tpu.memory_space<hbm>>
      %dma_start3A_117 = tpu.memref_squeeze %dma_start3A_116 : memref<1x80x128xf32, #tpu.memory_space<hbm>> -> memref<80x128xf32, #tpu.memory_space<hbm>>
      tpu.enqueue_dma source(%arg13 : memref<80x128xf32, #tpu.memory_space<vmem>>) target(%dma_start3A_117 : memref<80x128xf32, #tpu.memory_space<hbm>>) target_semaphore(%run_scoped3A : memref<!tpu.dma_semaphore, #tpu.memory_space<semaphore_mem>>)
      %dma_wait3A_118 = arith.constant 0 : i32
      %dma_wait3A_119 = tpu.memref_slice %arg7[%arg0, %add3A_103, %dma_wait3A_118] : memref<2x10240x128xf32, #tpu.memory_space<hbm>> -> memref<1x80x128xf32, #tpu.memory_space<hbm>>
      %dma_wait3A_120 = tpu.memref_squeeze %dma_wait3A_119 : memref<1x80x128xf32, #tpu.memory_space<hbm>> -> memref<80x128xf32, #tpu.memory_space<hbm>>
      %dma_wait3A_121 = arith.constant 0 : i32
      %dma_wait3A_122 = tpu.memref_slice %arg7[%arg0, %add3A_103, %dma_wait3A_121] : memref<2x10240x128xf32, #tpu.memory_space<hbm>> -> memref<1x80x128xf32, #tpu.memory_space<hbm>>
      %dma_wait3A_123 = tpu.memref_squeeze %dma_wait3A_122 : memref<1x80x128xf32, #tpu.memory_space<hbm>> -> memref<80x128xf32, #tpu.memory_space<hbm>>
      tpu.wait_dma2 semaphore(%run_scoped3A : memref<!tpu.dma_semaphore, #tpu.memory_space<semaphore_mem>>) src(%arg13 : memref<80x128xf32, #tpu.memory_space<vmem>>) dst(%dma_wait3A_123 : memref<80x128xf32, #tpu.memory_space<hbm>>)
      tpu.yield
    }) : () -> ()
    %add3A_104 = arith.constant 480 : i32
    %add3A_105 = arith.addi %mul3A_2, %add3A_104 : i32
    "tpu.region"() ({
      %run_scoped3A = tpu.sem_alloc : memref<!tpu.dma_semaphore, #tpu.memory_space<semaphore_mem>>
      %dma_start3A_112 = arith.constant 0 : i32
      %dma_start3A_113 = tpu.memref_slice %arg15[%add3A_105, %dma_start3A_112] : memref<10240x128xf32, #tpu.memory_space<vmem_shared>> -> memref<80x128xf32, #tpu.memory_space<vmem_shared>>
      %dma_start3A_114 = arith.constant 0 : i32
      %dma_start3A_115 = tpu.memref_slice %arg15[%add3A_105, %dma_start3A_114] : memref<10240x128xf32, #tpu.memory_space<vmem_shared>> -> memref<80x128xf32, #tpu.memory_space<vmem_shared>>
      tpu.enqueue_dma source(%dma_start3A_115 : memref<80x128xf32, #tpu.memory_space<vmem_shared>>) target(%arg13 : memref<80x128xf32, #tpu.memory_space<vmem>>) target_semaphore(%run_scoped3A : memref<!tpu.dma_semaphore, #tpu.memory_space<semaphore_mem>>)
      %dma_wait3A_116 = arith.constant 0 : i32
      %dma_wait3A_117 = tpu.memref_slice %arg15[%add3A_105, %dma_wait3A_116] : memref<10240x128xf32, #tpu.memory_space<vmem_shared>> -> memref<80x128xf32, #tpu.memory_space<vmem_shared>>
      %dma_wait3A_118 = arith.constant 0 : i32
      %dma_wait3A_119 = tpu.memref_slice %arg15[%add3A_105, %dma_wait3A_118] : memref<10240x128xf32, #tpu.memory_space<vmem_shared>> -> memref<80x128xf32, #tpu.memory_space<vmem_shared>>
      tpu.wait_dma2 semaphore(%run_scoped3A : memref<!tpu.dma_semaphore, #tpu.memory_space<semaphore_mem>>) src(%dma_wait3A_119 : memref<80x128xf32, #tpu.memory_space<vmem_shared>>) dst(%arg13 : memref<80x128xf32, #tpu.memory_space<vmem>>)
      tpu.yield
    }) : () -> ()
    %add3A_106 = arith.constant 480 : i32
    %add3A_107 = arith.addi %mul3A_2, %add3A_106 : i32
    "tpu.region"() ({
      %run_scoped3A = tpu.sem_alloc : memref<!tpu.dma_semaphore, #tpu.memory_space<semaphore_mem>>
      %dma_start3A_112 = arith.constant 0 : i32
      %dma_start3A_113 = tpu.memref_slice %arg7[%arg0, %add3A_107, %dma_start3A_112] : memref<2x10240x128xf32, #tpu.memory_space<hbm>> -> memref<1x80x128xf32, #tpu.memory_space<hbm>>
      %dma_start3A_114 = tpu.memref_squeeze %dma_start3A_113 : memref<1x80x128xf32, #tpu.memory_space<hbm>> -> memref<80x128xf32, #tpu.memory_space<hbm>>
      %dma_start3A_115 = arith.constant 0 : i32
      %dma_start3A_116 = tpu.memref_slice %arg7[%arg0, %add3A_107, %dma_start3A_115] : memref<2x10240x128xf32, #tpu.memory_space<hbm>> -> memref<1x80x128xf32, #tpu.memory_space<hbm>>
      %dma_start3A_117 = tpu.memref_squeeze %dma_start3A_116 : memref<1x80x128xf32, #tpu.memory_space<hbm>> -> memref<80x128xf32, #tpu.memory_space<hbm>>
      tpu.enqueue_dma source(%arg13 : memref<80x128xf32, #tpu.memory_space<vmem>>) target(%dma_start3A_117 : memref<80x128xf32, #tpu.memory_space<hbm>>) target_semaphore(%run_scoped3A : memref<!tpu.dma_semaphore, #tpu.memory_space<semaphore_mem>>)
      %dma_wait3A_118 = arith.constant 0 : i32
      %dma_wait3A_119 = tpu.memref_slice %arg7[%arg0, %add3A_107, %dma_wait3A_118] : memref<2x10240x128xf32, #tpu.memory_space<hbm>> -> memref<1x80x128xf32, #tpu.memory_space<hbm>>
      %dma_wait3A_120 = tpu.memref_squeeze %dma_wait3A_119 : memref<1x80x128xf32, #tpu.memory_space<hbm>> -> memref<80x128xf32, #tpu.memory_space<hbm>>
      %dma_wait3A_121 = arith.constant 0 : i32
      %dma_wait3A_122 = tpu.memref_slice %arg7[%arg0, %add3A_107, %dma_wait3A_121] : memref<2x10240x128xf32, #tpu.memory_space<hbm>> -> memref<1x80x128xf32, #tpu.memory_space<hbm>>
      %dma_wait3A_123 = tpu.memref_squeeze %dma_wait3A_122 : memref<1x80x128xf32, #tpu.memory_space<hbm>> -> memref<80x128xf32, #tpu.memory_space<hbm>>
      tpu.wait_dma2 semaphore(%run_scoped3A : memref<!tpu.dma_semaphore, #tpu.memory_space<semaphore_mem>>) src(%arg13 : memref<80x128xf32, #tpu.memory_space<vmem>>) dst(%dma_wait3A_123 : memref<80x128xf32, #tpu.memory_space<hbm>>)
      tpu.yield
    }) : () -> ()
    %add3A_108 = arith.constant 560 : i32
    %add3A_109 = arith.addi %mul3A_2, %add3A_108 : i32
    "tpu.region"() ({
      %run_scoped3A = tpu.sem_alloc : memref<!tpu.dma_semaphore, #tpu.memory_space<semaphore_mem>>
      %dma_start3A_112 = arith.constant 0 : i32
      %dma_start3A_113 = tpu.memref_slice %arg15[%add3A_109, %dma_start3A_112] : memref<10240x128xf32, #tpu.memory_space<vmem_shared>> -> memref<80x128xf32, #tpu.memory_space<vmem_shared>>
      %dma_start3A_114 = arith.constant 0 : i32
      %dma_start3A_115 = tpu.memref_slice %arg15[%add3A_109, %dma_start3A_114] : memref<10240x128xf32, #tpu.memory_space<vmem_shared>> -> memref<80x128xf32, #tpu.memory_space<vmem_shared>>
      tpu.enqueue_dma source(%dma_start3A_115 : memref<80x128xf32, #tpu.memory_space<vmem_shared>>) target(%arg13 : memref<80x128xf32, #tpu.memory_space<vmem>>) target_semaphore(%run_scoped3A : memref<!tpu.dma_semaphore, #tpu.memory_space<semaphore_mem>>)
      %dma_wait3A_116 = arith.constant 0 : i32
      %dma_wait3A_117 = tpu.memref_slice %arg15[%add3A_109, %dma_wait3A_116] : memref<10240x128xf32, #tpu.memory_space<vmem_shared>> -> memref<80x128xf32, #tpu.memory_space<vmem_shared>>
      %dma_wait3A_118 = arith.constant 0 : i32
      %dma_wait3A_119 = tpu.memref_slice %arg15[%add3A_109, %dma_wait3A_118] : memref<10240x128xf32, #tpu.memory_space<vmem_shared>> -> memref<80x128xf32, #tpu.memory_space<vmem_shared>>
      tpu.wait_dma2 semaphore(%run_scoped3A : memref<!tpu.dma_semaphore, #tpu.memory_space<semaphore_mem>>) src(%dma_wait3A_119 : memref<80x128xf32, #tpu.memory_space<vmem_shared>>) dst(%arg13 : memref<80x128xf32, #tpu.memory_space<vmem>>)
      tpu.yield
    }) : () -> ()
    %add3A_110 = arith.constant 560 : i32
    %add3A_111 = arith.addi %mul3A_2, %add3A_110 : i32
    "tpu.region"() ({
      %run_scoped3A = tpu.sem_alloc : memref<!tpu.dma_semaphore, #tpu.memory_space<semaphore_mem>>
      %dma_start3A_112 = arith.constant 0 : i32
      %dma_start3A_113 = tpu.memref_slice %arg7[%arg0, %add3A_111, %dma_start3A_112] : memref<2x10240x128xf32, #tpu.memory_space<hbm>> -> memref<1x80x128xf32, #tpu.memory_space<hbm>>
      %dma_start3A_114 = tpu.memref_squeeze %dma_start3A_113 : memref<1x80x128xf32, #tpu.memory_space<hbm>> -> memref<80x128xf32, #tpu.memory_space<hbm>>
      %dma_start3A_115 = arith.constant 0 : i32
      %dma_start3A_116 = tpu.memref_slice %arg7[%arg0, %add3A_111, %dma_start3A_115] : memref<2x10240x128xf32, #tpu.memory_space<hbm>> -> memref<1x80x128xf32, #tpu.memory_space<hbm>>
      %dma_start3A_117 = tpu.memref_squeeze %dma_start3A_116 : memref<1x80x128xf32, #tpu.memory_space<hbm>> -> memref<80x128xf32, #tpu.memory_space<hbm>>
      tpu.enqueue_dma source(%arg13 : memref<80x128xf32, #tpu.memory_space<vmem>>) target(%dma_start3A_117 : memref<80x128xf32, #tpu.memory_space<hbm>>) target_semaphore(%run_scoped3A : memref<!tpu.dma_semaphore, #tpu.memory_space<semaphore_mem>>)
      %dma_wait3A_118 = arith.constant 0 : i32
      %dma_wait3A_119 = tpu.memref_slice %arg7[%arg0, %add3A_111, %dma_wait3A_118] : memref<2x10240x128xf32, #tpu.memory_space<hbm>> -> memref<1x80x128xf32, #tpu.memory_space<hbm>>
      %dma_wait3A_120 = tpu.memref_squeeze %dma_wait3A_119 : memref<1x80x128xf32, #tpu.memory_space<hbm>> -> memref<80x128xf32, #tpu.memory_space<hbm>>
      %dma_wait3A_121 = arith.constant 0 : i32
      %dma_wait3A_122 = tpu.memref_slice %arg7[%arg0, %add3A_111, %dma_wait3A_121] : memref<2x10240x128xf32, #tpu.memory_space<hbm>> -> memref<1x80x128xf32, #tpu.memory_space<hbm>>
      %dma_wait3A_123 = tpu.memref_squeeze %dma_wait3A_122 : memref<1x80x128xf32, #tpu.memory_space<hbm>> -> memref<80x128xf32, #tpu.memory_space<hbm>>
      tpu.wait_dma2 semaphore(%run_scoped3A : memref<!tpu.dma_semaphore, #tpu.memory_space<semaphore_mem>>) src(%arg13 : memref<80x128xf32, #tpu.memory_space<vmem>>) dst(%dma_wait3A_123 : memref<80x128xf32, #tpu.memory_space<hbm>>)
      tpu.yield
    }) : () -> ()
    "tpu.region"() ({
      %run_scoped3A = tpu.sem_alloc : memref<!tpu.dma_semaphore, #tpu.memory_space<semaphore_mem>>
      %dma_start3A_112 = arith.constant 0 : i32
      %dma_start3A_113 = tpu.memref_slice %arg8[%arg0, %arg1, %dma_start3A_112] : memref<2x16x10240xf32, #tpu.memory_space<hbm>> -> memref<1x1x10240xf32, #tpu.memory_space<hbm>>
      %dma_start3A_114 = tpu.memref_squeeze %dma_start3A_113 : memref<1x1x10240xf32, #tpu.memory_space<hbm>> -> memref<10240xf32, #tpu.memory_space<hbm>>
      %dma_start3A_115 = arith.constant 0 : i32
      %dma_start3A_116 = tpu.memref_slice %arg8[%arg0, %arg1, %dma_start3A_115] : memref<2x16x10240xf32, #tpu.memory_space<hbm>> -> memref<1x1x10240xf32, #tpu.memory_space<hbm>>
      %dma_start3A_117 = tpu.memref_squeeze %dma_start3A_116 : memref<1x1x10240xf32, #tpu.memory_space<hbm>> -> memref<10240xf32, #tpu.memory_space<hbm>>
      tpu.enqueue_dma source(%arg18 : memref<10240xf32, #tpu.memory_space<vmem>>) target(%dma_start3A_117 : memref<10240xf32, #tpu.memory_space<hbm>>) target_semaphore(%run_scoped3A : memref<!tpu.dma_semaphore, #tpu.memory_space<semaphore_mem>>)
      %dma_wait3A_118 = arith.constant 0 : i32
      %dma_wait3A_119 = tpu.memref_slice %arg8[%arg0, %arg1, %dma_wait3A_118] : memref<2x16x10240xf32, #tpu.memory_space<hbm>> -> memref<1x1x10240xf32, #tpu.memory_space<hbm>>
      %dma_wait3A_120 = tpu.memref_squeeze %dma_wait3A_119 : memref<1x1x10240xf32, #tpu.memory_space<hbm>> -> memref<10240xf32, #tpu.memory_space<hbm>>
      %dma_wait3A_121 = arith.constant 0 : i32
      %dma_wait3A_122 = tpu.memref_slice %arg8[%arg0, %arg1, %dma_wait3A_121] : memref<2x16x10240xf32, #tpu.memory_space<hbm>> -> memref<1x1x10240xf32, #tpu.memory_space<hbm>>
      %dma_wait3A_123 = tpu.memref_squeeze %dma_wait3A_122 : memref<1x1x10240xf32, #tpu.memory_space<hbm>> -> memref<10240xf32, #tpu.memory_space<hbm>>
      tpu.wait_dma2 semaphore(%run_scoped3A : memref<!tpu.dma_semaphore, #tpu.memory_space<semaphore_mem>>) src(%arg18 : memref<10240xf32, #tpu.memory_space<vmem>>) dst(%dma_wait3A_123 : memref<10240xf32, #tpu.memory_space<hbm>>)
      tpu.yield
    }) : () -> ()
    return
  }
}

#map = affine_map<(d0, d1) -> (0, 0)>
#map1 = affine_map<(d0, d1) -> (0)>
#map2 = affine_map<(d0, d1) -> (0, 0, 0)>
module attributes {stable_mosaic.version = 14 : i64} {
  func.func @body(%arg0: i32, %arg1: i32, %arg2: memref<10000x128xf32, #tpu.memory_space<hbm>>, %arg3: memref<320000xi32, #tpu.memory_space<hbm>>, %arg4: memref<320000xi32, #tpu.memory_space<hbm>>, %arg5: memref<10240x128xf32, #tpu.memory_space<hbm>>, %arg6: memref<2x10240x128xf32, #tpu.memory_space<hbm>>, %arg7: memref<80xi32, #tpu.memory_space<vmem>>, %arg8: memref<80xi32, #tpu.memory_space<vmem>>, %arg9: memref<80xi32, #tpu.memory_space<vmem>>, %arg10: memref<80xi32, #tpu.memory_space<vmem>>, %arg11: memref<80x128xf32, #tpu.memory_space<vmem>>, %arg12: memref<80x128xf32, #tpu.memory_space<vmem>>, %arg13: memref<10240x128xf32, #tpu.memory_space<vmem_shared>>, %arg14: memref<!tpu.dma_semaphore, #tpu.memory_space<semaphore_mem>>, %arg15: memref<!tpu.dma_semaphore, #tpu.memory_space<semaphore_mem>>) attributes {dimension_semantics = [#tpu.dimension_semantics<core_parallel>, #tpu.dimension_semantics<subcore_parallel>], iteration_bounds = array<i64: 2, 16>, scalar_prefetch = 0 : i64, scratch_operands = 9 : i64, tpu.core_type = #tpu.core_type<sc_vector_subcore>, window_params = [{transform_indices = #map}, {transform_indices = #map1}, {transform_indices = #map1}, {transform_indices = #map}, {transform_indices = #map2}]} {
    %mul3A = arith.constant 2 : i32
    %mul3A_0 = arith.muli %arg1, %mul3A : i32
    %add3A = arith.addi %mul3A_0, %arg0 : i32
    %mul3A_1 = arith.constant 640 : i32
    %mul3A_2 = arith.muli %arg1, %mul3A_1 : i32
    %mul3A_3 = arith.constant 10000 : i32
    %mul3A_4 = arith.muli %add3A, %mul3A_3 : i32
    %add3A_5 = arith.constant 0 : i32
    %add3A_6 = arith.addi %mul3A_2, %add3A_5 : i32
    "tpu.region"() ({
      %run_scoped3A = tpu.sem_alloc : memref<!tpu.dma_semaphore, #tpu.memory_space<semaphore_mem>>
      %dma_start3A_81 = arith.constant 0 : i32
      %dma_start3A_82 = tpu.memref_slice %arg5[%add3A_6, %dma_start3A_81] : memref<10240x128xf32, #tpu.memory_space<hbm>> -> memref<80x128xf32, #tpu.memory_space<hbm>>
      %dma_start3A_83 = arith.constant 0 : i32
      %dma_start3A_84 = tpu.memref_slice %arg5[%add3A_6, %dma_start3A_83] : memref<10240x128xf32, #tpu.memory_space<hbm>> -> memref<80x128xf32, #tpu.memory_space<hbm>>
      tpu.enqueue_dma source(%dma_start3A_84 : memref<80x128xf32, #tpu.memory_space<hbm>>) target(%arg11 : memref<80x128xf32, #tpu.memory_space<vmem>>) target_semaphore(%run_scoped3A : memref<!tpu.dma_semaphore, #tpu.memory_space<semaphore_mem>>)
      %dma_wait3A_85 = arith.constant 0 : i32
      %dma_wait3A_86 = tpu.memref_slice %arg5[%add3A_6, %dma_wait3A_85] : memref<10240x128xf32, #tpu.memory_space<hbm>> -> memref<80x128xf32, #tpu.memory_space<hbm>>
      %dma_wait3A_87 = arith.constant 0 : i32
      %dma_wait3A_88 = tpu.memref_slice %arg5[%add3A_6, %dma_wait3A_87] : memref<10240x128xf32, #tpu.memory_space<hbm>> -> memref<80x128xf32, #tpu.memory_space<hbm>>
      tpu.wait_dma2 semaphore(%run_scoped3A : memref<!tpu.dma_semaphore, #tpu.memory_space<semaphore_mem>>) src(%dma_wait3A_88 : memref<80x128xf32, #tpu.memory_space<hbm>>) dst(%arg11 : memref<80x128xf32, #tpu.memory_space<vmem>>)
      tpu.yield
    }) : () -> ()
    %add3A_7 = arith.constant 0 : i32
    %add3A_8 = arith.addi %mul3A_2, %add3A_7 : i32
    "tpu.region"() ({
      %run_scoped3A = tpu.sem_alloc : memref<!tpu.dma_semaphore, #tpu.memory_space<semaphore_mem>>
      %dma_start3A_81 = arith.constant 0 : i32
      %dma_start3A_82 = tpu.memref_slice %arg13[%add3A_8, %dma_start3A_81] : memref<10240x128xf32, #tpu.memory_space<vmem_shared>> -> memref<80x128xf32, #tpu.memory_space<vmem_shared>>
      %dma_start3A_83 = arith.constant 0 : i32
      %dma_start3A_84 = tpu.memref_slice %arg13[%add3A_8, %dma_start3A_83] : memref<10240x128xf32, #tpu.memory_space<vmem_shared>> -> memref<80x128xf32, #tpu.memory_space<vmem_shared>>
      tpu.enqueue_dma source(%arg11 : memref<80x128xf32, #tpu.memory_space<vmem>>) target(%dma_start3A_84 : memref<80x128xf32, #tpu.memory_space<vmem_shared>>) target_semaphore(%run_scoped3A : memref<!tpu.dma_semaphore, #tpu.memory_space<semaphore_mem>>)
      %dma_wait3A_85 = arith.constant 0 : i32
      %dma_wait3A_86 = tpu.memref_slice %arg13[%add3A_8, %dma_wait3A_85] : memref<10240x128xf32, #tpu.memory_space<vmem_shared>> -> memref<80x128xf32, #tpu.memory_space<vmem_shared>>
      %dma_wait3A_87 = arith.constant 0 : i32
      %dma_wait3A_88 = tpu.memref_slice %arg13[%add3A_8, %dma_wait3A_87] : memref<10240x128xf32, #tpu.memory_space<vmem_shared>> -> memref<80x128xf32, #tpu.memory_space<vmem_shared>>
      tpu.wait_dma2 semaphore(%run_scoped3A : memref<!tpu.dma_semaphore, #tpu.memory_space<semaphore_mem>>) src(%arg11 : memref<80x128xf32, #tpu.memory_space<vmem>>) dst(%dma_wait3A_88 : memref<80x128xf32, #tpu.memory_space<vmem_shared>>)
      tpu.yield
    }) : () -> ()
    %add3A_9 = arith.constant 80 : i32
    %add3A_10 = arith.addi %mul3A_2, %add3A_9 : i32
    "tpu.region"() ({
      %run_scoped3A = tpu.sem_alloc : memref<!tpu.dma_semaphore, #tpu.memory_space<semaphore_mem>>
      %dma_start3A_81 = arith.constant 0 : i32
      %dma_start3A_82 = tpu.memref_slice %arg5[%add3A_10, %dma_start3A_81] : memref<10240x128xf32, #tpu.memory_space<hbm>> -> memref<80x128xf32, #tpu.memory_space<hbm>>
      %dma_start3A_83 = arith.constant 0 : i32
      %dma_start3A_84 = tpu.memref_slice %arg5[%add3A_10, %dma_start3A_83] : memref<10240x128xf32, #tpu.memory_space<hbm>> -> memref<80x128xf32, #tpu.memory_space<hbm>>
      tpu.enqueue_dma source(%dma_start3A_84 : memref<80x128xf32, #tpu.memory_space<hbm>>) target(%arg11 : memref<80x128xf32, #tpu.memory_space<vmem>>) target_semaphore(%run_scoped3A : memref<!tpu.dma_semaphore, #tpu.memory_space<semaphore_mem>>)
      %dma_wait3A_85 = arith.constant 0 : i32
      %dma_wait3A_86 = tpu.memref_slice %arg5[%add3A_10, %dma_wait3A_85] : memref<10240x128xf32, #tpu.memory_space<hbm>> -> memref<80x128xf32, #tpu.memory_space<hbm>>
      %dma_wait3A_87 = arith.constant 0 : i32
      %dma_wait3A_88 = tpu.memref_slice %arg5[%add3A_10, %dma_wait3A_87] : memref<10240x128xf32, #tpu.memory_space<hbm>> -> memref<80x128xf32, #tpu.memory_space<hbm>>
      tpu.wait_dma2 semaphore(%run_scoped3A : memref<!tpu.dma_semaphore, #tpu.memory_space<semaphore_mem>>) src(%dma_wait3A_88 : memref<80x128xf32, #tpu.memory_space<hbm>>) dst(%arg11 : memref<80x128xf32, #tpu.memory_space<vmem>>)
      tpu.yield
    }) : () -> ()
    %add3A_11 = arith.constant 80 : i32
    %add3A_12 = arith.addi %mul3A_2, %add3A_11 : i32
    "tpu.region"() ({
      %run_scoped3A = tpu.sem_alloc : memref<!tpu.dma_semaphore, #tpu.memory_space<semaphore_mem>>
      %dma_start3A_81 = arith.constant 0 : i32
      %dma_start3A_82 = tpu.memref_slice %arg13[%add3A_12, %dma_start3A_81] : memref<10240x128xf32, #tpu.memory_space<vmem_shared>> -> memref<80x128xf32, #tpu.memory_space<vmem_shared>>
      %dma_start3A_83 = arith.constant 0 : i32
      %dma_start3A_84 = tpu.memref_slice %arg13[%add3A_12, %dma_start3A_83] : memref<10240x128xf32, #tpu.memory_space<vmem_shared>> -> memref<80x128xf32, #tpu.memory_space<vmem_shared>>
      tpu.enqueue_dma source(%arg11 : memref<80x128xf32, #tpu.memory_space<vmem>>) target(%dma_start3A_84 : memref<80x128xf32, #tpu.memory_space<vmem_shared>>) target_semaphore(%run_scoped3A : memref<!tpu.dma_semaphore, #tpu.memory_space<semaphore_mem>>)
      %dma_wait3A_85 = arith.constant 0 : i32
      %dma_wait3A_86 = tpu.memref_slice %arg13[%add3A_12, %dma_wait3A_85] : memref<10240x128xf32, #tpu.memory_space<vmem_shared>> -> memref<80x128xf32, #tpu.memory_space<vmem_shared>>
      %dma_wait3A_87 = arith.constant 0 : i32
      %dma_wait3A_88 = tpu.memref_slice %arg13[%add3A_12, %dma_wait3A_87] : memref<10240x128xf32, #tpu.memory_space<vmem_shared>> -> memref<80x128xf32, #tpu.memory_space<vmem_shared>>
      tpu.wait_dma2 semaphore(%run_scoped3A : memref<!tpu.dma_semaphore, #tpu.memory_space<semaphore_mem>>) src(%arg11 : memref<80x128xf32, #tpu.memory_space<vmem>>) dst(%dma_wait3A_88 : memref<80x128xf32, #tpu.memory_space<vmem_shared>>)
      tpu.yield
    }) : () -> ()
    %add3A_13 = arith.constant 160 : i32
    %add3A_14 = arith.addi %mul3A_2, %add3A_13 : i32
    "tpu.region"() ({
      %run_scoped3A = tpu.sem_alloc : memref<!tpu.dma_semaphore, #tpu.memory_space<semaphore_mem>>
      %dma_start3A_81 = arith.constant 0 : i32
      %dma_start3A_82 = tpu.memref_slice %arg5[%add3A_14, %dma_start3A_81] : memref<10240x128xf32, #tpu.memory_space<hbm>> -> memref<80x128xf32, #tpu.memory_space<hbm>>
      %dma_start3A_83 = arith.constant 0 : i32
      %dma_start3A_84 = tpu.memref_slice %arg5[%add3A_14, %dma_start3A_83] : memref<10240x128xf32, #tpu.memory_space<hbm>> -> memref<80x128xf32, #tpu.memory_space<hbm>>
      tpu.enqueue_dma source(%dma_start3A_84 : memref<80x128xf32, #tpu.memory_space<hbm>>) target(%arg11 : memref<80x128xf32, #tpu.memory_space<vmem>>) target_semaphore(%run_scoped3A : memref<!tpu.dma_semaphore, #tpu.memory_space<semaphore_mem>>)
      %dma_wait3A_85 = arith.constant 0 : i32
      %dma_wait3A_86 = tpu.memref_slice %arg5[%add3A_14, %dma_wait3A_85] : memref<10240x128xf32, #tpu.memory_space<hbm>> -> memref<80x128xf32, #tpu.memory_space<hbm>>
      %dma_wait3A_87 = arith.constant 0 : i32
      %dma_wait3A_88 = tpu.memref_slice %arg5[%add3A_14, %dma_wait3A_87] : memref<10240x128xf32, #tpu.memory_space<hbm>> -> memref<80x128xf32, #tpu.memory_space<hbm>>
      tpu.wait_dma2 semaphore(%run_scoped3A : memref<!tpu.dma_semaphore, #tpu.memory_space<semaphore_mem>>) src(%dma_wait3A_88 : memref<80x128xf32, #tpu.memory_space<hbm>>) dst(%arg11 : memref<80x128xf32, #tpu.memory_space<vmem>>)
      tpu.yield
    }) : () -> ()
    %add3A_15 = arith.constant 160 : i32
    %add3A_16 = arith.addi %mul3A_2, %add3A_15 : i32
    "tpu.region"() ({
      %run_scoped3A = tpu.sem_alloc : memref<!tpu.dma_semaphore, #tpu.memory_space<semaphore_mem>>
      %dma_start3A_81 = arith.constant 0 : i32
      %dma_start3A_82 = tpu.memref_slice %arg13[%add3A_16, %dma_start3A_81] : memref<10240x128xf32, #tpu.memory_space<vmem_shared>> -> memref<80x128xf32, #tpu.memory_space<vmem_shared>>
      %dma_start3A_83 = arith.constant 0 : i32
      %dma_start3A_84 = tpu.memref_slice %arg13[%add3A_16, %dma_start3A_83] : memref<10240x128xf32, #tpu.memory_space<vmem_shared>> -> memref<80x128xf32, #tpu.memory_space<vmem_shared>>
      tpu.enqueue_dma source(%arg11 : memref<80x128xf32, #tpu.memory_space<vmem>>) target(%dma_start3A_84 : memref<80x128xf32, #tpu.memory_space<vmem_shared>>) target_semaphore(%run_scoped3A : memref<!tpu.dma_semaphore, #tpu.memory_space<semaphore_mem>>)
      %dma_wait3A_85 = arith.constant 0 : i32
      %dma_wait3A_86 = tpu.memref_slice %arg13[%add3A_16, %dma_wait3A_85] : memref<10240x128xf32, #tpu.memory_space<vmem_shared>> -> memref<80x128xf32, #tpu.memory_space<vmem_shared>>
      %dma_wait3A_87 = arith.constant 0 : i32
      %dma_wait3A_88 = tpu.memref_slice %arg13[%add3A_16, %dma_wait3A_87] : memref<10240x128xf32, #tpu.memory_space<vmem_shared>> -> memref<80x128xf32, #tpu.memory_space<vmem_shared>>
      tpu.wait_dma2 semaphore(%run_scoped3A : memref<!tpu.dma_semaphore, #tpu.memory_space<semaphore_mem>>) src(%arg11 : memref<80x128xf32, #tpu.memory_space<vmem>>) dst(%dma_wait3A_88 : memref<80x128xf32, #tpu.memory_space<vmem_shared>>)
      tpu.yield
    }) : () -> ()
    %add3A_17 = arith.constant 240 : i32
    %add3A_18 = arith.addi %mul3A_2, %add3A_17 : i32
    "tpu.region"() ({
      %run_scoped3A = tpu.sem_alloc : memref<!tpu.dma_semaphore, #tpu.memory_space<semaphore_mem>>
      %dma_start3A_81 = arith.constant 0 : i32
      %dma_start3A_82 = tpu.memref_slice %arg5[%add3A_18, %dma_start3A_81] : memref<10240x128xf32, #tpu.memory_space<hbm>> -> memref<80x128xf32, #tpu.memory_space<hbm>>
      %dma_start3A_83 = arith.constant 0 : i32
      %dma_start3A_84 = tpu.memref_slice %arg5[%add3A_18, %dma_start3A_83] : memref<10240x128xf32, #tpu.memory_space<hbm>> -> memref<80x128xf32, #tpu.memory_space<hbm>>
      tpu.enqueue_dma source(%dma_start3A_84 : memref<80x128xf32, #tpu.memory_space<hbm>>) target(%arg11 : memref<80x128xf32, #tpu.memory_space<vmem>>) target_semaphore(%run_scoped3A : memref<!tpu.dma_semaphore, #tpu.memory_space<semaphore_mem>>)
      %dma_wait3A_85 = arith.constant 0 : i32
      %dma_wait3A_86 = tpu.memref_slice %arg5[%add3A_18, %dma_wait3A_85] : memref<10240x128xf32, #tpu.memory_space<hbm>> -> memref<80x128xf32, #tpu.memory_space<hbm>>
      %dma_wait3A_87 = arith.constant 0 : i32
      %dma_wait3A_88 = tpu.memref_slice %arg5[%add3A_18, %dma_wait3A_87] : memref<10240x128xf32, #tpu.memory_space<hbm>> -> memref<80x128xf32, #tpu.memory_space<hbm>>
      tpu.wait_dma2 semaphore(%run_scoped3A : memref<!tpu.dma_semaphore, #tpu.memory_space<semaphore_mem>>) src(%dma_wait3A_88 : memref<80x128xf32, #tpu.memory_space<hbm>>) dst(%arg11 : memref<80x128xf32, #tpu.memory_space<vmem>>)
      tpu.yield
    }) : () -> ()
    %add3A_19 = arith.constant 240 : i32
    %add3A_20 = arith.addi %mul3A_2, %add3A_19 : i32
    "tpu.region"() ({
      %run_scoped3A = tpu.sem_alloc : memref<!tpu.dma_semaphore, #tpu.memory_space<semaphore_mem>>
      %dma_start3A_81 = arith.constant 0 : i32
      %dma_start3A_82 = tpu.memref_slice %arg13[%add3A_20, %dma_start3A_81] : memref<10240x128xf32, #tpu.memory_space<vmem_shared>> -> memref<80x128xf32, #tpu.memory_space<vmem_shared>>
      %dma_start3A_83 = arith.constant 0 : i32
      %dma_start3A_84 = tpu.memref_slice %arg13[%add3A_20, %dma_start3A_83] : memref<10240x128xf32, #tpu.memory_space<vmem_shared>> -> memref<80x128xf32, #tpu.memory_space<vmem_shared>>
      tpu.enqueue_dma source(%arg11 : memref<80x128xf32, #tpu.memory_space<vmem>>) target(%dma_start3A_84 : memref<80x128xf32, #tpu.memory_space<vmem_shared>>) target_semaphore(%run_scoped3A : memref<!tpu.dma_semaphore, #tpu.memory_space<semaphore_mem>>)
      %dma_wait3A_85 = arith.constant 0 : i32
      %dma_wait3A_86 = tpu.memref_slice %arg13[%add3A_20, %dma_wait3A_85] : memref<10240x128xf32, #tpu.memory_space<vmem_shared>> -> memref<80x128xf32, #tpu.memory_space<vmem_shared>>
      %dma_wait3A_87 = arith.constant 0 : i32
      %dma_wait3A_88 = tpu.memref_slice %arg13[%add3A_20, %dma_wait3A_87] : memref<10240x128xf32, #tpu.memory_space<vmem_shared>> -> memref<80x128xf32, #tpu.memory_space<vmem_shared>>
      tpu.wait_dma2 semaphore(%run_scoped3A : memref<!tpu.dma_semaphore, #tpu.memory_space<semaphore_mem>>) src(%arg11 : memref<80x128xf32, #tpu.memory_space<vmem>>) dst(%dma_wait3A_88 : memref<80x128xf32, #tpu.memory_space<vmem_shared>>)
      tpu.yield
    }) : () -> ()
    %add3A_21 = arith.constant 320 : i32
    %add3A_22 = arith.addi %mul3A_2, %add3A_21 : i32
    "tpu.region"() ({
      %run_scoped3A = tpu.sem_alloc : memref<!tpu.dma_semaphore, #tpu.memory_space<semaphore_mem>>
      %dma_start3A_81 = arith.constant 0 : i32
      %dma_start3A_82 = tpu.memref_slice %arg5[%add3A_22, %dma_start3A_81] : memref<10240x128xf32, #tpu.memory_space<hbm>> -> memref<80x128xf32, #tpu.memory_space<hbm>>
      %dma_start3A_83 = arith.constant 0 : i32
      %dma_start3A_84 = tpu.memref_slice %arg5[%add3A_22, %dma_start3A_83] : memref<10240x128xf32, #tpu.memory_space<hbm>> -> memref<80x128xf32, #tpu.memory_space<hbm>>
      tpu.enqueue_dma source(%dma_start3A_84 : memref<80x128xf32, #tpu.memory_space<hbm>>) target(%arg11 : memref<80x128xf32, #tpu.memory_space<vmem>>) target_semaphore(%run_scoped3A : memref<!tpu.dma_semaphore, #tpu.memory_space<semaphore_mem>>)
      %dma_wait3A_85 = arith.constant 0 : i32
      %dma_wait3A_86 = tpu.memref_slice %arg5[%add3A_22, %dma_wait3A_85] : memref<10240x128xf32, #tpu.memory_space<hbm>> -> memref<80x128xf32, #tpu.memory_space<hbm>>
      %dma_wait3A_87 = arith.constant 0 : i32
      %dma_wait3A_88 = tpu.memref_slice %arg5[%add3A_22, %dma_wait3A_87] : memref<10240x128xf32, #tpu.memory_space<hbm>> -> memref<80x128xf32, #tpu.memory_space<hbm>>
      tpu.wait_dma2 semaphore(%run_scoped3A : memref<!tpu.dma_semaphore, #tpu.memory_space<semaphore_mem>>) src(%dma_wait3A_88 : memref<80x128xf32, #tpu.memory_space<hbm>>) dst(%arg11 : memref<80x128xf32, #tpu.memory_space<vmem>>)
      tpu.yield
    }) : () -> ()
    %add3A_23 = arith.constant 320 : i32
    %add3A_24 = arith.addi %mul3A_2, %add3A_23 : i32
    "tpu.region"() ({
      %run_scoped3A = tpu.sem_alloc : memref<!tpu.dma_semaphore, #tpu.memory_space<semaphore_mem>>
      %dma_start3A_81 = arith.constant 0 : i32
      %dma_start3A_82 = tpu.memref_slice %arg13[%add3A_24, %dma_start3A_81] : memref<10240x128xf32, #tpu.memory_space<vmem_shared>> -> memref<80x128xf32, #tpu.memory_space<vmem_shared>>
      %dma_start3A_83 = arith.constant 0 : i32
      %dma_start3A_84 = tpu.memref_slice %arg13[%add3A_24, %dma_start3A_83] : memref<10240x128xf32, #tpu.memory_space<vmem_shared>> -> memref<80x128xf32, #tpu.memory_space<vmem_shared>>
      tpu.enqueue_dma source(%arg11 : memref<80x128xf32, #tpu.memory_space<vmem>>) target(%dma_start3A_84 : memref<80x128xf32, #tpu.memory_space<vmem_shared>>) target_semaphore(%run_scoped3A : memref<!tpu.dma_semaphore, #tpu.memory_space<semaphore_mem>>)
      %dma_wait3A_85 = arith.constant 0 : i32
      %dma_wait3A_86 = tpu.memref_slice %arg13[%add3A_24, %dma_wait3A_85] : memref<10240x128xf32, #tpu.memory_space<vmem_shared>> -> memref<80x128xf32, #tpu.memory_space<vmem_shared>>
      %dma_wait3A_87 = arith.constant 0 : i32
      %dma_wait3A_88 = tpu.memref_slice %arg13[%add3A_24, %dma_wait3A_87] : memref<10240x128xf32, #tpu.memory_space<vmem_shared>> -> memref<80x128xf32, #tpu.memory_space<vmem_shared>>
      tpu.wait_dma2 semaphore(%run_scoped3A : memref<!tpu.dma_semaphore, #tpu.memory_space<semaphore_mem>>) src(%arg11 : memref<80x128xf32, #tpu.memory_space<vmem>>) dst(%dma_wait3A_88 : memref<80x128xf32, #tpu.memory_space<vmem_shared>>)
      tpu.yield
    }) : () -> ()
    %add3A_25 = arith.constant 400 : i32
    %add3A_26 = arith.addi %mul3A_2, %add3A_25 : i32
    "tpu.region"() ({
      %run_scoped3A = tpu.sem_alloc : memref<!tpu.dma_semaphore, #tpu.memory_space<semaphore_mem>>
      %dma_start3A_81 = arith.constant 0 : i32
      %dma_start3A_82 = tpu.memref_slice %arg5[%add3A_26, %dma_start3A_81] : memref<10240x128xf32, #tpu.memory_space<hbm>> -> memref<80x128xf32, #tpu.memory_space<hbm>>
      %dma_start3A_83 = arith.constant 0 : i32
      %dma_start3A_84 = tpu.memref_slice %arg5[%add3A_26, %dma_start3A_83] : memref<10240x128xf32, #tpu.memory_space<hbm>> -> memref<80x128xf32, #tpu.memory_space<hbm>>
      tpu.enqueue_dma source(%dma_start3A_84 : memref<80x128xf32, #tpu.memory_space<hbm>>) target(%arg11 : memref<80x128xf32, #tpu.memory_space<vmem>>) target_semaphore(%run_scoped3A : memref<!tpu.dma_semaphore, #tpu.memory_space<semaphore_mem>>)
      %dma_wait3A_85 = arith.constant 0 : i32
      %dma_wait3A_86 = tpu.memref_slice %arg5[%add3A_26, %dma_wait3A_85] : memref<10240x128xf32, #tpu.memory_space<hbm>> -> memref<80x128xf32, #tpu.memory_space<hbm>>
      %dma_wait3A_87 = arith.constant 0 : i32
      %dma_wait3A_88 = tpu.memref_slice %arg5[%add3A_26, %dma_wait3A_87] : memref<10240x128xf32, #tpu.memory_space<hbm>> -> memref<80x128xf32, #tpu.memory_space<hbm>>
      tpu.wait_dma2 semaphore(%run_scoped3A : memref<!tpu.dma_semaphore, #tpu.memory_space<semaphore_mem>>) src(%dma_wait3A_88 : memref<80x128xf32, #tpu.memory_space<hbm>>) dst(%arg11 : memref<80x128xf32, #tpu.memory_space<vmem>>)
      tpu.yield
    }) : () -> ()
    %add3A_27 = arith.constant 400 : i32
    %add3A_28 = arith.addi %mul3A_2, %add3A_27 : i32
    "tpu.region"() ({
      %run_scoped3A = tpu.sem_alloc : memref<!tpu.dma_semaphore, #tpu.memory_space<semaphore_mem>>
      %dma_start3A_81 = arith.constant 0 : i32
      %dma_start3A_82 = tpu.memref_slice %arg13[%add3A_28, %dma_start3A_81] : memref<10240x128xf32, #tpu.memory_space<vmem_shared>> -> memref<80x128xf32, #tpu.memory_space<vmem_shared>>
      %dma_start3A_83 = arith.constant 0 : i32
      %dma_start3A_84 = tpu.memref_slice %arg13[%add3A_28, %dma_start3A_83] : memref<10240x128xf32, #tpu.memory_space<vmem_shared>> -> memref<80x128xf32, #tpu.memory_space<vmem_shared>>
      tpu.enqueue_dma source(%arg11 : memref<80x128xf32, #tpu.memory_space<vmem>>) target(%dma_start3A_84 : memref<80x128xf32, #tpu.memory_space<vmem_shared>>) target_semaphore(%run_scoped3A : memref<!tpu.dma_semaphore, #tpu.memory_space<semaphore_mem>>)
      %dma_wait3A_85 = arith.constant 0 : i32
      %dma_wait3A_86 = tpu.memref_slice %arg13[%add3A_28, %dma_wait3A_85] : memref<10240x128xf32, #tpu.memory_space<vmem_shared>> -> memref<80x128xf32, #tpu.memory_space<vmem_shared>>
      %dma_wait3A_87 = arith.constant 0 : i32
      %dma_wait3A_88 = tpu.memref_slice %arg13[%add3A_28, %dma_wait3A_87] : memref<10240x128xf32, #tpu.memory_space<vmem_shared>> -> memref<80x128xf32, #tpu.memory_space<vmem_shared>>
      tpu.wait_dma2 semaphore(%run_scoped3A : memref<!tpu.dma_semaphore, #tpu.memory_space<semaphore_mem>>) src(%arg11 : memref<80x128xf32, #tpu.memory_space<vmem>>) dst(%dma_wait3A_88 : memref<80x128xf32, #tpu.memory_space<vmem_shared>>)
      tpu.yield
    }) : () -> ()
    %add3A_29 = arith.constant 480 : i32
    %add3A_30 = arith.addi %mul3A_2, %add3A_29 : i32
    "tpu.region"() ({
      %run_scoped3A = tpu.sem_alloc : memref<!tpu.dma_semaphore, #tpu.memory_space<semaphore_mem>>
      %dma_start3A_81 = arith.constant 0 : i32
      %dma_start3A_82 = tpu.memref_slice %arg5[%add3A_30, %dma_start3A_81] : memref<10240x128xf32, #tpu.memory_space<hbm>> -> memref<80x128xf32, #tpu.memory_space<hbm>>
      %dma_start3A_83 = arith.constant 0 : i32
      %dma_start3A_84 = tpu.memref_slice %arg5[%add3A_30, %dma_start3A_83] : memref<10240x128xf32, #tpu.memory_space<hbm>> -> memref<80x128xf32, #tpu.memory_space<hbm>>
      tpu.enqueue_dma source(%dma_start3A_84 : memref<80x128xf32, #tpu.memory_space<hbm>>) target(%arg11 : memref<80x128xf32, #tpu.memory_space<vmem>>) target_semaphore(%run_scoped3A : memref<!tpu.dma_semaphore, #tpu.memory_space<semaphore_mem>>)
      %dma_wait3A_85 = arith.constant 0 : i32
      %dma_wait3A_86 = tpu.memref_slice %arg5[%add3A_30, %dma_wait3A_85] : memref<10240x128xf32, #tpu.memory_space<hbm>> -> memref<80x128xf32, #tpu.memory_space<hbm>>
      %dma_wait3A_87 = arith.constant 0 : i32
      %dma_wait3A_88 = tpu.memref_slice %arg5[%add3A_30, %dma_wait3A_87] : memref<10240x128xf32, #tpu.memory_space<hbm>> -> memref<80x128xf32, #tpu.memory_space<hbm>>
      tpu.wait_dma2 semaphore(%run_scoped3A : memref<!tpu.dma_semaphore, #tpu.memory_space<semaphore_mem>>) src(%dma_wait3A_88 : memref<80x128xf32, #tpu.memory_space<hbm>>) dst(%arg11 : memref<80x128xf32, #tpu.memory_space<vmem>>)
      tpu.yield
    }) : () -> ()
    %add3A_31 = arith.constant 480 : i32
    %add3A_32 = arith.addi %mul3A_2, %add3A_31 : i32
    "tpu.region"() ({
      %run_scoped3A = tpu.sem_alloc : memref<!tpu.dma_semaphore, #tpu.memory_space<semaphore_mem>>
      %dma_start3A_81 = arith.constant 0 : i32
      %dma_start3A_82 = tpu.memref_slice %arg13[%add3A_32, %dma_start3A_81] : memref<10240x128xf32, #tpu.memory_space<vmem_shared>> -> memref<80x128xf32, #tpu.memory_space<vmem_shared>>
      %dma_start3A_83 = arith.constant 0 : i32
      %dma_start3A_84 = tpu.memref_slice %arg13[%add3A_32, %dma_start3A_83] : memref<10240x128xf32, #tpu.memory_space<vmem_shared>> -> memref<80x128xf32, #tpu.memory_space<vmem_shared>>
      tpu.enqueue_dma source(%arg11 : memref<80x128xf32, #tpu.memory_space<vmem>>) target(%dma_start3A_84 : memref<80x128xf32, #tpu.memory_space<vmem_shared>>) target_semaphore(%run_scoped3A : memref<!tpu.dma_semaphore, #tpu.memory_space<semaphore_mem>>)
      %dma_wait3A_85 = arith.constant 0 : i32
      %dma_wait3A_86 = tpu.memref_slice %arg13[%add3A_32, %dma_wait3A_85] : memref<10240x128xf32, #tpu.memory_space<vmem_shared>> -> memref<80x128xf32, #tpu.memory_space<vmem_shared>>
      %dma_wait3A_87 = arith.constant 0 : i32
      %dma_wait3A_88 = tpu.memref_slice %arg13[%add3A_32, %dma_wait3A_87] : memref<10240x128xf32, #tpu.memory_space<vmem_shared>> -> memref<80x128xf32, #tpu.memory_space<vmem_shared>>
      tpu.wait_dma2 semaphore(%run_scoped3A : memref<!tpu.dma_semaphore, #tpu.memory_space<semaphore_mem>>) src(%arg11 : memref<80x128xf32, #tpu.memory_space<vmem>>) dst(%dma_wait3A_88 : memref<80x128xf32, #tpu.memory_space<vmem_shared>>)
      tpu.yield
    }) : () -> ()
    %add3A_33 = arith.constant 560 : i32
    %add3A_34 = arith.addi %mul3A_2, %add3A_33 : i32
    "tpu.region"() ({
      %run_scoped3A = tpu.sem_alloc : memref<!tpu.dma_semaphore, #tpu.memory_space<semaphore_mem>>
      %dma_start3A_81 = arith.constant 0 : i32
      %dma_start3A_82 = tpu.memref_slice %arg5[%add3A_34, %dma_start3A_81] : memref<10240x128xf32, #tpu.memory_space<hbm>> -> memref<80x128xf32, #tpu.memory_space<hbm>>
      %dma_start3A_83 = arith.constant 0 : i32
      %dma_start3A_84 = tpu.memref_slice %arg5[%add3A_34, %dma_start3A_83] : memref<10240x128xf32, #tpu.memory_space<hbm>> -> memref<80x128xf32, #tpu.memory_space<hbm>>
      tpu.enqueue_dma source(%dma_start3A_84 : memref<80x128xf32, #tpu.memory_space<hbm>>) target(%arg11 : memref<80x128xf32, #tpu.memory_space<vmem>>) target_semaphore(%run_scoped3A : memref<!tpu.dma_semaphore, #tpu.memory_space<semaphore_mem>>)
      %dma_wait3A_85 = arith.constant 0 : i32
      %dma_wait3A_86 = tpu.memref_slice %arg5[%add3A_34, %dma_wait3A_85] : memref<10240x128xf32, #tpu.memory_space<hbm>> -> memref<80x128xf32, #tpu.memory_space<hbm>>
      %dma_wait3A_87 = arith.constant 0 : i32
      %dma_wait3A_88 = tpu.memref_slice %arg5[%add3A_34, %dma_wait3A_87] : memref<10240x128xf32, #tpu.memory_space<hbm>> -> memref<80x128xf32, #tpu.memory_space<hbm>>
      tpu.wait_dma2 semaphore(%run_scoped3A : memref<!tpu.dma_semaphore, #tpu.memory_space<semaphore_mem>>) src(%dma_wait3A_88 : memref<80x128xf32, #tpu.memory_space<hbm>>) dst(%arg11 : memref<80x128xf32, #tpu.memory_space<vmem>>)
      tpu.yield
    }) : () -> ()
    %add3A_35 = arith.constant 560 : i32
    %add3A_36 = arith.addi %mul3A_2, %add3A_35 : i32
    "tpu.region"() ({
      %run_scoped3A = tpu.sem_alloc : memref<!tpu.dma_semaphore, #tpu.memory_space<semaphore_mem>>
      %dma_start3A_81 = arith.constant 0 : i32
      %dma_start3A_82 = tpu.memref_slice %arg13[%add3A_36, %dma_start3A_81] : memref<10240x128xf32, #tpu.memory_space<vmem_shared>> -> memref<80x128xf32, #tpu.memory_space<vmem_shared>>
      %dma_start3A_83 = arith.constant 0 : i32
      %dma_start3A_84 = tpu.memref_slice %arg13[%add3A_36, %dma_start3A_83] : memref<10240x128xf32, #tpu.memory_space<vmem_shared>> -> memref<80x128xf32, #tpu.memory_space<vmem_shared>>
      tpu.enqueue_dma source(%arg11 : memref<80x128xf32, #tpu.memory_space<vmem>>) target(%dma_start3A_84 : memref<80x128xf32, #tpu.memory_space<vmem_shared>>) target_semaphore(%run_scoped3A : memref<!tpu.dma_semaphore, #tpu.memory_space<semaphore_mem>>)
      %dma_wait3A_85 = arith.constant 0 : i32
      %dma_wait3A_86 = tpu.memref_slice %arg13[%add3A_36, %dma_wait3A_85] : memref<10240x128xf32, #tpu.memory_space<vmem_shared>> -> memref<80x128xf32, #tpu.memory_space<vmem_shared>>
      %dma_wait3A_87 = arith.constant 0 : i32
      %dma_wait3A_88 = tpu.memref_slice %arg13[%add3A_36, %dma_wait3A_87] : memref<10240x128xf32, #tpu.memory_space<vmem_shared>> -> memref<80x128xf32, #tpu.memory_space<vmem_shared>>
      tpu.wait_dma2 semaphore(%run_scoped3A : memref<!tpu.dma_semaphore, #tpu.memory_space<semaphore_mem>>) src(%arg11 : memref<80x128xf32, #tpu.memory_space<vmem>>) dst(%dma_wait3A_88 : memref<80x128xf32, #tpu.memory_space<vmem_shared>>)
      tpu.yield
    }) : () -> ()
    %barrier3A = arith.constant 0 : index
    tpu.barrier barrier_id(%barrier3A)
    "tpu.region"() ({
      %run_scoped3A = tpu.sem_alloc : memref<!tpu.dma_semaphore, #tpu.memory_space<semaphore_mem>>
      %dma_start3A_81 = tpu.memref_slice %arg3[%mul3A_4] : memref<320000xi32, #tpu.memory_space<hbm>> -> memref<80xi32, #tpu.memory_space<hbm>>
      %dma_start3A_82 = tpu.memref_slice %arg3[%mul3A_4] : memref<320000xi32, #tpu.memory_space<hbm>> -> memref<80xi32, #tpu.memory_space<hbm>>
      tpu.enqueue_dma source(%dma_start3A_82 : memref<80xi32, #tpu.memory_space<hbm>>) target(%arg7 : memref<80xi32, #tpu.memory_space<vmem>>) target_semaphore(%run_scoped3A : memref<!tpu.dma_semaphore, #tpu.memory_space<semaphore_mem>>)
      %dma_wait3A_83 = tpu.memref_slice %arg3[%mul3A_4] : memref<320000xi32, #tpu.memory_space<hbm>> -> memref<80xi32, #tpu.memory_space<hbm>>
      %dma_wait3A_84 = tpu.memref_slice %arg3[%mul3A_4] : memref<320000xi32, #tpu.memory_space<hbm>> -> memref<80xi32, #tpu.memory_space<hbm>>
      tpu.wait_dma2 semaphore(%run_scoped3A : memref<!tpu.dma_semaphore, #tpu.memory_space<semaphore_mem>>) src(%dma_wait3A_84 : memref<80xi32, #tpu.memory_space<hbm>>) dst(%arg7 : memref<80xi32, #tpu.memory_space<vmem>>)
      tpu.yield
    }) : () -> ()
    "tpu.region"() ({
      %run_scoped3A = tpu.sem_alloc : memref<!tpu.dma_semaphore, #tpu.memory_space<semaphore_mem>>
      %dma_start3A_81 = tpu.memref_slice %arg4[%mul3A_4] : memref<320000xi32, #tpu.memory_space<hbm>> -> memref<80xi32, #tpu.memory_space<hbm>>
      %dma_start3A_82 = tpu.memref_slice %arg4[%mul3A_4] : memref<320000xi32, #tpu.memory_space<hbm>> -> memref<80xi32, #tpu.memory_space<hbm>>
      tpu.enqueue_dma source(%dma_start3A_82 : memref<80xi32, #tpu.memory_space<hbm>>) target(%arg8 : memref<80xi32, #tpu.memory_space<vmem>>) target_semaphore(%run_scoped3A : memref<!tpu.dma_semaphore, #tpu.memory_space<semaphore_mem>>)
      %dma_wait3A_83 = tpu.memref_slice %arg4[%mul3A_4] : memref<320000xi32, #tpu.memory_space<hbm>> -> memref<80xi32, #tpu.memory_space<hbm>>
      %dma_wait3A_84 = tpu.memref_slice %arg4[%mul3A_4] : memref<320000xi32, #tpu.memory_space<hbm>> -> memref<80xi32, #tpu.memory_space<hbm>>
      tpu.wait_dma2 semaphore(%run_scoped3A : memref<!tpu.dma_semaphore, #tpu.memory_space<semaphore_mem>>) src(%dma_wait3A_84 : memref<80xi32, #tpu.memory_space<hbm>>) dst(%arg8 : memref<80xi32, #tpu.memory_space<vmem>>)
      tpu.yield
    }) : () -> ()
    %dma_start3A = arith.constant 0 : i32
    %dma_start3A_37 = arith.constant 0 : i32
    %dma_start3A_38 = tpu.memref_slice %arg2[%dma_start3A, %dma_start3A_37] : memref<10000x128xf32, #tpu.memory_space<hbm>> -> memref<10000x128xf32, #tpu.memory_space<hbm>>
    tpu.enqueue_indirect_dma source(%dma_start3A_38 : memref<10000x128xf32, #tpu.memory_space<hbm>>) target(%arg11 : memref<80x128xf32, #tpu.memory_space<vmem>>) offsets(%arg7 : memref<80xi32, #tpu.memory_space<vmem>>) semaphore(%arg14 : memref<!tpu.dma_semaphore, #tpu.memory_space<semaphore_mem>>)
    %scan3A = arith.constant 0 : i32
    %scan3A_39 = arith.constant 62 : i32
    %scan3A_40 = arith.addi %scan3A, %scan3A_39 : i32
    %scan3A_41 = arith.constant 1 : i32
    scf.for %scan3A_81 = %scan3A to %scan3A_40 step %scan3A_41  : i32 {
      %mul3A_82 = arith.constant 1 : i32
      %mul3A_83 = arith.muli %scan3A_81, %mul3A_82 : i32
      %add3A_84 = arith.constant 0 : i32
      %add3A_85 = arith.addi %add3A_84, %mul3A_83 : i32
      %mul3A_86 = arith.constant 2 : i32
      %mul3A_87 = arith.muli %mul3A_86, %add3A_85 : i32
      %add3A_88 = arith.constant 1 : i32
      %add3A_89 = arith.addi %mul3A_87, %add3A_88 : i32
      %mul3A_90 = arith.constant 80 : i32
      %mul3A_91 = arith.muli %add3A_89, %mul3A_90 : i32
      %add3A_92 = arith.addi %mul3A_4, %mul3A_91 : i32
      %multiple_of3A = tpu.assume_multiple %add3A_92, 8 : i32
      %mul3A_93 = arith.constant 2 : i32
      %mul3A_94 = arith.muli %mul3A_93, %add3A_85 : i32
      %add3A_95 = arith.constant 2 : i32
      %add3A_96 = arith.addi %mul3A_94, %add3A_95 : i32
      %mul3A_97 = arith.constant 80 : i32
      %mul3A_98 = arith.muli %add3A_96, %mul3A_97 : i32
      %add3A_99 = arith.addi %mul3A_4, %mul3A_98 : i32
      %multiple_of3A_100 = tpu.assume_multiple %add3A_99, 8 : i32
      "tpu.region"() ({
        %run_scoped3A = tpu.sem_alloc : memref<!tpu.dma_semaphore, #tpu.memory_space<semaphore_mem>>
        %dma_start3A_119 = tpu.memref_slice %arg3[%multiple_of3A] : memref<320000xi32, #tpu.memory_space<hbm>> -> memref<80xi32, #tpu.memory_space<hbm>>
        %dma_start3A_120 = tpu.memref_slice %arg3[%multiple_of3A] : memref<320000xi32, #tpu.memory_space<hbm>> -> memref<80xi32, #tpu.memory_space<hbm>>
        tpu.enqueue_dma source(%dma_start3A_120 : memref<80xi32, #tpu.memory_space<hbm>>) target(%arg9 : memref<80xi32, #tpu.memory_space<vmem>>) target_semaphore(%run_scoped3A : memref<!tpu.dma_semaphore, #tpu.memory_space<semaphore_mem>>)
        %dma_wait3A_121 = tpu.memref_slice %arg3[%multiple_of3A] : memref<320000xi32, #tpu.memory_space<hbm>> -> memref<80xi32, #tpu.memory_space<hbm>>
        %dma_wait3A_122 = tpu.memref_slice %arg3[%multiple_of3A] : memref<320000xi32, #tpu.memory_space<hbm>> -> memref<80xi32, #tpu.memory_space<hbm>>
        tpu.wait_dma2 semaphore(%run_scoped3A : memref<!tpu.dma_semaphore, #tpu.memory_space<semaphore_mem>>) src(%dma_wait3A_122 : memref<80xi32, #tpu.memory_space<hbm>>) dst(%arg9 : memref<80xi32, #tpu.memory_space<vmem>>)
        tpu.yield
      }) : () -> ()
      "tpu.region"() ({
        %run_scoped3A = tpu.sem_alloc : memref<!tpu.dma_semaphore, #tpu.memory_space<semaphore_mem>>
        %dma_start3A_119 = tpu.memref_slice %arg4[%multiple_of3A] : memref<320000xi32, #tpu.memory_space<hbm>> -> memref<80xi32, #tpu.memory_space<hbm>>
        %dma_start3A_120 = tpu.memref_slice %arg4[%multiple_of3A] : memref<320000xi32, #tpu.memory_space<hbm>> -> memref<80xi32, #tpu.memory_space<hbm>>
        tpu.enqueue_dma source(%dma_start3A_120 : memref<80xi32, #tpu.memory_space<hbm>>) target(%arg10 : memref<80xi32, #tpu.memory_space<vmem>>) target_semaphore(%run_scoped3A : memref<!tpu.dma_semaphore, #tpu.memory_space<semaphore_mem>>)
        %dma_wait3A_121 = tpu.memref_slice %arg4[%multiple_of3A] : memref<320000xi32, #tpu.memory_space<hbm>> -> memref<80xi32, #tpu.memory_space<hbm>>
        %dma_wait3A_122 = tpu.memref_slice %arg4[%multiple_of3A] : memref<320000xi32, #tpu.memory_space<hbm>> -> memref<80xi32, #tpu.memory_space<hbm>>
        tpu.wait_dma2 semaphore(%run_scoped3A : memref<!tpu.dma_semaphore, #tpu.memory_space<semaphore_mem>>) src(%dma_wait3A_122 : memref<80xi32, #tpu.memory_space<hbm>>) dst(%arg10 : memref<80xi32, #tpu.memory_space<vmem>>)
        tpu.yield
      }) : () -> ()
      %dma_wait3A_101 = arith.constant 0 : i32
      %dma_wait3A_102 = arith.constant 0 : i32
      %dma_wait3A_103 = tpu.memref_slice %arg2[%dma_wait3A_101, %dma_wait3A_102] : memref<10000x128xf32, #tpu.memory_space<hbm>> -> memref<80x128xf32, #tpu.memory_space<hbm>>
      %dma_wait3A_104 = arith.constant 0 : i32
      %dma_wait3A_105 = arith.constant 0 : i32
      %dma_wait3A_106 = tpu.memref_slice %arg2[%dma_wait3A_104, %dma_wait3A_105] : memref<10000x128xf32, #tpu.memory_space<hbm>> -> memref<80x128xf32, #tpu.memory_space<hbm>>
      tpu.wait_dma2 semaphore(%arg14 : memref<!tpu.dma_semaphore, #tpu.memory_space<semaphore_mem>>) src(%dma_wait3A_106 : memref<80x128xf32, #tpu.memory_space<hbm>>) dst(%arg11 : memref<80x128xf32, #tpu.memory_space<vmem>>)
      %dma_start3A_107 = arith.constant 0 : i32
      %dma_start3A_108 = arith.constant 0 : i32
      %dma_start3A_109 = tpu.memref_slice %arg2[%dma_start3A_107, %dma_start3A_108] : memref<10000x128xf32, #tpu.memory_space<hbm>> -> memref<10000x128xf32, #tpu.memory_space<hbm>>
      tpu.enqueue_indirect_dma source(%dma_start3A_109 : memref<10000x128xf32, #tpu.memory_space<hbm>>) target(%arg12 : memref<80x128xf32, #tpu.memory_space<vmem>>) offsets(%arg9 : memref<80xi32, #tpu.memory_space<vmem>>) semaphore(%arg15 : memref<!tpu.dma_semaphore, #tpu.memory_space<semaphore_mem>>)
      "tpu.region"() ({
        %run_scoped3A = tpu.sem_alloc : memref<!tpu.dma_semaphore, #tpu.memory_space<semaphore_mem>>
        %dma_start3A_119 = arith.constant 0 : i32
        %dma_start3A_120 = arith.constant 0 : i32
        %dma_start3A_121 = tpu.memref_slice %arg13[%dma_start3A_119, %dma_start3A_120] : memref<10240x128xf32, #tpu.memory_space<vmem_shared>> -> memref<10240x128xf32, #tpu.memory_space<vmem_shared>>
        tpu.enqueue_indirect_dma source(%arg11 : memref<80x128xf32, #tpu.memory_space<vmem>>) target(%dma_start3A_121 : memref<10240x128xf32, #tpu.memory_space<vmem_shared>>) offsets(%arg8 : memref<80xi32, #tpu.memory_space<vmem>>) semaphore(%run_scoped3A : memref<!tpu.dma_semaphore, #tpu.memory_space<semaphore_mem>>) {add = true}
        %dma_wait3A_122 = arith.constant 0 : i32
        %dma_wait3A_123 = arith.constant 0 : i32
        %dma_wait3A_124 = tpu.memref_slice %arg13[%dma_wait3A_122, %dma_wait3A_123] : memref<10240x128xf32, #tpu.memory_space<vmem_shared>> -> memref<10240x128xf32, #tpu.memory_space<vmem_shared>>
        tpu.wait_indirect_dma semaphore(%run_scoped3A : memref<!tpu.dma_semaphore, #tpu.memory_space<semaphore_mem>>) src(%arg11 : memref<80x128xf32, #tpu.memory_space<vmem>>) dst(%dma_wait3A_124 : memref<10240x128xf32, #tpu.memory_space<vmem_shared>>)
        tpu.yield
      }) : () -> ()
      "tpu.region"() ({
        %run_scoped3A = tpu.sem_alloc : memref<!tpu.dma_semaphore, #tpu.memory_space<semaphore_mem>>
        %dma_start3A_119 = tpu.memref_slice %arg3[%multiple_of3A_100] : memref<320000xi32, #tpu.memory_space<hbm>> -> memref<80xi32, #tpu.memory_space<hbm>>
        %dma_start3A_120 = tpu.memref_slice %arg3[%multiple_of3A_100] : memref<320000xi32, #tpu.memory_space<hbm>> -> memref<80xi32, #tpu.memory_space<hbm>>
        tpu.enqueue_dma source(%dma_start3A_120 : memref<80xi32, #tpu.memory_space<hbm>>) target(%arg7 : memref<80xi32, #tpu.memory_space<vmem>>) target_semaphore(%run_scoped3A : memref<!tpu.dma_semaphore, #tpu.memory_space<semaphore_mem>>)
        %dma_wait3A_121 = tpu.memref_slice %arg3[%multiple_of3A_100] : memref<320000xi32, #tpu.memory_space<hbm>> -> memref<80xi32, #tpu.memory_space<hbm>>
        %dma_wait3A_122 = tpu.memref_slice %arg3[%multiple_of3A_100] : memref<320000xi32, #tpu.memory_space<hbm>> -> memref<80xi32, #tpu.memory_space<hbm>>
        tpu.wait_dma2 semaphore(%run_scoped3A : memref<!tpu.dma_semaphore, #tpu.memory_space<semaphore_mem>>) src(%dma_wait3A_122 : memref<80xi32, #tpu.memory_space<hbm>>) dst(%arg7 : memref<80xi32, #tpu.memory_space<vmem>>)
        tpu.yield
      }) : () -> ()
      "tpu.region"() ({
        %run_scoped3A = tpu.sem_alloc : memref<!tpu.dma_semaphore, #tpu.memory_space<semaphore_mem>>
        %dma_start3A_119 = tpu.memref_slice %arg4[%multiple_of3A_100] : memref<320000xi32, #tpu.memory_space<hbm>> -> memref<80xi32, #tpu.memory_space<hbm>>
        %dma_start3A_120 = tpu.memref_slice %arg4[%multiple_of3A_100] : memref<320000xi32, #tpu.memory_space<hbm>> -> memref<80xi32, #tpu.memory_space<hbm>>
        tpu.enqueue_dma source(%dma_start3A_120 : memref<80xi32, #tpu.memory_space<hbm>>) target(%arg8 : memref<80xi32, #tpu.memory_space<vmem>>) target_semaphore(%run_scoped3A : memref<!tpu.dma_semaphore, #tpu.memory_space<semaphore_mem>>)
        %dma_wait3A_121 = tpu.memref_slice %arg4[%multiple_of3A_100] : memref<320000xi32, #tpu.memory_space<hbm>> -> memref<80xi32, #tpu.memory_space<hbm>>
        %dma_wait3A_122 = tpu.memref_slice %arg4[%multiple_of3A_100] : memref<320000xi32, #tpu.memory_space<hbm>> -> memref<80xi32, #tpu.memory_space<hbm>>
        tpu.wait_dma2 semaphore(%run_scoped3A : memref<!tpu.dma_semaphore, #tpu.memory_space<semaphore_mem>>) src(%dma_wait3A_122 : memref<80xi32, #tpu.memory_space<hbm>>) dst(%arg8 : memref<80xi32, #tpu.memory_space<vmem>>)
        tpu.yield
      }) : () -> ()
      %dma_wait3A_110 = arith.constant 0 : i32
      %dma_wait3A_111 = arith.constant 0 : i32
      %dma_wait3A_112 = tpu.memref_slice %arg2[%dma_wait3A_110, %dma_wait3A_111] : memref<10000x128xf32, #tpu.memory_space<hbm>> -> memref<80x128xf32, #tpu.memory_space<hbm>>
      %dma_wait3A_113 = arith.constant 0 : i32
      %dma_wait3A_114 = arith.constant 0 : i32
      %dma_wait3A_115 = tpu.memref_slice %arg2[%dma_wait3A_113, %dma_wait3A_114] : memref<10000x128xf32, #tpu.memory_space<hbm>> -> memref<80x128xf32, #tpu.memory_space<hbm>>
      tpu.wait_dma2 semaphore(%arg15 : memref<!tpu.dma_semaphore, #tpu.memory_space<semaphore_mem>>) src(%dma_wait3A_115 : memref<80x128xf32, #tpu.memory_space<hbm>>) dst(%arg12 : memref<80x128xf32, #tpu.memory_space<vmem>>)
      %dma_start3A_116 = arith.constant 0 : i32
      %dma_start3A_117 = arith.constant 0 : i32
      %dma_start3A_118 = tpu.memref_slice %arg2[%dma_start3A_116, %dma_start3A_117] : memref<10000x128xf32, #tpu.memory_space<hbm>> -> memref<10000x128xf32, #tpu.memory_space<hbm>>
      tpu.enqueue_indirect_dma source(%dma_start3A_118 : memref<10000x128xf32, #tpu.memory_space<hbm>>) target(%arg11 : memref<80x128xf32, #tpu.memory_space<vmem>>) offsets(%arg7 : memref<80xi32, #tpu.memory_space<vmem>>) semaphore(%arg14 : memref<!tpu.dma_semaphore, #tpu.memory_space<semaphore_mem>>)
      "tpu.region"() ({
        %run_scoped3A = tpu.sem_alloc : memref<!tpu.dma_semaphore, #tpu.memory_space<semaphore_mem>>
        %dma_start3A_119 = arith.constant 0 : i32
        %dma_start3A_120 = arith.constant 0 : i32
        %dma_start3A_121 = tpu.memref_slice %arg13[%dma_start3A_119, %dma_start3A_120] : memref<10240x128xf32, #tpu.memory_space<vmem_shared>> -> memref<10240x128xf32, #tpu.memory_space<vmem_shared>>
        tpu.enqueue_indirect_dma source(%arg12 : memref<80x128xf32, #tpu.memory_space<vmem>>) target(%dma_start3A_121 : memref<10240x128xf32, #tpu.memory_space<vmem_shared>>) offsets(%arg10 : memref<80xi32, #tpu.memory_space<vmem>>) semaphore(%run_scoped3A : memref<!tpu.dma_semaphore, #tpu.memory_space<semaphore_mem>>) {add = true}
        %dma_wait3A_122 = arith.constant 0 : i32
        %dma_wait3A_123 = arith.constant 0 : i32
        %dma_wait3A_124 = tpu.memref_slice %arg13[%dma_wait3A_122, %dma_wait3A_123] : memref<10240x128xf32, #tpu.memory_space<vmem_shared>> -> memref<10240x128xf32, #tpu.memory_space<vmem_shared>>
        tpu.wait_indirect_dma semaphore(%run_scoped3A : memref<!tpu.dma_semaphore, #tpu.memory_space<semaphore_mem>>) src(%arg12 : memref<80x128xf32, #tpu.memory_space<vmem>>) dst(%dma_wait3A_124 : memref<10240x128xf32, #tpu.memory_space<vmem_shared>>)
        tpu.yield
      }) : () -> ()
    }
    %scan3A_42 = arith.constant 62 : i32
    %dma_wait3A = arith.constant 0 : i32
    %dma_wait3A_43 = arith.constant 0 : i32
    %dma_wait3A_44 = tpu.memref_slice %arg2[%dma_wait3A, %dma_wait3A_43] : memref<10000x128xf32, #tpu.memory_space<hbm>> -> memref<80x128xf32, #tpu.memory_space<hbm>>
    %dma_wait3A_45 = arith.constant 0 : i32
    %dma_wait3A_46 = arith.constant 0 : i32
    %dma_wait3A_47 = tpu.memref_slice %arg2[%dma_wait3A_45, %dma_wait3A_46] : memref<10000x128xf32, #tpu.memory_space<hbm>> -> memref<80x128xf32, #tpu.memory_space<hbm>>
    tpu.wait_dma2 semaphore(%arg14 : memref<!tpu.dma_semaphore, #tpu.memory_space<semaphore_mem>>) src(%dma_wait3A_47 : memref<80x128xf32, #tpu.memory_space<hbm>>) dst(%arg11 : memref<80x128xf32, #tpu.memory_space<vmem>>)
    "tpu.region"() ({
      %run_scoped3A = tpu.sem_alloc : memref<!tpu.dma_semaphore, #tpu.memory_space<semaphore_mem>>
      %dma_start3A_81 = arith.constant 0 : i32
      %dma_start3A_82 = arith.constant 0 : i32
      %dma_start3A_83 = tpu.memref_slice %arg13[%dma_start3A_81, %dma_start3A_82] : memref<10240x128xf32, #tpu.memory_space<vmem_shared>> -> memref<10240x128xf32, #tpu.memory_space<vmem_shared>>
      tpu.enqueue_indirect_dma source(%arg11 : memref<80x128xf32, #tpu.memory_space<vmem>>) target(%dma_start3A_83 : memref<10240x128xf32, #tpu.memory_space<vmem_shared>>) offsets(%arg8 : memref<80xi32, #tpu.memory_space<vmem>>) semaphore(%run_scoped3A : memref<!tpu.dma_semaphore, #tpu.memory_space<semaphore_mem>>) {add = true}
      %dma_wait3A_84 = arith.constant 0 : i32
      %dma_wait3A_85 = arith.constant 0 : i32
      %dma_wait3A_86 = tpu.memref_slice %arg13[%dma_wait3A_84, %dma_wait3A_85] : memref<10240x128xf32, #tpu.memory_space<vmem_shared>> -> memref<10240x128xf32, #tpu.memory_space<vmem_shared>>
      tpu.wait_indirect_dma semaphore(%run_scoped3A : memref<!tpu.dma_semaphore, #tpu.memory_space<semaphore_mem>>) src(%arg11 : memref<80x128xf32, #tpu.memory_space<vmem>>) dst(%dma_wait3A_86 : memref<10240x128xf32, #tpu.memory_space<vmem_shared>>)
      tpu.yield
    }) : () -> ()
    %barrier3A_48 = arith.constant 0 : index
    tpu.barrier barrier_id(%barrier3A_48)
    %add3A_49 = arith.constant 0 : i32
    %add3A_50 = arith.addi %mul3A_2, %add3A_49 : i32
    "tpu.region"() ({
      %run_scoped3A = tpu.sem_alloc : memref<!tpu.dma_semaphore, #tpu.memory_space<semaphore_mem>>
      %dma_start3A_81 = arith.constant 0 : i32
      %dma_start3A_82 = tpu.memref_slice %arg13[%add3A_50, %dma_start3A_81] : memref<10240x128xf32, #tpu.memory_space<vmem_shared>> -> memref<80x128xf32, #tpu.memory_space<vmem_shared>>
      %dma_start3A_83 = arith.constant 0 : i32
      %dma_start3A_84 = tpu.memref_slice %arg13[%add3A_50, %dma_start3A_83] : memref<10240x128xf32, #tpu.memory_space<vmem_shared>> -> memref<80x128xf32, #tpu.memory_space<vmem_shared>>
      tpu.enqueue_dma source(%dma_start3A_84 : memref<80x128xf32, #tpu.memory_space<vmem_shared>>) target(%arg11 : memref<80x128xf32, #tpu.memory_space<vmem>>) target_semaphore(%run_scoped3A : memref<!tpu.dma_semaphore, #tpu.memory_space<semaphore_mem>>)
      %dma_wait3A_85 = arith.constant 0 : i32
      %dma_wait3A_86 = tpu.memref_slice %arg13[%add3A_50, %dma_wait3A_85] : memref<10240x128xf32, #tpu.memory_space<vmem_shared>> -> memref<80x128xf32, #tpu.memory_space<vmem_shared>>
      %dma_wait3A_87 = arith.constant 0 : i32
      %dma_wait3A_88 = tpu.memref_slice %arg13[%add3A_50, %dma_wait3A_87] : memref<10240x128xf32, #tpu.memory_space<vmem_shared>> -> memref<80x128xf32, #tpu.memory_space<vmem_shared>>
      tpu.wait_dma2 semaphore(%run_scoped3A : memref<!tpu.dma_semaphore, #tpu.memory_space<semaphore_mem>>) src(%dma_wait3A_88 : memref<80x128xf32, #tpu.memory_space<vmem_shared>>) dst(%arg11 : memref<80x128xf32, #tpu.memory_space<vmem>>)
      tpu.yield
    }) : () -> ()
    %add3A_51 = arith.constant 0 : i32
    %add3A_52 = arith.addi %mul3A_2, %add3A_51 : i32
    "tpu.region"() ({
      %run_scoped3A = tpu.sem_alloc : memref<!tpu.dma_semaphore, #tpu.memory_space<semaphore_mem>>
      %dma_start3A_81 = arith.constant 0 : i32
      %dma_start3A_82 = tpu.memref_slice %arg6[%arg0, %add3A_52, %dma_start3A_81] : memref<2x10240x128xf32, #tpu.memory_space<hbm>> -> memref<1x80x128xf32, #tpu.memory_space<hbm>>
      %dma_start3A_83 = tpu.memref_squeeze %dma_start3A_82 : memref<1x80x128xf32, #tpu.memory_space<hbm>> -> memref<80x128xf32, #tpu.memory_space<hbm>>
      %dma_start3A_84 = arith.constant 0 : i32
      %dma_start3A_85 = tpu.memref_slice %arg6[%arg0, %add3A_52, %dma_start3A_84] : memref<2x10240x128xf32, #tpu.memory_space<hbm>> -> memref<1x80x128xf32, #tpu.memory_space<hbm>>
      %dma_start3A_86 = tpu.memref_squeeze %dma_start3A_85 : memref<1x80x128xf32, #tpu.memory_space<hbm>> -> memref<80x128xf32, #tpu.memory_space<hbm>>
      tpu.enqueue_dma source(%arg11 : memref<80x128xf32, #tpu.memory_space<vmem>>) target(%dma_start3A_86 : memref<80x128xf32, #tpu.memory_space<hbm>>) target_semaphore(%run_scoped3A : memref<!tpu.dma_semaphore, #tpu.memory_space<semaphore_mem>>)
      %dma_wait3A_87 = arith.constant 0 : i32
      %dma_wait3A_88 = tpu.memref_slice %arg6[%arg0, %add3A_52, %dma_wait3A_87] : memref<2x10240x128xf32, #tpu.memory_space<hbm>> -> memref<1x80x128xf32, #tpu.memory_space<hbm>>
      %dma_wait3A_89 = tpu.memref_squeeze %dma_wait3A_88 : memref<1x80x128xf32, #tpu.memory_space<hbm>> -> memref<80x128xf32, #tpu.memory_space<hbm>>
      %dma_wait3A_90 = arith.constant 0 : i32
      %dma_wait3A_91 = tpu.memref_slice %arg6[%arg0, %add3A_52, %dma_wait3A_90] : memref<2x10240x128xf32, #tpu.memory_space<hbm>> -> memref<1x80x128xf32, #tpu.memory_space<hbm>>
      %dma_wait3A_92 = tpu.memref_squeeze %dma_wait3A_91 : memref<1x80x128xf32, #tpu.memory_space<hbm>> -> memref<80x128xf32, #tpu.memory_space<hbm>>
      tpu.wait_dma2 semaphore(%run_scoped3A : memref<!tpu.dma_semaphore, #tpu.memory_space<semaphore_mem>>) src(%arg11 : memref<80x128xf32, #tpu.memory_space<vmem>>) dst(%dma_wait3A_92 : memref<80x128xf32, #tpu.memory_space<hbm>>)
      tpu.yield
    }) : () -> ()
    %add3A_53 = arith.constant 80 : i32
    %add3A_54 = arith.addi %mul3A_2, %add3A_53 : i32
    "tpu.region"() ({
      %run_scoped3A = tpu.sem_alloc : memref<!tpu.dma_semaphore, #tpu.memory_space<semaphore_mem>>
      %dma_start3A_81 = arith.constant 0 : i32
      %dma_start3A_82 = tpu.memref_slice %arg13[%add3A_54, %dma_start3A_81] : memref<10240x128xf32, #tpu.memory_space<vmem_shared>> -> memref<80x128xf32, #tpu.memory_space<vmem_shared>>
      %dma_start3A_83 = arith.constant 0 : i32
      %dma_start3A_84 = tpu.memref_slice %arg13[%add3A_54, %dma_start3A_83] : memref<10240x128xf32, #tpu.memory_space<vmem_shared>> -> memref<80x128xf32, #tpu.memory_space<vmem_shared>>
      tpu.enqueue_dma source(%dma_start3A_84 : memref<80x128xf32, #tpu.memory_space<vmem_shared>>) target(%arg11 : memref<80x128xf32, #tpu.memory_space<vmem>>) target_semaphore(%run_scoped3A : memref<!tpu.dma_semaphore, #tpu.memory_space<semaphore_mem>>)
      %dma_wait3A_85 = arith.constant 0 : i32
      %dma_wait3A_86 = tpu.memref_slice %arg13[%add3A_54, %dma_wait3A_85] : memref<10240x128xf32, #tpu.memory_space<vmem_shared>> -> memref<80x128xf32, #tpu.memory_space<vmem_shared>>
      %dma_wait3A_87 = arith.constant 0 : i32
      %dma_wait3A_88 = tpu.memref_slice %arg13[%add3A_54, %dma_wait3A_87] : memref<10240x128xf32, #tpu.memory_space<vmem_shared>> -> memref<80x128xf32, #tpu.memory_space<vmem_shared>>
      tpu.wait_dma2 semaphore(%run_scoped3A : memref<!tpu.dma_semaphore, #tpu.memory_space<semaphore_mem>>) src(%dma_wait3A_88 : memref<80x128xf32, #tpu.memory_space<vmem_shared>>) dst(%arg11 : memref<80x128xf32, #tpu.memory_space<vmem>>)
      tpu.yield
    }) : () -> ()
    %add3A_55 = arith.constant 80 : i32
    %add3A_56 = arith.addi %mul3A_2, %add3A_55 : i32
    "tpu.region"() ({
      %run_scoped3A = tpu.sem_alloc : memref<!tpu.dma_semaphore, #tpu.memory_space<semaphore_mem>>
      %dma_start3A_81 = arith.constant 0 : i32
      %dma_start3A_82 = tpu.memref_slice %arg6[%arg0, %add3A_56, %dma_start3A_81] : memref<2x10240x128xf32, #tpu.memory_space<hbm>> -> memref<1x80x128xf32, #tpu.memory_space<hbm>>
      %dma_start3A_83 = tpu.memref_squeeze %dma_start3A_82 : memref<1x80x128xf32, #tpu.memory_space<hbm>> -> memref<80x128xf32, #tpu.memory_space<hbm>>
      %dma_start3A_84 = arith.constant 0 : i32
      %dma_start3A_85 = tpu.memref_slice %arg6[%arg0, %add3A_56, %dma_start3A_84] : memref<2x10240x128xf32, #tpu.memory_space<hbm>> -> memref<1x80x128xf32, #tpu.memory_space<hbm>>
      %dma_start3A_86 = tpu.memref_squeeze %dma_start3A_85 : memref<1x80x128xf32, #tpu.memory_space<hbm>> -> memref<80x128xf32, #tpu.memory_space<hbm>>
      tpu.enqueue_dma source(%arg11 : memref<80x128xf32, #tpu.memory_space<vmem>>) target(%dma_start3A_86 : memref<80x128xf32, #tpu.memory_space<hbm>>) target_semaphore(%run_scoped3A : memref<!tpu.dma_semaphore, #tpu.memory_space<semaphore_mem>>)
      %dma_wait3A_87 = arith.constant 0 : i32
      %dma_wait3A_88 = tpu.memref_slice %arg6[%arg0, %add3A_56, %dma_wait3A_87] : memref<2x10240x128xf32, #tpu.memory_space<hbm>> -> memref<1x80x128xf32, #tpu.memory_space<hbm>>
      %dma_wait3A_89 = tpu.memref_squeeze %dma_wait3A_88 : memref<1x80x128xf32, #tpu.memory_space<hbm>> -> memref<80x128xf32, #tpu.memory_space<hbm>>
      %dma_wait3A_90 = arith.constant 0 : i32
      %dma_wait3A_91 = tpu.memref_slice %arg6[%arg0, %add3A_56, %dma_wait3A_90] : memref<2x10240x128xf32, #tpu.memory_space<hbm>> -> memref<1x80x128xf32, #tpu.memory_space<hbm>>
      %dma_wait3A_92 = tpu.memref_squeeze %dma_wait3A_91 : memref<1x80x128xf32, #tpu.memory_space<hbm>> -> memref<80x128xf32, #tpu.memory_space<hbm>>
      tpu.wait_dma2 semaphore(%run_scoped3A : memref<!tpu.dma_semaphore, #tpu.memory_space<semaphore_mem>>) src(%arg11 : memref<80x128xf32, #tpu.memory_space<vmem>>) dst(%dma_wait3A_92 : memref<80x128xf32, #tpu.memory_space<hbm>>)
      tpu.yield
    }) : () -> ()
    %add3A_57 = arith.constant 160 : i32
    %add3A_58 = arith.addi %mul3A_2, %add3A_57 : i32
    "tpu.region"() ({
      %run_scoped3A = tpu.sem_alloc : memref<!tpu.dma_semaphore, #tpu.memory_space<semaphore_mem>>
      %dma_start3A_81 = arith.constant 0 : i32
      %dma_start3A_82 = tpu.memref_slice %arg13[%add3A_58, %dma_start3A_81] : memref<10240x128xf32, #tpu.memory_space<vmem_shared>> -> memref<80x128xf32, #tpu.memory_space<vmem_shared>>
      %dma_start3A_83 = arith.constant 0 : i32
      %dma_start3A_84 = tpu.memref_slice %arg13[%add3A_58, %dma_start3A_83] : memref<10240x128xf32, #tpu.memory_space<vmem_shared>> -> memref<80x128xf32, #tpu.memory_space<vmem_shared>>
      tpu.enqueue_dma source(%dma_start3A_84 : memref<80x128xf32, #tpu.memory_space<vmem_shared>>) target(%arg11 : memref<80x128xf32, #tpu.memory_space<vmem>>) target_semaphore(%run_scoped3A : memref<!tpu.dma_semaphore, #tpu.memory_space<semaphore_mem>>)
      %dma_wait3A_85 = arith.constant 0 : i32
      %dma_wait3A_86 = tpu.memref_slice %arg13[%add3A_58, %dma_wait3A_85] : memref<10240x128xf32, #tpu.memory_space<vmem_shared>> -> memref<80x128xf32, #tpu.memory_space<vmem_shared>>
      %dma_wait3A_87 = arith.constant 0 : i32
      %dma_wait3A_88 = tpu.memref_slice %arg13[%add3A_58, %dma_wait3A_87] : memref<10240x128xf32, #tpu.memory_space<vmem_shared>> -> memref<80x128xf32, #tpu.memory_space<vmem_shared>>
      tpu.wait_dma2 semaphore(%run_scoped3A : memref<!tpu.dma_semaphore, #tpu.memory_space<semaphore_mem>>) src(%dma_wait3A_88 : memref<80x128xf32, #tpu.memory_space<vmem_shared>>) dst(%arg11 : memref<80x128xf32, #tpu.memory_space<vmem>>)
      tpu.yield
    }) : () -> ()
    %add3A_59 = arith.constant 160 : i32
    %add3A_60 = arith.addi %mul3A_2, %add3A_59 : i32
    "tpu.region"() ({
      %run_scoped3A = tpu.sem_alloc : memref<!tpu.dma_semaphore, #tpu.memory_space<semaphore_mem>>
      %dma_start3A_81 = arith.constant 0 : i32
      %dma_start3A_82 = tpu.memref_slice %arg6[%arg0, %add3A_60, %dma_start3A_81] : memref<2x10240x128xf32, #tpu.memory_space<hbm>> -> memref<1x80x128xf32, #tpu.memory_space<hbm>>
      %dma_start3A_83 = tpu.memref_squeeze %dma_start3A_82 : memref<1x80x128xf32, #tpu.memory_space<hbm>> -> memref<80x128xf32, #tpu.memory_space<hbm>>
      %dma_start3A_84 = arith.constant 0 : i32
      %dma_start3A_85 = tpu.memref_slice %arg6[%arg0, %add3A_60, %dma_start3A_84] : memref<2x10240x128xf32, #tpu.memory_space<hbm>> -> memref<1x80x128xf32, #tpu.memory_space<hbm>>
      %dma_start3A_86 = tpu.memref_squeeze %dma_start3A_85 : memref<1x80x128xf32, #tpu.memory_space<hbm>> -> memref<80x128xf32, #tpu.memory_space<hbm>>
      tpu.enqueue_dma source(%arg11 : memref<80x128xf32, #tpu.memory_space<vmem>>) target(%dma_start3A_86 : memref<80x128xf32, #tpu.memory_space<hbm>>) target_semaphore(%run_scoped3A : memref<!tpu.dma_semaphore, #tpu.memory_space<semaphore_mem>>)
      %dma_wait3A_87 = arith.constant 0 : i32
      %dma_wait3A_88 = tpu.memref_slice %arg6[%arg0, %add3A_60, %dma_wait3A_87] : memref<2x10240x128xf32, #tpu.memory_space<hbm>> -> memref<1x80x128xf32, #tpu.memory_space<hbm>>
      %dma_wait3A_89 = tpu.memref_squeeze %dma_wait3A_88 : memref<1x80x128xf32, #tpu.memory_space<hbm>> -> memref<80x128xf32, #tpu.memory_space<hbm>>
      %dma_wait3A_90 = arith.constant 0 : i32
      %dma_wait3A_91 = tpu.memref_slice %arg6[%arg0, %add3A_60, %dma_wait3A_90] : memref<2x10240x128xf32, #tpu.memory_space<hbm>> -> memref<1x80x128xf32, #tpu.memory_space<hbm>>
      %dma_wait3A_92 = tpu.memref_squeeze %dma_wait3A_91 : memref<1x80x128xf32, #tpu.memory_space<hbm>> -> memref<80x128xf32, #tpu.memory_space<hbm>>
      tpu.wait_dma2 semaphore(%run_scoped3A : memref<!tpu.dma_semaphore, #tpu.memory_space<semaphore_mem>>) src(%arg11 : memref<80x128xf32, #tpu.memory_space<vmem>>) dst(%dma_wait3A_92 : memref<80x128xf32, #tpu.memory_space<hbm>>)
      tpu.yield
    }) : () -> ()
    %add3A_61 = arith.constant 240 : i32
    %add3A_62 = arith.addi %mul3A_2, %add3A_61 : i32
    "tpu.region"() ({
      %run_scoped3A = tpu.sem_alloc : memref<!tpu.dma_semaphore, #tpu.memory_space<semaphore_mem>>
      %dma_start3A_81 = arith.constant 0 : i32
      %dma_start3A_82 = tpu.memref_slice %arg13[%add3A_62, %dma_start3A_81] : memref<10240x128xf32, #tpu.memory_space<vmem_shared>> -> memref<80x128xf32, #tpu.memory_space<vmem_shared>>
      %dma_start3A_83 = arith.constant 0 : i32
      %dma_start3A_84 = tpu.memref_slice %arg13[%add3A_62, %dma_start3A_83] : memref<10240x128xf32, #tpu.memory_space<vmem_shared>> -> memref<80x128xf32, #tpu.memory_space<vmem_shared>>
      tpu.enqueue_dma source(%dma_start3A_84 : memref<80x128xf32, #tpu.memory_space<vmem_shared>>) target(%arg11 : memref<80x128xf32, #tpu.memory_space<vmem>>) target_semaphore(%run_scoped3A : memref<!tpu.dma_semaphore, #tpu.memory_space<semaphore_mem>>)
      %dma_wait3A_85 = arith.constant 0 : i32
      %dma_wait3A_86 = tpu.memref_slice %arg13[%add3A_62, %dma_wait3A_85] : memref<10240x128xf32, #tpu.memory_space<vmem_shared>> -> memref<80x128xf32, #tpu.memory_space<vmem_shared>>
      %dma_wait3A_87 = arith.constant 0 : i32
      %dma_wait3A_88 = tpu.memref_slice %arg13[%add3A_62, %dma_wait3A_87] : memref<10240x128xf32, #tpu.memory_space<vmem_shared>> -> memref<80x128xf32, #tpu.memory_space<vmem_shared>>
      tpu.wait_dma2 semaphore(%run_scoped3A : memref<!tpu.dma_semaphore, #tpu.memory_space<semaphore_mem>>) src(%dma_wait3A_88 : memref<80x128xf32, #tpu.memory_space<vmem_shared>>) dst(%arg11 : memref<80x128xf32, #tpu.memory_space<vmem>>)
      tpu.yield
    }) : () -> ()
    %add3A_63 = arith.constant 240 : i32
    %add3A_64 = arith.addi %mul3A_2, %add3A_63 : i32
    "tpu.region"() ({
      %run_scoped3A = tpu.sem_alloc : memref<!tpu.dma_semaphore, #tpu.memory_space<semaphore_mem>>
      %dma_start3A_81 = arith.constant 0 : i32
      %dma_start3A_82 = tpu.memref_slice %arg6[%arg0, %add3A_64, %dma_start3A_81] : memref<2x10240x128xf32, #tpu.memory_space<hbm>> -> memref<1x80x128xf32, #tpu.memory_space<hbm>>
      %dma_start3A_83 = tpu.memref_squeeze %dma_start3A_82 : memref<1x80x128xf32, #tpu.memory_space<hbm>> -> memref<80x128xf32, #tpu.memory_space<hbm>>
      %dma_start3A_84 = arith.constant 0 : i32
      %dma_start3A_85 = tpu.memref_slice %arg6[%arg0, %add3A_64, %dma_start3A_84] : memref<2x10240x128xf32, #tpu.memory_space<hbm>> -> memref<1x80x128xf32, #tpu.memory_space<hbm>>
      %dma_start3A_86 = tpu.memref_squeeze %dma_start3A_85 : memref<1x80x128xf32, #tpu.memory_space<hbm>> -> memref<80x128xf32, #tpu.memory_space<hbm>>
      tpu.enqueue_dma source(%arg11 : memref<80x128xf32, #tpu.memory_space<vmem>>) target(%dma_start3A_86 : memref<80x128xf32, #tpu.memory_space<hbm>>) target_semaphore(%run_scoped3A : memref<!tpu.dma_semaphore, #tpu.memory_space<semaphore_mem>>)
      %dma_wait3A_87 = arith.constant 0 : i32
      %dma_wait3A_88 = tpu.memref_slice %arg6[%arg0, %add3A_64, %dma_wait3A_87] : memref<2x10240x128xf32, #tpu.memory_space<hbm>> -> memref<1x80x128xf32, #tpu.memory_space<hbm>>
      %dma_wait3A_89 = tpu.memref_squeeze %dma_wait3A_88 : memref<1x80x128xf32, #tpu.memory_space<hbm>> -> memref<80x128xf32, #tpu.memory_space<hbm>>
      %dma_wait3A_90 = arith.constant 0 : i32
      %dma_wait3A_91 = tpu.memref_slice %arg6[%arg0, %add3A_64, %dma_wait3A_90] : memref<2x10240x128xf32, #tpu.memory_space<hbm>> -> memref<1x80x128xf32, #tpu.memory_space<hbm>>
      %dma_wait3A_92 = tpu.memref_squeeze %dma_wait3A_91 : memref<1x80x128xf32, #tpu.memory_space<hbm>> -> memref<80x128xf32, #tpu.memory_space<hbm>>
      tpu.wait_dma2 semaphore(%run_scoped3A : memref<!tpu.dma_semaphore, #tpu.memory_space<semaphore_mem>>) src(%arg11 : memref<80x128xf32, #tpu.memory_space<vmem>>) dst(%dma_wait3A_92 : memref<80x128xf32, #tpu.memory_space<hbm>>)
      tpu.yield
    }) : () -> ()
    %add3A_65 = arith.constant 320 : i32
    %add3A_66 = arith.addi %mul3A_2, %add3A_65 : i32
    "tpu.region"() ({
      %run_scoped3A = tpu.sem_alloc : memref<!tpu.dma_semaphore, #tpu.memory_space<semaphore_mem>>
      %dma_start3A_81 = arith.constant 0 : i32
      %dma_start3A_82 = tpu.memref_slice %arg13[%add3A_66, %dma_start3A_81] : memref<10240x128xf32, #tpu.memory_space<vmem_shared>> -> memref<80x128xf32, #tpu.memory_space<vmem_shared>>
      %dma_start3A_83 = arith.constant 0 : i32
      %dma_start3A_84 = tpu.memref_slice %arg13[%add3A_66, %dma_start3A_83] : memref<10240x128xf32, #tpu.memory_space<vmem_shared>> -> memref<80x128xf32, #tpu.memory_space<vmem_shared>>
      tpu.enqueue_dma source(%dma_start3A_84 : memref<80x128xf32, #tpu.memory_space<vmem_shared>>) target(%arg11 : memref<80x128xf32, #tpu.memory_space<vmem>>) target_semaphore(%run_scoped3A : memref<!tpu.dma_semaphore, #tpu.memory_space<semaphore_mem>>)
      %dma_wait3A_85 = arith.constant 0 : i32
      %dma_wait3A_86 = tpu.memref_slice %arg13[%add3A_66, %dma_wait3A_85] : memref<10240x128xf32, #tpu.memory_space<vmem_shared>> -> memref<80x128xf32, #tpu.memory_space<vmem_shared>>
      %dma_wait3A_87 = arith.constant 0 : i32
      %dma_wait3A_88 = tpu.memref_slice %arg13[%add3A_66, %dma_wait3A_87] : memref<10240x128xf32, #tpu.memory_space<vmem_shared>> -> memref<80x128xf32, #tpu.memory_space<vmem_shared>>
      tpu.wait_dma2 semaphore(%run_scoped3A : memref<!tpu.dma_semaphore, #tpu.memory_space<semaphore_mem>>) src(%dma_wait3A_88 : memref<80x128xf32, #tpu.memory_space<vmem_shared>>) dst(%arg11 : memref<80x128xf32, #tpu.memory_space<vmem>>)
      tpu.yield
    }) : () -> ()
    %add3A_67 = arith.constant 320 : i32
    %add3A_68 = arith.addi %mul3A_2, %add3A_67 : i32
    "tpu.region"() ({
      %run_scoped3A = tpu.sem_alloc : memref<!tpu.dma_semaphore, #tpu.memory_space<semaphore_mem>>
      %dma_start3A_81 = arith.constant 0 : i32
      %dma_start3A_82 = tpu.memref_slice %arg6[%arg0, %add3A_68, %dma_start3A_81] : memref<2x10240x128xf32, #tpu.memory_space<hbm>> -> memref<1x80x128xf32, #tpu.memory_space<hbm>>
      %dma_start3A_83 = tpu.memref_squeeze %dma_start3A_82 : memref<1x80x128xf32, #tpu.memory_space<hbm>> -> memref<80x128xf32, #tpu.memory_space<hbm>>
      %dma_start3A_84 = arith.constant 0 : i32
      %dma_start3A_85 = tpu.memref_slice %arg6[%arg0, %add3A_68, %dma_start3A_84] : memref<2x10240x128xf32, #tpu.memory_space<hbm>> -> memref<1x80x128xf32, #tpu.memory_space<hbm>>
      %dma_start3A_86 = tpu.memref_squeeze %dma_start3A_85 : memref<1x80x128xf32, #tpu.memory_space<hbm>> -> memref<80x128xf32, #tpu.memory_space<hbm>>
      tpu.enqueue_dma source(%arg11 : memref<80x128xf32, #tpu.memory_space<vmem>>) target(%dma_start3A_86 : memref<80x128xf32, #tpu.memory_space<hbm>>) target_semaphore(%run_scoped3A : memref<!tpu.dma_semaphore, #tpu.memory_space<semaphore_mem>>)
      %dma_wait3A_87 = arith.constant 0 : i32
      %dma_wait3A_88 = tpu.memref_slice %arg6[%arg0, %add3A_68, %dma_wait3A_87] : memref<2x10240x128xf32, #tpu.memory_space<hbm>> -> memref<1x80x128xf32, #tpu.memory_space<hbm>>
      %dma_wait3A_89 = tpu.memref_squeeze %dma_wait3A_88 : memref<1x80x128xf32, #tpu.memory_space<hbm>> -> memref<80x128xf32, #tpu.memory_space<hbm>>
      %dma_wait3A_90 = arith.constant 0 : i32
      %dma_wait3A_91 = tpu.memref_slice %arg6[%arg0, %add3A_68, %dma_wait3A_90] : memref<2x10240x128xf32, #tpu.memory_space<hbm>> -> memref<1x80x128xf32, #tpu.memory_space<hbm>>
      %dma_wait3A_92 = tpu.memref_squeeze %dma_wait3A_91 : memref<1x80x128xf32, #tpu.memory_space<hbm>> -> memref<80x128xf32, #tpu.memory_space<hbm>>
      tpu.wait_dma2 semaphore(%run_scoped3A : memref<!tpu.dma_semaphore, #tpu.memory_space<semaphore_mem>>) src(%arg11 : memref<80x128xf32, #tpu.memory_space<vmem>>) dst(%dma_wait3A_92 : memref<80x128xf32, #tpu.memory_space<hbm>>)
      tpu.yield
    }) : () -> ()
    %add3A_69 = arith.constant 400 : i32
    %add3A_70 = arith.addi %mul3A_2, %add3A_69 : i32
    "tpu.region"() ({
      %run_scoped3A = tpu.sem_alloc : memref<!tpu.dma_semaphore, #tpu.memory_space<semaphore_mem>>
      %dma_start3A_81 = arith.constant 0 : i32
      %dma_start3A_82 = tpu.memref_slice %arg13[%add3A_70, %dma_start3A_81] : memref<10240x128xf32, #tpu.memory_space<vmem_shared>> -> memref<80x128xf32, #tpu.memory_space<vmem_shared>>
      %dma_start3A_83 = arith.constant 0 : i32
      %dma_start3A_84 = tpu.memref_slice %arg13[%add3A_70, %dma_start3A_83] : memref<10240x128xf32, #tpu.memory_space<vmem_shared>> -> memref<80x128xf32, #tpu.memory_space<vmem_shared>>
      tpu.enqueue_dma source(%dma_start3A_84 : memref<80x128xf32, #tpu.memory_space<vmem_shared>>) target(%arg11 : memref<80x128xf32, #tpu.memory_space<vmem>>) target_semaphore(%run_scoped3A : memref<!tpu.dma_semaphore, #tpu.memory_space<semaphore_mem>>)
      %dma_wait3A_85 = arith.constant 0 : i32
      %dma_wait3A_86 = tpu.memref_slice %arg13[%add3A_70, %dma_wait3A_85] : memref<10240x128xf32, #tpu.memory_space<vmem_shared>> -> memref<80x128xf32, #tpu.memory_space<vmem_shared>>
      %dma_wait3A_87 = arith.constant 0 : i32
      %dma_wait3A_88 = tpu.memref_slice %arg13[%add3A_70, %dma_wait3A_87] : memref<10240x128xf32, #tpu.memory_space<vmem_shared>> -> memref<80x128xf32, #tpu.memory_space<vmem_shared>>
      tpu.wait_dma2 semaphore(%run_scoped3A : memref<!tpu.dma_semaphore, #tpu.memory_space<semaphore_mem>>) src(%dma_wait3A_88 : memref<80x128xf32, #tpu.memory_space<vmem_shared>>) dst(%arg11 : memref<80x128xf32, #tpu.memory_space<vmem>>)
      tpu.yield
    }) : () -> ()
    %add3A_71 = arith.constant 400 : i32
    %add3A_72 = arith.addi %mul3A_2, %add3A_71 : i32
    "tpu.region"() ({
      %run_scoped3A = tpu.sem_alloc : memref<!tpu.dma_semaphore, #tpu.memory_space<semaphore_mem>>
      %dma_start3A_81 = arith.constant 0 : i32
      %dma_start3A_82 = tpu.memref_slice %arg6[%arg0, %add3A_72, %dma_start3A_81] : memref<2x10240x128xf32, #tpu.memory_space<hbm>> -> memref<1x80x128xf32, #tpu.memory_space<hbm>>
      %dma_start3A_83 = tpu.memref_squeeze %dma_start3A_82 : memref<1x80x128xf32, #tpu.memory_space<hbm>> -> memref<80x128xf32, #tpu.memory_space<hbm>>
      %dma_start3A_84 = arith.constant 0 : i32
      %dma_start3A_85 = tpu.memref_slice %arg6[%arg0, %add3A_72, %dma_start3A_84] : memref<2x10240x128xf32, #tpu.memory_space<hbm>> -> memref<1x80x128xf32, #tpu.memory_space<hbm>>
      %dma_start3A_86 = tpu.memref_squeeze %dma_start3A_85 : memref<1x80x128xf32, #tpu.memory_space<hbm>> -> memref<80x128xf32, #tpu.memory_space<hbm>>
      tpu.enqueue_dma source(%arg11 : memref<80x128xf32, #tpu.memory_space<vmem>>) target(%dma_start3A_86 : memref<80x128xf32, #tpu.memory_space<hbm>>) target_semaphore(%run_scoped3A : memref<!tpu.dma_semaphore, #tpu.memory_space<semaphore_mem>>)
      %dma_wait3A_87 = arith.constant 0 : i32
      %dma_wait3A_88 = tpu.memref_slice %arg6[%arg0, %add3A_72, %dma_wait3A_87] : memref<2x10240x128xf32, #tpu.memory_space<hbm>> -> memref<1x80x128xf32, #tpu.memory_space<hbm>>
      %dma_wait3A_89 = tpu.memref_squeeze %dma_wait3A_88 : memref<1x80x128xf32, #tpu.memory_space<hbm>> -> memref<80x128xf32, #tpu.memory_space<hbm>>
      %dma_wait3A_90 = arith.constant 0 : i32
      %dma_wait3A_91 = tpu.memref_slice %arg6[%arg0, %add3A_72, %dma_wait3A_90] : memref<2x10240x128xf32, #tpu.memory_space<hbm>> -> memref<1x80x128xf32, #tpu.memory_space<hbm>>
      %dma_wait3A_92 = tpu.memref_squeeze %dma_wait3A_91 : memref<1x80x128xf32, #tpu.memory_space<hbm>> -> memref<80x128xf32, #tpu.memory_space<hbm>>
      tpu.wait_dma2 semaphore(%run_scoped3A : memref<!tpu.dma_semaphore, #tpu.memory_space<semaphore_mem>>) src(%arg11 : memref<80x128xf32, #tpu.memory_space<vmem>>) dst(%dma_wait3A_92 : memref<80x128xf32, #tpu.memory_space<hbm>>)
      tpu.yield
    }) : () -> ()
    %add3A_73 = arith.constant 480 : i32
    %add3A_74 = arith.addi %mul3A_2, %add3A_73 : i32
    "tpu.region"() ({
      %run_scoped3A = tpu.sem_alloc : memref<!tpu.dma_semaphore, #tpu.memory_space<semaphore_mem>>
      %dma_start3A_81 = arith.constant 0 : i32
      %dma_start3A_82 = tpu.memref_slice %arg13[%add3A_74, %dma_start3A_81] : memref<10240x128xf32, #tpu.memory_space<vmem_shared>> -> memref<80x128xf32, #tpu.memory_space<vmem_shared>>
      %dma_start3A_83 = arith.constant 0 : i32
      %dma_start3A_84 = tpu.memref_slice %arg13[%add3A_74, %dma_start3A_83] : memref<10240x128xf32, #tpu.memory_space<vmem_shared>> -> memref<80x128xf32, #tpu.memory_space<vmem_shared>>
      tpu.enqueue_dma source(%dma_start3A_84 : memref<80x128xf32, #tpu.memory_space<vmem_shared>>) target(%arg11 : memref<80x128xf32, #tpu.memory_space<vmem>>) target_semaphore(%run_scoped3A : memref<!tpu.dma_semaphore, #tpu.memory_space<semaphore_mem>>)
      %dma_wait3A_85 = arith.constant 0 : i32
      %dma_wait3A_86 = tpu.memref_slice %arg13[%add3A_74, %dma_wait3A_85] : memref<10240x128xf32, #tpu.memory_space<vmem_shared>> -> memref<80x128xf32, #tpu.memory_space<vmem_shared>>
      %dma_wait3A_87 = arith.constant 0 : i32
      %dma_wait3A_88 = tpu.memref_slice %arg13[%add3A_74, %dma_wait3A_87] : memref<10240x128xf32, #tpu.memory_space<vmem_shared>> -> memref<80x128xf32, #tpu.memory_space<vmem_shared>>
      tpu.wait_dma2 semaphore(%run_scoped3A : memref<!tpu.dma_semaphore, #tpu.memory_space<semaphore_mem>>) src(%dma_wait3A_88 : memref<80x128xf32, #tpu.memory_space<vmem_shared>>) dst(%arg11 : memref<80x128xf32, #tpu.memory_space<vmem>>)
      tpu.yield
    }) : () -> ()
    %add3A_75 = arith.constant 480 : i32
    %add3A_76 = arith.addi %mul3A_2, %add3A_75 : i32
    "tpu.region"() ({
      %run_scoped3A = tpu.sem_alloc : memref<!tpu.dma_semaphore, #tpu.memory_space<semaphore_mem>>
      %dma_start3A_81 = arith.constant 0 : i32
      %dma_start3A_82 = tpu.memref_slice %arg6[%arg0, %add3A_76, %dma_start3A_81] : memref<2x10240x128xf32, #tpu.memory_space<hbm>> -> memref<1x80x128xf32, #tpu.memory_space<hbm>>
      %dma_start3A_83 = tpu.memref_squeeze %dma_start3A_82 : memref<1x80x128xf32, #tpu.memory_space<hbm>> -> memref<80x128xf32, #tpu.memory_space<hbm>>
      %dma_start3A_84 = arith.constant 0 : i32
      %dma_start3A_85 = tpu.memref_slice %arg6[%arg0, %add3A_76, %dma_start3A_84] : memref<2x10240x128xf32, #tpu.memory_space<hbm>> -> memref<1x80x128xf32, #tpu.memory_space<hbm>>
      %dma_start3A_86 = tpu.memref_squeeze %dma_start3A_85 : memref<1x80x128xf32, #tpu.memory_space<hbm>> -> memref<80x128xf32, #tpu.memory_space<hbm>>
      tpu.enqueue_dma source(%arg11 : memref<80x128xf32, #tpu.memory_space<vmem>>) target(%dma_start3A_86 : memref<80x128xf32, #tpu.memory_space<hbm>>) target_semaphore(%run_scoped3A : memref<!tpu.dma_semaphore, #tpu.memory_space<semaphore_mem>>)
      %dma_wait3A_87 = arith.constant 0 : i32
      %dma_wait3A_88 = tpu.memref_slice %arg6[%arg0, %add3A_76, %dma_wait3A_87] : memref<2x10240x128xf32, #tpu.memory_space<hbm>> -> memref<1x80x128xf32, #tpu.memory_space<hbm>>
      %dma_wait3A_89 = tpu.memref_squeeze %dma_wait3A_88 : memref<1x80x128xf32, #tpu.memory_space<hbm>> -> memref<80x128xf32, #tpu.memory_space<hbm>>
      %dma_wait3A_90 = arith.constant 0 : i32
      %dma_wait3A_91 = tpu.memref_slice %arg6[%arg0, %add3A_76, %dma_wait3A_90] : memref<2x10240x128xf32, #tpu.memory_space<hbm>> -> memref<1x80x128xf32, #tpu.memory_space<hbm>>
      %dma_wait3A_92 = tpu.memref_squeeze %dma_wait3A_91 : memref<1x80x128xf32, #tpu.memory_space<hbm>> -> memref<80x128xf32, #tpu.memory_space<hbm>>
      tpu.wait_dma2 semaphore(%run_scoped3A : memref<!tpu.dma_semaphore, #tpu.memory_space<semaphore_mem>>) src(%arg11 : memref<80x128xf32, #tpu.memory_space<vmem>>) dst(%dma_wait3A_92 : memref<80x128xf32, #tpu.memory_space<hbm>>)
      tpu.yield
    }) : () -> ()
    %add3A_77 = arith.constant 560 : i32
    %add3A_78 = arith.addi %mul3A_2, %add3A_77 : i32
    "tpu.region"() ({
      %run_scoped3A = tpu.sem_alloc : memref<!tpu.dma_semaphore, #tpu.memory_space<semaphore_mem>>
      %dma_start3A_81 = arith.constant 0 : i32
      %dma_start3A_82 = tpu.memref_slice %arg13[%add3A_78, %dma_start3A_81] : memref<10240x128xf32, #tpu.memory_space<vmem_shared>> -> memref<80x128xf32, #tpu.memory_space<vmem_shared>>
      %dma_start3A_83 = arith.constant 0 : i32
      %dma_start3A_84 = tpu.memref_slice %arg13[%add3A_78, %dma_start3A_83] : memref<10240x128xf32, #tpu.memory_space<vmem_shared>> -> memref<80x128xf32, #tpu.memory_space<vmem_shared>>
      tpu.enqueue_dma source(%dma_start3A_84 : memref<80x128xf32, #tpu.memory_space<vmem_shared>>) target(%arg11 : memref<80x128xf32, #tpu.memory_space<vmem>>) target_semaphore(%run_scoped3A : memref<!tpu.dma_semaphore, #tpu.memory_space<semaphore_mem>>)
      %dma_wait3A_85 = arith.constant 0 : i32
      %dma_wait3A_86 = tpu.memref_slice %arg13[%add3A_78, %dma_wait3A_85] : memref<10240x128xf32, #tpu.memory_space<vmem_shared>> -> memref<80x128xf32, #tpu.memory_space<vmem_shared>>
      %dma_wait3A_87 = arith.constant 0 : i32
      %dma_wait3A_88 = tpu.memref_slice %arg13[%add3A_78, %dma_wait3A_87] : memref<10240x128xf32, #tpu.memory_space<vmem_shared>> -> memref<80x128xf32, #tpu.memory_space<vmem_shared>>
      tpu.wait_dma2 semaphore(%run_scoped3A : memref<!tpu.dma_semaphore, #tpu.memory_space<semaphore_mem>>) src(%dma_wait3A_88 : memref<80x128xf32, #tpu.memory_space<vmem_shared>>) dst(%arg11 : memref<80x128xf32, #tpu.memory_space<vmem>>)
      tpu.yield
    }) : () -> ()
    %add3A_79 = arith.constant 560 : i32
    %add3A_80 = arith.addi %mul3A_2, %add3A_79 : i32
    "tpu.region"() ({
      %run_scoped3A = tpu.sem_alloc : memref<!tpu.dma_semaphore, #tpu.memory_space<semaphore_mem>>
      %dma_start3A_81 = arith.constant 0 : i32
      %dma_start3A_82 = tpu.memref_slice %arg6[%arg0, %add3A_80, %dma_start3A_81] : memref<2x10240x128xf32, #tpu.memory_space<hbm>> -> memref<1x80x128xf32, #tpu.memory_space<hbm>>
      %dma_start3A_83 = tpu.memref_squeeze %dma_start3A_82 : memref<1x80x128xf32, #tpu.memory_space<hbm>> -> memref<80x128xf32, #tpu.memory_space<hbm>>
      %dma_start3A_84 = arith.constant 0 : i32
      %dma_start3A_85 = tpu.memref_slice %arg6[%arg0, %add3A_80, %dma_start3A_84] : memref<2x10240x128xf32, #tpu.memory_space<hbm>> -> memref<1x80x128xf32, #tpu.memory_space<hbm>>
      %dma_start3A_86 = tpu.memref_squeeze %dma_start3A_85 : memref<1x80x128xf32, #tpu.memory_space<hbm>> -> memref<80x128xf32, #tpu.memory_space<hbm>>
      tpu.enqueue_dma source(%arg11 : memref<80x128xf32, #tpu.memory_space<vmem>>) target(%dma_start3A_86 : memref<80x128xf32, #tpu.memory_space<hbm>>) target_semaphore(%run_scoped3A : memref<!tpu.dma_semaphore, #tpu.memory_space<semaphore_mem>>)
      %dma_wait3A_87 = arith.constant 0 : i32
      %dma_wait3A_88 = tpu.memref_slice %arg6[%arg0, %add3A_80, %dma_wait3A_87] : memref<2x10240x128xf32, #tpu.memory_space<hbm>> -> memref<1x80x128xf32, #tpu.memory_space<hbm>>
      %dma_wait3A_89 = tpu.memref_squeeze %dma_wait3A_88 : memref<1x80x128xf32, #tpu.memory_space<hbm>> -> memref<80x128xf32, #tpu.memory_space<hbm>>
      %dma_wait3A_90 = arith.constant 0 : i32
      %dma_wait3A_91 = tpu.memref_slice %arg6[%arg0, %add3A_80, %dma_wait3A_90] : memref<2x10240x128xf32, #tpu.memory_space<hbm>> -> memref<1x80x128xf32, #tpu.memory_space<hbm>>
      %dma_wait3A_92 = tpu.memref_squeeze %dma_wait3A_91 : memref<1x80x128xf32, #tpu.memory_space<hbm>> -> memref<80x128xf32, #tpu.memory_space<hbm>>
      tpu.wait_dma2 semaphore(%run_scoped3A : memref<!tpu.dma_semaphore, #tpu.memory_space<semaphore_mem>>) src(%arg11 : memref<80x128xf32, #tpu.memory_space<vmem>>) dst(%dma_wait3A_92 : memref<80x128xf32, #tpu.memory_space<hbm>>)
      tpu.yield
    }) : () -> ()
    return
  }
}

module attributes {stable_mosaic.version = 14 : i64} {
  func.func @_tc_a1_body(%arg0: i32, %arg1: memref<2x1000x128xf32, #tpu.memory_space<vmem>>, %arg2: memref<1000x32xf32, #tpu.memory_space<vmem>>, %arg3: memref<1000x128xf32, #tpu.memory_space<vmem>>, %arg4: memref<128x256xf32, #tpu.memory_space<vmem>>, %arg5: memref<128x256xf32, #tpu.memory_space<vmem>>, %arg6: memref<1x256xf32, #tpu.memory_space<vmem>>, %arg7: memref<1000x256xf32, #tpu.memory_space<vmem>>, %arg8: memref<1000x1xf32, #tpu.memory_space<vmem>>, %arg9: memref<1x256xf32, #tpu.memory_space<vmem>>, %arg10: memref<1x256xf32, #tpu.memory_space<vmem>>) attributes {dimension_semantics = [#tpu.dimension_semantics<arbitrary>], iteration_bounds = array<i64: 10>, scalar_prefetch = 0 : i64, scratch_operands = 0 : i64, tpu.core_type = #tpu.core_type<tc>, window_params = [{transform_indices = @transform_0, window_bounds = array<i64: 2, 1000, 128>}, {transform_indices = @transform_1, window_bounds = array<i64: 1000, 32>}, {transform_indices = @transform_2, window_bounds = array<i64: 1000, 128>}, {pipeline_mode = #tpu.pipeline_mode<synchronous>, transform_indices = @transform_3, window_bounds = array<i64: 128, 256>}, {pipeline_mode = #tpu.pipeline_mode<synchronous>, transform_indices = @transform_4, window_bounds = array<i64: 128, 256>}, {pipeline_mode = #tpu.pipeline_mode<synchronous>, transform_indices = @transform_5, window_bounds = array<i64: 1, 256>}, {transform_indices = @transform_6, window_bounds = array<i64: 1000, 256>}, {transform_indices = @transform_7, window_bounds = array<i64: 1000, 1>}, {pipeline_mode = #tpu.pipeline_mode<synchronous>, transform_indices = @transform_8, window_bounds = array<i64: 1, 256>}, {pipeline_mode = #tpu.pipeline_mode<synchronous>, transform_indices = @transform_9, window_bounds = array<i64: 1, 256>}]} {
    %get3A = arith.constant 0 : index
    %get3A_0 = arith.constant 0 : index
    %get3A_1 = vector.load %arg2[%get3A, %get3A_0] : memref<1000x32xf32, #tpu.memory_space<vmem>>, vector<1000x32xf32>
    %reduce_sum3A = arith.constant dense<0.000000e+00> : vector<1000xf32>
    %reduce_sum3A_2 = vector.multi_reduction <add>, %get3A_1, %reduce_sum3A [1] : vector<1000x32xf32> to vector<1000xf32>
    %broadcast_in_dim3A = vector.shape_cast %reduce_sum3A_2 : vector<1000xf32> to vector<1000x1xf32>
    %swap3A = arith.constant 0 : index
    %swap3A_3 = arith.constant 0 : index
    %swap3A_4 = vector.load %arg8[%swap3A, %swap3A_3] : memref<1000x1xf32, #tpu.memory_space<vmem>>, vector<1000x1xf32>
    tpu.vector_store %arg8[%swap3A, %swap3A_3], %broadcast_in_dim3A {strides = array<i32>} : memref<1000x1xf32, #tpu.memory_space<vmem>>, vector<1000x1xf32>,
    %get3A_5 = arith.constant 0 : index
    %get3A_6 = arith.constant 0 : index
    %get3A_7 = arith.constant 0 : index
    %get3A_8 = vector.load %arg1[%get3A_5, %get3A_6, %get3A_7] : memref<2x1000x128xf32, #tpu.memory_space<vmem>>, vector<1x1000x128xf32>
    %get3A_9 = vector.shape_cast %get3A_8 : vector<1x1000x128xf32> to vector<1000x128xf32>
    %get3A_10 = arith.constant 1 : index
    %get3A_11 = arith.constant 0 : index
    %get3A_12 = arith.constant 0 : index
    %get3A_13 = vector.load %arg1[%get3A_10, %get3A_11, %get3A_12] : memref<2x1000x128xf32, #tpu.memory_space<vmem>>, vector<1x1000x128xf32>
    %get3A_14 = vector.shape_cast %get3A_13 : vector<1x1000x128xf32> to vector<1000x128xf32>
    %add3A = arith.addf %get3A_9, %get3A_14 : vector<1000x128xf32>
    %max3A = arith.constant 1.000000e+00 : f32
    %max3A_15 = vector.broadcast %max3A : f32 to vector<1000x1xf32>
    %max3A_16 = arith.maximumf %broadcast_in_dim3A, %max3A_15 : vector<1000x1xf32>
    %div3A = vector.broadcast %max3A_16 : vector<1000x1xf32> to vector<1000x128xf32>
    %div3A_17 = arith.divf %add3A, %div3A : vector<1000x128xf32>
    %get3A_18 = arith.constant 0 : index
    %get3A_19 = arith.constant 0 : index
    %get3A_20 = vector.load %arg4[%get3A_18, %get3A_19] : memref<128x256xf32, #tpu.memory_space<vmem>>, vector<128x256xf32>
    %dot_general3A = arith.constant dense<0.000000e+00> : vector<1000x256xf32>
    %dot_general3A_21 = tpu.matmul %div3A_17, %get3A_20, %dot_general3A {dimension_numbers = #tpu.dot_dimension_numbers<[1], [0], [0], [1], [0, 0, 1, 1], [], []>, transpose_lhs_hint = false} : vector<1000x128xf32>, vector<128x256xf32>, vector<1000x256xf32> -> vector<1000x256xf32>
    %get3A_22 = arith.constant 0 : index
    %get3A_23 = arith.constant 0 : index
    %get3A_24 = vector.load %arg3[%get3A_22, %get3A_23] : memref<1000x128xf32, #tpu.memory_space<vmem>>, vector<1000x128xf32>
    %get3A_25 = arith.constant 0 : index
    %get3A_26 = arith.constant 0 : index
    %get3A_27 = vector.load %arg5[%get3A_25, %get3A_26] : memref<128x256xf32, #tpu.memory_space<vmem>>, vector<128x256xf32>
    %dot_general3A_28 = arith.constant dense<0.000000e+00> : vector<1000x256xf32>
    %dot_general3A_29 = tpu.matmul %get3A_24, %get3A_27, %dot_general3A_28 {dimension_numbers = #tpu.dot_dimension_numbers<[1], [0], [0], [1], [0, 0, 1, 1], [], []>, transpose_lhs_hint = false} : vector<1000x128xf32>, vector<128x256xf32>, vector<1000x256xf32> -> vector<1000x256xf32>
    %add3A_30 = arith.addf %dot_general3A_21, %dot_general3A_29 : vector<1000x256xf32>
    %get3A_31 = arith.constant 0 : index
    %get3A_32 = arith.constant 0 : index
    %get3A_33 = vector.load %arg6[%get3A_31, %get3A_32] : memref<1x256xf32, #tpu.memory_space<vmem>>, vector<1x256xf32>
    %add3A_34 = vector.broadcast %get3A_33 : vector<1x256xf32> to vector<1000x256xf32>
    %add3A_35 = arith.addf %add3A_30, %add3A_34 : vector<1000x256xf32>
    %swap3A_36 = arith.constant 0 : index
    %swap3A_37 = arith.constant 0 : index
    %swap3A_38 = vector.load %arg7[%swap3A_36, %swap3A_37] : memref<1000x256xf32, #tpu.memory_space<vmem>>, vector<1000x256xf32>
    tpu.vector_store %arg7[%swap3A_36, %swap3A_37], %add3A_35 {strides = array<i32>} : memref<1000x256xf32, #tpu.memory_space<vmem>>, vector<1000x256xf32>,
    %reduce_sum3A_39 = arith.constant dense<0.000000e+00> : vector<256xf32>
    %reduce_sum3A_40 = vector.multi_reduction <add>, %add3A_35, %reduce_sum3A_39 [0] : vector<1000x256xf32> to vector<256xf32>
    %broadcast_in_dim3A_41 = vector.shape_cast %reduce_sum3A_40 : vector<256xf32> to vector<1x256xf32>
    %mul3A = arith.mulf %add3A_35, %add3A_35 : vector<1000x256xf32>
    %reduce_sum3A_42 = arith.constant dense<0.000000e+00> : vector<256xf32>
    %reduce_sum3A_43 = vector.multi_reduction <add>, %mul3A, %reduce_sum3A_42 [0] : vector<1000x256xf32> to vector<256xf32>
    %broadcast_in_dim3A_44 = vector.shape_cast %reduce_sum3A_43 : vector<256xf32> to vector<1x256xf32>
    %eq3A = arith.constant 0 : i32
    %eq3A_45 = arith.cmpi eq, %arg0, %eq3A : i32
    %convert_element_type3A = arith.extui %eq3A_45 : i1 to i32
    %cond3A = arith.constant 0 : i32
    %cond3A_46 = arith.cmpi ne, %convert_element_type3A, %cond3A : i32
    scf.if %cond3A_46 {
      %broadcast_in_dim3A_61 = arith.constant 0.000000e+00 : f32
      %broadcast_in_dim3A_62 = vector.broadcast %broadcast_in_dim3A_61 : f32 to vector<1x256xf32>
      %swap3A_63 = arith.constant 0 : index
      %swap3A_64 = arith.constant 0 : index
      %swap3A_65 = vector.load %arg9[%swap3A_63, %swap3A_64] : memref<1x256xf32, #tpu.memory_space<vmem>>, vector<1x256xf32>
      tpu.vector_store %arg9[%swap3A_63, %swap3A_64], %broadcast_in_dim3A_62 {strides = array<i32>} : memref<1x256xf32, #tpu.memory_space<vmem>>, vector<1x256xf32>,
      %broadcast_in_dim3A_66 = arith.constant 0.000000e+00 : f32
      %broadcast_in_dim3A_67 = vector.broadcast %broadcast_in_dim3A_66 : f32 to vector<1x256xf32>
      %swap3A_68 = arith.constant 0 : index
      %swap3A_69 = arith.constant 0 : index
      %swap3A_70 = vector.load %arg10[%swap3A_68, %swap3A_69] : memref<1x256xf32, #tpu.memory_space<vmem>>, vector<1x256xf32>
      tpu.vector_store %arg10[%swap3A_68, %swap3A_69], %broadcast_in_dim3A_67 {strides = array<i32>} : memref<1x256xf32, #tpu.memory_space<vmem>>, vector<1x256xf32>,
    } else {
    }
    %get3A_47 = arith.constant 0 : index
    %get3A_48 = arith.constant 0 : index
    %get3A_49 = vector.load %arg9[%get3A_47, %get3A_48] : memref<1x256xf32, #tpu.memory_space<vmem>>, vector<1x256xf32>
    %add3A_50 = arith.addf %get3A_49, %broadcast_in_dim3A_41 : vector<1x256xf32>
    %swap3A_51 = arith.constant 0 : index
    %swap3A_52 = arith.constant 0 : index
    %swap3A_53 = vector.load %arg9[%swap3A_51, %swap3A_52] : memref<1x256xf32, #tpu.memory_space<vmem>>, vector<1x256xf32>
    tpu.vector_store %arg9[%swap3A_51, %swap3A_52], %add3A_50 {strides = array<i32>} : memref<1x256xf32, #tpu.memory_space<vmem>>, vector<1x256xf32>,
    %get3A_54 = arith.constant 0 : index
    %get3A_55 = arith.constant 0 : index
    %get3A_56 = vector.load %arg10[%get3A_54, %get3A_55] : memref<1x256xf32, #tpu.memory_space<vmem>>, vector<1x256xf32>
    %add3A_57 = arith.addf %get3A_56, %broadcast_in_dim3A_44 : vector<1x256xf32>
    %swap3A_58 = arith.constant 0 : index
    %swap3A_59 = arith.constant 0 : index
    %swap3A_60 = vector.load %arg10[%swap3A_58, %swap3A_59] : memref<1x256xf32, #tpu.memory_space<vmem>>, vector<1x256xf32>
    tpu.vector_store %arg10[%swap3A_58, %swap3A_59], %add3A_57 {strides = array<i32>} : memref<1x256xf32, #tpu.memory_space<vmem>>, vector<1x256xf32>,
    return
  }
  func.func @transform_0(%arg0: i32) -> (i32, i32, i32) {
    %c0_i32 = arith.constant 0 : i32
    %c0_i32_0 = arith.constant 0 : i32
    %c0_i32_1 = arith.constant 0 : i32
    return %c0_i32, %arg0, %c0_i32_0 : i32, i32, i32
  }
  func.func @transform_1(%arg0: i32) -> (i32, i32) {
    %c0_i32 = arith.constant 0 : i32
    %c0_i32_0 = arith.constant 0 : i32
    return %arg0, %c0_i32 : i32, i32
  }
  func.func @transform_2(%arg0: i32) -> (i32, i32) {
    %c0_i32 = arith.constant 0 : i32
    %c0_i32_0 = arith.constant 0 : i32
    return %arg0, %c0_i32 : i32, i32
  }
  func.func @transform_3(%arg0: i32) -> (i32, i32) {
    %c0_i32 = arith.constant 0 : i32
    %c0_i32_0 = arith.constant 0 : i32
    %c0_i32_1 = arith.constant 0 : i32
    return %c0_i32, %c0_i32_0 : i32, i32
  }
  func.func @transform_4(%arg0: i32) -> (i32, i32) {
    %c0_i32 = arith.constant 0 : i32
    %c0_i32_0 = arith.constant 0 : i32
    %c0_i32_1 = arith.constant 0 : i32
    return %c0_i32, %c0_i32_0 : i32, i32
  }
  func.func @transform_5(%arg0: i32) -> (i32, i32) {
    %c0_i32 = arith.constant 0 : i32
    %c0_i32_0 = arith.constant 0 : i32
    %c0_i32_1 = arith.constant 0 : i32
    return %c0_i32, %c0_i32_0 : i32, i32
  }
  func.func @transform_6(%arg0: i32) -> (i32, i32) {
    %c0_i32 = arith.constant 0 : i32
    %c0_i32_0 = arith.constant 0 : i32
    return %arg0, %c0_i32 : i32, i32
  }
  func.func @transform_7(%arg0: i32) -> (i32, i32) {
    %c0_i32 = arith.constant 0 : i32
    %c0_i32_0 = arith.constant 0 : i32
    return %arg0, %c0_i32 : i32, i32
  }
  func.func @transform_8(%arg0: i32) -> (i32, i32) {
    %c0_i32 = arith.constant 0 : i32
    %c0_i32_0 = arith.constant 0 : i32
    %c0_i32_1 = arith.constant 0 : i32
    return %c0_i32, %c0_i32_0 : i32, i32
  }
  func.func @transform_9(%arg0: i32) -> (i32, i32) {
    %c0_i32 = arith.constant 0 : i32
    %c0_i32_0 = arith.constant 0 : i32
    %c0_i32_1 = arith.constant 0 : i32
    return %c0_i32, %c0_i32_0 : i32, i32
  }
}

module attributes {stable_mosaic.version = 14 : i64} {
  func.func @_tc_b_body(%arg0: i32, %arg1: memref<1000x256xf32, #tpu.memory_space<vmem>>, %arg2: memref<1x256xf32, #tpu.memory_space<vmem>>, %arg3: memref<1x256xf32, #tpu.memory_space<vmem>>, %arg4: memref<1x256xf32, #tpu.memory_space<vmem>>, %arg5: memref<1x256xf32, #tpu.memory_space<vmem>>, %arg6: memref<256x128xf32, #tpu.memory_space<vmem>>, %arg7: memref<256x128xf32, #tpu.memory_space<vmem>>, %arg8: memref<1x128xf32, #tpu.memory_space<vmem>>, %arg9: memref<1000x128xf32, #tpu.memory_space<vmem>>, %arg10: memref<1000x128xf32, #tpu.memory_space<vmem>>) attributes {dimension_semantics = [#tpu.dimension_semantics<arbitrary>], iteration_bounds = array<i64: 10>, scalar_prefetch = 0 : i64, scratch_operands = 0 : i64, tpu.core_type = #tpu.core_type<tc>, window_params = [{transform_indices = @transform_0, window_bounds = array<i64: 1000, 256>}, {pipeline_mode = #tpu.pipeline_mode<synchronous>, transform_indices = @transform_1, window_bounds = array<i64: 1, 256>}, {pipeline_mode = #tpu.pipeline_mode<synchronous>, transform_indices = @transform_2, window_bounds = array<i64: 1, 256>}, {pipeline_mode = #tpu.pipeline_mode<synchronous>, transform_indices = @transform_3, window_bounds = array<i64: 1, 256>}, {pipeline_mode = #tpu.pipeline_mode<synchronous>, transform_indices = @transform_4, window_bounds = array<i64: 1, 256>}, {pipeline_mode = #tpu.pipeline_mode<synchronous>, transform_indices = @transform_5, window_bounds = array<i64: 256, 128>}, {pipeline_mode = #tpu.pipeline_mode<synchronous>, transform_indices = @transform_6, window_bounds = array<i64: 256, 128>}, {pipeline_mode = #tpu.pipeline_mode<synchronous>, transform_indices = @transform_7, window_bounds = array<i64: 1, 128>}, {transform_indices = @transform_8, window_bounds = array<i64: 1000, 128>}, {transform_indices = @transform_9, window_bounds = array<i64: 1000, 128>}]} {
    %get3A = arith.constant 0 : index
    %get3A_0 = arith.constant 0 : index
    %get3A_1 = vector.load %arg2[%get3A, %get3A_0] : memref<1x256xf32, #tpu.memory_space<vmem>>, vector<1x256xf32>
    %mul3A = arith.constant 9.99999974E-5 : f32
    %mul3A_2 = vector.broadcast %mul3A : f32 to vector<1x256xf32>
    %mul3A_3 = arith.mulf %get3A_1, %mul3A_2 : vector<1x256xf32>
    %get3A_4 = arith.constant 0 : index
    %get3A_5 = arith.constant 0 : index
    %get3A_6 = vector.load %arg3[%get3A_4, %get3A_5] : memref<1x256xf32, #tpu.memory_space<vmem>>, vector<1x256xf32>
    %mul3A_7 = arith.constant 9.99999974E-5 : f32
    %mul3A_8 = vector.broadcast %mul3A_7 : f32 to vector<1x256xf32>
    %mul3A_9 = arith.mulf %get3A_6, %mul3A_8 : vector<1x256xf32>
    %mul3A_10 = arith.mulf %mul3A_3, %mul3A_3 : vector<1x256xf32>
    %sub3A = arith.subf %mul3A_9, %mul3A_10 : vector<1x256xf32>
    %get3A_11 = arith.constant 0 : index
    %get3A_12 = arith.constant 0 : index
    %get3A_13 = vector.load %arg1[%get3A_11, %get3A_12] : memref<1000x256xf32, #tpu.memory_space<vmem>>, vector<1000x256xf32>
    %sub3A_14 = vector.broadcast %mul3A_3 : vector<1x256xf32> to vector<1000x256xf32>
    %sub3A_15 = arith.subf %get3A_13, %sub3A_14 : vector<1000x256xf32>
    %add3A = arith.constant 9.99999974E-6 : f32
    %add3A_16 = vector.broadcast %add3A : f32 to vector<1x256xf32>
    %add3A_17 = arith.addf %sub3A, %add3A_16 : vector<1x256xf32>
    %rsqrt3A = math.rsqrt %add3A_17 : vector<1x256xf32>
    %mul3A_18 = vector.broadcast %rsqrt3A : vector<1x256xf32> to vector<1000x256xf32>
    %mul3A_19 = arith.mulf %sub3A_15, %mul3A_18 : vector<1000x256xf32>
    %get3A_20 = arith.constant 0 : index
    %get3A_21 = arith.constant 0 : index
    %get3A_22 = vector.load %arg4[%get3A_20, %get3A_21] : memref<1x256xf32, #tpu.memory_space<vmem>>, vector<1x256xf32>
    %mul3A_23 = vector.broadcast %get3A_22 : vector<1x256xf32> to vector<1000x256xf32>
    %mul3A_24 = arith.mulf %mul3A_19, %mul3A_23 : vector<1000x256xf32>
    %get3A_25 = arith.constant 0 : index
    %get3A_26 = arith.constant 0 : index
    %get3A_27 = vector.load %arg5[%get3A_25, %get3A_26] : memref<1x256xf32, #tpu.memory_space<vmem>>, vector<1x256xf32>
    %add3A_28 = vector.broadcast %get3A_27 : vector<1x256xf32> to vector<1000x256xf32>
    %add3A_29 = arith.addf %mul3A_24, %add3A_28 : vector<1000x256xf32>
    %max3A = arith.constant 0.000000e+00 : f32
    %max3A_30 = vector.broadcast %max3A : f32 to vector<1000x256xf32>
    %max3A_31 = arith.maximumf %add3A_29, %max3A_30 : vector<1000x256xf32>
    %get3A_32 = arith.constant 0 : index
    %get3A_33 = arith.constant 0 : index
    %get3A_34 = vector.load %arg6[%get3A_32, %get3A_33] : memref<256x128xf32, #tpu.memory_space<vmem>>, vector<256x128xf32>
    %dot_general3A = arith.constant dense<0.000000e+00> : vector<1000x128xf32>
    %dot_general3A_35 = tpu.matmul %max3A_31, %get3A_34, %dot_general3A {dimension_numbers = #tpu.dot_dimension_numbers<[1], [0], [0], [1], [0, 0, 1, 1], [], []>, transpose_lhs_hint = false} : vector<1000x256xf32>, vector<256x128xf32>, vector<1000x128xf32> -> vector<1000x128xf32>
    %swap3A = arith.constant 0 : index
    %swap3A_36 = arith.constant 0 : index
    %swap3A_37 = vector.load %arg9[%swap3A, %swap3A_36] : memref<1000x128xf32, #tpu.memory_space<vmem>>, vector<1000x128xf32>
    tpu.vector_store %arg9[%swap3A, %swap3A_36], %dot_general3A_35 {strides = array<i32>} : memref<1000x128xf32, #tpu.memory_space<vmem>>, vector<1000x128xf32>,
    %get3A_38 = arith.constant 0 : index
    %get3A_39 = arith.constant 0 : index
    %get3A_40 = vector.load %arg7[%get3A_38, %get3A_39] : memref<256x128xf32, #tpu.memory_space<vmem>>, vector<256x128xf32>
    %dot_general3A_41 = arith.constant dense<0.000000e+00> : vector<1000x128xf32>
    %dot_general3A_42 = tpu.matmul %max3A_31, %get3A_40, %dot_general3A_41 {dimension_numbers = #tpu.dot_dimension_numbers<[1], [0], [0], [1], [0, 0, 1, 1], [], []>, transpose_lhs_hint = false} : vector<1000x256xf32>, vector<256x128xf32>, vector<1000x128xf32> -> vector<1000x128xf32>
    %get3A_43 = arith.constant 0 : index
    %get3A_44 = arith.constant 0 : index
    %get3A_45 = vector.load %arg8[%get3A_43, %get3A_44] : memref<1x128xf32, #tpu.memory_space<vmem>>, vector<1x128xf32>
    %add3A_46 = vector.broadcast %get3A_45 : vector<1x128xf32> to vector<1000x128xf32>
    %add3A_47 = arith.addf %dot_general3A_42, %add3A_46 : vector<1000x128xf32>
    %swap3A_48 = arith.constant 0 : index
    %swap3A_49 = arith.constant 0 : index
    %swap3A_50 = vector.load %arg10[%swap3A_48, %swap3A_49] : memref<1000x128xf32, #tpu.memory_space<vmem>>, vector<1000x128xf32>
    tpu.vector_store %arg10[%swap3A_48, %swap3A_49], %add3A_47 {strides = array<i32>} : memref<1000x128xf32, #tpu.memory_space<vmem>>, vector<1000x128xf32>,
    return
  }
  func.func @transform_0(%arg0: i32) -> (i32, i32) {
    %c0_i32 = arith.constant 0 : i32
    %c0_i32_0 = arith.constant 0 : i32
    return %arg0, %c0_i32 : i32, i32
  }
  func.func @transform_1(%arg0: i32) -> (i32, i32) {
    %c0_i32 = arith.constant 0 : i32
    %c0_i32_0 = arith.constant 0 : i32
    %c0_i32_1 = arith.constant 0 : i32
    return %c0_i32, %c0_i32_0 : i32, i32
  }
  func.func @transform_2(%arg0: i32) -> (i32, i32) {
    %c0_i32 = arith.constant 0 : i32
    %c0_i32_0 = arith.constant 0 : i32
    %c0_i32_1 = arith.constant 0 : i32
    return %c0_i32, %c0_i32_0 : i32, i32
  }
  func.func @transform_3(%arg0: i32) -> (i32, i32) {
    %c0_i32 = arith.constant 0 : i32
    %c0_i32_0 = arith.constant 0 : i32
    %c0_i32_1 = arith.constant 0 : i32
    return %c0_i32, %c0_i32_0 : i32, i32
  }
  func.func @transform_4(%arg0: i32) -> (i32, i32) {
    %c0_i32 = arith.constant 0 : i32
    %c0_i32_0 = arith.constant 0 : i32
    %c0_i32_1 = arith.constant 0 : i32
    return %c0_i32, %c0_i32_0 : i32, i32
  }
  func.func @transform_5(%arg0: i32) -> (i32, i32) {
    %c0_i32 = arith.constant 0 : i32
    %c0_i32_0 = arith.constant 0 : i32
    %c0_i32_1 = arith.constant 0 : i32
    return %c0_i32, %c0_i32_0 : i32, i32
  }
  func.func @transform_6(%arg0: i32) -> (i32, i32) {
    %c0_i32 = arith.constant 0 : i32
    %c0_i32_0 = arith.constant 0 : i32
    %c0_i32_1 = arith.constant 0 : i32
    return %c0_i32, %c0_i32_0 : i32, i32
  }
  func.func @transform_7(%arg0: i32) -> (i32, i32) {
    %c0_i32 = arith.constant 0 : i32
    %c0_i32_0 = arith.constant 0 : i32
    %c0_i32_1 = arith.constant 0 : i32
    return %c0_i32, %c0_i32_0 : i32, i32
  }
  func.func @transform_8(%arg0: i32) -> (i32, i32) {
    %c0_i32 = arith.constant 0 : i32
    %c0_i32_0 = arith.constant 0 : i32
    return %arg0, %c0_i32 : i32, i32
  }
  func.func @transform_9(%arg0: i32) -> (i32, i32) {
    %c0_i32 = arith.constant 0 : i32
    %c0_i32_0 = arith.constant 0 : i32
    return %arg0, %c0_i32 : i32, i32
  }
}

module attributes {stable_mosaic.version = 14 : i64} {
  func.func @_tc_a23_body(%arg0: i32, %arg1: memref<2x1000x128xf32, #tpu.memory_space<vmem>>, %arg2: memref<1000x1xf32, #tpu.memory_space<vmem>>, %arg3: memref<1000x128xf32, #tpu.memory_space<vmem>>, %arg4: memref<1000x128xf32, #tpu.memory_space<vmem>>, %arg5: memref<1x128xf32, #tpu.memory_space<vmem>>, %arg6: memref<1x128xf32, #tpu.memory_space<vmem>>) attributes {dimension_semantics = [#tpu.dimension_semantics<arbitrary>], iteration_bounds = array<i64: 10>, scalar_prefetch = 0 : i64, scratch_operands = 0 : i64, tpu.core_type = #tpu.core_type<tc>, window_params = [{transform_indices = @transform_0, window_bounds = array<i64: 2, 1000, 128>}, {transform_indices = @transform_1, window_bounds = array<i64: 1000, 1>}, {transform_indices = @transform_2, window_bounds = array<i64: 1000, 128>}, {transform_indices = @transform_3, window_bounds = array<i64: 1000, 128>}, {pipeline_mode = #tpu.pipeline_mode<synchronous>, transform_indices = @transform_4, window_bounds = array<i64: 1, 128>}, {pipeline_mode = #tpu.pipeline_mode<synchronous>, transform_indices = @transform_5, window_bounds = array<i64: 1, 128>}]} {
    %get3A = arith.constant 0 : index
    %get3A_0 = arith.constant 0 : index
    %get3A_1 = arith.constant 0 : index
    %get3A_2 = vector.load %arg1[%get3A, %get3A_0, %get3A_1] : memref<2x1000x128xf32, #tpu.memory_space<vmem>>, vector<1x1000x128xf32>
    %get3A_3 = vector.shape_cast %get3A_2 : vector<1x1000x128xf32> to vector<1000x128xf32>
    %get3A_4 = arith.constant 1 : index
    %get3A_5 = arith.constant 0 : index
    %get3A_6 = arith.constant 0 : index
    %get3A_7 = vector.load %arg1[%get3A_4, %get3A_5, %get3A_6] : memref<2x1000x128xf32, #tpu.memory_space<vmem>>, vector<1x1000x128xf32>
    %get3A_8 = vector.shape_cast %get3A_7 : vector<1x1000x128xf32> to vector<1000x128xf32>
    %add3A = arith.addf %get3A_3, %get3A_8 : vector<1000x128xf32>
    %get3A_9 = arith.constant 0 : index
    %get3A_10 = arith.constant 0 : index
    %get3A_11 = vector.load %arg2[%get3A_9, %get3A_10] : memref<1000x1xf32, #tpu.memory_space<vmem>>, vector<1000x1xf32>
    %max3A = arith.constant 1.000000e+00 : f32
    %max3A_12 = vector.broadcast %max3A : f32 to vector<1000x1xf32>
    %max3A_13 = arith.maximumf %get3A_11, %max3A_12 : vector<1000x1xf32>
    %div3A = vector.broadcast %max3A_13 : vector<1000x1xf32> to vector<1000x128xf32>
    %div3A_14 = arith.divf %add3A, %div3A : vector<1000x128xf32>
    %get3A_15 = arith.constant 0 : index
    %get3A_16 = arith.constant 0 : index
    %get3A_17 = vector.load %arg3[%get3A_15, %get3A_16] : memref<1000x128xf32, #tpu.memory_space<vmem>>, vector<1000x128xf32>
    %add3A_18 = arith.addf %div3A_14, %get3A_17 : vector<1000x128xf32>
    %swap3A = arith.constant 0 : index
    %swap3A_19 = arith.constant 0 : index
    %swap3A_20 = vector.load %arg4[%swap3A, %swap3A_19] : memref<1000x128xf32, #tpu.memory_space<vmem>>, vector<1000x128xf32>
    tpu.vector_store %arg4[%swap3A, %swap3A_19], %add3A_18 {strides = array<i32>} : memref<1000x128xf32, #tpu.memory_space<vmem>>, vector<1000x128xf32>,
    %eq3A = arith.constant 0 : i32
    %eq3A_21 = arith.cmpi eq, %arg0, %eq3A : i32
    %convert_element_type3A = arith.extui %eq3A_21 : i1 to i32
    %cond3A = arith.constant 0 : i32
    %cond3A_22 = arith.cmpi ne, %convert_element_type3A, %cond3A : i32
    scf.if %cond3A_22 {
      %broadcast_in_dim3A_41 = arith.constant 0.000000e+00 : f32
      %broadcast_in_dim3A_42 = vector.broadcast %broadcast_in_dim3A_41 : f32 to vector<1x128xf32>
      %swap3A_43 = arith.constant 0 : index
      %swap3A_44 = arith.constant 0 : index
      %swap3A_45 = vector.load %arg5[%swap3A_43, %swap3A_44] : memref<1x128xf32, #tpu.memory_space<vmem>>, vector<1x128xf32>
      tpu.vector_store %arg5[%swap3A_43, %swap3A_44], %broadcast_in_dim3A_42 {strides = array<i32>} : memref<1x128xf32, #tpu.memory_space<vmem>>, vector<1x128xf32>,
      %broadcast_in_dim3A_46 = arith.constant 0.000000e+00 : f32
      %broadcast_in_dim3A_47 = vector.broadcast %broadcast_in_dim3A_46 : f32 to vector<1x128xf32>
      %swap3A_48 = arith.constant 0 : index
      %swap3A_49 = arith.constant 0 : index
      %swap3A_50 = vector.load %arg6[%swap3A_48, %swap3A_49] : memref<1x128xf32, #tpu.memory_space<vmem>>, vector<1x128xf32>
      tpu.vector_store %arg6[%swap3A_48, %swap3A_49], %broadcast_in_dim3A_47 {strides = array<i32>} : memref<1x128xf32, #tpu.memory_space<vmem>>, vector<1x128xf32>,
    } else {
    }
    %get3A_23 = arith.constant 0 : index
    %get3A_24 = arith.constant 0 : index
    %get3A_25 = vector.load %arg5[%get3A_23, %get3A_24] : memref<1x128xf32, #tpu.memory_space<vmem>>, vector<1x128xf32>
    %reduce_sum3A = arith.constant dense<0.000000e+00> : vector<128xf32>
    %reduce_sum3A_26 = vector.multi_reduction <add>, %add3A_18, %reduce_sum3A [0] : vector<1000x128xf32> to vector<128xf32>
    %broadcast_in_dim3A = vector.shape_cast %reduce_sum3A_26 : vector<128xf32> to vector<1x128xf32>
    %add3A_27 = arith.addf %get3A_25, %broadcast_in_dim3A : vector<1x128xf32>
    %swap3A_28 = arith.constant 0 : index
    %swap3A_29 = arith.constant 0 : index
    %swap3A_30 = vector.load %arg5[%swap3A_28, %swap3A_29] : memref<1x128xf32, #tpu.memory_space<vmem>>, vector<1x128xf32>
    tpu.vector_store %arg5[%swap3A_28, %swap3A_29], %add3A_27 {strides = array<i32>} : memref<1x128xf32, #tpu.memory_space<vmem>>, vector<1x128xf32>,
    %get3A_31 = arith.constant 0 : index
    %get3A_32 = arith.constant 0 : index
    %get3A_33 = vector.load %arg6[%get3A_31, %get3A_32] : memref<1x128xf32, #tpu.memory_space<vmem>>, vector<1x128xf32>
    %mul3A = arith.mulf %add3A_18, %add3A_18 : vector<1000x128xf32>
    %reduce_sum3A_34 = arith.constant dense<0.000000e+00> : vector<128xf32>
    %reduce_sum3A_35 = vector.multi_reduction <add>, %mul3A, %reduce_sum3A_34 [0] : vector<1000x128xf32> to vector<128xf32>
    %broadcast_in_dim3A_36 = vector.shape_cast %reduce_sum3A_35 : vector<128xf32> to vector<1x128xf32>
    %add3A_37 = arith.addf %get3A_33, %broadcast_in_dim3A_36 : vector<1x128xf32>
    %swap3A_38 = arith.constant 0 : index
    %swap3A_39 = arith.constant 0 : index
    %swap3A_40 = vector.load %arg6[%swap3A_38, %swap3A_39] : memref<1x128xf32, #tpu.memory_space<vmem>>, vector<1x128xf32>
    tpu.vector_store %arg6[%swap3A_38, %swap3A_39], %add3A_37 {strides = array<i32>} : memref<1x128xf32, #tpu.memory_space<vmem>>, vector<1x128xf32>,
    return
  }
  func.func @transform_0(%arg0: i32) -> (i32, i32, i32) {
    %c0_i32 = arith.constant 0 : i32
    %c0_i32_0 = arith.constant 0 : i32
    %c0_i32_1 = arith.constant 0 : i32
    return %c0_i32, %arg0, %c0_i32_0 : i32, i32, i32
  }
  func.func @transform_1(%arg0: i32) -> (i32, i32) {
    %c0_i32 = arith.constant 0 : i32
    %c0_i32_0 = arith.constant 0 : i32
    return %arg0, %c0_i32 : i32, i32
  }
  func.func @transform_2(%arg0: i32) -> (i32, i32) {
    %c0_i32 = arith.constant 0 : i32
    %c0_i32_0 = arith.constant 0 : i32
    return %arg0, %c0_i32 : i32, i32
  }
  func.func @transform_3(%arg0: i32) -> (i32, i32) {
    %c0_i32 = arith.constant 0 : i32
    %c0_i32_0 = arith.constant 0 : i32
    return %arg0, %c0_i32 : i32, i32
  }
  func.func @transform_4(%arg0: i32) -> (i32, i32) {
    %c0_i32 = arith.constant 0 : i32
    %c0_i32_0 = arith.constant 0 : i32
    %c0_i32_1 = arith.constant 0 : i32
    return %c0_i32, %c0_i32_0 : i32, i32
  }
  func.func @transform_5(%arg0: i32) -> (i32, i32) {
    %c0_i32 = arith.constant 0 : i32
    %c0_i32_0 = arith.constant 0 : i32
    %c0_i32_1 = arith.constant 0 : i32
    return %c0_i32, %c0_i32_0 : i32, i32
  }
}

module attributes {stable_mosaic.version = 14 : i64} {
  func.func @_tc_b_body(%arg0: i32, %arg1: memref<1000x128xf32, #tpu.memory_space<vmem>>, %arg2: memref<1x128xf32, #tpu.memory_space<vmem>>, %arg3: memref<1x128xf32, #tpu.memory_space<vmem>>, %arg4: memref<1x128xf32, #tpu.memory_space<vmem>>, %arg5: memref<1x128xf32, #tpu.memory_space<vmem>>, %arg6: memref<128x128xf32, #tpu.memory_space<vmem>>, %arg7: memref<128x64xf32, #tpu.memory_space<vmem>>, %arg8: memref<1x64xf32, #tpu.memory_space<vmem>>, %arg9: memref<1000x128xf32, #tpu.memory_space<vmem>>, %arg10: memref<1000x64xf32, #tpu.memory_space<vmem>>) attributes {dimension_semantics = [#tpu.dimension_semantics<arbitrary>], iteration_bounds = array<i64: 10>, scalar_prefetch = 0 : i64, scratch_operands = 0 : i64, tpu.core_type = #tpu.core_type<tc>, window_params = [{transform_indices = @transform_0, window_bounds = array<i64: 1000, 128>}, {pipeline_mode = #tpu.pipeline_mode<synchronous>, transform_indices = @transform_1, window_bounds = array<i64: 1, 128>}, {pipeline_mode = #tpu.pipeline_mode<synchronous>, transform_indices = @transform_2, window_bounds = array<i64: 1, 128>}, {pipeline_mode = #tpu.pipeline_mode<synchronous>, transform_indices = @transform_3, window_bounds = array<i64: 1, 128>}, {pipeline_mode = #tpu.pipeline_mode<synchronous>, transform_indices = @transform_4, window_bounds = array<i64: 1, 128>}, {pipeline_mode = #tpu.pipeline_mode<synchronous>, transform_indices = @transform_5, window_bounds = array<i64: 128, 128>}, {pipeline_mode = #tpu.pipeline_mode<synchronous>, transform_indices = @transform_6, window_bounds = array<i64: 128, 64>}, {pipeline_mode = #tpu.pipeline_mode<synchronous>, transform_indices = @transform_7, window_bounds = array<i64: 1, 64>}, {transform_indices = @transform_8, window_bounds = array<i64: 1000, 128>}, {transform_indices = @transform_9, window_bounds = array<i64: 1000, 64>}]} {
    %get3A = arith.constant 0 : index
    %get3A_0 = arith.constant 0 : index
    %get3A_1 = vector.load %arg2[%get3A, %get3A_0] : memref<1x128xf32, #tpu.memory_space<vmem>>, vector<1x128xf32>
    %mul3A = arith.constant 9.99999974E-5 : f32
    %mul3A_2 = vector.broadcast %mul3A : f32 to vector<1x128xf32>
    %mul3A_3 = arith.mulf %get3A_1, %mul3A_2 : vector<1x128xf32>
    %get3A_4 = arith.constant 0 : index
    %get3A_5 = arith.constant 0 : index
    %get3A_6 = vector.load %arg3[%get3A_4, %get3A_5] : memref<1x128xf32, #tpu.memory_space<vmem>>, vector<1x128xf32>
    %mul3A_7 = arith.constant 9.99999974E-5 : f32
    %mul3A_8 = vector.broadcast %mul3A_7 : f32 to vector<1x128xf32>
    %mul3A_9 = arith.mulf %get3A_6, %mul3A_8 : vector<1x128xf32>
    %mul3A_10 = arith.mulf %mul3A_3, %mul3A_3 : vector<1x128xf32>
    %sub3A = arith.subf %mul3A_9, %mul3A_10 : vector<1x128xf32>
    %get3A_11 = arith.constant 0 : index
    %get3A_12 = arith.constant 0 : index
    %get3A_13 = vector.load %arg1[%get3A_11, %get3A_12] : memref<1000x128xf32, #tpu.memory_space<vmem>>, vector<1000x128xf32>
    %sub3A_14 = vector.broadcast %mul3A_3 : vector<1x128xf32> to vector<1000x128xf32>
    %sub3A_15 = arith.subf %get3A_13, %sub3A_14 : vector<1000x128xf32>
    %add3A = arith.constant 9.99999974E-6 : f32
    %add3A_16 = vector.broadcast %add3A : f32 to vector<1x128xf32>
    %add3A_17 = arith.addf %sub3A, %add3A_16 : vector<1x128xf32>
    %rsqrt3A = math.rsqrt %add3A_17 : vector<1x128xf32>
    %mul3A_18 = vector.broadcast %rsqrt3A : vector<1x128xf32> to vector<1000x128xf32>
    %mul3A_19 = arith.mulf %sub3A_15, %mul3A_18 : vector<1000x128xf32>
    %get3A_20 = arith.constant 0 : index
    %get3A_21 = arith.constant 0 : index
    %get3A_22 = vector.load %arg4[%get3A_20, %get3A_21] : memref<1x128xf32, #tpu.memory_space<vmem>>, vector<1x128xf32>
    %mul3A_23 = vector.broadcast %get3A_22 : vector<1x128xf32> to vector<1000x128xf32>
    %mul3A_24 = arith.mulf %mul3A_19, %mul3A_23 : vector<1000x128xf32>
    %get3A_25 = arith.constant 0 : index
    %get3A_26 = arith.constant 0 : index
    %get3A_27 = vector.load %arg5[%get3A_25, %get3A_26] : memref<1x128xf32, #tpu.memory_space<vmem>>, vector<1x128xf32>
    %add3A_28 = vector.broadcast %get3A_27 : vector<1x128xf32> to vector<1000x128xf32>
    %add3A_29 = arith.addf %mul3A_24, %add3A_28 : vector<1000x128xf32>
    %max3A = arith.constant 0.000000e+00 : f32
    %max3A_30 = vector.broadcast %max3A : f32 to vector<1000x128xf32>
    %max3A_31 = arith.maximumf %add3A_29, %max3A_30 : vector<1000x128xf32>
    %get3A_32 = arith.constant 0 : index
    %get3A_33 = arith.constant 0 : index
    %get3A_34 = vector.load %arg6[%get3A_32, %get3A_33] : memref<128x128xf32, #tpu.memory_space<vmem>>, vector<128x128xf32>
    %dot_general3A = arith.constant dense<0.000000e+00> : vector<1000x128xf32>
    %dot_general3A_35 = tpu.matmul %max3A_31, %get3A_34, %dot_general3A {dimension_numbers = #tpu.dot_dimension_numbers<[1], [0], [0], [1], [0, 0, 1, 1], [], []>, transpose_lhs_hint = false} : vector<1000x128xf32>, vector<128x128xf32>, vector<1000x128xf32> -> vector<1000x128xf32>
    %swap3A = arith.constant 0 : index
    %swap3A_36 = arith.constant 0 : index
    %swap3A_37 = vector.load %arg9[%swap3A, %swap3A_36] : memref<1000x128xf32, #tpu.memory_space<vmem>>, vector<1000x128xf32>
    tpu.vector_store %arg9[%swap3A, %swap3A_36], %dot_general3A_35 {strides = array<i32>} : memref<1000x128xf32, #tpu.memory_space<vmem>>, vector<1000x128xf32>,
    %get3A_38 = arith.constant 0 : index
    %get3A_39 = arith.constant 0 : index
    %get3A_40 = vector.load %arg7[%get3A_38, %get3A_39] : memref<128x64xf32, #tpu.memory_space<vmem>>, vector<128x64xf32>
    %dot_general3A_41 = arith.constant dense<0.000000e+00> : vector<1000x64xf32>
    %dot_general3A_42 = tpu.matmul %max3A_31, %get3A_40, %dot_general3A_41 {dimension_numbers = #tpu.dot_dimension_numbers<[1], [0], [0], [1], [0, 0, 1, 1], [], []>, transpose_lhs_hint = false} : vector<1000x128xf32>, vector<128x64xf32>, vector<1000x64xf32> -> vector<1000x64xf32>
    %get3A_43 = arith.constant 0 : index
    %get3A_44 = arith.constant 0 : index
    %get3A_45 = vector.load %arg8[%get3A_43, %get3A_44] : memref<1x64xf32, #tpu.memory_space<vmem>>, vector<1x64xf32>
    %add3A_46 = vector.broadcast %get3A_45 : vector<1x64xf32> to vector<1000x64xf32>
    %add3A_47 = arith.addf %dot_general3A_42, %add3A_46 : vector<1000x64xf32>
    %swap3A_48 = arith.constant 0 : index
    %swap3A_49 = arith.constant 0 : index
    %swap3A_50 = vector.load %arg10[%swap3A_48, %swap3A_49] : memref<1000x64xf32, #tpu.memory_space<vmem>>, vector<1000x64xf32>
    tpu.vector_store %arg10[%swap3A_48, %swap3A_49], %add3A_47 {strides = array<i32>} : memref<1000x64xf32, #tpu.memory_space<vmem>>, vector<1000x64xf32>,
    return
  }
  func.func @transform_0(%arg0: i32) -> (i32, i32) {
    %c0_i32 = arith.constant 0 : i32
    %c0_i32_0 = arith.constant 0 : i32
    return %arg0, %c0_i32 : i32, i32
  }
  func.func @transform_1(%arg0: i32) -> (i32, i32) {
    %c0_i32 = arith.constant 0 : i32
    %c0_i32_0 = arith.constant 0 : i32
    %c0_i32_1 = arith.constant 0 : i32
    return %c0_i32, %c0_i32_0 : i32, i32
  }
  func.func @transform_2(%arg0: i32) -> (i32, i32) {
    %c0_i32 = arith.constant 0 : i32
    %c0_i32_0 = arith.constant 0 : i32
    %c0_i32_1 = arith.constant 0 : i32
    return %c0_i32, %c0_i32_0 : i32, i32
  }
  func.func @transform_3(%arg0: i32) -> (i32, i32) {
    %c0_i32 = arith.constant 0 : i32
    %c0_i32_0 = arith.constant 0 : i32
    %c0_i32_1 = arith.constant 0 : i32
    return %c0_i32, %c0_i32_0 : i32, i32
  }
  func.func @transform_4(%arg0: i32) -> (i32, i32) {
    %c0_i32 = arith.constant 0 : i32
    %c0_i32_0 = arith.constant 0 : i32
    %c0_i32_1 = arith.constant 0 : i32
    return %c0_i32, %c0_i32_0 : i32, i32
  }
  func.func @transform_5(%arg0: i32) -> (i32, i32) {
    %c0_i32 = arith.constant 0 : i32
    %c0_i32_0 = arith.constant 0 : i32
    %c0_i32_1 = arith.constant 0 : i32
    return %c0_i32, %c0_i32_0 : i32, i32
  }
  func.func @transform_6(%arg0: i32) -> (i32, i32) {
    %c0_i32 = arith.constant 0 : i32
    %c0_i32_0 = arith.constant 0 : i32
    %c0_i32_1 = arith.constant 0 : i32
    return %c0_i32, %c0_i32_0 : i32, i32
  }
  func.func @transform_7(%arg0: i32) -> (i32, i32) {
    %c0_i32 = arith.constant 0 : i32
    %c0_i32_0 = arith.constant 0 : i32
    %c0_i32_1 = arith.constant 0 : i32
    return %c0_i32, %c0_i32_0 : i32, i32
  }
  func.func @transform_8(%arg0: i32) -> (i32, i32) {
    %c0_i32 = arith.constant 0 : i32
    %c0_i32_0 = arith.constant 0 : i32
    return %arg0, %c0_i32 : i32, i32
  }
  func.func @transform_9(%arg0: i32) -> (i32, i32) {
    %c0_i32 = arith.constant 0 : i32
    %c0_i32_0 = arith.constant 0 : i32
    return %arg0, %c0_i32 : i32, i32
  }
}

module attributes {stable_mosaic.version = 14 : i64} {
  func.func @_tc_a23_body(%arg0: i32, %arg1: memref<2x1000x128xf32, #tpu.memory_space<vmem>>, %arg2: memref<1000x1xf32, #tpu.memory_space<vmem>>, %arg3: memref<1000x64xf32, #tpu.memory_space<vmem>>, %arg4: memref<1000x64xf32, #tpu.memory_space<vmem>>, %arg5: memref<1x64xf32, #tpu.memory_space<vmem>>, %arg6: memref<1x64xf32, #tpu.memory_space<vmem>>) attributes {dimension_semantics = [#tpu.dimension_semantics<arbitrary>], iteration_bounds = array<i64: 10>, scalar_prefetch = 0 : i64, scratch_operands = 0 : i64, tpu.core_type = #tpu.core_type<tc>, window_params = [{transform_indices = @transform_0, window_bounds = array<i64: 2, 1000, 128>}, {transform_indices = @transform_1, window_bounds = array<i64: 1000, 1>}, {transform_indices = @transform_2, window_bounds = array<i64: 1000, 64>}, {transform_indices = @transform_3, window_bounds = array<i64: 1000, 64>}, {pipeline_mode = #tpu.pipeline_mode<synchronous>, transform_indices = @transform_4, window_bounds = array<i64: 1, 64>}, {pipeline_mode = #tpu.pipeline_mode<synchronous>, transform_indices = @transform_5, window_bounds = array<i64: 1, 64>}]} {
    %get3A = arith.constant 0 : index
    %get3A_0 = arith.constant 0 : index
    %get3A_1 = arith.constant 0 : index
    %get3A_2 = vector.load %arg1[%get3A, %get3A_0, %get3A_1] : memref<2x1000x128xf32, #tpu.memory_space<vmem>>, vector<1x1000x128xf32>
    %get3A_3 = vector.shape_cast %get3A_2 : vector<1x1000x128xf32> to vector<1000x128xf32>
    %slice3A = vector.extract_strided_slice %get3A_3 {offsets = [0, 0], sizes = [1000, 64], strides = [1, 1]} : vector<1000x128xf32> to vector<1000x64xf32>
    %get3A_4 = arith.constant 1 : index
    %get3A_5 = arith.constant 0 : index
    %get3A_6 = arith.constant 0 : index
    %get3A_7 = vector.load %arg1[%get3A_4, %get3A_5, %get3A_6] : memref<2x1000x128xf32, #tpu.memory_space<vmem>>, vector<1x1000x128xf32>
    %get3A_8 = vector.shape_cast %get3A_7 : vector<1x1000x128xf32> to vector<1000x128xf32>
    %slice3A_9 = vector.extract_strided_slice %get3A_8 {offsets = [0, 0], sizes = [1000, 64], strides = [1, 1]} : vector<1000x128xf32> to vector<1000x64xf32>
    %add3A = arith.addf %slice3A, %slice3A_9 : vector<1000x64xf32>
    %get3A_10 = arith.constant 0 : index
    %get3A_11 = arith.constant 0 : index
    %get3A_12 = vector.load %arg2[%get3A_10, %get3A_11] : memref<1000x1xf32, #tpu.memory_space<vmem>>, vector<1000x1xf32>
    %max3A = arith.constant 1.000000e+00 : f32
    %max3A_13 = vector.broadcast %max3A : f32 to vector<1000x1xf32>
    %max3A_14 = arith.maximumf %get3A_12, %max3A_13 : vector<1000x1xf32>
    %div3A = vector.broadcast %max3A_14 : vector<1000x1xf32> to vector<1000x64xf32>
    %div3A_15 = arith.divf %add3A, %div3A : vector<1000x64xf32>
    %get3A_16 = arith.constant 0 : index
    %get3A_17 = arith.constant 0 : index
    %get3A_18 = vector.load %arg3[%get3A_16, %get3A_17] : memref<1000x64xf32, #tpu.memory_space<vmem>>, vector<1000x64xf32>
    %add3A_19 = arith.addf %div3A_15, %get3A_18 : vector<1000x64xf32>
    %swap3A = arith.constant 0 : index
    %swap3A_20 = arith.constant 0 : index
    %swap3A_21 = vector.load %arg4[%swap3A, %swap3A_20] : memref<1000x64xf32, #tpu.memory_space<vmem>>, vector<1000x64xf32>
    tpu.vector_store %arg4[%swap3A, %swap3A_20], %add3A_19 {strides = array<i32>} : memref<1000x64xf32, #tpu.memory_space<vmem>>, vector<1000x64xf32>,
    %eq3A = arith.constant 0 : i32
    %eq3A_22 = arith.cmpi eq, %arg0, %eq3A : i32
    %convert_element_type3A = arith.extui %eq3A_22 : i1 to i32
    %cond3A = arith.constant 0 : i32
    %cond3A_23 = arith.cmpi ne, %convert_element_type3A, %cond3A : i32
    scf.if %cond3A_23 {
      %broadcast_in_dim3A_42 = arith.constant 0.000000e+00 : f32
      %broadcast_in_dim3A_43 = vector.broadcast %broadcast_in_dim3A_42 : f32 to vector<1x64xf32>
      %swap3A_44 = arith.constant 0 : index
      %swap3A_45 = arith.constant 0 : index
      %swap3A_46 = vector.load %arg5[%swap3A_44, %swap3A_45] : memref<1x64xf32, #tpu.memory_space<vmem>>, vector<1x64xf32>
      tpu.vector_store %arg5[%swap3A_44, %swap3A_45], %broadcast_in_dim3A_43 {strides = array<i32>} : memref<1x64xf32, #tpu.memory_space<vmem>>, vector<1x64xf32>,
      %broadcast_in_dim3A_47 = arith.constant 0.000000e+00 : f32
      %broadcast_in_dim3A_48 = vector.broadcast %broadcast_in_dim3A_47 : f32 to vector<1x64xf32>
      %swap3A_49 = arith.constant 0 : index
      %swap3A_50 = arith.constant 0 : index
      %swap3A_51 = vector.load %arg6[%swap3A_49, %swap3A_50] : memref<1x64xf32, #tpu.memory_space<vmem>>, vector<1x64xf32>
      tpu.vector_store %arg6[%swap3A_49, %swap3A_50], %broadcast_in_dim3A_48 {strides = array<i32>} : memref<1x64xf32, #tpu.memory_space<vmem>>, vector<1x64xf32>,
    } else {
    }
    %get3A_24 = arith.constant 0 : index
    %get3A_25 = arith.constant 0 : index
    %get3A_26 = vector.load %arg5[%get3A_24, %get3A_25] : memref<1x64xf32, #tpu.memory_space<vmem>>, vector<1x64xf32>
    %reduce_sum3A = arith.constant dense<0.000000e+00> : vector<64xf32>
    %reduce_sum3A_27 = vector.multi_reduction <add>, %add3A_19, %reduce_sum3A [0] : vector<1000x64xf32> to vector<64xf32>
    %broadcast_in_dim3A = vector.shape_cast %reduce_sum3A_27 : vector<64xf32> to vector<1x64xf32>
    %add3A_28 = arith.addf %get3A_26, %broadcast_in_dim3A : vector<1x64xf32>
    %swap3A_29 = arith.constant 0 : index
    %swap3A_30 = arith.constant 0 : index
    %swap3A_31 = vector.load %arg5[%swap3A_29, %swap3A_30] : memref<1x64xf32, #tpu.memory_space<vmem>>, vector<1x64xf32>
    tpu.vector_store %arg5[%swap3A_29, %swap3A_30], %add3A_28 {strides = array<i32>} : memref<1x64xf32, #tpu.memory_space<vmem>>, vector<1x64xf32>,
    %get3A_32 = arith.constant 0 : index
    %get3A_33 = arith.constant 0 : index
    %get3A_34 = vector.load %arg6[%get3A_32, %get3A_33] : memref<1x64xf32, #tpu.memory_space<vmem>>, vector<1x64xf32>
    %mul3A = arith.mulf %add3A_19, %add3A_19 : vector<1000x64xf32>
    %reduce_sum3A_35 = arith.constant dense<0.000000e+00> : vector<64xf32>
    %reduce_sum3A_36 = vector.multi_reduction <add>, %mul3A, %reduce_sum3A_35 [0] : vector<1000x64xf32> to vector<64xf32>
    %broadcast_in_dim3A_37 = vector.shape_cast %reduce_sum3A_36 : vector<64xf32> to vector<1x64xf32>
    %add3A_38 = arith.addf %get3A_34, %broadcast_in_dim3A_37 : vector<1x64xf32>
    %swap3A_39 = arith.constant 0 : index
    %swap3A_40 = arith.constant 0 : index
    %swap3A_41 = vector.load %arg6[%swap3A_39, %swap3A_40] : memref<1x64xf32, #tpu.memory_space<vmem>>, vector<1x64xf32>
    tpu.vector_store %arg6[%swap3A_39, %swap3A_40], %add3A_38 {strides = array<i32>} : memref<1x64xf32, #tpu.memory_space<vmem>>, vector<1x64xf32>,
    return
  }
  func.func @transform_0(%arg0: i32) -> (i32, i32, i32) {
    %c0_i32 = arith.constant 0 : i32
    %c0_i32_0 = arith.constant 0 : i32
    %c0_i32_1 = arith.constant 0 : i32
    return %c0_i32, %arg0, %c0_i32_0 : i32, i32, i32
  }
  func.func @transform_1(%arg0: i32) -> (i32, i32) {
    %c0_i32 = arith.constant 0 : i32
    %c0_i32_0 = arith.constant 0 : i32
    return %arg0, %c0_i32 : i32, i32
  }
  func.func @transform_2(%arg0: i32) -> (i32, i32) {
    %c0_i32 = arith.constant 0 : i32
    %c0_i32_0 = arith.constant 0 : i32
    return %arg0, %c0_i32 : i32, i32
  }
  func.func @transform_3(%arg0: i32) -> (i32, i32) {
    %c0_i32 = arith.constant 0 : i32
    %c0_i32_0 = arith.constant 0 : i32
    return %arg0, %c0_i32 : i32, i32
  }
  func.func @transform_4(%arg0: i32) -> (i32, i32) {
    %c0_i32 = arith.constant 0 : i32
    %c0_i32_0 = arith.constant 0 : i32
    %c0_i32_1 = arith.constant 0 : i32
    return %c0_i32, %c0_i32_0 : i32, i32
  }
  func.func @transform_5(%arg0: i32) -> (i32, i32) {
    %c0_i32 = arith.constant 0 : i32
    %c0_i32_0 = arith.constant 0 : i32
    %c0_i32_1 = arith.constant 0 : i32
    return %c0_i32, %c0_i32_0 : i32, i32
  }
}

module attributes {stable_mosaic.version = 14 : i64} {
  func.func @_tc_c_body(%arg0: i32, %arg1: memref<1000x64xf32, #tpu.memory_space<vmem>>, %arg2: memref<1x64xf32, #tpu.memory_space<vmem>>, %arg3: memref<1x64xf32, #tpu.memory_space<vmem>>, %arg4: memref<1x64xf32, #tpu.memory_space<vmem>>, %arg5: memref<1x64xf32, #tpu.memory_space<vmem>>, %arg6: memref<1x1x1000xi32, #tpu.memory_space<vmem>>, %arg7: memref<64x32xf32, #tpu.memory_space<vmem>>, %arg8: memref<1x32xf32, #tpu.memory_space<vmem>>, %arg9: memref<32x10xf32, #tpu.memory_space<vmem>>, %arg10: memref<1x10xf32, #tpu.memory_space<vmem>>, %arg11: memref<32x10xf32, #tpu.memory_space<vmem>>, %arg12: memref<32x64xf32, #tpu.memory_space<vmem>>, %arg13: memref<32x1xf32, #tpu.memory_space<vmem>>) attributes {dimension_semantics = [#tpu.dimension_semantics<arbitrary>], iteration_bounds = array<i64: 10>, scalar_prefetch = 0 : i64, scratch_operands = 2 : i64, tpu.core_type = #tpu.core_type<tc>, window_params = [{transform_indices = @transform_0, window_bounds = array<i64: 1000, 64>}, {pipeline_mode = #tpu.pipeline_mode<synchronous>, transform_indices = @transform_1, window_bounds = array<i64: 1, 64>}, {pipeline_mode = #tpu.pipeline_mode<synchronous>, transform_indices = @transform_2, window_bounds = array<i64: 1, 64>}, {pipeline_mode = #tpu.pipeline_mode<synchronous>, transform_indices = @transform_3, window_bounds = array<i64: 1, 64>}, {pipeline_mode = #tpu.pipeline_mode<synchronous>, transform_indices = @transform_4, window_bounds = array<i64: 1, 64>}, {transform_indices = @transform_5, window_bounds = array<i64: 1, 1, 1000>}, {pipeline_mode = #tpu.pipeline_mode<synchronous>, transform_indices = @transform_6, window_bounds = array<i64: 64, 32>}, {pipeline_mode = #tpu.pipeline_mode<synchronous>, transform_indices = @transform_7, window_bounds = array<i64: 1, 32>}, {pipeline_mode = #tpu.pipeline_mode<synchronous>, transform_indices = @transform_8, window_bounds = array<i64: 32, 10>}, {pipeline_mode = #tpu.pipeline_mode<synchronous>, transform_indices = @transform_9, window_bounds = array<i64: 1, 10>}, {pipeline_mode = #tpu.pipeline_mode<synchronous>, transform_indices = @transform_10, window_bounds = array<i64: 32, 10>}]} {
    %get3A = arith.constant 0 : index
    %get3A_0 = arith.constant 0 : index
    %get3A_1 = vector.load %arg2[%get3A, %get3A_0] : memref<1x64xf32, #tpu.memory_space<vmem>>, vector<1x64xf32>
    %mul3A = arith.constant 9.99999974E-5 : f32
    %mul3A_2 = vector.broadcast %mul3A : f32 to vector<1x64xf32>
    %mul3A_3 = arith.mulf %get3A_1, %mul3A_2 : vector<1x64xf32>
    %get3A_4 = arith.constant 0 : index
    %get3A_5 = arith.constant 0 : index
    %get3A_6 = vector.load %arg3[%get3A_4, %get3A_5] : memref<1x64xf32, #tpu.memory_space<vmem>>, vector<1x64xf32>
    %mul3A_7 = arith.constant 9.99999974E-5 : f32
    %mul3A_8 = vector.broadcast %mul3A_7 : f32 to vector<1x64xf32>
    %mul3A_9 = arith.mulf %get3A_6, %mul3A_8 : vector<1x64xf32>
    %mul3A_10 = arith.mulf %mul3A_3, %mul3A_3 : vector<1x64xf32>
    %sub3A = arith.subf %mul3A_9, %mul3A_10 : vector<1x64xf32>
    %get3A_11 = arith.constant 0 : index
    %get3A_12 = arith.constant 0 : index
    %get3A_13 = vector.load %arg1[%get3A_11, %get3A_12] : memref<1000x64xf32, #tpu.memory_space<vmem>>, vector<1000x64xf32>
    %sub3A_14 = vector.broadcast %mul3A_3 : vector<1x64xf32> to vector<1000x64xf32>
    %sub3A_15 = arith.subf %get3A_13, %sub3A_14 : vector<1000x64xf32>
    %add3A = arith.constant 9.99999974E-6 : f32
    %add3A_16 = vector.broadcast %add3A : f32 to vector<1x64xf32>
    %add3A_17 = arith.addf %sub3A, %add3A_16 : vector<1x64xf32>
    %rsqrt3A = math.rsqrt %add3A_17 : vector<1x64xf32>
    %mul3A_18 = vector.broadcast %rsqrt3A : vector<1x64xf32> to vector<1000x64xf32>
    %mul3A_19 = arith.mulf %sub3A_15, %mul3A_18 : vector<1000x64xf32>
    %get3A_20 = arith.constant 0 : index
    %get3A_21 = arith.constant 0 : index
    %get3A_22 = vector.load %arg4[%get3A_20, %get3A_21] : memref<1x64xf32, #tpu.memory_space<vmem>>, vector<1x64xf32>
    %mul3A_23 = vector.broadcast %get3A_22 : vector<1x64xf32> to vector<1000x64xf32>
    %mul3A_24 = arith.mulf %mul3A_19, %mul3A_23 : vector<1000x64xf32>
    %get3A_25 = arith.constant 0 : index
    %get3A_26 = arith.constant 0 : index
    %get3A_27 = vector.load %arg5[%get3A_25, %get3A_26] : memref<1x64xf32, #tpu.memory_space<vmem>>, vector<1x64xf32>
    %add3A_28 = vector.broadcast %get3A_27 : vector<1x64xf32> to vector<1000x64xf32>
    %add3A_29 = arith.addf %mul3A_24, %add3A_28 : vector<1000x64xf32>
    %max3A = arith.constant 0.000000e+00 : f32
    %max3A_30 = vector.broadcast %max3A : f32 to vector<1000x64xf32>
    %max3A_31 = arith.maximumf %add3A_29, %max3A_30 : vector<1000x64xf32>
    %iota3A = tpu.iota {dimensions = array<i32: 0>} : vector<32x1000xi32>
    %get3A_32 = arith.constant 0 : index
    %get3A_33 = arith.constant 0 : index
    %get3A_34 = arith.constant 0 : index
    %get3A_35 = vector.load %arg6[%get3A_32, %get3A_33, %get3A_34] : memref<1x1x1000xi32, #tpu.memory_space<vmem>>, vector<1x1x1000xi32>
    %get3A_36 = vector.shape_cast %get3A_35 : vector<1x1x1000xi32> to vector<1x1000xi32>
    %eq3A = vector.broadcast %get3A_36 : vector<1x1000xi32> to vector<32x1000xi32>
    %eq3A_37 = arith.cmpi eq, %iota3A, %eq3A : vector<32x1000xi32>
    %convert_element_type3A = arith.extui %eq3A_37 : vector<32x1000xi1> to vector<32x1000xi32>
    %convert_element_type3A_38 = arith.sitofp %convert_element_type3A : vector<32x1000xi32> to vector<32x1000xf32>
    %eq3A_39 = arith.constant 0 : i32
    %eq3A_40 = arith.cmpi eq, %arg0, %eq3A_39 : i32
    %convert_element_type3A_41 = arith.extui %eq3A_40 : i1 to i32
    %cond3A = arith.constant 0 : i32
    %cond3A_42 = arith.cmpi ne, %convert_element_type3A_41, %cond3A : i32
    scf.if %cond3A_42 {
      %broadcast_in_dim3A_63 = arith.constant 0.000000e+00 : f32
      %broadcast_in_dim3A_64 = vector.broadcast %broadcast_in_dim3A_63 : f32 to vector<32x64xf32>
      %swap3A_65 = arith.constant 0 : index
      %swap3A_66 = arith.constant 0 : index
      %swap3A_67 = vector.load %arg12[%swap3A_65, %swap3A_66] : memref<32x64xf32, #tpu.memory_space<vmem>>, vector<32x64xf32>
      tpu.vector_store %arg12[%swap3A_65, %swap3A_66], %broadcast_in_dim3A_64 {strides = array<i32>} : memref<32x64xf32, #tpu.memory_space<vmem>>, vector<32x64xf32>,
      %broadcast_in_dim3A_68 = arith.constant 0.000000e+00 : f32
      %broadcast_in_dim3A_69 = vector.broadcast %broadcast_in_dim3A_68 : f32 to vector<32x1xf32>
      %swap3A_70 = arith.constant 0 : index
      %swap3A_71 = arith.constant 0 : index
      %swap3A_72 = vector.load %arg13[%swap3A_70, %swap3A_71] : memref<32x1xf32, #tpu.memory_space<vmem>>, vector<32x1xf32>
      tpu.vector_store %arg13[%swap3A_70, %swap3A_71], %broadcast_in_dim3A_69 {strides = array<i32>} : memref<32x1xf32, #tpu.memory_space<vmem>>, vector<32x1xf32>,
    } else {
    }
    %get3A_43 = arith.constant 0 : index
    %get3A_44 = arith.constant 0 : index
    %get3A_45 = vector.load %arg12[%get3A_43, %get3A_44] : memref<32x64xf32, #tpu.memory_space<vmem>>, vector<32x64xf32>
    %dot_general3A = arith.constant dense<0.000000e+00> : vector<32x64xf32>
    %dot_general3A_46 = tpu.matmul %convert_element_type3A_38, %max3A_31, %dot_general3A {dimension_numbers = #tpu.dot_dimension_numbers<[1], [0], [0], [1], [0, 0, 1, 1], [], []>, transpose_lhs_hint = false} : vector<32x1000xf32>, vector<1000x64xf32>, vector<32x64xf32> -> vector<32x64xf32>
    %add3A_47 = arith.addf %get3A_45, %dot_general3A_46 : vector<32x64xf32>
    %swap3A = arith.constant 0 : index
    %swap3A_48 = arith.constant 0 : index
    %swap3A_49 = vector.load %arg12[%swap3A, %swap3A_48] : memref<32x64xf32, #tpu.memory_space<vmem>>, vector<32x64xf32>
    tpu.vector_store %arg12[%swap3A, %swap3A_48], %add3A_47 {strides = array<i32>} : memref<32x64xf32, #tpu.memory_space<vmem>>, vector<32x64xf32>,
    %get3A_50 = arith.constant 0 : index
    %get3A_51 = arith.constant 0 : index
    %get3A_52 = vector.load %arg13[%get3A_50, %get3A_51] : memref<32x1xf32, #tpu.memory_space<vmem>>, vector<32x1xf32>
    %reduce_sum3A = arith.constant dense<0.000000e+00> : vector<32xf32>
    %reduce_sum3A_53 = vector.multi_reduction <add>, %convert_element_type3A_38, %reduce_sum3A [1] : vector<32x1000xf32> to vector<32xf32>
    %broadcast_in_dim3A = vector.shape_cast %reduce_sum3A_53 : vector<32xf32> to vector<32x1xf32>
    %add3A_54 = arith.addf %get3A_52, %broadcast_in_dim3A : vector<32x1xf32>
    %swap3A_55 = arith.constant 0 : index
    %swap3A_56 = arith.constant 0 : index
    %swap3A_57 = vector.load %arg13[%swap3A_55, %swap3A_56] : memref<32x1xf32, #tpu.memory_space<vmem>>, vector<32x1xf32>
    tpu.vector_store %arg13[%swap3A_55, %swap3A_56], %add3A_54 {strides = array<i32>} : memref<32x1xf32, #tpu.memory_space<vmem>>, vector<32x1xf32>,
    %eq3A_58 = arith.constant 9 : i32
    %eq3A_59 = arith.cmpi eq, %arg0, %eq3A_58 : i32
    %convert_element_type3A_60 = arith.extui %eq3A_59 : i1 to i32
    %cond3A_61 = arith.constant 0 : i32
    %cond3A_62 = arith.cmpi ne, %convert_element_type3A_60, %cond3A_61 : i32
    scf.if %cond3A_62 {
      %get3A_63 = arith.constant 0 : index
      %get3A_64 = arith.constant 0 : index
      %get3A_65 = vector.load %arg12[%get3A_63, %get3A_64] : memref<32x64xf32, #tpu.memory_space<vmem>>, vector<32x64xf32>
      %get3A_66 = arith.constant 0 : index
      %get3A_67 = arith.constant 0 : index
      %get3A_68 = vector.load %arg13[%get3A_66, %get3A_67] : memref<32x1xf32, #tpu.memory_space<vmem>>, vector<32x1xf32>
      %max3A_69 = arith.constant 1.000000e+00 : f32
      %max3A_70 = vector.broadcast %max3A_69 : f32 to vector<32x1xf32>
      %max3A_71 = arith.maximumf %get3A_68, %max3A_70 : vector<32x1xf32>
      %div3A = vector.broadcast %max3A_71 : vector<32x1xf32> to vector<32x64xf32>
      %div3A_72 = arith.divf %get3A_65, %div3A : vector<32x64xf32>
      %get3A_73 = arith.constant 0 : index
      %get3A_74 = arith.constant 0 : index
      %get3A_75 = vector.load %arg7[%get3A_73, %get3A_74] : memref<64x32xf32, #tpu.memory_space<vmem>>, vector<64x32xf32>
      %dot_general3A_76 = arith.constant dense<0.000000e+00> : vector<32x32xf32>
      %dot_general3A_77 = tpu.matmul %div3A_72, %get3A_75, %dot_general3A_76 {dimension_numbers = #tpu.dot_dimension_numbers<[1], [0], [0], [1], [0, 0, 1, 1], [], []>, transpose_lhs_hint = false} : vector<32x64xf32>, vector<64x32xf32>, vector<32x32xf32> -> vector<32x32xf32>
      %get3A_78 = arith.constant 0 : index
      %get3A_79 = arith.constant 0 : index
      %get3A_80 = vector.load %arg8[%get3A_78, %get3A_79] : memref<1x32xf32, #tpu.memory_space<vmem>>, vector<1x32xf32>
      %add3A_81 = vector.broadcast %get3A_80 : vector<1x32xf32> to vector<32x32xf32>
      %add3A_82 = arith.addf %dot_general3A_77, %add3A_81 : vector<32x32xf32>
      %max3A_83 = arith.constant 0.000000e+00 : f32
      %max3A_84 = vector.broadcast %max3A_83 : f32 to vector<32x32xf32>
      %max3A_85 = arith.maximumf %add3A_82, %max3A_84 : vector<32x32xf32>
      %get3A_86 = arith.constant 0 : index
      %get3A_87 = arith.constant 0 : index
      %get3A_88 = vector.load %arg9[%get3A_86, %get3A_87] : memref<32x10xf32, #tpu.memory_space<vmem>>, vector<32x10xf32>
      %dot_general3A_89 = arith.constant dense<0.000000e+00> : vector<32x10xf32>
      %dot_general3A_90 = tpu.matmul %max3A_85, %get3A_88, %dot_general3A_89 {dimension_numbers = #tpu.dot_dimension_numbers<[1], [0], [0], [1], [0, 0, 1, 1], [], []>, transpose_lhs_hint = false} : vector<32x32xf32>, vector<32x10xf32>, vector<32x10xf32> -> vector<32x10xf32>
      %get3A_91 = arith.constant 0 : index
      %get3A_92 = arith.constant 0 : index
      %get3A_93 = vector.load %arg10[%get3A_91, %get3A_92] : memref<1x10xf32, #tpu.memory_space<vmem>>, vector<1x10xf32>
      %add3A_94 = vector.broadcast %get3A_93 : vector<1x10xf32> to vector<32x10xf32>
      %add3A_95 = arith.addf %dot_general3A_90, %add3A_94 : vector<32x10xf32>
      %swap3A_96 = arith.constant 0 : index
      %swap3A_97 = arith.constant 0 : index
      %swap3A_98 = vector.load %arg11[%swap3A_96, %swap3A_97] : memref<32x10xf32, #tpu.memory_space<vmem>>, vector<32x10xf32>
      tpu.vector_store %arg11[%swap3A_96, %swap3A_97], %add3A_95 {strides = array<i32>} : memref<32x10xf32, #tpu.memory_space<vmem>>, vector<32x10xf32>,
    } else {
    }
    return
  }
  func.func @transform_0(%arg0: i32) -> (i32, i32) {
    %c0_i32 = arith.constant 0 : i32
    %c0_i32_0 = arith.constant 0 : i32
    return %arg0, %c0_i32 : i32, i32
  }
  func.func @transform_1(%arg0: i32) -> (i32, i32) {
    %c0_i32 = arith.constant 0 : i32
    %c0_i32_0 = arith.constant 0 : i32
    %c0_i32_1 = arith.constant 0 : i32
    return %c0_i32, %c0_i32_0 : i32, i32
  }
  func.func @transform_2(%arg0: i32) -> (i32, i32) {
    %c0_i32 = arith.constant 0 : i32
    %c0_i32_0 = arith.constant 0 : i32
    %c0_i32_1 = arith.constant 0 : i32
    return %c0_i32, %c0_i32_0 : i32, i32
  }
  func.func @transform_3(%arg0: i32) -> (i32, i32) {
    %c0_i32 = arith.constant 0 : i32
    %c0_i32_0 = arith.constant 0 : i32
    %c0_i32_1 = arith.constant 0 : i32
    return %c0_i32, %c0_i32_0 : i32, i32
  }
  func.func @transform_4(%arg0: i32) -> (i32, i32) {
    %c0_i32 = arith.constant 0 : i32
    %c0_i32_0 = arith.constant 0 : i32
    %c0_i32_1 = arith.constant 0 : i32
    return %c0_i32, %c0_i32_0 : i32, i32
  }
  func.func @transform_5(%arg0: i32) -> (i32, i32, i32) {
    %c0_i32 = arith.constant 0 : i32
    %c0_i32_0 = arith.constant 0 : i32
    %c0_i32_1 = arith.constant 0 : i32
    return %arg0, %c0_i32, %c0_i32_0 : i32, i32, i32
  }
  func.func @transform_6(%arg0: i32) -> (i32, i32) {
    %c0_i32 = arith.constant 0 : i32
    %c0_i32_0 = arith.constant 0 : i32
    %c0_i32_1 = arith.constant 0 : i32
    return %c0_i32, %c0_i32_0 : i32, i32
  }
  func.func @transform_7(%arg0: i32) -> (i32, i32) {
    %c0_i32 = arith.constant 0 : i32
    %c0_i32_0 = arith.constant 0 : i32
    %c0_i32_1 = arith.constant 0 : i32
    return %c0_i32, %c0_i32_0 : i32, i32
  }
  func.func @transform_8(%arg0: i32) -> (i32, i32) {
    %c0_i32 = arith.constant 0 : i32
    %c0_i32_0 = arith.constant 0 : i32
    %c0_i32_1 = arith.constant 0 : i32
    return %c0_i32, %c0_i32_0 : i32, i32
  }
  func.func @transform_9(%arg0: i32) -> (i32, i32) {
    %c0_i32 = arith.constant 0 : i32
    %c0_i32_0 = arith.constant 0 : i32
    %c0_i32_1 = arith.constant 0 : i32
    return %c0_i32, %c0_i32_0 : i32, i32
  }
  func.func @transform_10(%arg0: i32) -> (i32, i32) {
    %c0_i32 = arith.constant 0 : i32
    %c0_i32_0 = arith.constant 0 : i32
    %c0_i32_1 = arith.constant 0 : i32
    return %c0_i32, %c0_i32_0 : i32, i32
  }
}

</mosaic_0001>

<sc_bundles>
// kernel: kernel.11.cloned.1.call-start
scs
__scs_entry_jumppad:
0x0: {  	(pc) =	sbr.rel $0x88, $3  }
0x1: {  	(tag) =	ssettag $0x0;
	lr =	simm.s32 $0x1  }
0x2: {  	[smem:$0x3F8B] =	sst lr;
	_ =	strace $0xD0000000  }
0x3: {  	_ = 	snop  }
0x4: {  	_ = 	snop  }
0x5: {  	_ = 	snop  }
0x6: {  	_ = 	snop  }
0x7: {  	_ = 	snop  }
__scs_overlays_trampoline_lowered:
0x8: {  	[smem:$0x3F9A] =	sst s0  }
0x9: {  	[smem:$0x3F9B] =	sst s1  }
0xa: {  	[smem:$0x3F9C] =	sst s2  }
0xb: {  	[smem:$0x3F9D] =	sst s3  }
0xc: {  	[smem:$0x3F9E] =	sst s4  }
0xd: {  	[smem:$0x3F9F] =	sst s5  }
0xe: {  	[smem:$0x3FA0] =	sst s6  }
0xf: {  	[smem:$0x3FA1] =	sst s7  }
0x10: {  	[smem:$0x3FA2] =	sst s8  }
0x11: {  	[smem:$0x3FA3] =	sst s9;
	s0 =	simm.s32 @!p0 $0x0  }
0x12: {  	s1 =	sld [smem:$0x3F89];
	s0 =	simm.s32 @p0 $0x1  }
0x13: {  	[smem:$0x3FA4] =	sst s0;
	s0 =	simm.s32 @!p1 $0x0  }
0x14: {  	s2 =	sld [smem:$0x3F88];
	s0 =	simm.s32 @p1 $0x1  }
0x15: {  	[smem:$0x3FA5] =	sst s0;
	s0 =	simm.s32 @!p2 $0x0  }
0x16: {  	s3 =	sld [smem:$0x3FDB];
	s0 =	simm.s32 @p2 $0x1  }
0x17: {  	s4 =	simm.s32 $0x1BF5;
	[smem:$0x3FA7] =	sst s0  }
0x18: {  	s0 =	sld [smem:$0x3F8A];
	_ =	swait.ge [sflag:s4], $0x0  }
0x19: {  	s7 =	sld [smem:$0x3F8B]  }
0x1a: {  	s8 =	sadd.s32 $0xFFFFE003, lr  }
0x1b: {  	s9 =	sadd.s32 $0xFFFFFEF7, lr;
	s5 =	simm.s32 $0xFFFFFFFF;
	p2 =	slt.u32 s8, $0xFFFFF086  }
0x1c: {  	p1 =	slt.u32 s9, $0xF7A;
	s5 =	simm.s32 @!p2 $0x0  }
0x1d: {  	s5 =	simm.s32 @p1 $0x1;
	p0 =	seq.s32 s7, s2  }
0x1e: {  	s7 =	smul.u32 @!p0 $0xF7A, s2;
	p2 =	seq.s32 @!p0 s5, $0x0  }
0x1f: {  	s9 =	smul.u32 $0xF7A, s1;
	s8 =	simm.s32 @!p0 $0x1BF5;
	p2 =	por !p2, p0  }
0x20: {  	[sflag:s8] =	ssyncset.s32 @!p0 $0xFFFFF086;
	s6 =	sadd.s32 @!p0 s3, s7;
	s7 =	simm.s32 @!p0 $0x108  }
0x21: {  	s3 =	sadd.s32 s3, s9;
	s6 =	sadd.s32 @!p0 $0x88, s6;
	s7 =	simm.s32 @p2 $0x1082  }
0x22: {  	[simem:s7], [sflag:s8] =	dma.local @!p0 [hbm:s6], $0xF7A  }
0x23: {  	s9 =	sor.u32 $0xD0000000, s2;
	s6 =	simm.s32 $0x108;
	_ =	swait.ge @!p0 [sflag:s8], $0x0  }
0x24: {  	s3 =	sadd.s32 $0x88, s3;
	s6 =	simm.s32 @!p1 $0x1082;
	[sflag:s4] =	ssyncset.s32 $0xFFFFF086  }
0x25: {  	[simem:s6], [sflag:s4] =	dma.local [hbm:s3], $0xF7A  }
0x26: {  	[smem:$0x3F8B] =	sst s1;
	(tag) =	ssettag s2;
	_ =	strace s9  }
0x27: {  	s1 =	sld [smem:$0x3F9B]  }
0x28: {  	s2 =	sld [smem:$0x3F9C]  }
0x29: {  	s4 =	sld [smem:$0x3F9E]  }
0x2a: {  	p0 =	seq.s32 s5, $0x0;
	s5 =	sld [smem:$0x3F9F]  }
0x2b: {  	s6 =	sld [smem:$0x3FA0]  }
0x2c: {  	s7 =	sld [smem:$0x3FA1]  }
0x2d: {  	s3 =	simm.s32 $0x108;
	s8 =	sld [smem:$0x3FA2]  }
0x2e: {  	s3 =	simm.s32 @!p0 $0x1082;
	s9 =	sld [smem:$0x3FA3]  }
0x2f: {  	lr =	sadd.s32 s0, s3;
	s0 =	sld [smem:$0x3F9A]  }
0x30: {  	s3 =	sld [smem:$0x3F9D]  }
0x31: {  	[smem:$0x3FA6] =	sst s10  }
0x32: {  	s10 =	sld [smem:$0x3FA4];
	_ =	sdelay $0x3  }
0x33: {  	p0 =	seq.s32 s10, $0x1;
	s10 =	sld [smem:$0x3FA6];
	_ =	sdelay $0x3  }
0x34: {  	[smem:$0x3FA6] =	sst s10  }
0x35: {  	s10 =	sld [smem:$0x3FA5];
	_ =	sdelay $0x3  }
0x36: {  	p1 =	seq.s32 s10, $0x1;
	s10 =	sld [smem:$0x3FA6];
	_ =	sdelay $0x3  }
0x37: {  	[smem:$0x3FA6] =	sst s10  }
0x38: {  	s10 =	sld [smem:$0x3FA7]  }
0x39: {  	_ = 	snop;
	(pc) =	sbr.ind lr, $3  }
0x3a: {  	_ = 	snop  }
0x3b: {  	_ = 	snop  }
0x3c: {  	p2 =	seq.s32 s10, $0x1;
	s10 =	sld [smem:$0x3FA6]  }
0x3d: {  	_ =	shalt  }
0x3e: {  	_ =	shalt  }
0x3f: {  	_ =	shalt  }
0x40: {  	_ =	shalt  }
0x41: {  	_ =	shalt  }
0x42: {  	_ =	shalt  }
0x43: {  	_ =	shalt  }
0x44: {  	_ =	shalt  }
0x45: {  	_ =	shalt  }
0x46: {  	_ =	shalt  }
0x47: {  	_ =	shalt  }
0x48: {  	_ =	shalt  }
0x49: {  	_ =	shalt  }
0x4a: {  	_ =	shalt  }
0x4b: {  	_ =	shalt  }
0x4c: {  	_ =	shalt  }
0x4d: {  	_ =	shalt  }
0x4e: {  	_ =	shalt  }
0x4f: {  	_ =	shalt  }
0x50: {  	_ =	shalt  }
0x51: {  	_ =	shalt  }
0x52: {  	_ =	shalt  }
0x53: {  	_ =	shalt  }
0x54: {  	_ =	shalt  }
0x55: {  	_ =	shalt  }
0x56: {  	_ =	shalt  }
0x57: {  	_ =	shalt  }
0x58: {  	_ =	shalt  }
0x59: {  	_ =	shalt  }
0x5a: {  	_ =	shalt  }
0x5b: {  	_ =	shalt  }
0x5c: {  	_ =	shalt  }
0x5d: {  	_ =	shalt  }
0x5e: {  	_ =	shalt  }
0x5f: {  	_ =	shalt  }
0x60: {  	_ =	shalt  }
0x61: {  	_ =	shalt  }
0x62: {  	_ =	shalt  }
0x63: {  	_ =	shalt  }
0x64: {  	_ =	shalt  }
0x65: {  	_ =	shalt  }
0x66: {  	_ =	shalt  }
0x67: {  	_ =	shalt  }
0x68: {  	_ =	shalt  }
0x69: {  	_ =	shalt  }
0x6a: {  	_ =	shalt  }
0x6b: {  	_ =	shalt  }
0x6c: {  	_ =	shalt  }
0x6d: {  	_ =	shalt  }
0x6e: {  	_ =	shalt  }
0x6f: {  	_ =	shalt  }
0x70: {  	_ =	shalt  }
0x71: {  	_ =	shalt  }
0x72: {  	_ =	shalt  }
0x73: {  	_ =	shalt  }
0x74: {  	_ =	shalt  }
0x75: {  	_ =	shalt  }
0x76: {  	_ =	shalt  }
0x77: {  	_ =	shalt  }
0x78: {  	_ =	shalt  }
0x79: {  	_ =	shalt  }
0x7a: {  	_ =	shalt  }
0x7b: {  	_ =	shalt  }
0x7c: {  	_ =	shalt  }
0x7d: {  	_ =	shalt  }
0x7e: {  	_ =	shalt  }
0x7f: {  	_ =	shalt  }
0x80: {  	_ =	shalt  }
0x81: {  	_ =	shalt  }
0x82: {  	_ =	shalt  }
0x83: {  	_ =	shalt  }
0x84: {  	_ =	shalt  }
0x85: {  	_ =	shalt  }
0x86: {  	_ =	shalt  }
0x87: {  	_ =	shalt  }
.Lfunc_end0:
.L_simem_size_0:
called_computation_lowered:
.L_overlay_start_0:
0x88: {  	s2 =	sld [smem:$0x3FD9]  }
0x89: {  	s3 =	sld [smem:$0x3FFE];
	_ =	sdelay $0x1  }
0x8a: {  	s1 =	srdreg.scid  }
0x8b: {  	s0 =	sand.u32 $0x1, s1  }
0x8c: {  	s17 =	sshll.u32 s0, $0xA;
	s2 =	sadd.s32 s3, s2  }
0x8d: {  	s2 =	sadd.s32 s2, s17  }
0x8e: {  	[smem:$0x3FB2] =	sst s2  }
0x8f: {  	_ = 	snop  }
0x90: {  	s2 =	sld [smem:$0x3FC9];
	(tm) =	ssettm $0x1  }
0x91: {  	s18 =	sld [smem:$0x3FFB];
	_ =	sdelay $0x3  }
0x92: {  	_ =	strace s18  }
0x93: {  	s3 =	sld [smem:$0x3FFC];
	_ =	sdelay $0x3  }
0x94: {  	_ =	strace s3  }
0x95: {  	s3 =	sld [smem:$0x3FFD];
	_ =	sdelay $0x3  }
0x96: {  	_ =	strace s3  }
0x97: {  	_ =	strace $0x8FFFFFFF  }
0x98: {  	s19 =	sld [smem:$0x3FDB];
	_ =	sdelay $0x1  }
0x99: {  	s4 =	simm.s32 $_scs_section_size  }
0x9a: {  	s5 =	simm.s32 $_size__tile_overlayer_lowered;
	s6 =	simm.s32 $_tile_overlayer_lowered  }
0x9b: {  	s22 =	simm.s32 $0x1BFF;
	s21 =	sshll.u32 s6, $0x1;
	s3 =	sadd.s32 s4, s19  }
0x9c: {  	s7 =	simm.s32 $0x0;
	s20 =	sshll.u32 s5, $0x1;
	s5 =	sadd.s32 s21, s3  }
0x9d: {  	[timem:s7], [sflag:s22] =	dma.local [hbm:s5], s20  }
0x9e: {  	_ =	swait.ge [sflag:s22], s20  }
0x9f: {  	s4 =	ssub.s32 $0x0, s20;
	[sflag:s22] =	ssyncset.done $0x0  }
0xa0: {  	[sflag:s22] =	ssyncadd.s32 s4;
	_ =	sdelay $0x1  }
0xa1: {  	s23 =	simm.s32 $0x1B8B  }
0xa2: {  	_ =	swait.ge [sflag:s23], $0x1  }
0xa3: {  	[sflag:s23] =	ssyncset.done $0x0  }
0xa4: {  	s25 =	simm.s32 $0x1B8E;
	s24 =	sld [smem:$0x3FFE];
	[sflag:s23] =	ssyncadd.s32 $0xFFFFFFFF  }
0xa5: {  	s26 =	simm.s32 $execute0_lowered;
	[smem:$0x3FD2] =	sst s25  }
0xa6: {  	s5 =	sshll.u32 s26, $0x1;
	_ =	strace $0x80000046;
	[dreg:$0x1] =	wrdreg $0xFFFFFFFF  }
0xa7: {  	s28 =	simm.s32 $_size_execute0_lowered;
	s3 =	sadd.s32 s3, s5;
	[dreg:$0x0] =	wrdreg $0x0  }
0xa8: {  	s5 =	sshll.u32 s28, $0x1;
	[dreg:$0x2] =	wrdreg s3  }
0xa9: {  	[dreg:$0x3] =	wrdreg s5  }
0xaa: {  	[dreg:$0x4] =	wrdreg $0xC0  }
0xab: {  	_ =	task [dreg:s7], $0x5FFFF  }
0xac: {  	[dreg:$0x1] =	wrdreg $0xFFFFFFFF  }
0xad: {  	[dreg:$0x0] =	wrdreg $0x60  }
0xae: {  	[dreg:$0x2] =	wrdreg s2  }
0xaf: {  	[dreg:$0x3] =	wrdreg s24  }
0xb0: {  	[dreg:$0x4] =	wrdreg $0x52000  }
0xb1: {  	[dreg:$0x5] =	wrdreg $0x9  }
0xb2: {  	_ =	task.clear_ibuf [dreg:s7], $0x6FFFF;
	_ =	strace $0x90000046  }
0xb3: {  	s29 =	simm.s32 $0x9;
	_ =	strace $0x80000048  }
0xb4: {  	_ =	swait.ge [sflag:s29], $0x1  }
0xb5: {  	[sflag:s29] =	ssyncadd.s32 $0xFFFFFFFF  }
0xb6: {  	_ =	strace $0x90000048  }
0xb7: {  	_ =	sfence  }
0xb8: {  	s30 =	sld [smem:$0x0];
	_ =	sdelay $0x2  }
0xb9: {  	s31 =	sshll.u32 s1, $0xD;
	s1 =	sshrl.u32 s1, $0x2  }
0xba: {  	s3 =	sand.u32 $0x4000, s31;
	s1 =	sadd.s32 s1, s30  }
0xbb: {  	s0 =	sor.u32 s3, s0;
	s1 =	sshll.u32 s1, $0x11  }
0xbc: {  	s0 =	sor.u32 s1, s0  }
0xbd: {  	s0 =	sadd.s32 $0x8F2B, s0  }
0xbe: {  	[sflag:s0] =	ssyncadd.remote.s32 $0x1  }
0xbf: {  	_ =	sfence.sel $0xFFFF  }
0xc0: {  	[dreg:$0x0] =	wrdreg $0xFFFFFFFF;
	(pc) =	sbr.abs _section_cstart, $3  }
0xc1: {  	[dreg:$0x1] =	wrdreg $0xFFFFFFFF  }
0xc2: {  	_ =	task.clear_ibuf [dreg:s7], $0x2FFFF;
	_ =	strace $0x9FFFFFFF  }
0xc3: {  	(tm) =	ssettm $0x7FFFFFFF  }
tec
execute0_lowered:
.L_overlay_start_1:
0x0: {  	(tag) =	ssettag $0x1  }
0x1: {  	s0 =	srdreg.scid  }
0x2: {  	s20 =	stileid.u32;
	s2 =	rddreg [dreg:$0x1]  }
0x3: {  	s3 =	sand.u32 $0x1, s0;
	s1 =	sshrl.u32 s20, $0x3;
	s10 =	smul.u32 $0x280, s20  }
0x4: {  	s9 =	sadd.s32 $0x18400, s2;
	s6 =	sshll.u32 s20, $0x7;
	s11 =	smul.u32 $0x14000, s20  }
0x5: {  	s8 =	sadd.s32 $0x4AA00, s2;
	s4 =	smul.u32 $0x14000, s1;
	s1 =	simm.s32 $0x0  }
0x6: {  	s0 =	smul.u32 $0x28000, s3;
	s5 =	ssub.s32 $0x2, s3;
	[smem:$0x7FF] =	sst s1  }
0x7: {  	s7 =	sshrl.u32 s5, $0x1;
	s12 =	sshrl.u32 s11, $0x3;
	s13 =	sor.u32 $0x50, s10  }
0x8: {  	s15 =	sadd.s32 $0xA0, s10;
	s0 =	sadd.s32 s0, s4;
	s4 =	sand.u32 $0x380, s6  }
0x9: {  	s18 =	sadd.s32 $0x190, s10;
	s6 =	sor.u32 s4, s0;
	s0 =	ssub.s32 s5, s7  }
0xa: {  	s7 =	sshll.u32 s20, $0x1;
	s5 =	sadd.s32 s9, s12;
	s12 =	sshll.u32 s13, $0x4  }
0xb: {  	s4 =	sor.u32 s3, s7;
	[dreg:$0x4] =	wrdreg s5;
	s5 =	sshll.u32 s13, $0x7  }
0xc: {  	s14 =	sadd.s32 s9, s12;
	s7 =	sshll.u32 s15, $0x7;
	s12 =	sshll.u32 s15, $0x4  }
0xd: {  	s13 =	sadd.s32 $0xF0, s10;
	s15 =	sshll.u32 s18, $0x7;
	s0 =	smax.u32 s0, $0x1  }
0xe: {  	[dreg:$0x5] =	wrdreg s14;
	s12 =	sadd.s32 s9, s12;
	s16 =	sshll.u32 s13, $0x4  }
0xf: {  	s14 =	sadd.s32 $0x140, s10;
	s13 =	sshll.u32 s13, $0x7;
	[dreg:$0x6] =	wrdreg s12  }
0x10: {  	s12 =	sadd.s32 s9, s16;
	s17 =	sshll.u32 s14, $0x4;
	s14 =	sshll.u32 s14, $0x7  }
0x11: {  	s16 =	sadd.s32 $0x1E0, s10;
	s10 =	sadd.s32 $0x230, s10;
	[dreg:$0x7] =	wrdreg s12  }
0x12: {  	s12 =	sadd.s32 s9, s17;
	s19 =	sshll.u32 s16, $0x4;
	s17 =	smul.u32 $0x140000, s3  }
0x13: {  	s3 =	smul.u32 $0x2710, s3;
	[dreg:$0x8] =	wrdreg s12;
	s12 =	sshll.u32 s18, $0x4  }
0x14: {  	s18 =	sshll.u32 s16, $0x7;
	s12 =	sadd.s32 s9, s12;
	s11 =	sadd.s32 s11, s17  }
0x15: {  	s22 =	sadd.s32 s17, s5;
	s24 =	sadd.s32 s17, s7;
	s26 =	sadd.s32 s17, s13  }
0x16: {  	[dreg:$0x9] =	wrdreg s12;
	s12 =	sadd.s32 s9, s19;
	s21 =	sshrl.u32 s11, $0x3  }
0x17: {  	s23 =	sshrl.u32 s22, $0x3;
	s25 =	sshrl.u32 s24, $0x3;
	s11 =	sadd.s32 s17, s14  }
0x18: {  	s19 =	sadd.s32 s17, s15;
	s22 =	sadd.s32 s17, s18;
	[dreg:$0xa] =	wrdreg s12  }
0x19: {  	s12 =	sshll.u32 s10, $0x7;
	s10 =	sshll.u32 s10, $0x4;
	s16 =	sshrl.u32 s11, $0x3  }
0x1a: {  	s11 =	smul.u32 $0x2710, s4;
	s9 =	sadd.s32 s9, s10;
	s10 =	sshrl.u32 s26, $0x3  }
0x1b: {  	s24 =	sadd.s32 s17, s12;
	[dreg:$0xb] =	wrdreg s9;
	s9 =	sadd.s32 s8, s21  }
0x1c: {  	s21 =	sshrl.u32 s19, $0x3;
	s26 =	sshrl.u32 s24, $0x3;
	s19 =	rddreg [dreg:$0x2]  }
0x1d: {  	[dreg:$0xc] =	wrdreg s9;
	s9 =	sadd.s32 s8, s23;
	s23 =	sshrl.u32 s22, $0x3  }
0x1e: {  	s22 =	sadd.s32 $0x4800, s2;
	s28 =	sadd.s32 s13, s19;
	s29 =	sadd.s32 s14, s19  }
0x1f: {  	s30 =	sadd.s32 s15, s19;
	[dreg:$0xd] =	wrdreg s9;
	s9 =	sadd.s32 s8, s25  }
0x20: {  	s31 =	sadd.s32 s18, s19;
	[dreg:$0xe] =	wrdreg s9;
	s9 =	sadd.s32 s8, s10  }
0x21: {  	s13 =	simm.s32 $0x100;
	s14 =	simm.s32 $0x180;
	[dreg:$0xf] =	wrdreg s9  }
0x22: {  	s10 =	smul.u32 $0x50000, s20;
	s9 =	sadd.s32 s8, s16;
	s16 =	rddreg [dreg:$0x0]  }
0x23: {  	s15 =	simm.s32 $0x1;
	s25 =	smul.u32 $0x4E20, s20;
	[dreg:$0x10] =	wrdreg s9  }
0x24: {  	s9 =	sadd.s32 s8, s21;
	s21 =	sadd.s32 $0xE600, s2;
	s17 =	sshrl.u32 s10, $0x2  }
0x25: {  	s10 =	simm.s32 $0x19200;
	[dreg:$0x11] =	wrdreg s9;
	s9 =	sadd.s32 s8, s23  }
0x26: {  	s8 =	sadd.s32 s8, s26;
	s24 =	sadd.s32 s17, s19;
	s26 =	sadd.s32 s7, s19  }
0x27: {  	s17 =	sadd.s32 s12, s19;
	s12 =	simm.s32 $0x50;
	[dreg:$0x12] =	wrdreg s9  }
0x28: {  	[dreg:$0x13] =	wrdreg s8;
	s8 =	sadd.s32 s3, s25;
	s9 =	sshrl.u32 s6, $0x3  }
0x29: {  	s25 =	sadd.s32 s5, s19;
	_ =	strace $0x80000047;
	s3 =	sadd.s32 s9, s2  }
0x2a: {  	s2 =	sadd.s32 $0x40400, s2;
	s20 =	sadd.s32 $0x50, s8;
	[dreg:$0x18] =	wrdreg s0  }
0x2b: {  	s0 =	sadd.s32 $0xA0, s8;
	s8 =	simm.s32 $0x200;
	s9 =	simm.s32 $0x3  }
0x2c: {  	[dreg:$0x14] =	wrdreg s2;
	s2 =	sshrl.u32 s11, $0x3;
	s3 =	sadd.s32 $0x40A00, s3  }
0x2d: {  	s23 =	sshrl.u32 s20, $0x3;
	s11 =	simm.s32 $0x80;
	s20 =	simm.s32 $0x2  }
0x2e: {  	s18 =	sadd.s32 s21, s2;
	s2 =	sadd.s32 s22, s2;
	[dreg:$0x17] =	wrdreg s3  }
0x2f: {  	s5 =	sadd.s32 s23, s22;
	s6 =	sadd.s32 s23, s21;
	[dreg:$0x15] =	wrdreg s18  }
0x30: {  	s23 =	simm.s32 $0x0;
	[dreg:$0x16] =	wrdreg s2;
	s18 =	simm.s32 $0x2A00  }
.LBB2_1:
0x31: {  	s2 =	rddreg [dreg:$0x4]  }
0x32: {  	[tilespmem:s8], [sflag:$0x3] =	stream.linear.gather [hbm4b:s2+s1], $0x2800, $0x38;
	[tilespmem:$0x1BA00] =	vst v63  }
0x33: {  	_ =	swait.ge [sflag:s9], $0x2800  }
0x34: {  	[sflag:s9] =	ssyncset.done $0x0  }
0x35: {  	[sflag:s9] =	ssyncadd.s32 $0xFFFFD800  }
0x36: {  	[spmem:s24] =	stream.linear.scatter [tilespmem:s8], [sflag:$0x3], $0x2800, $0x38;
	[tilespmem:$0x1BA00] =	vst v63  }
0x37: {  	_ =	swait.ge [sflag:s9], $0x2800  }
0x38: {  	[sflag:s9] =	ssyncset.done $0x0  }
0x39: {  	s7 =	rddreg [dreg:$0x5];
	[sflag:s9] =	ssyncadd.s32 $0xFFFFD800  }
0x3a: {  	[tilespmem:s8], [sflag:$0x3] =	stream.linear.gather [hbm4b:s7+s1], $0x2800, $0x38;
	[tilespmem:$0x1BA00] =	vst v63  }
0x3b: {  	_ =	swait.ge [sflag:s9], $0x2800  }
0x3c: {  	[sflag:s9] =	ssyncset.done $0x0  }
0x3d: {  	[sflag:s9] =	ssyncadd.s32 $0xFFFFD800  }
0x3e: {  	[spmem:s25] =	stream.linear.scatter [tilespmem:s8], [sflag:$0x3], $0x2800, $0x38;
	[tilespmem:$0x1BA00] =	vst v63  }
0x3f: {  	_ =	swait.ge [sflag:s9], $0x2800  }
0x40: {  	[sflag:s9] =	ssyncset.done $0x0  }
0x41: {  	s3 =	rddreg [dreg:$0x6];
	[sflag:s9] =	ssyncadd.s32 $0xFFFFD800  }
0x42: {  	[tilespmem:s8], [sflag:$0x3] =	stream.linear.gather [hbm4b:s3+s1], $0x2800, $0x38;
	[tilespmem:$0x1BA00] =	vst v63  }
0x43: {  	_ =	swait.ge [sflag:s9], $0x2800  }
0x44: {  	[sflag:s9] =	ssyncset.done $0x0  }
0x45: {  	[sflag:s9] =	ssyncadd.s32 $0xFFFFD800  }
0x46: {  	[spmem:s26] =	stream.linear.scatter [tilespmem:s8], [sflag:$0x3], $0x2800, $0x38;
	[tilespmem:$0x1BA00] =	vst v63  }
0x47: {  	_ =	swait.ge [sflag:s9], $0x2800  }
0x48: {  	[sflag:s9] =	ssyncset.done $0x0  }
0x49: {  	s4 =	rddreg [dreg:$0x7];
	[sflag:s9] =	ssyncadd.s32 $0xFFFFD800  }
0x4a: {  	[tilespmem:s8], [sflag:$0x3] =	stream.linear.gather [hbm4b:s4+s1], $0x2800, $0x38;
	[tilespmem:$0x1BA00] =	vst v63  }
0x4b: {  	_ =	swait.ge [sflag:s9], $0x2800  }
0x4c: {  	[sflag:s9] =	ssyncset.done $0x0  }
0x4d: {  	[sflag:s9] =	ssyncadd.s32 $0xFFFFD800  }
0x4e: {  	[spmem:s28] =	stream.linear.scatter [tilespmem:s8], [sflag:$0x3], $0x2800, $0x38;
	[tilespmem:$0x1BA00] =	vst v63  }
0x4f: {  	_ =	swait.ge [sflag:s9], $0x2800  }
0x50: {  	[sflag:s9] =	ssyncset.done $0x0  }
0x51: {  	s7 =	rddreg [dreg:$0x8];
	[sflag:s9] =	ssyncadd.s32 $0xFFFFD800  }
0x52: {  	[tilespmem:s8], [sflag:$0x3] =	stream.linear.gather [hbm4b:s7+s1], $0x2800, $0x38;
	[tilespmem:$0x1BA00] =	vst v63  }
0x53: {  	_ =	swait.ge [sflag:s9], $0x2800  }
0x54: {  	[sflag:s9] =	ssyncset.done $0x0  }
0x55: {  	[sflag:s9] =	ssyncadd.s32 $0xFFFFD800  }
0x56: {  	[spmem:s29] =	stream.linear.scatter [tilespmem:s8], [sflag:$0x3], $0x2800, $0x38;
	[tilespmem:$0x1BA00] =	vst v63  }
0x57: {  	_ =	swait.ge [sflag:s9], $0x2800  }
0x58: {  	[sflag:s9] =	ssyncset.done $0x0  }
0x59: {  	s3 =	rddreg [dreg:$0x9];
	[sflag:s9] =	ssyncadd.s32 $0xFFFFD800  }
0x5a: {  	[tilespmem:s8], [sflag:$0x3] =	stream.linear.gather [hbm4b:s3+s1], $0x2800, $0x38;
	[tilespmem:$0x1BA00] =	vst v63  }
0x5b: {  	_ =	swait.ge [sflag:s9], $0x2800  }
0x5c: {  	[sflag:s9] =	ssyncset.done $0x0  }
0x5d: {  	[sflag:s9] =	ssyncadd.s32 $0xFFFFD800  }
0x5e: {  	[spmem:s30] =	stream.linear.scatter [tilespmem:s8], [sflag:$0x3], $0x2800, $0x38;
	[tilespmem:$0x1BA00] =	vst v63  }
0x5f: {  	_ =	swait.ge [sflag:s9], $0x2800  }
0x60: {  	[sflag:s9] =	ssyncset.done $0x0  }
0x61: {  	s4 =	rddreg [dreg:$0xa];
	[sflag:s9] =	ssyncadd.s32 $0xFFFFD800  }
0x62: {  	[tilespmem:s8], [sflag:$0x3] =	stream.linear.gather [hbm4b:s4+s1], $0x2800, $0x38;
	[tilespmem:$0x1BA00] =	vst v63  }
0x63: {  	_ =	swait.ge [sflag:s9], $0x2800  }
0x64: {  	[sflag:s9] =	ssyncset.done $0x0  }
0x65: {  	[sflag:s9] =	ssyncadd.s32 $0xFFFFD800  }
0x66: {  	[spmem:s31] =	stream.linear.scatter [tilespmem:s8], [sflag:$0x3], $0x2800, $0x38;
	[tilespmem:$0x1BA00] =	vst v63  }
0x67: {  	_ =	swait.ge [sflag:s9], $0x2800  }
0x68: {  	[sflag:s9] =	ssyncset.done $0x0  }
0x69: {  	s7 =	rddreg [dreg:$0xb];
	[sflag:s9] =	ssyncadd.s32 $0xFFFFD800  }
0x6a: {  	[tilespmem:s8], [sflag:$0x3] =	stream.linear.gather [hbm4b:s7+s1], $0x2800, $0x38;
	[tilespmem:$0x1BA00] =	vst v63  }
0x6b: {  	_ =	swait.ge [sflag:s9], $0x2800  }
0x6c: {  	[sflag:s9] =	ssyncset.done $0x0  }
0x6d: {  	[sflag:s9] =	ssyncadd.s32 $0xFFFFD800  }
0x6e: {  	[spmem:s17] =	stream.linear.scatter [tilespmem:s8], [sflag:$0x3], $0x2800, $0x38;
	[tilespmem:$0x1BA00] =	vst v63  }
0x6f: {  	_ =	swait.ge [sflag:s9], $0x2800  }
0x70: {  	[sflag:s9] =	ssyncset.done $0x0  }
0x71: {  	s3 =	rddreg [dreg:$0x14];
	[sflag:s9] =	ssyncadd.s32 $0xFFFFD800  }
0x72: {  	[tilespmem:s10], [sflag:$0x3] =	stream.linear.gather [hbm4b:s3+s1], $0x2800, $0x38;
	[tilespmem:$0x1BA00] =	vst v63  }
0x73: {  	_ =	swait.ge [sflag:s9], $0x2800  }
0x74: {  	[sflag:s9] =	ssyncset.done $0x0  }
0x75: {  	[sflag:s9] =	ssyncadd.s32 $0xFFFFD800  }
0x76: {  	[bflag:$0x0] =	sbarrier.arrive $0xFFFF  }
0x77: {  	s4 =	rddreg [dreg:$0x15]  }
0x78: {  	[tilespmem:s1], [sflag:$0x3] =	stream.linear.gather [hbm4b:s4+s1], $0x50, $0x38;
	[tilespmem:$0x1BA00] =	vst v63  }
0x79: {  	_ =	swait.ge [sflag:s9], $0x50  }
0x7a: {  	[sflag:s9] =	ssyncset.done $0x0  }
0x7b: {  	s7 =	rddreg [dreg:$0x16];
	[sflag:s9] =	ssyncadd.s32 $0xFFFFFFB0  }
0x7c: {  	[tilespmem:s11], [sflag:$0x3] =	stream.linear.gather [hbm4b:s7+s1], $0x50, $0x38;
	[tilespmem:$0x1BA00] =	vst v63  }
0x7d: {  	_ =	swait.ge [sflag:s9], $0x50  }
0x7e: {  	[sflag:s9] =	ssyncset.done $0x0  }
0x7f: {  	s2 =	simm.s32 $0x0;
	s7 =	smov.u32 s0;
	[sflag:s9] =	ssyncadd.s32 $0xFFFFFFB0  }
0x80: {  	[tilespmem:s8], [sflag:$0x1] =	stream.indirect.gather [hbm4b:s16+s12], $0x80, s1, s12, $0xb8;
	[tilespmem:$0x1BA00] =	vst v63  }
.LBB2_2:
0x81: {  	s3 =	sadd.s32 s2, s6  }
0x82: {  	[tilespmem:s13], [sflag:$0x3] =	stream.linear.gather [hbm4b:s3+s1], $0x50, $0x38;
	[tilespmem:$0x1BA00] =	vst v63  }
0x83: {  	_ =	swait.ge [sflag:s9], $0x50  }
0x84: {  	[sflag:s9] =	ssyncset.done $0x0  }
0x85: {  	s4 =	sadd.s32 s2, s5;
	[sflag:s9] =	ssyncadd.s32 $0xFFFFFFB0  }
0x86: {  	[tilespmem:s14], [sflag:$0x3] =	stream.linear.gather [hbm4b:s4+s1], $0x50, $0x38;
	[tilespmem:$0x1BA00] =	vst v63  }
0x87: {  	_ =	swait.ge [sflag:s9], $0x50  }
0x88: {  	[sflag:s9] =	ssyncset.done $0x0  }
0x89: {  	[sflag:s9] =	ssyncadd.s32 $0xFFFFFFB0  }
0x8a: {  	_ =	swait.ge [sflag:s15], $0x2800  }
0x8b: {  	[sflag:s15] =	ssyncset.done $0x0  }
0x8c: {  	[sflag:s15] =	ssyncadd.s32 $0xFFFFD800  }
0x8d: {  	[tilespmem:s18], [sflag:$0x2] =	stream.indirect.gather [hbm4b:s16+s12], $0x80, s13, s12, $0xb8;
	[tilespmem:$0x1BA00] =	vst v63  }
0x8e: {  	_ = 	snop  }
0x8f: {  	[spmem:s19] =	stream.indirect.scatter.add.f32 [tilespmem:s8], [sflag:$0x3], $0x80, s11, s12, $0xb8;
	[tilespmem:$0x1BA00] =	vst v63  }
0x90: {  	_ =	swait.ge [sflag:s9], $0x2800  }
0x91: {  	[sflag:s9] =	ssyncset.done $0x0  }
0x92: {  	[sflag:s9] =	ssyncadd.s32 $0xFFFFD800  }
0x93: {  	v0 =	vld [tilespmem:$0x80];
	_ =	sdelay $0x4  }
0x94: {  	(xrf1) =	vunique.msk.u32 $0xffff, v0;
	_ =	sdelay $0xd  }
0x95: {  	_, v1, vm0 =	vpop (xrf1);
	_ =	sdelay $0x3  }
0x96: {  	v1 =	vcvt.s32.f32 v1;
	_ =	sdelay $0x1  }
0x97: {  	[tilespmem:v0+s10+$0x0] =	vst.idx.add.f32.msk vm0, v1  }
0x98: {  	v0 =	vld [tilespmem:$0x90];
	_ =	sdelay $0x4  }
0x99: {  	(xrf1) =	vunique.msk.u32 $0xffff, v0;
	_ =	sdelay $0xd  }
0x9a: {  	_, v1, vm0 =	vpop (xrf1);
	_ =	sdelay $0x3  }
0x9b: {  	v1 =	vcvt.s32.f32 v1;
	_ =	sdelay $0x1  }
0x9c: {  	[tilespmem:v0+s10+$0x0] =	vst.idx.add.f32.msk vm0, v1  }
0x9d: {  	v0 =	vld [tilespmem:$0xA0];
	_ =	sdelay $0x4  }
0x9e: {  	(xrf1) =	vunique.msk.u32 $0xffff, v0;
	_ =	sdelay $0xd  }
0x9f: {  	_, v1, vm0 =	vpop (xrf1);
	_ =	sdelay $0x3  }
0xa0: {  	v1 =	vcvt.s32.f32 v1;
	_ =	sdelay $0x1  }
0xa1: {  	[tilespmem:v0+s10+$0x0] =	vst.idx.add.f32.msk vm0, v1  }
0xa2: {  	v0 =	vld [tilespmem:$0xB0];
	_ =	sdelay $0x4  }
0xa3: {  	(xrf1) =	vunique.msk.u32 $0xffff, v0;
	_ =	sdelay $0xd  }
0xa4: {  	_, v1, vm0 =	vpop (xrf1);
	_ =	sdelay $0x3  }
0xa5: {  	v1 =	vcvt.s32.f32 v1;
	_ =	sdelay $0x1  }
0xa6: {  	[tilespmem:v0+s10+$0x0] =	vst.idx.add.f32.msk vm0, v1  }
0xa7: {  	v0 =	vld [tilespmem:$0xC0];
	_ =	sdelay $0x4  }
0xa8: {  	(xrf1) =	vunique.msk.u32 $0xffff, v0;
	_ =	sdelay $0xd  }
0xa9: {  	_, v1, vm0 =	vpop (xrf1);
	_ =	sdelay $0x3  }
0xaa: {  	v1 =	vcvt.s32.f32 v1  }
0xab: {  	s3 =	sshrl.u32 s7, $0x3  }
0xac: {  	s4 =	sadd.s32 s21, s3;
	[tilespmem:v0+s10+$0x0] =	vst.idx.add.f32.msk vm0, v1  }
0xad: {  	[tilespmem:s1], [sflag:$0x3] =	stream.linear.gather [hbm4b:s4+s1], $0x50, $0x38;
	[tilespmem:$0x1BA00] =	vst v63  }
0xae: {  	_ =	swait.ge [sflag:s9], $0x50  }
0xaf: {  	[sflag:s9] =	ssyncset.done $0x0  }
0xb0: {  	s3 =	sadd.s32 s22, s3;
	[sflag:s9] =	ssyncadd.s32 $0xFFFFFFB0  }
0xb1: {  	[tilespmem:s11], [sflag:$0x3] =	stream.linear.gather [hbm4b:s3+s1], $0x50, $0x38;
	[tilespmem:$0x1BA00] =	vst v63  }
0xb2: {  	_ =	swait.ge [sflag:s9], $0x50  }
0xb3: {  	[sflag:s9] =	ssyncset.done $0x0  }
0xb4: {  	[sflag:s9] =	ssyncadd.s32 $0xFFFFFFB0  }
0xb5: {  	_ =	swait.ge [sflag:s20], $0x2800  }
0xb6: {  	[sflag:s20] =	ssyncset.done $0x0  }
0xb7: {  	[sflag:s20] =	ssyncadd.s32 $0xFFFFD800  }
0xb8: {  	[tilespmem:s8], [sflag:$0x1] =	stream.indirect.gather [hbm4b:s16+s12], $0x80, s1, s12, $0xb8;
	[tilespmem:$0x1BA00] =	vst v63  }
0xb9: {  	_ = 	snop  }
0xba: {  	[spmem:s19] =	stream.indirect.scatter.add.f32 [tilespmem:s18], [sflag:$0x3], $0x80, s14, s12, $0xb8;
	[tilespmem:$0x1BA00] =	vst v63  }
0xbb: {  	_ =	swait.ge [sflag:s9], $0x2800  }
0xbc: {  	[sflag:s9] =	ssyncset.done $0x0  }
0xbd: {  	[sflag:s9] =	ssyncadd.s32 $0xFFFFD800  }
0xbe: {  	v63 =	vld [tilespmem:$0x180];
	_ =	sdelay $0x4  }
0xbf: {  	(xrf1) =	vunique.msk.u32 $0xffff, v63;
	_ =	sdelay $0xd  }
0xc0: {  	_, v1, vm0 =	vpop (xrf1);
	_ =	sdelay $0x3  }
0xc1: {  	v1 =	vcvt.s32.f32 v1;
	_ =	sdelay $0x1  }
0xc2: {  	[tilespmem:v63+s10+$0x0] =	vst.idx.add.f32.msk vm0, v1  }
0xc3: {  	v0 =	vld [tilespmem:$0x190];
	_ =	sdelay $0x4  }
0xc4: {  	(xrf1) =	vunique.msk.u32 $0xffff, v0;
	_ =	sdelay $0xd  }
0xc5: {  	_, v1, vm0 =	vpop (xrf1);
	_ =	sdelay $0x3  }
0xc6: {  	v1 =	vcvt.s32.f32 v1;
	_ =	sdelay $0x1  }
0xc7: {  	[tilespmem:v0+s10+$0x0] =	vst.idx.add.f32.msk vm0, v1  }
0xc8: {  	v0 =	vld [tilespmem:$0x1A0];
	_ =	sdelay $0x4  }
0xc9: {  	(xrf1) =	vunique.msk.u32 $0xffff, v0;
	_ =	sdelay $0xd  }
0xca: {  	_, v1, vm0 =	vpop (xrf1);
	_ =	sdelay $0x3  }
0xcb: {  	v1 =	vcvt.s32.f32 v1;
	_ =	sdelay $0x1  }
0xcc: {  	[tilespmem:v0+s10+$0x0] =	vst.idx.add.f32.msk vm0, v1  }
0xcd: {  	v0 =	vld [tilespmem:$0x1B0];
	_ =	sdelay $0x4  }
0xce: {  	(xrf1) =	vunique.msk.u32 $0xffff, v0;
	_ =	sdelay $0xd  }
0xcf: {  	_, v1, vm0 =	vpop (xrf1);
	_ =	sdelay $0x3  }
0xd0: {  	v1 =	vcvt.s32.f32 v1;
	_ =	sdelay $0x1  }
0xd1: {  	[tilespmem:v0+s10+$0x0] =	vst.idx.add.f32.msk vm0, v1  }
0xd2: {  	v0 =	vld [tilespmem:$0x1C0];
	_ =	sdelay $0x4  }
0xd3: {  	(xrf1) =	vunique.msk.u32 $0xffff, v0;
	_ =	sdelay $0xd  }
0xd4: {  	_, v1, vm0 =	vpop (xrf1)  }
0xd5: {  	p0 =	sne.s32 s2, $0x4C4  }
.Ltmp0:
0xd6: {  	_ = 	snop;
	(pc) =	sbr.rel @p0 .LBB2_2-.Ltmp0, $3  }
0xd7: {  	_ = 	snop  }
0xd8: {  	v1 =	vcvt.s32.f32 v1;
	_ =	sdelay $0x1  }
0xd9: {  	s2 =	sadd.s32 $0x14, s2;
	s7 =	sadd.s32 $0xA0, s7;
	[tilespmem:v0+s10+$0x0] =	vst.idx.add.f32.msk vm0, v1  }
0xda: {  	_ =	swait.ge [sflag:s15], $0x2800  }
0xdb: {  	[sflag:s15] =	ssyncset.done $0x0  }
0xdc: {  	[sflag:s15] =	ssyncadd.s32 $0xFFFFD800  }
0xdd: {  	[spmem:s19] =	stream.indirect.scatter.add.f32 [tilespmem:s8], [sflag:$0x3], $0x80, s11, s12, $0xb8;
	[tilespmem:$0x1BA00] =	vst v63  }
0xde: {  	_ =	swait.ge [sflag:s9], $0x2800  }
0xdf: {  	[sflag:s9] =	ssyncset.done $0x0  }
0xe0: {  	[sflag:s9] =	ssyncadd.s32 $0xFFFFD800  }
0xe1: {  	v0 =	vld [tilespmem:$0x80];
	_ =	sdelay $0x4  }
0xe2: {  	(xrf1) =	vunique.msk.u32 $0xffff, v0;
	_ =	sdelay $0xd  }
0xe3: {  	_, v1, vm0 =	vpop (xrf1);
	_ =	sdelay $0x3  }
0xe4: {  	v1 =	vcvt.s32.f32 v1;
	_ =	sdelay $0x1  }
0xe5: {  	[tilespmem:v0+s10+$0x0] =	vst.idx.add.f32.msk vm0, v1  }
0xe6: {  	v0 =	vld [tilespmem:$0x90];
	_ =	sdelay $0x4  }
0xe7: {  	(xrf1) =	vunique.msk.u32 $0xffff, v0;
	_ =	sdelay $0xd  }
0xe8: {  	_, v1, vm0 =	vpop (xrf1);
	_ =	sdelay $0x3  }
0xe9: {  	v1 =	vcvt.s32.f32 v1;
	_ =	sdelay $0x1  }
0xea: {  	[tilespmem:v0+s10+$0x0] =	vst.idx.add.f32.msk vm0, v1  }
0xeb: {  	v0 =	vld [tilespmem:$0xA0];
	_ =	sdelay $0x4  }
0xec: {  	(xrf1) =	vunique.msk.u32 $0xffff, v0;
	_ =	sdelay $0xd  }
0xed: {  	_, v1, vm0 =	vpop (xrf1);
	_ =	sdelay $0x3  }
0xee: {  	v1 =	vcvt.s32.f32 v1;
	_ =	sdelay $0x1  }
0xef: {  	[tilespmem:v0+s10+$0x0] =	vst.idx.add.f32.msk vm0, v1  }
0xf0: {  	v0 =	vld [tilespmem:$0xB0];
	_ =	sdelay $0x4  }
0xf1: {  	(xrf1) =	vunique.msk.u32 $0xffff, v0;
	_ =	sdelay $0xd  }
0xf2: {  	_, v1, vm0 =	vpop (xrf1);
	_ =	sdelay $0x3  }
0xf3: {  	v1 =	vcvt.s32.f32 v1;
	_ =	sdelay $0x1  }
0xf4: {  	[tilespmem:v0+s10+$0x0] =	vst.idx.add.f32.msk vm0, v1  }
0xf5: {  	v0 =	vld [tilespmem:$0xC0];
	_ =	sdelay $0x4  }
0xf6: {  	(xrf1) =	vunique.msk.u32 $0xffff, v0;
	_ =	sdelay $0xd  }
0xf7: {  	_, v1, vm0 =	vpop (xrf1);
	_ =	sdelay $0x3  }
0xf8: {  	v1 =	vcvt.s32.f32 v1;
	_ =	sdelay $0x1  }
0xf9: {  	[tilespmem:v0+s10+$0x0] =	vst.idx.add.f32.msk vm0, v1  }
0xfa: {  	[bflag:$0x0] =	sbarrier.arrive $0xFFFF  }
0xfb: {  	[tilespmem:s8], [sflag:$0x3] =	stream.linear.gather [spmem:s24], $0x2800, $0x38;
	[tilespmem:$0x1BA00] =	vst v63  }
0xfc: {  	_ =	swait.ge [sflag:s9], $0x2800  }
0xfd: {  	[sflag:s9] =	ssyncset.done $0x0  }
0xfe: {  	s2 =	rddreg [dreg:$0xc];
	[sflag:s9] =	ssyncadd.s32 $0xFFFFD800  }
0xff: {  	[hbm4b:s2+s1] =	stream.linear.scatter [tilespmem:s8], [sflag:$0x3], $0x2800, $0x38;
	[tilespmem:$0x1BA00] =	vst v63  }
0x100: {  	_ =	swait.ge [sflag:s9], $0x2800  }
0x101: {  	[sflag:s9] =	ssyncset.done $0x0  }
0x102: {  	[sflag:s9] =	ssyncadd.s32 $0xFFFFD800  }
0x103: {  	[tilespmem:s8], [sflag:$0x3] =	stream.linear.gather [spmem:s25], $0x2800, $0x38;
	[tilespmem:$0x1BA00] =	vst v63  }
0x104: {  	_ =	swait.ge [sflag:s9], $0x2800  }
0x105: {  	[sflag:s9] =	ssyncset.done $0x0  }
0x106: {  	s3 =	rddreg [dreg:$0xd];
	[sflag:s9] =	ssyncadd.s32 $0xFFFFD800  }
0x107: {  	[hbm4b:s3+s1] =	stream.linear.scatter [tilespmem:s8], [sflag:$0x3], $0x2800, $0x38;
	[tilespmem:$0x1BA00] =	vst v63  }
0x108: {  	_ =	swait.ge [sflag:s9], $0x2800  }
0x109: {  	[sflag:s9] =	ssyncset.done $0x0  }
0x10a: {  	[sflag:s9] =	ssyncadd.s32 $0xFFFFD800  }
0x10b: {  	[tilespmem:s8], [sflag:$0x3] =	stream.linear.gather [spmem:s26], $0x2800, $0x38;
	[tilespmem:$0x1BA00] =	vst v63  }
0x10c: {  	_ =	swait.ge [sflag:s9], $0x2800  }
0x10d: {  	[sflag:s9] =	ssyncset.done $0x0  }
0x10e: {  	s4 =	rddreg [dreg:$0xe];
	[sflag:s9] =	ssyncadd.s32 $0xFFFFD800  }
0x10f: {  	[hbm4b:s4+s1] =	stream.linear.scatter [tilespmem:s8], [sflag:$0x3], $0x2800, $0x38;
	[tilespmem:$0x1BA00] =	vst v63  }
0x110: {  	_ =	swait.ge [sflag:s9], $0x2800  }
0x111: {  	[sflag:s9] =	ssyncset.done $0x0  }
0x112: {  	[sflag:s9] =	ssyncadd.s32 $0xFFFFD800  }
0x113: {  	[tilespmem:s8], [sflag:$0x3] =	stream.linear.gather [spmem:s28], $0x2800, $0x38;
	[tilespmem:$0x1BA00] =	vst v63  }
0x114: {  	_ =	swait.ge [sflag:s9], $0x2800  }
0x115: {  	[sflag:s9] =	ssyncset.done $0x0  }
0x116: {  	s7 =	rddreg [dreg:$0xf];
	[sflag:s9] =	ssyncadd.s32 $0xFFFFD800  }
0x117: {  	[hbm4b:s7+s1] =	stream.linear.scatter [tilespmem:s8], [sflag:$0x3], $0x2800, $0x38;
	[tilespmem:$0x1BA00] =	vst v63  }
0x118: {  	_ =	swait.ge [sflag:s9], $0x2800  }
0x119: {  	[sflag:s9] =	ssyncset.done $0x0  }
0x11a: {  	[sflag:s9] =	ssyncadd.s32 $0xFFFFD800  }
0x11b: {  	[tilespmem:s8], [sflag:$0x3] =	stream.linear.gather [spmem:s29], $0x2800, $0x38;
	[tilespmem:$0x1BA00] =	vst v63  }
0x11c: {  	_ =	swait.ge [sflag:s9], $0x2800  }
0x11d: {  	[sflag:s9] =	ssyncset.done $0x0  }
0x11e: {  	s3 =	rddreg [dreg:$0x10];
	[sflag:s9] =	ssyncadd.s32 $0xFFFFD800  }
0x11f: {  	[hbm4b:s3+s1] =	stream.linear.scatter [tilespmem:s8], [sflag:$0x3], $0x2800, $0x38;
	[tilespmem:$0x1BA00] =	vst v63  }
0x120: {  	_ =	swait.ge [sflag:s9], $0x2800  }
0x121: {  	[sflag:s9] =	ssyncset.done $0x0  }
0x122: {  	[sflag:s9] =	ssyncadd.s32 $0xFFFFD800  }
0x123: {  	[tilespmem:s8], [sflag:$0x3] =	stream.linear.gather [spmem:s30], $0x2800, $0x38;
	[tilespmem:$0x1BA00] =	vst v63  }
0x124: {  	_ =	swait.ge [sflag:s9], $0x2800  }
0x125: {  	[sflag:s9] =	ssyncset.done $0x0  }
0x126: {  	s4 =	rddreg [dreg:$0x11];
	[sflag:s9] =	ssyncadd.s32 $0xFFFFD800  }
0x127: {  	[hbm4b:s4+s1] =	stream.linear.scatter [tilespmem:s8], [sflag:$0x3], $0x2800, $0x38;
	[tilespmem:$0x1BA00] =	vst v63  }
0x128: {  	_ =	swait.ge [sflag:s9], $0x2800  }
0x129: {  	[sflag:s9] =	ssyncset.done $0x0  }
0x12a: {  	[sflag:s9] =	ssyncadd.s32 $0xFFFFD800  }
0x12b: {  	[tilespmem:s8], [sflag:$0x3] =	stream.linear.gather [spmem:s31], $0x2800, $0x38;
	[tilespmem:$0x1BA00] =	vst v63  }
0x12c: {  	_ =	swait.ge [sflag:s9], $0x2800  }
0x12d: {  	[sflag:s9] =	ssyncset.done $0x0  }
0x12e: {  	s7 =	rddreg [dreg:$0x12];
	[sflag:s9] =	ssyncadd.s32 $0xFFFFD800  }
0x12f: {  	[hbm4b:s7+s1] =	stream.linear.scatter [tilespmem:s8], [sflag:$0x3], $0x2800, $0x38;
	[tilespmem:$0x1BA00] =	vst v63  }
0x130: {  	_ =	swait.ge [sflag:s9], $0x2800  }
0x131: {  	[sflag:s9] =	ssyncset.done $0x0  }
0x132: {  	[sflag:s9] =	ssyncadd.s32 $0xFFFFD800  }
0x133: {  	[tilespmem:s8], [sflag:$0x3] =	stream.linear.gather [spmem:s17], $0x2800, $0x38;
	[tilespmem:$0x1BA00] =	vst v63  }
0x134: {  	_ =	swait.ge [sflag:s9], $0x2800  }
0x135: {  	[sflag:s9] =	ssyncset.done $0x0  }
0x136: {  	s3 =	rddreg [dreg:$0x13];
	[sflag:s9] =	ssyncadd.s32 $0xFFFFD800  }
0x137: {  	[hbm4b:s3+s1] =	stream.linear.scatter [tilespmem:s8], [sflag:$0x3], $0x2800, $0x38;
	[tilespmem:$0x1BA00] =	vst v63  }
0x138: {  	_ =	swait.ge [sflag:s9], $0x2800  }
0x139: {  	[sflag:s9] =	ssyncset.done $0x0  }
0x13a: {  	s3 =	simm.s32 $0x400;
	s4 =	rddreg [dreg:$0x17];
	[sflag:s9] =	ssyncadd.s32 $0xFFFFD800  }
0x13b: {  	[hbm4b:s4+s11] =	stream.strided.scatter [tilespmem:s10], [sflag:$0x3], $0x2800, s3, s11, $0x38;
	[tilespmem:$0x1BA00] =	vst v63  }
0x13c: {  	_ =	swait.ge [sflag:s9], $0x2800  }
0x13d: {  	s23 =	sadd.s32 $0x1, s23;
	s7 =	rddreg [dreg:$0x18]  }
0x13e: {  	p0 =	sne.s32 s23, s7  }
.Ltmp1:
0x13f: {  	_ = 	snop;
	(pc) =	sbr.rel @p0 .LBB2_1-.Ltmp1, $3  }
0x140: {  	_ =	sdelay $0x1  }
0x141: {  	[sflag:s9] =	ssyncset.done $0x0  }
0x142: {  	[sflag:s9] =	ssyncadd.s32 $0xFFFFD800  }
0x143: {  	_ =	sfence.sel $0x180000  }
0x144: {  	[bflag:$0x0] =	sbarrier.arrive $0xFFFF  }
0x145: {  	_ =	strace $0x90000047  }
0x146: {  	s0 =	stileid.u32;
	[bflag:$0x2] =	sbarrier.arrive $0xFFFF  }
0x147: {  	p0 =	sne.s32 s0, $0x0;
	s0 =	rddreg [dreg:$0x3]  }
0x148: {  	s0 =	sadd.s32 @!p0 $0x100000, s0  }
0x149: {  	[sflag:s0] =	ssyncadd.tile.s32 @!p0 $0x1;
	_ =	shalt  }
.Lfunc_end2:
_tile_overlayer_lowered:
.L_overlay_start_2:
0x14a: {  	(tag) =	ssettag $0x2  }
0x14b: {  	s0 =	rddreg [dreg:$0x0];
	s2 =	stileid.u32  }
0x14c: {  	s1 =	rddreg [dreg:$0x1];
	p0 =	sne.s32 s2, $0x0  }
0x14d: {  	s3 =	rddreg [dreg:$0x2];
	[bflag:$0x3] =	sbarrier.arrive $0xFFFF;
	s2 =	simm.s32 @!p0 $0x1C03  }
0x14e: {  	[timem:s3], [sflag:s2] =	dma.local @!p0 [hbm:s0], s1  }
0x14f: {  	s0 =	simm.s32 @!p0 $0x3  }
0x150: {  	_ =	swait.ge @!p0 [sflag:s0], s1  }
0x151: {  	s1 =	ssub.s32 @!p0 $0x0, s1;
	[sflag:s0] =	ssyncset.done @!p0 $0x0  }
0x152: {  	[sflag:s0] =	ssyncadd.s32 @!p0 s1  }
0x153: {  	[bflag:$0x3] =	sbarrier.arrive $0xFFFF  }
0x154: {  	_ =	shalt  }

// kernel: kernel.14.cloned.1.call-start
scs
__scs_entry_jumppad:
0x0: {  	(pc) =	sbr.rel $0x88, $3  }
0x1: {  	(tag) =	ssettag $0x0;
	lr =	simm.s32 $0x1  }
0x2: {  	[smem:$0x3F8B] =	sst lr;
	_ =	strace $0xD0000000  }
0x3: {  	_ = 	snop  }
0x4: {  	_ = 	snop  }
0x5: {  	_ = 	snop  }
0x6: {  	_ = 	snop  }
0x7: {  	_ = 	snop  }
__scs_overlays_trampoline_lowered:
0x8: {  	[smem:$0x3F9A] =	sst s0  }
0x9: {  	[smem:$0x3F9B] =	sst s1  }
0xa: {  	[smem:$0x3F9C] =	sst s2  }
0xb: {  	[smem:$0x3F9D] =	sst s3  }
0xc: {  	[smem:$0x3F9E] =	sst s4  }
0xd: {  	[smem:$0x3F9F] =	sst s5  }
0xe: {  	[smem:$0x3FA0] =	sst s6  }
0xf: {  	[smem:$0x3FA1] =	sst s7  }
0x10: {  	[smem:$0x3FA2] =	sst s8  }
0x11: {  	[smem:$0x3FA3] =	sst s9;
	s0 =	simm.s32 @!p0 $0x0  }
0x12: {  	s1 =	sld [smem:$0x3F89];
	s0 =	simm.s32 @p0 $0x1  }
0x13: {  	[smem:$0x3FA4] =	sst s0;
	s0 =	simm.s32 @!p1 $0x0  }
0x14: {  	s2 =	sld [smem:$0x3F88];
	s0 =	simm.s32 @p1 $0x1  }
0x15: {  	[smem:$0x3FA5] =	sst s0;
	s0 =	simm.s32 @!p2 $0x0  }
0x16: {  	s3 =	sld [smem:$0x3FDB];
	s0 =	simm.s32 @p2 $0x1  }
0x17: {  	s4 =	simm.s32 $0x1BF5;
	[smem:$0x3FA7] =	sst s0  }
0x18: {  	s0 =	sld [smem:$0x3F8A];
	_ =	swait.ge [sflag:s4], $0x0  }
0x19: {  	s7 =	sld [smem:$0x3F8B]  }
0x1a: {  	s8 =	sadd.s32 $0xFFFFE003, lr  }
0x1b: {  	s9 =	sadd.s32 $0xFFFFFEF7, lr;
	s5 =	simm.s32 $0xFFFFFFFF;
	p2 =	slt.u32 s8, $0xFFFFF086  }
0x1c: {  	p1 =	slt.u32 s9, $0xF7A;
	s5 =	simm.s32 @!p2 $0x0  }
0x1d: {  	s5 =	simm.s32 @p1 $0x1;
	p0 =	seq.s32 s7, s2  }
0x1e: {  	s7 =	smul.u32 @!p0 $0xF7A, s2;
	p2 =	seq.s32 @!p0 s5, $0x0  }
0x1f: {  	s9 =	smul.u32 $0xF7A, s1;
	s8 =	simm.s32 @!p0 $0x1BF5;
	p2 =	por !p2, p0  }
0x20: {  	[sflag:s8] =	ssyncset.s32 @!p0 $0xFFFFF086;
	s6 =	sadd.s32 @!p0 s3, s7;
	s7 =	simm.s32 @!p0 $0x108  }
0x21: {  	s3 =	sadd.s32 s3, s9;
	s6 =	sadd.s32 @!p0 $0x88, s6;
	s7 =	simm.s32 @p2 $0x1082  }
0x22: {  	[simem:s7], [sflag:s8] =	dma.local @!p0 [hbm:s6], $0xF7A  }
0x23: {  	s9 =	sor.u32 $0xD0000000, s2;
	s6 =	simm.s32 $0x108;
	_ =	swait.ge @!p0 [sflag:s8], $0x0  }
0x24: {  	s3 =	sadd.s32 $0x88, s3;
	s6 =	simm.s32 @!p1 $0x1082;
	[sflag:s4] =	ssyncset.s32 $0xFFFFF086  }
0x25: {  	[simem:s6], [sflag:s4] =	dma.local [hbm:s3], $0xF7A  }
0x26: {  	[smem:$0x3F8B] =	sst s1;
	(tag) =	ssettag s2;
	_ =	strace s9  }
0x27: {  	s1 =	sld [smem:$0x3F9B]  }
0x28: {  	s2 =	sld [smem:$0x3F9C]  }
0x29: {  	s4 =	sld [smem:$0x3F9E]  }
0x2a: {  	p0 =	seq.s32 s5, $0x0;
	s5 =	sld [smem:$0x3F9F]  }
0x2b: {  	s6 =	sld [smem:$0x3FA0]  }
0x2c: {  	s7 =	sld [smem:$0x3FA1]  }
0x2d: {  	s3 =	simm.s32 $0x108;
	s8 =	sld [smem:$0x3FA2]  }
0x2e: {  	s3 =	simm.s32 @!p0 $0x1082;
	s9 =	sld [smem:$0x3FA3]  }
0x2f: {  	lr =	sadd.s32 s0, s3;
	s0 =	sld [smem:$0x3F9A]  }
0x30: {  	s3 =	sld [smem:$0x3F9D]  }
0x31: {  	[smem:$0x3FA6] =	sst s10  }
0x32: {  	s10 =	sld [smem:$0x3FA4];
	_ =	sdelay $0x3  }
0x33: {  	p0 =	seq.s32 s10, $0x1;
	s10 =	sld [smem:$0x3FA6];
	_ =	sdelay $0x3  }
0x34: {  	[smem:$0x3FA6] =	sst s10  }
0x35: {  	s10 =	sld [smem:$0x3FA5];
	_ =	sdelay $0x3  }
0x36: {  	p1 =	seq.s32 s10, $0x1;
	s10 =	sld [smem:$0x3FA6];
	_ =	sdelay $0x3  }
0x37: {  	[smem:$0x3FA6] =	sst s10  }
0x38: {  	s10 =	sld [smem:$0x3FA7]  }
0x39: {  	_ = 	snop;
	(pc) =	sbr.ind lr, $3  }
0x3a: {  	_ = 	snop  }
0x3b: {  	_ = 	snop  }
0x3c: {  	p2 =	seq.s32 s10, $0x1;
	s10 =	sld [smem:$0x3FA6]  }
0x3d: {  	_ =	shalt  }
0x3e: {  	_ =	shalt  }
0x3f: {  	_ =	shalt  }
0x40: {  	_ =	shalt  }
0x41: {  	_ =	shalt  }
0x42: {  	_ =	shalt  }
0x43: {  	_ =	shalt  }
0x44: {  	_ =	shalt  }
0x45: {  	_ =	shalt  }
0x46: {  	_ =	shalt  }
0x47: {  	_ =	shalt  }
0x48: {  	_ =	shalt  }
0x49: {  	_ =	shalt  }
0x4a: {  	_ =	shalt  }
0x4b: {  	_ =	shalt  }
0x4c: {  	_ =	shalt  }
0x4d: {  	_ =	shalt  }
0x4e: {  	_ =	shalt  }
0x4f: {  	_ =	shalt  }
0x50: {  	_ =	shalt  }
0x51: {  	_ =	shalt  }
0x52: {  	_ =	shalt  }
0x53: {  	_ =	shalt  }
0x54: {  	_ =	shalt  }
0x55: {  	_ =	shalt  }
0x56: {  	_ =	shalt  }
0x57: {  	_ =	shalt  }
0x58: {  	_ =	shalt  }
0x59: {  	_ =	shalt  }
0x5a: {  	_ =	shalt  }
0x5b: {  	_ =	shalt  }
0x5c: {  	_ =	shalt  }
0x5d: {  	_ =	shalt  }
0x5e: {  	_ =	shalt  }
0x5f: {  	_ =	shalt  }
0x60: {  	_ =	shalt  }
0x61: {  	_ =	shalt  }
0x62: {  	_ =	shalt  }
0x63: {  	_ =	shalt  }
0x64: {  	_ =	shalt  }
0x65: {  	_ =	shalt  }
0x66: {  	_ =	shalt  }
0x67: {  	_ =	shalt  }
0x68: {  	_ =	shalt  }
0x69: {  	_ =	shalt  }
0x6a: {  	_ =	shalt  }
0x6b: {  	_ =	shalt  }
0x6c: {  	_ =	shalt  }
0x6d: {  	_ =	shalt  }
0x6e: {  	_ =	shalt  }
0x6f: {  	_ =	shalt  }
0x70: {  	_ =	shalt  }
0x71: {  	_ =	shalt  }
0x72: {  	_ =	shalt  }
0x73: {  	_ =	shalt  }
0x74: {  	_ =	shalt  }
0x75: {  	_ =	shalt  }
0x76: {  	_ =	shalt  }
0x77: {  	_ =	shalt  }
0x78: {  	_ =	shalt  }
0x79: {  	_ =	shalt  }
0x7a: {  	_ =	shalt  }
0x7b: {  	_ =	shalt  }
0x7c: {  	_ =	shalt  }
0x7d: {  	_ =	shalt  }
0x7e: {  	_ =	shalt  }
0x7f: {  	_ =	shalt  }
0x80: {  	_ =	shalt  }
0x81: {  	_ =	shalt  }
0x82: {  	_ =	shalt  }
0x83: {  	_ =	shalt  }
0x84: {  	_ =	shalt  }
0x85: {  	_ =	shalt  }
0x86: {  	_ =	shalt  }
0x87: {  	_ =	shalt  }
.Lfunc_end0:
.L_simem_size_0:
called_computation.1_lowered:
.L_overlay_start_0:
0x88: {  	s2 =	sld [smem:$0x3FD9]  }
0x89: {  	s3 =	sld [smem:$0x3FFE];
	_ =	sdelay $0x1  }
0x8a: {  	s1 =	srdreg.scid  }
0x8b: {  	s0 =	sand.u32 $0x1, s1  }
0x8c: {  	s16 =	sshll.u32 s0, $0xA;
	s2 =	sadd.s32 s3, s2  }
0x8d: {  	s2 =	sadd.s32 s2, s16  }
0x8e: {  	[smem:$0x3FB2] =	sst s2  }
0x8f: {  	_ = 	snop  }
0x90: {  	(tm) =	ssettm $0x1  }
0x91: {  	s17 =	sld [smem:$0x3FFB];
	_ =	sdelay $0x3  }
0x92: {  	_ =	strace s17  }
0x93: {  	s2 =	sld [smem:$0x3FFC];
	_ =	sdelay $0x3  }
0x94: {  	_ =	strace s2  }
0x95: {  	s2 =	sld [smem:$0x3FFD];
	_ =	sdelay $0x3  }
0x96: {  	_ =	strace s2  }
0x97: {  	_ =	strace $0x8FFFFFFF  }
0x98: {  	s18 =	sld [smem:$0x3FDB];
	_ =	sdelay $0x1  }
0x99: {  	s19 =	simm.s32 $_scs_section_size  }
0x9a: {  	s4 =	simm.s32 $_size__tile_overlayer_lowered;
	s5 =	simm.s32 $_tile_overlayer_lowered  }
0x9b: {  	s22 =	simm.s32 $0x1BFF;
	s21 =	sshll.u32 s5, $0x1;
	s2 =	sadd.s32 s19, s18  }
0x9c: {  	s6 =	simm.s32 $0x0;
	s20 =	sshll.u32 s4, $0x1;
	s4 =	sadd.s32 s21, s2  }
0x9d: {  	[timem:s6], [sflag:s22] =	dma.local [hbm:s4], s20  }
0x9e: {  	_ =	swait.ge [sflag:s22], s20  }
0x9f: {  	s3 =	ssub.s32 $0x0, s20;
	[sflag:s22] =	ssyncset.done $0x0  }
0xa0: {  	[sflag:s22] =	ssyncadd.s32 s3;
	_ =	sdelay $0x1  }
0xa1: {  	s23 =	simm.s32 $0x1B8B  }
0xa2: {  	_ =	swait.ge [sflag:s23], $0x1  }
0xa3: {  	[sflag:s23] =	ssyncset.done $0x0  }
0xa4: {  	s25 =	simm.s32 $0x1B8E;
	s24 =	sld [smem:$0x3FFE];
	[sflag:s23] =	ssyncadd.s32 $0xFFFFFFFF  }
0xa5: {  	s26 =	simm.s32 $execute0_lowered;
	[smem:$0x3FD2] =	sst s25  }
0xa6: {  	s4 =	sshll.u32 s26, $0x1;
	_ =	strace $0x80000049;
	[dreg:$0x1] =	wrdreg $0xFFFFFFFF  }
0xa7: {  	s28 =	simm.s32 $_size_execute0_lowered;
	s2 =	sadd.s32 s2, s4;
	[dreg:$0x0] =	wrdreg $0x0  }
0xa8: {  	s4 =	sshll.u32 s28, $0x1;
	[dreg:$0x2] =	wrdreg s2  }
0xa9: {  	[dreg:$0x3] =	wrdreg s4  }
0xaa: {  	[dreg:$0x4] =	wrdreg $0xC0  }
0xab: {  	_ =	task [dreg:s6], $0x5FFFF  }
0xac: {  	[dreg:$0x1] =	wrdreg $0xFFFFFFFF  }
0xad: {  	[dreg:$0x0] =	wrdreg $0x60  }
0xae: {  	[dreg:$0x2] =	wrdreg s24  }
0xaf: {  	[dreg:$0x3] =	wrdreg $0x52000  }
0xb0: {  	[dreg:$0x4] =	wrdreg $0x9  }
0xb1: {  	_ =	task.clear_ibuf [dreg:s6], $0x5FFFF;
	_ =	strace $0x90000049  }
0xb2: {  	s29 =	simm.s32 $0x9;
	_ =	strace $0x8000004B  }
0xb3: {  	_ =	swait.ge [sflag:s29], $0x1  }
0xb4: {  	[sflag:s29] =	ssyncadd.s32 $0xFFFFFFFF  }
0xb5: {  	_ =	strace $0x9000004B  }
0xb6: {  	_ =	sfence  }
0xb7: {  	s30 =	sld [smem:$0x0];
	_ =	sdelay $0x2  }
0xb8: {  	s31 =	sshll.u32 s1, $0xD;
	s1 =	sshrl.u32 s1, $0x2  }
0xb9: {  	s3 =	sand.u32 $0x4000, s31;
	s1 =	sadd.s32 s1, s30  }
0xba: {  	s0 =	sor.u32 s3, s0;
	s1 =	sshll.u32 s1, $0x11  }
0xbb: {  	s0 =	sor.u32 s1, s0  }
0xbc: {  	s0 =	sadd.s32 $0x8F2B, s0  }
0xbd: {  	[sflag:s0] =	ssyncadd.remote.s32 $0x1  }
0xbe: {  	_ =	sfence.sel $0xFFFF  }
0xbf: {  	[dreg:$0x0] =	wrdreg $0xFFFFFFFF;
	(pc) =	sbr.abs _section_cstart, $3  }
0xc0: {  	[dreg:$0x1] =	wrdreg $0xFFFFFFFF  }
0xc1: {  	_ =	task.clear_ibuf [dreg:s6], $0x2FFFF;
	_ =	strace $0x9FFFFFFF  }
0xc2: {  	(tm) =	ssettm $0x7FFFFFFF  }
0xc3: {  	_ =	shalt  }
tec
execute0_lowered:
.L_overlay_start_1:
0x0: {  	(tag) =	ssettag $0x1  }
0x1: {  	s1 =	srdreg.scid  }
0x2: {  	s0 =	rddreg [dreg:$0x0];
	s18 =	stileid.u32  }
0x3: {  	s5 =	sand.u32 $0x1, s1;
	s1 =	simm.s32 $0x0;
	s6 =	smul.u32 $0x280, s18  }
0x4: {  	s7 =	smul.u32 $0x14000, s18;
	s8 =	sadd.s32 $0x18400, s0;
	s9 =	sadd.s32 $0x67600, s0  }
0x5: {  	s19 =	sshll.u32 s18, $0x1;
	s2 =	ssub.s32 $0x2, s5;
	[smem:$0x7FF] =	sst s1  }
0x6: {  	s17 =	smul.u32 $0x140000, s5;
	s3 =	sshrl.u32 s2, $0x1;
	s4 =	sshrl.u32 s7, $0x3  }
0x7: {  	s10 =	sor.u32 $0x50, s6;
	s21 =	sadd.s32 $0xA0, s6;
	s12 =	sadd.s32 $0xF0, s6  }
0x8: {  	s13 =	sadd.s32 $0x140, s6;
	s24 =	sadd.s32 $0x190, s6;
	s15 =	sadd.s32 $0x1E0, s6  }
0x9: {  	s6 =	sadd.s32 $0x230, s6;
	s2 =	ssub.s32 s2, s3;
	s3 =	sor.u32 s5, s19  }
0xa: {  	s4 =	sadd.s32 s8, s4;
	s11 =	sshll.u32 s10, $0x4;
	s22 =	sshll.u32 s12, $0x4  }
0xb: {  	s12 =	sshll.u32 s12, $0x7;
	s23 =	sshll.u32 s13, $0x4;
	s13 =	sshll.u32 s13, $0x7  }
0xc: {  	s14 =	sshll.u32 s24, $0x7;
	s16 =	sshll.u32 s6, $0x4;
	s6 =	sshll.u32 s6, $0x7  }
0xd: {  	s7 =	sadd.s32 s7, s17;
	s5 =	smul.u32 $0x2710, s5;
	[dreg:$0x3] =	wrdreg s4  }
0xe: {  	s4 =	sshll.u32 s10, $0x7;
	s20 =	sadd.s32 s8, s11;
	s11 =	sshll.u32 s21, $0x7  }
0xf: {  	s10 =	sshll.u32 s21, $0x4;
	s7 =	sshrl.u32 s7, $0x3;
	s19 =	sadd.s32 s17, s13  }
0x10: {  	s2 =	smax.u32 s2, $0x1;
	[dreg:$0x4] =	wrdreg s20;
	s10 =	sadd.s32 s8, s10  }
0x11: {  	s25 =	sadd.s32 s17, s4;
	[dreg:$0x5] =	wrdreg s10;
	s10 =	sadd.s32 s8, s22  }
0x12: {  	s26 =	sadd.s32 s17, s11;
	[dreg:$0x6] =	wrdreg s10;
	s10 =	sadd.s32 s8, s23  }
0x13: {  	s7 =	sadd.s32 s9, s7;
	[dreg:$0x7] =	wrdreg s10;
	s10 =	sshll.u32 s24, $0x4  }
0x14: {  	s20 =	sadd.s32 s17, s14;
	[dreg:$0xb] =	wrdreg s7;
	s10 =	sadd.s32 s8, s10  }
0x15: {  	[dreg:$0x8] =	wrdreg s10;
	s10 =	sshll.u32 s15, $0x7;
	s15 =	sshll.u32 s15, $0x4  }
0x16: {  	s24 =	sadd.s32 s17, s6;
	s15 =	sadd.s32 s8, s15;
	s8 =	sadd.s32 s8, s16  }
0x17: {  	s16 =	sadd.s32 s17, s12;
	[dreg:$0xa] =	wrdreg s8;
	s8 =	sshrl.u32 s25, $0x3  }
0x18: {  	[dreg:$0x9] =	wrdreg s15;
	s15 =	sshrl.u32 s26, $0x3;
	s8 =	sadd.s32 s9, s8  }
0x19: {  	s7 =	sshrl.u32 s16, $0x3;
	s15 =	sadd.s32 s9, s15;
	[dreg:$0xc] =	wrdreg s8  }
0x1a: {  	s23 =	sadd.s32 s17, s10;
	s7 =	sadd.s32 s9, s7;
	[dreg:$0xd] =	wrdreg s15  }
0x1b: {  	s25 =	smul.u32 $0x4E20, s18;
	s8 =	sshrl.u32 s19, $0x3;
	[dreg:$0xe] =	wrdreg s7  }
0x1c: {  	s15 =	sshrl.u32 s20, $0x3;
	s7 =	sshrl.u32 s23, $0x3;
	s19 =	rddreg [dreg:$0x1]  }
0x1d: {  	s5 =	sadd.s32 s5, s25;
	s20 =	sadd.s32 $0x40400, s0;
	s21 =	sadd.s32 s9, s8  }
0x1e: {  	s22 =	sadd.s32 s9, s15;
	s8 =	sshrl.u32 s24, $0x3;
	s7 =	sadd.s32 s9, s7  }
0x1f: {  	s24 =	sadd.s32 s4, s19;
	s25 =	sadd.s32 s11, s19;
	s28 =	sadd.s32 s13, s19  }
0x20: {  	s29 =	sadd.s32 s14, s19;
	s30 =	sadd.s32 s10, s19;
	s16 =	sadd.s32 $0x50, s5  }
0x21: {  	s31 =	sadd.s32 s6, s19;
	s6 =	simm.s32 $0x200;
	[dreg:$0xf] =	wrdreg s21  }
0x22: {  	s10 =	simm.s32 $0x100;
	s11 =	simm.s32 $0x180;
	[dreg:$0x10] =	wrdreg s22  }
0x23: {  	s13 =	simm.s32 $0x2A00;
	s14 =	simm.s32 $0x2;
	[dreg:$0x11] =	wrdreg s7  }
0x24: {  	s26 =	sadd.s32 s9, s8;
	s8 =	smul.u32 $0x50000, s18;
	s21 =	sadd.s32 $0xE600, s0  }
0x25: {  	s22 =	sadd.s32 $0x4800, s0;
	s9 =	smul.u32 $0x2710, s3;
	s17 =	sshrl.u32 s16, $0x3  }
0x26: {  	s7 =	simm.s32 $0x3;
	[dreg:$0x12] =	wrdreg s26;
	s26 =	sadd.s32 s12, s19  }
0x27: {  	s3 =	sadd.s32 s17, s22;
	s4 =	sadd.s32 s17, s21;
	s12 =	simm.s32 $0x1  }
0x28: {  	_ =	strace $0x8000004A;
	s15 =	sshrl.u32 s8, $0x2;
	s0 =	sshrl.u32 s9, $0x3  }
0x29: {  	s8 =	simm.s32 $0x80;
	s9 =	simm.s32 $0x50;
	s18 =	sadd.s32 s21, s0  }
0x2a: {  	s23 =	sadd.s32 s15, s19;
	s0 =	sadd.s32 s22, s0;
	[dreg:$0x13] =	wrdreg s18  }
0x2b: {  	s15 =	simm.s32 $0x0;
	[dreg:$0x14] =	wrdreg s0;
	s18 =	sadd.s32 $0xA0, s5  }
.LBB2_1:
0x2c: {  	s0 =	rddreg [dreg:$0x3]  }
0x2d: {  	[tilespmem:s6], [sflag:$0x3] =	stream.linear.gather [hbm4b:s0+s1], $0x2800, $0x38;
	[tilespmem:$0x19200] =	vst v63  }
0x2e: {  	_ =	swait.ge [sflag:s7], $0x2800  }
0x2f: {  	[sflag:s7] =	ssyncset.done $0x0  }
0x30: {  	[sflag:s7] =	ssyncadd.s32 $0xFFFFD800  }
0x31: {  	[spmem:s23] =	stream.linear.scatter [tilespmem:s6], [sflag:$0x3], $0x2800, $0x38;
	[tilespmem:$0x19200] =	vst v63  }
0x32: {  	_ =	swait.ge [sflag:s7], $0x2800  }
0x33: {  	[sflag:s7] =	ssyncset.done $0x0  }
0x34: {  	s5 =	rddreg [dreg:$0x4];
	[sflag:s7] =	ssyncadd.s32 $0xFFFFD800  }
0x35: {  	[tilespmem:s6], [sflag:$0x3] =	stream.linear.gather [hbm4b:s5+s1], $0x2800, $0x38;
	[tilespmem:$0x19200] =	vst v63  }
0x36: {  	_ =	swait.ge [sflag:s7], $0x2800  }
0x37: {  	[sflag:s7] =	ssyncset.done $0x0  }
0x38: {  	[sflag:s7] =	ssyncadd.s32 $0xFFFFD800  }
0x39: {  	[spmem:s24] =	stream.linear.scatter [tilespmem:s6], [sflag:$0x3], $0x2800, $0x38;
	[tilespmem:$0x19200] =	vst v63  }
0x3a: {  	_ =	swait.ge [sflag:s7], $0x2800  }
0x3b: {  	[sflag:s7] =	ssyncset.done $0x0  }
0x3c: {  	s16 =	rddreg [dreg:$0x5];
	[sflag:s7] =	ssyncadd.s32 $0xFFFFD800  }
0x3d: {  	[tilespmem:s6], [sflag:$0x3] =	stream.linear.gather [hbm4b:s16+s1], $0x2800, $0x38;
	[tilespmem:$0x19200] =	vst v63  }
0x3e: {  	_ =	swait.ge [sflag:s7], $0x2800  }
0x3f: {  	[sflag:s7] =	ssyncset.done $0x0  }
0x40: {  	[sflag:s7] =	ssyncadd.s32 $0xFFFFD800  }
0x41: {  	[spmem:s25] =	stream.linear.scatter [tilespmem:s6], [sflag:$0x3], $0x2800, $0x38;
	[tilespmem:$0x19200] =	vst v63  }
0x42: {  	_ =	swait.ge [sflag:s7], $0x2800  }
0x43: {  	[sflag:s7] =	ssyncset.done $0x0  }
0x44: {  	s17 =	rddreg [dreg:$0x6];
	[sflag:s7] =	ssyncadd.s32 $0xFFFFD800  }
0x45: {  	[tilespmem:s6], [sflag:$0x3] =	stream.linear.gather [hbm4b:s17+s1], $0x2800, $0x38;
	[tilespmem:$0x19200] =	vst v63  }
0x46: {  	_ =	swait.ge [sflag:s7], $0x2800  }
0x47: {  	[sflag:s7] =	ssyncset.done $0x0  }
0x48: {  	[sflag:s7] =	ssyncadd.s32 $0xFFFFD800  }
0x49: {  	[spmem:s26] =	stream.linear.scatter [tilespmem:s6], [sflag:$0x3], $0x2800, $0x38;
	[tilespmem:$0x19200] =	vst v63  }
0x4a: {  	_ =	swait.ge [sflag:s7], $0x2800  }
0x4b: {  	[sflag:s7] =	ssyncset.done $0x0  }
0x4c: {  	s5 =	rddreg [dreg:$0x7];
	[sflag:s7] =	ssyncadd.s32 $0xFFFFD800  }
0x4d: {  	[tilespmem:s6], [sflag:$0x3] =	stream.linear.gather [hbm4b:s5+s1], $0x2800, $0x38;
	[tilespmem:$0x19200] =	vst v63  }
0x4e: {  	_ =	swait.ge [sflag:s7], $0x2800  }
0x4f: {  	[sflag:s7] =	ssyncset.done $0x0  }
0x50: {  	[sflag:s7] =	ssyncadd.s32 $0xFFFFD800  }
0x51: {  	[spmem:s28] =	stream.linear.scatter [tilespmem:s6], [sflag:$0x3], $0x2800, $0x38;
	[tilespmem:$0x19200] =	vst v63  }
0x52: {  	_ =	swait.ge [sflag:s7], $0x2800  }
0x53: {  	[sflag:s7] =	ssyncset.done $0x0  }
0x54: {  	s16 =	rddreg [dreg:$0x8];
	[sflag:s7] =	ssyncadd.s32 $0xFFFFD800  }
0x55: {  	[tilespmem:s6], [sflag:$0x3] =	stream.linear.gather [hbm4b:s16+s1], $0x2800, $0x38;
	[tilespmem:$0x19200] =	vst v63  }
0x56: {  	_ =	swait.ge [sflag:s7], $0x2800  }
0x57: {  	[sflag:s7] =	ssyncset.done $0x0  }
0x58: {  	[sflag:s7] =	ssyncadd.s32 $0xFFFFD800  }
0x59: {  	[spmem:s29] =	stream.linear.scatter [tilespmem:s6], [sflag:$0x3], $0x2800, $0x38;
	[tilespmem:$0x19200] =	vst v63  }
0x5a: {  	_ =	swait.ge [sflag:s7], $0x2800  }
0x5b: {  	[sflag:s7] =	ssyncset.done $0x0  }
0x5c: {  	s17 =	rddreg [dreg:$0x9];
	[sflag:s7] =	ssyncadd.s32 $0xFFFFD800  }
0x5d: {  	[tilespmem:s6], [sflag:$0x3] =	stream.linear.gather [hbm4b:s17+s1], $0x2800, $0x38;
	[tilespmem:$0x19200] =	vst v63  }
0x5e: {  	_ =	swait.ge [sflag:s7], $0x2800  }
0x5f: {  	[sflag:s7] =	ssyncset.done $0x0  }
0x60: {  	[sflag:s7] =	ssyncadd.s32 $0xFFFFD800  }
0x61: {  	[spmem:s30] =	stream.linear.scatter [tilespmem:s6], [sflag:$0x3], $0x2800, $0x38;
	[tilespmem:$0x19200] =	vst v63  }
0x62: {  	_ =	swait.ge [sflag:s7], $0x2800  }
0x63: {  	[sflag:s7] =	ssyncset.done $0x0  }
0x64: {  	s5 =	rddreg [dreg:$0xa];
	[sflag:s7] =	ssyncadd.s32 $0xFFFFD800  }
0x65: {  	[tilespmem:s6], [sflag:$0x3] =	stream.linear.gather [hbm4b:s5+s1], $0x2800, $0x38;
	[tilespmem:$0x19200] =	vst v63  }
0x66: {  	_ =	swait.ge [sflag:s7], $0x2800  }
0x67: {  	[sflag:s7] =	ssyncset.done $0x0  }
0x68: {  	[sflag:s7] =	ssyncadd.s32 $0xFFFFD800  }
0x69: {  	[spmem:s31] =	stream.linear.scatter [tilespmem:s6], [sflag:$0x3], $0x2800, $0x38;
	[tilespmem:$0x19200] =	vst v63  }
0x6a: {  	_ =	swait.ge [sflag:s7], $0x2800  }
0x6b: {  	[sflag:s7] =	ssyncset.done $0x0  }
0x6c: {  	[sflag:s7] =	ssyncadd.s32 $0xFFFFD800  }
0x6d: {  	[bflag:$0x0] =	sbarrier.arrive $0xFFFF  }
0x6e: {  	s16 =	rddreg [dreg:$0x13]  }
0x6f: {  	[tilespmem:s1], [sflag:$0x3] =	stream.linear.gather [hbm4b:s16+s1], $0x50, $0x38;
	[tilespmem:$0x19200] =	vst v63  }
0x70: {  	_ =	swait.ge [sflag:s7], $0x50  }
0x71: {  	[sflag:s7] =	ssyncset.done $0x0  }
0x72: {  	s17 =	rddreg [dreg:$0x14];
	[sflag:s7] =	ssyncadd.s32 $0xFFFFFFB0  }
0x73: {  	[tilespmem:s8], [sflag:$0x3] =	stream.linear.gather [hbm4b:s17+s1], $0x50, $0x38;
	[tilespmem:$0x19200] =	vst v63  }
0x74: {  	_ =	swait.ge [sflag:s7], $0x50  }
0x75: {  	[sflag:s7] =	ssyncset.done $0x0  }
0x76: {  	[sflag:s7] =	ssyncadd.s32 $0xFFFFFFB0  }
0x77: {  	[tilespmem:s6], [sflag:$0x1] =	stream.indirect.gather [hbm4b:s20+s9], $0x80, s1, s9, $0xb8;
	[tilespmem:$0x19200] =	vst v63  }
0x78: {  	s5 =	sadd.s32 $0x0, s4  }
0x79: {  	[tilespmem:s10], [sflag:$0x3] =	stream.linear.gather [hbm4b:s5+s1], $0x50, $0x38;
	[tilespmem:$0x19200] =	vst v63  }
0x7a: {  	_ =	swait.ge [sflag:s7], $0x50  }
0x7b: {  	[sflag:s7] =	ssyncset.done $0x0  }
0x7c: {  	s0 =	sadd.s32 $0x0, s3;
	[sflag:s7] =	ssyncadd.s32 $0xFFFFFFB0  }
0x7d: {  	[tilespmem:s11], [sflag:$0x3] =	stream.linear.gather [hbm4b:s0+s1], $0x50, $0x38;
	[tilespmem:$0x19200] =	vst v63  }
0x7e: {  	_ =	swait.ge [sflag:s7], $0x50  }
0x7f: {  	[sflag:s7] =	ssyncset.done $0x0  }
0x80: {  	[sflag:s7] =	ssyncadd.s32 $0xFFFFFFB0  }
0x81: {  	_ =	swait.ge [sflag:s12], $0x2800  }
0x82: {  	[sflag:s12] =	ssyncset.done $0x0  }
0x83: {  	[sflag:s12] =	ssyncadd.s32 $0xFFFFD800  }
0x84: {  	[tilespmem:s13], [sflag:$0x2] =	stream.indirect.gather [hbm4b:s20+s9], $0x80, s10, s9, $0xb8;
	[tilespmem:$0x19200] =	vst v63  }
0x85: {  	_ = 	snop  }
0x86: {  	[spmem:s19] =	stream.indirect.scatter.add.f32 [tilespmem:s6], [sflag:$0x3], $0x80, s8, s9, $0xb8;
	[tilespmem:$0x19200] =	vst v63  }
0x87: {  	_ =	swait.ge [sflag:s7], $0x2800  }
0x88: {  	s16 =	sshrl.u32 s18, $0x3;
	[sflag:s7] =	ssyncset.done $0x0  }
0x89: {  	s17 =	sadd.s32 s21, s16;
	[sflag:s7] =	ssyncadd.s32 $0xFFFFD800  }
0x8a: {  	[tilespmem:s1], [sflag:$0x3] =	stream.linear.gather [hbm4b:s17+s1], $0x50, $0x38;
	[tilespmem:$0x19200] =	vst v63  }
0x8b: {  	_ =	swait.ge [sflag:s7], $0x50  }
0x8c: {  	[sflag:s7] =	ssyncset.done $0x0  }
0x8d: {  	s5 =	sadd.s32 s22, s16;
	[sflag:s7] =	ssyncadd.s32 $0xFFFFFFB0  }
0x8e: {  	[tilespmem:s8], [sflag:$0x3] =	stream.linear.gather [hbm4b:s5+s1], $0x50, $0x38;
	[tilespmem:$0x19200] =	vst v63  }
0x8f: {  	_ =	swait.ge [sflag:s7], $0x50  }
0x90: {  	[sflag:s7] =	ssyncset.done $0x0  }
0x91: {  	[sflag:s7] =	ssyncadd.s32 $0xFFFFFFB0  }
0x92: {  	_ =	swait.ge [sflag:s14], $0x2800  }
0x93: {  	[sflag:s14] =	ssyncset.done $0x0  }
0x94: {  	[sflag:s14] =	ssyncadd.s32 $0xFFFFD800  }
0x95: {  	[tilespmem:s6], [sflag:$0x1] =	stream.indirect.gather [hbm4b:s20+s9], $0x80, s1, s9, $0xb8;
	[tilespmem:$0x19200] =	vst v63  }
0x96: {  	_ = 	snop  }
0x97: {  	[spmem:s19] =	stream.indirect.scatter.add.f32 [tilespmem:s13], [sflag:$0x3], $0x80, s11, s9, $0xb8;
	[tilespmem:$0x19200] =	vst v63  }
0x98: {  	_ =	swait.ge [sflag:s7], $0x2800  }
0x99: {  	s17 =	simm.s32 $0x14;
	s5 =	smov.u32 s18;
	[sflag:s7] =	ssyncset.done $0x0  }
.LBB2_2:
0x9a: {  	p0 =	sne.s32 s17, $0x4C4;
	[sflag:s7] =	ssyncadd.s32 $0xFFFFD800;
	s5 =	sadd.s32 $0xA0, s5  }
0x9b: {  	s16 =	sadd.s32 s17, s4;
	s0 =	smov.u32 s17;
	s17 =	sadd.s32 $0x14, s17  }
0x9c: {  	[tilespmem:s10], [sflag:$0x3] =	stream.linear.gather [hbm4b:s16+s1], $0x50, $0x38;
	[tilespmem:$0x19200] =	vst v63  }
0x9d: {  	_ =	swait.ge [sflag:s7], $0x50  }
0x9e: {  	[sflag:s7] =	ssyncset.done $0x0  }
0x9f: {  	s0 =	sadd.s32 s0, s3;
	[sflag:s7] =	ssyncadd.s32 $0xFFFFFFB0  }
0xa0: {  	[tilespmem:s11], [sflag:$0x3] =	stream.linear.gather [hbm4b:s0+s1], $0x50, $0x38;
	[tilespmem:$0x19200] =	vst v63  }
0xa1: {  	_ =	swait.ge [sflag:s7], $0x50  }
0xa2: {  	[sflag:s7] =	ssyncset.done $0x0  }
0xa3: {  	[sflag:s7] =	ssyncadd.s32 $0xFFFFFFB0  }
0xa4: {  	_ =	swait.ge [sflag:s12], $0x2800  }
0xa5: {  	[sflag:s12] =	ssyncset.done $0x0  }
0xa6: {  	[sflag:s12] =	ssyncadd.s32 $0xFFFFD800  }
0xa7: {  	[tilespmem:s13], [sflag:$0x2] =	stream.indirect.gather [hbm4b:s20+s9], $0x80, s10, s9, $0xb8;
	[tilespmem:$0x19200] =	vst v63  }
0xa8: {  	_ = 	snop  }
0xa9: {  	[spmem:s19] =	stream.indirect.scatter.add.f32 [tilespmem:s6], [sflag:$0x3], $0x80, s8, s9, $0xb8;
	[tilespmem:$0x19200] =	vst v63  }
0xaa: {  	_ =	swait.ge [sflag:s7], $0x2800  }
0xab: {  	s0 =	sshrl.u32 s5, $0x3;
	[sflag:s7] =	ssyncset.done $0x0  }
0xac: {  	s16 =	sadd.s32 s21, s0;
	[sflag:s7] =	ssyncadd.s32 $0xFFFFD800  }
0xad: {  	[tilespmem:s1], [sflag:$0x3] =	stream.linear.gather [hbm4b:s16+s1], $0x50, $0x38;
	[tilespmem:$0x19200] =	vst v63  }
0xae: {  	_ =	swait.ge [sflag:s7], $0x50  }
0xaf: {  	[sflag:s7] =	ssyncset.done $0x0  }
0xb0: {  	s0 =	sadd.s32 s22, s0;
	[sflag:s7] =	ssyncadd.s32 $0xFFFFFFB0  }
0xb1: {  	[tilespmem:s8], [sflag:$0x3] =	stream.linear.gather [hbm4b:s0+s1], $0x50, $0x38;
	[tilespmem:$0x19200] =	vst v63  }
0xb2: {  	_ =	swait.ge [sflag:s7], $0x50  }
0xb3: {  	[sflag:s7] =	ssyncset.done $0x0  }
0xb4: {  	[sflag:s7] =	ssyncadd.s32 $0xFFFFFFB0  }
0xb5: {  	_ =	swait.ge [sflag:s14], $0x2800  }
0xb6: {  	[sflag:s14] =	ssyncset.done $0x0  }
0xb7: {  	[sflag:s14] =	ssyncadd.s32 $0xFFFFD800  }
0xb8: {  	[tilespmem:s6], [sflag:$0x1] =	stream.indirect.gather [hbm4b:s20+s9], $0x80, s1, s9, $0xb8;
	[tilespmem:$0x19200] =	vst v63  }
.Ltmp0:
0xb9: {  	_ = 	snop;
	(pc) =	sbr.rel @p0 .LBB2_2-.Ltmp0, $4  }
0xba: {  	_ = 	snop  }
0xbb: {  	[spmem:s19] =	stream.indirect.scatter.add.f32 [tilespmem:s13], [sflag:$0x3], $0x80, s11, s9, $0xb8;
	[tilespmem:$0x19200] =	vst v63  }
0xbc: {  	_ =	swait.ge [sflag:s7], $0x2800  }
0xbd: {  	[sflag:s7] =	ssyncset.done $0x0  }
0xbe: {  	[sflag:s7] =	ssyncadd.s32 $0xFFFFD800  }
0xbf: {  	_ =	swait.ge [sflag:s12], $0x2800  }
0xc0: {  	[sflag:s12] =	ssyncset.done $0x0  }
0xc1: {  	[sflag:s12] =	ssyncadd.s32 $0xFFFFD800  }
0xc2: {  	[spmem:s19] =	stream.indirect.scatter.add.f32 [tilespmem:s6], [sflag:$0x3], $0x80, s8, s9, $0xb8;
	[tilespmem:$0x19200] =	vst v63  }
0xc3: {  	_ =	swait.ge [sflag:s7], $0x2800  }
0xc4: {  	[sflag:s7] =	ssyncset.done $0x0  }
0xc5: {  	[sflag:s7] =	ssyncadd.s32 $0xFFFFD800  }
0xc6: {  	[bflag:$0x0] =	sbarrier.arrive $0xFFFF  }
0xc7: {  	[tilespmem:s6], [sflag:$0x3] =	stream.linear.gather [spmem:s23], $0x2800, $0x38;
	[tilespmem:$0x19200] =	vst v63  }
0xc8: {  	_ =	swait.ge [sflag:s7], $0x2800  }
0xc9: {  	[sflag:s7] =	ssyncset.done $0x0  }
0xca: {  	s0 =	rddreg [dreg:$0xb];
	[sflag:s7] =	ssyncadd.s32 $0xFFFFD800  }
0xcb: {  	[hbm4b:s0+s1] =	stream.linear.scatter [tilespmem:s6], [sflag:$0x3], $0x2800, $0x38;
	[tilespmem:$0x19200] =	vst v63  }
0xcc: {  	_ =	swait.ge [sflag:s7], $0x2800  }
0xcd: {  	[sflag:s7] =	ssyncset.done $0x0  }
0xce: {  	[sflag:s7] =	ssyncadd.s32 $0xFFFFD800  }
0xcf: {  	[tilespmem:s6], [sflag:$0x3] =	stream.linear.gather [spmem:s24], $0x2800, $0x38;
	[tilespmem:$0x19200] =	vst v63  }
0xd0: {  	_ =	swait.ge [sflag:s7], $0x2800  }
0xd1: {  	[sflag:s7] =	ssyncset.done $0x0  }
0xd2: {  	s17 =	rddreg [dreg:$0xc];
	[sflag:s7] =	ssyncadd.s32 $0xFFFFD800  }
0xd3: {  	[hbm4b:s17+s1] =	stream.linear.scatter [tilespmem:s6], [sflag:$0x3], $0x2800, $0x38;
	[tilespmem:$0x19200] =	vst v63  }
0xd4: {  	_ =	swait.ge [sflag:s7], $0x2800  }
0xd5: {  	[sflag:s7] =	ssyncset.done $0x0  }
0xd6: {  	[sflag:s7] =	ssyncadd.s32 $0xFFFFD800  }
0xd7: {  	[tilespmem:s6], [sflag:$0x3] =	stream.linear.gather [spmem:s25], $0x2800, $0x38;
	[tilespmem:$0x19200] =	vst v63  }
0xd8: {  	_ =	swait.ge [sflag:s7], $0x2800  }
0xd9: {  	[sflag:s7] =	ssyncset.done $0x0  }
0xda: {  	s5 =	rddreg [dreg:$0xd];
	[sflag:s7] =	ssyncadd.s32 $0xFFFFD800  }
0xdb: {  	[hbm4b:s5+s1] =	stream.linear.scatter [tilespmem:s6], [sflag:$0x3], $0x2800, $0x38;
	[tilespmem:$0x19200] =	vst v63  }
0xdc: {  	_ =	swait.ge [sflag:s7], $0x2800  }
0xdd: {  	[sflag:s7] =	ssyncset.done $0x0  }
0xde: {  	[sflag:s7] =	ssyncadd.s32 $0xFFFFD800  }
0xdf: {  	[tilespmem:s6], [sflag:$0x3] =	stream.linear.gather [spmem:s26], $0x2800, $0x38;
	[tilespmem:$0x19200] =	vst v63  }
0xe0: {  	_ =	swait.ge [sflag:s7], $0x2800  }
0xe1: {  	[sflag:s7] =	ssyncset.done $0x0  }
0xe2: {  	s16 =	rddreg [dreg:$0xe];
	[sflag:s7] =	ssyncadd.s32 $0xFFFFD800  }
0xe3: {  	[hbm4b:s16+s1] =	stream.linear.scatter [tilespmem:s6], [sflag:$0x3], $0x2800, $0x38;
	[tilespmem:$0x19200] =	vst v63  }
0xe4: {  	_ =	swait.ge [sflag:s7], $0x2800  }
0xe5: {  	[sflag:s7] =	ssyncset.done $0x0  }
0xe6: {  	[sflag:s7] =	ssyncadd.s32 $0xFFFFD800  }
0xe7: {  	[tilespmem:s6], [sflag:$0x3] =	stream.linear.gather [spmem:s28], $0x2800, $0x38;
	[tilespmem:$0x19200] =	vst v63  }
0xe8: {  	_ =	swait.ge [sflag:s7], $0x2800  }
0xe9: {  	[sflag:s7] =	ssyncset.done $0x0  }
0xea: {  	s17 =	rddreg [dreg:$0xf];
	[sflag:s7] =	ssyncadd.s32 $0xFFFFD800  }
0xeb: {  	[hbm4b:s17+s1] =	stream.linear.scatter [tilespmem:s6], [sflag:$0x3], $0x2800, $0x38;
	[tilespmem:$0x19200] =	vst v63  }
0xec: {  	_ =	swait.ge [sflag:s7], $0x2800  }
0xed: {  	[sflag:s7] =	ssyncset.done $0x0  }
0xee: {  	[sflag:s7] =	ssyncadd.s32 $0xFFFFD800  }
0xef: {  	[tilespmem:s6], [sflag:$0x3] =	stream.linear.gather [spmem:s29], $0x2800, $0x38;
	[tilespmem:$0x19200] =	vst v63  }
0xf0: {  	_ =	swait.ge [sflag:s7], $0x2800  }
0xf1: {  	[sflag:s7] =	ssyncset.done $0x0  }
0xf2: {  	s5 =	rddreg [dreg:$0x10];
	[sflag:s7] =	ssyncadd.s32 $0xFFFFD800  }
0xf3: {  	[hbm4b:s5+s1] =	stream.linear.scatter [tilespmem:s6], [sflag:$0x3], $0x2800, $0x38;
	[tilespmem:$0x19200] =	vst v63  }
0xf4: {  	_ =	swait.ge [sflag:s7], $0x2800  }
0xf5: {  	[sflag:s7] =	ssyncset.done $0x0  }
0xf6: {  	[sflag:s7] =	ssyncadd.s32 $0xFFFFD800  }
0xf7: {  	[tilespmem:s6], [sflag:$0x3] =	stream.linear.gather [spmem:s30], $0x2800, $0x38;
	[tilespmem:$0x19200] =	vst v63  }
0xf8: {  	_ =	swait.ge [sflag:s7], $0x2800  }
0xf9: {  	[sflag:s7] =	ssyncset.done $0x0  }
0xfa: {  	s16 =	rddreg [dreg:$0x11];
	[sflag:s7] =	ssyncadd.s32 $0xFFFFD800  }
0xfb: {  	[hbm4b:s16+s1] =	stream.linear.scatter [tilespmem:s6], [sflag:$0x3], $0x2800, $0x38;
	[tilespmem:$0x19200] =	vst v63  }
0xfc: {  	_ =	swait.ge [sflag:s7], $0x2800  }
0xfd: {  	[sflag:s7] =	ssyncset.done $0x0  }
0xfe: {  	[sflag:s7] =	ssyncadd.s32 $0xFFFFD800  }
0xff: {  	[tilespmem:s6], [sflag:$0x3] =	stream.linear.gather [spmem:s31], $0x2800, $0x38;
	[tilespmem:$0x19200] =	vst v63  }
0x100: {  	s15 =	sadd.s32 $0x1, s15;
	_ =	swait.ge [sflag:s7], $0x2800  }
0x101: {  	p0 =	sne.s32 s15, s2;
	[sflag:s7] =	ssyncset.done $0x0  }
.Ltmp1:
0x102: {  	s17 =	rddreg [dreg:$0x12];
	[sflag:s7] =	ssyncadd.s32 $0xFFFFD800;
	(pc) =	sbr.rel @p0 .LBB2_1-.Ltmp1, $4  }
0x103: {  	[hbm4b:s17+s1] =	stream.linear.scatter [tilespmem:s6], [sflag:$0x3], $0x2800, $0x38;
	[tilespmem:$0x19200] =	vst v63  }
0x104: {  	_ =	swait.ge [sflag:s7], $0x2800  }
0x105: {  	[sflag:s7] =	ssyncset.done $0x0  }
0x106: {  	[sflag:s7] =	ssyncadd.s32 $0xFFFFD800  }
0x107: {  	_ =	sfence.sel $0x180000  }
0x108: {  	[bflag:$0x0] =	sbarrier.arrive $0xFFFF  }
0x109: {  	_ =	strace $0x9000004A  }
0x10a: {  	s0 =	stileid.u32;
	[bflag:$0x2] =	sbarrier.arrive $0xFFFF  }
0x10b: {  	p0 =	sne.s32 s0, $0x0;
	s0 =	rddreg [dreg:$0x2]  }
0x10c: {  	s0 =	sadd.s32 @!p0 $0x100000, s0  }
0x10d: {  	[sflag:s0] =	ssyncadd.tile.s32 @!p0 $0x1;
	_ =	shalt  }
.Lfunc_end2:
_tile_overlayer_lowered:
.L_overlay_start_2:
0x10e: {  	(tag) =	ssettag $0x2  }
0x10f: {  	s0 =	rddreg [dreg:$0x0];
	s2 =	stileid.u32  }
0x110: {  	s1 =	rddreg [dreg:$0x1];
	p0 =	sne.s32 s2, $0x0  }
0x111: {  	s3 =	rddreg [dreg:$0x2];
	[bflag:$0x3] =	sbarrier.arrive $0xFFFF;
	s2 =	simm.s32 @!p0 $0x1C03  }
0x112: {  	[timem:s3], [sflag:s2] =	dma.local @!p0 [hbm:s0], s1  }
0x113: {  	s0 =	simm.s32 @!p0 $0x3  }
0x114: {  	_ =	swait.ge @!p0 [sflag:s0], s1  }
0x115: {  	s1 =	ssub.s32 @!p0 $0x0, s1;
	[sflag:s0] =	ssyncset.done @!p0 $0x0  }
0x116: {  	[sflag:s0] =	ssyncadd.s32 @!p0 s1  }
0x117: {  	[bflag:$0x3] =	sbarrier.arrive $0xFFFF  }
0x118: {  	_ =	shalt  }

// kernel: kernel.17.cloned.1.call-start
scs
__scs_entry_jumppad:
0x0: {  	(pc) =	sbr.rel $0x88, $3  }
0x1: {  	(tag) =	ssettag $0x0;
	lr =	simm.s32 $0x1  }
0x2: {  	[smem:$0x3F8B] =	sst lr;
	_ =	strace $0xD0000000  }
0x3: {  	_ = 	snop  }
0x4: {  	_ = 	snop  }
0x5: {  	_ = 	snop  }
0x6: {  	_ = 	snop  }
0x7: {  	_ = 	snop  }
__scs_overlays_trampoline_lowered:
0x8: {  	[smem:$0x3F9A] =	sst s0  }
0x9: {  	[smem:$0x3F9B] =	sst s1  }
0xa: {  	[smem:$0x3F9C] =	sst s2  }
0xb: {  	[smem:$0x3F9D] =	sst s3  }
0xc: {  	[smem:$0x3F9E] =	sst s4  }
0xd: {  	[smem:$0x3F9F] =	sst s5  }
0xe: {  	[smem:$0x3FA0] =	sst s6  }
0xf: {  	[smem:$0x3FA1] =	sst s7  }
0x10: {  	[smem:$0x3FA2] =	sst s8  }
0x11: {  	[smem:$0x3FA3] =	sst s9;
	s0 =	simm.s32 @!p0 $0x0  }
0x12: {  	s1 =	sld [smem:$0x3F89];
	s0 =	simm.s32 @p0 $0x1  }
0x13: {  	[smem:$0x3FA4] =	sst s0;
	s0 =	simm.s32 @!p1 $0x0  }
0x14: {  	s2 =	sld [smem:$0x3F88];
	s0 =	simm.s32 @p1 $0x1  }
0x15: {  	[smem:$0x3FA5] =	sst s0;
	s0 =	simm.s32 @!p2 $0x0  }
0x16: {  	s3 =	sld [smem:$0x3FDB];
	s0 =	simm.s32 @p2 $0x1  }
0x17: {  	s4 =	simm.s32 $0x1BF5;
	[smem:$0x3FA7] =	sst s0  }
0x18: {  	s0 =	sld [smem:$0x3F8A];
	_ =	swait.ge [sflag:s4], $0x0  }
0x19: {  	s7 =	sld [smem:$0x3F8B]  }
0x1a: {  	s8 =	sadd.s32 $0xFFFFE003, lr  }
0x1b: {  	s9 =	sadd.s32 $0xFFFFFEF7, lr;
	s5 =	simm.s32 $0xFFFFFFFF;
	p2 =	slt.u32 s8, $0xFFFFF086  }
0x1c: {  	p1 =	slt.u32 s9, $0xF7A;
	s5 =	simm.s32 @!p2 $0x0  }
0x1d: {  	s5 =	simm.s32 @p1 $0x1;
	p0 =	seq.s32 s7, s2  }
0x1e: {  	s7 =	smul.u32 @!p0 $0xF7A, s2;
	p2 =	seq.s32 @!p0 s5, $0x0  }
0x1f: {  	s9 =	smul.u32 $0xF7A, s1;
	s8 =	simm.s32 @!p0 $0x1BF5;
	p2 =	por !p2, p0  }
0x20: {  	[sflag:s8] =	ssyncset.s32 @!p0 $0xFFFFF086;
	s6 =	sadd.s32 @!p0 s3, s7;
	s7 =	simm.s32 @!p0 $0x108  }
0x21: {  	s3 =	sadd.s32 s3, s9;
	s6 =	sadd.s32 @!p0 $0x88, s6;
	s7 =	simm.s32 @p2 $0x1082  }
0x22: {  	[simem:s7], [sflag:s8] =	dma.local @!p0 [hbm:s6], $0xF7A  }
0x23: {  	s9 =	sor.u32 $0xD0000000, s2;
	s6 =	simm.s32 $0x108;
	_ =	swait.ge @!p0 [sflag:s8], $0x0  }
0x24: {  	s3 =	sadd.s32 $0x88, s3;
	s6 =	simm.s32 @!p1 $0x1082;
	[sflag:s4] =	ssyncset.s32 $0xFFFFF086  }
0x25: {  	[simem:s6], [sflag:s4] =	dma.local [hbm:s3], $0xF7A  }
0x26: {  	[smem:$0x3F8B] =	sst s1;
	(tag) =	ssettag s2;
	_ =	strace s9  }
0x27: {  	s1 =	sld [smem:$0x3F9B]  }
0x28: {  	s2 =	sld [smem:$0x3F9C]  }
0x29: {  	s4 =	sld [smem:$0x3F9E]  }
0x2a: {  	p0 =	seq.s32 s5, $0x0;
	s5 =	sld [smem:$0x3F9F]  }
0x2b: {  	s6 =	sld [smem:$0x3FA0]  }
0x2c: {  	s7 =	sld [smem:$0x3FA1]  }
0x2d: {  	s3 =	simm.s32 $0x108;
	s8 =	sld [smem:$0x3FA2]  }
0x2e: {  	s3 =	simm.s32 @!p0 $0x1082;
	s9 =	sld [smem:$0x3FA3]  }
0x2f: {  	lr =	sadd.s32 s0, s3;
	s0 =	sld [smem:$0x3F9A]  }
0x30: {  	s3 =	sld [smem:$0x3F9D]  }
0x31: {  	[smem:$0x3FA6] =	sst s10  }
0x32: {  	s10 =	sld [smem:$0x3FA4];
	_ =	sdelay $0x3  }
0x33: {  	p0 =	seq.s32 s10, $0x1;
	s10 =	sld [smem:$0x3FA6];
	_ =	sdelay $0x3  }
0x34: {  	[smem:$0x3FA6] =	sst s10  }
0x35: {  	s10 =	sld [smem:$0x3FA5];
	_ =	sdelay $0x3  }
0x36: {  	p1 =	seq.s32 s10, $0x1;
	s10 =	sld [smem:$0x3FA6];
	_ =	sdelay $0x3  }
0x37: {  	[smem:$0x3FA6] =	sst s10  }
0x38: {  	s10 =	sld [smem:$0x3FA7]  }
0x39: {  	_ = 	snop;
	(pc) =	sbr.ind lr, $3  }
0x3a: {  	_ = 	snop  }
0x3b: {  	_ = 	snop  }
0x3c: {  	p2 =	seq.s32 s10, $0x1;
	s10 =	sld [smem:$0x3FA6]  }
0x3d: {  	_ =	shalt  }
0x3e: {  	_ =	shalt  }
0x3f: {  	_ =	shalt  }
0x40: {  	_ =	shalt  }
0x41: {  	_ =	shalt  }
0x42: {  	_ =	shalt  }
0x43: {  	_ =	shalt  }
0x44: {  	_ =	shalt  }
0x45: {  	_ =	shalt  }
0x46: {  	_ =	shalt  }
0x47: {  	_ =	shalt  }
0x48: {  	_ =	shalt  }
0x49: {  	_ =	shalt  }
0x4a: {  	_ =	shalt  }
0x4b: {  	_ =	shalt  }
0x4c: {  	_ =	shalt  }
0x4d: {  	_ =	shalt  }
0x4e: {  	_ =	shalt  }
0x4f: {  	_ =	shalt  }
0x50: {  	_ =	shalt  }
0x51: {  	_ =	shalt  }
0x52: {  	_ =	shalt  }
0x53: {  	_ =	shalt  }
0x54: {  	_ =	shalt  }
0x55: {  	_ =	shalt  }
0x56: {  	_ =	shalt  }
0x57: {  	_ =	shalt  }
0x58: {  	_ =	shalt  }
0x59: {  	_ =	shalt  }
0x5a: {  	_ =	shalt  }
0x5b: {  	_ =	shalt  }
0x5c: {  	_ =	shalt  }
0x5d: {  	_ =	shalt  }
0x5e: {  	_ =	shalt  }
0x5f: {  	_ =	shalt  }
0x60: {  	_ =	shalt  }
0x61: {  	_ =	shalt  }
0x62: {  	_ =	shalt  }
0x63: {  	_ =	shalt  }
0x64: {  	_ =	shalt  }
0x65: {  	_ =	shalt  }
0x66: {  	_ =	shalt  }
0x67: {  	_ =	shalt  }
0x68: {  	_ =	shalt  }
0x69: {  	_ =	shalt  }
0x6a: {  	_ =	shalt  }
0x6b: {  	_ =	shalt  }
0x6c: {  	_ =	shalt  }
0x6d: {  	_ =	shalt  }
0x6e: {  	_ =	shalt  }
0x6f: {  	_ =	shalt  }
0x70: {  	_ =	shalt  }
0x71: {  	_ =	shalt  }
0x72: {  	_ =	shalt  }
0x73: {  	_ =	shalt  }
0x74: {  	_ =	shalt  }
0x75: {  	_ =	shalt  }
0x76: {  	_ =	shalt  }
0x77: {  	_ =	shalt  }
0x78: {  	_ =	shalt  }
0x79: {  	_ =	shalt  }
0x7a: {  	_ =	shalt  }
0x7b: {  	_ =	shalt  }
0x7c: {  	_ =	shalt  }
0x7d: {  	_ =	shalt  }
0x7e: {  	_ =	shalt  }
0x7f: {  	_ =	shalt  }
0x80: {  	_ =	shalt  }
0x81: {  	_ =	shalt  }
0x82: {  	_ =	shalt  }
0x83: {  	_ =	shalt  }
0x84: {  	_ =	shalt  }
0x85: {  	_ =	shalt  }
0x86: {  	_ =	shalt  }
0x87: {  	_ =	shalt  }
.Lfunc_end0:
.L_simem_size_0:
called_computation.2_lowered:
.L_overlay_start_0:
0x88: {  	s2 =	sld [smem:$0x3FD9]  }
0x89: {  	s3 =	sld [smem:$0x3FFE];
	_ =	sdelay $0x1  }
0x8a: {  	s1 =	srdreg.scid  }
0x8b: {  	s0 =	sand.u32 $0x1, s1  }
0x8c: {  	s16 =	sshll.u32 s0, $0xA;
	s2 =	sadd.s32 s3, s2  }
0x8d: {  	s2 =	sadd.s32 s2, s16  }
0x8e: {  	[smem:$0x3FB2] =	sst s2  }
0x8f: {  	_ = 	snop  }
0x90: {  	(tm) =	ssettm $0x1  }
0x91: {  	s17 =	sld [smem:$0x3FFB];
	_ =	sdelay $0x3  }
0x92: {  	_ =	strace s17  }
0x93: {  	s2 =	sld [smem:$0x3FFC];
	_ =	sdelay $0x3  }
0x94: {  	_ =	strace s2  }
0x95: {  	s2 =	sld [smem:$0x3FFD];
	_ =	sdelay $0x3  }
0x96: {  	_ =	strace s2  }
0x97: {  	_ =	strace $0x8FFFFFFF  }
0x98: {  	s18 =	sld [smem:$0x3FDB];
	_ =	sdelay $0x1  }
0x99: {  	s19 =	simm.s32 $_scs_section_size  }
0x9a: {  	s4 =	simm.s32 $_size__tile_overlayer_lowered;
	s5 =	simm.s32 $_tile_overlayer_lowered  }
0x9b: {  	s22 =	simm.s32 $0x1BFF;
	s21 =	sshll.u32 s5, $0x1;
	s2 =	sadd.s32 s19, s18  }
0x9c: {  	s6 =	simm.s32 $0x0;
	s20 =	sshll.u32 s4, $0x1;
	s4 =	sadd.s32 s21, s2  }
0x9d: {  	[timem:s6], [sflag:s22] =	dma.local [hbm:s4], s20  }
0x9e: {  	_ =	swait.ge [sflag:s22], s20  }
0x9f: {  	s3 =	ssub.s32 $0x0, s20;
	[sflag:s22] =	ssyncset.done $0x0  }
0xa0: {  	[sflag:s22] =	ssyncadd.s32 s3;
	_ =	sdelay $0x1  }
0xa1: {  	s23 =	simm.s32 $0x1B8B  }
0xa2: {  	_ =	swait.ge [sflag:s23], $0x1  }
0xa3: {  	[sflag:s23] =	ssyncset.done $0x0  }
0xa4: {  	s25 =	simm.s32 $0x1B8E;
	s24 =	sld [smem:$0x3FFE];
	[sflag:s23] =	ssyncadd.s32 $0xFFFFFFFF  }
0xa5: {  	s26 =	simm.s32 $execute0_lowered;
	[smem:$0x3FD2] =	sst s25  }
0xa6: {  	s4 =	sshll.u32 s26, $0x1;
	_ =	strace $0x8000004C;
	[dreg:$0x1] =	wrdreg $0xFFFFFFFF  }
0xa7: {  	s28 =	simm.s32 $_size_execute0_lowered;
	s2 =	sadd.s32 s2, s4;
	[dreg:$0x0] =	wrdreg $0x0  }
0xa8: {  	s4 =	sshll.u32 s28, $0x1;
	[dreg:$0x2] =	wrdreg s2  }
0xa9: {  	[dreg:$0x3] =	wrdreg s4  }
0xaa: {  	[dreg:$0x4] =	wrdreg $0xC0  }
0xab: {  	_ =	task [dreg:s6], $0x5FFFF  }
0xac: {  	[dreg:$0x1] =	wrdreg $0xFFFFFFFF  }
0xad: {  	[dreg:$0x0] =	wrdreg $0x60  }
0xae: {  	[dreg:$0x2] =	wrdreg s24  }
0xaf: {  	[dreg:$0x3] =	wrdreg $0x52000  }
0xb0: {  	[dreg:$0x4] =	wrdreg $0x9  }
0xb1: {  	_ =	task.clear_ibuf [dreg:s6], $0x5FFFF;
	_ =	strace $0x9000004C  }
0xb2: {  	s29 =	simm.s32 $0x9;
	_ =	strace $0x8000004E  }
0xb3: {  	_ =	swait.ge [sflag:s29], $0x1  }
0xb4: {  	[sflag:s29] =	ssyncadd.s32 $0xFFFFFFFF  }
0xb5: {  	_ =	strace $0x9000004E  }
0xb6: {  	_ =	sfence  }
0xb7: {  	s30 =	sld [smem:$0x0];
	_ =	sdelay $0x2  }
0xb8: {  	s31 =	sshll.u32 s1, $0xD;
	s1 =	sshrl.u32 s1, $0x2  }
0xb9: {  	s3 =	sand.u32 $0x4000, s31;
	s1 =	sadd.s32 s1, s30  }
0xba: {  	s0 =	sor.u32 s3, s0;
	s1 =	sshll.u32 s1, $0x11  }
0xbb: {  	s0 =	sor.u32 s1, s0  }
0xbc: {  	s0 =	sadd.s32 $0x8F2B, s0  }
0xbd: {  	[sflag:s0] =	ssyncadd.remote.s32 $0x1  }
0xbe: {  	_ =	sfence.sel $0xFFFF  }
0xbf: {  	[dreg:$0x0] =	wrdreg $0xFFFFFFFF;
	(pc) =	sbr.abs _section_cstart, $3  }
0xc0: {  	[dreg:$0x1] =	wrdreg $0xFFFFFFFF  }
0xc1: {  	_ =	task.clear_ibuf [dreg:s6], $0x2FFFF;
	_ =	strace $0x9FFFFFFF  }
0xc2: {  	(tm) =	ssettm $0x7FFFFFFF  }
0xc3: {  	_ =	shalt  }
tec
execute0_lowered:
.L_overlay_start_1:
0x0: {  	(tag) =	ssettag $0x1  }
0x1: {  	s1 =	srdreg.scid  }
0x2: {  	s0 =	rddreg [dreg:$0x0];
	s18 =	stileid.u32  }
0x3: {  	s5 =	sand.u32 $0x1, s1;
	s1 =	simm.s32 $0x0;
	s6 =	smul.u32 $0x280, s18  }
0x4: {  	s7 =	smul.u32 $0x14000, s18;
	s8 =	sadd.s32 $0x18400, s0;
	s9 =	sadd.s32 $0x67600, s0  }
0x5: {  	s19 =	sshll.u32 s18, $0x1;
	s2 =	ssub.s32 $0x2, s5;
	[smem:$0x7FF] =	sst s1  }
0x6: {  	s17 =	smul.u32 $0x140000, s5;
	s3 =	sshrl.u32 s2, $0x1;
	s4 =	sshrl.u32 s7, $0x3  }
0x7: {  	s10 =	sor.u32 $0x50, s6;
	s21 =	sadd.s32 $0xA0, s6;
	s12 =	sadd.s32 $0xF0, s6  }
0x8: {  	s13 =	sadd.s32 $0x140, s6;
	s24 =	sadd.s32 $0x190, s6;
	s15 =	sadd.s32 $0x1E0, s6  }
0x9: {  	s6 =	sadd.s32 $0x230, s6;
	s2 =	ssub.s32 s2, s3;
	s3 =	sor.u32 s5, s19  }
0xa: {  	s4 =	sadd.s32 s8, s4;
	s11 =	sshll.u32 s10, $0x4;
	s22 =	sshll.u32 s12, $0x4  }
0xb: {  	s12 =	sshll.u32 s12, $0x7;
	s23 =	sshll.u32 s13, $0x4;
	s13 =	sshll.u32 s13, $0x7  }
0xc: {  	s14 =	sshll.u32 s24, $0x7;
	s16 =	sshll.u32 s6, $0x4;
	s6 =	sshll.u32 s6, $0x7  }
0xd: {  	s7 =	sadd.s32 s7, s17;
	s5 =	smul.u32 $0x2710, s5;
	[dreg:$0x3] =	wrdreg s4  }
0xe: {  	s4 =	sshll.u32 s10, $0x7;
	s20 =	sadd.s32 s8, s11;
	s11 =	sshll.u32 s21, $0x7  }
0xf: {  	s10 =	sshll.u32 s21, $0x4;
	s7 =	sshrl.u32 s7, $0x3;
	s19 =	sadd.s32 s17, s13  }
0x10: {  	s2 =	smax.u32 s2, $0x1;
	[dreg:$0x4] =	wrdreg s20;
	s10 =	sadd.s32 s8, s10  }
0x11: {  	s25 =	sadd.s32 s17, s4;
	[dreg:$0x5] =	wrdreg s10;
	s10 =	sadd.s32 s8, s22  }
0x12: {  	s26 =	sadd.s32 s17, s11;
	[dreg:$0x6] =	wrdreg s10;
	s10 =	sadd.s32 s8, s23  }
0x13: {  	s7 =	sadd.s32 s9, s7;
	[dreg:$0x7] =	wrdreg s10;
	s10 =	sshll.u32 s24, $0x4  }
0x14: {  	s20 =	sadd.s32 s17, s14;
	[dreg:$0xb] =	wrdreg s7;
	s10 =	sadd.s32 s8, s10  }
0x15: {  	[dreg:$0x8] =	wrdreg s10;
	s10 =	sshll.u32 s15, $0x7;
	s15 =	sshll.u32 s15, $0x4  }
0x16: {  	s24 =	sadd.s32 s17, s6;
	s15 =	sadd.s32 s8, s15;
	s8 =	sadd.s32 s8, s16  }
0x17: {  	s16 =	sadd.s32 s17, s12;
	[dreg:$0xa] =	wrdreg s8;
	s8 =	sshrl.u32 s25, $0x3  }
0x18: {  	[dreg:$0x9] =	wrdreg s15;
	s15 =	sshrl.u32 s26, $0x3;
	s8 =	sadd.s32 s9, s8  }
0x19: {  	s7 =	sshrl.u32 s16, $0x3;
	s15 =	sadd.s32 s9, s15;
	[dreg:$0xc] =	wrdreg s8  }
0x1a: {  	s23 =	sadd.s32 s17, s10;
	s7 =	sadd.s32 s9, s7;
	[dreg:$0xd] =	wrdreg s15  }
0x1b: {  	s25 =	smul.u32 $0x4E20, s18;
	s8 =	sshrl.u32 s19, $0x3;
	[dreg:$0xe] =	wrdreg s7  }
0x1c: {  	s15 =	sshrl.u32 s20, $0x3;
	s7 =	sshrl.u32 s23, $0x3;
	s19 =	rddreg [dreg:$0x1]  }
0x1d: {  	s5 =	sadd.s32 s5, s25;
	s20 =	sadd.s32 $0x40400, s0;
	s21 =	sadd.s32 s9, s8  }
0x1e: {  	s22 =	sadd.s32 s9, s15;
	s8 =	sshrl.u32 s24, $0x3;
	s7 =	sadd.s32 s9, s7  }
0x1f: {  	s24 =	sadd.s32 s4, s19;
	s25 =	sadd.s32 s11, s19;
	s28 =	sadd.s32 s13, s19  }
0x20: {  	s29 =	sadd.s32 s14, s19;
	s30 =	sadd.s32 s10, s19;
	s16 =	sadd.s32 $0x50, s5  }
0x21: {  	s31 =	sadd.s32 s6, s19;
	s6 =	simm.s32 $0x200;
	[dreg:$0xf] =	wrdreg s21  }
0x22: {  	s10 =	simm.s32 $0x100;
	s11 =	simm.s32 $0x180;
	[dreg:$0x10] =	wrdreg s22  }
0x23: {  	s13 =	simm.s32 $0x2A00;
	s14 =	simm.s32 $0x2;
	[dreg:$0x11] =	wrdreg s7  }
0x24: {  	s26 =	sadd.s32 s9, s8;
	s8 =	smul.u32 $0x50000, s18;
	s21 =	sadd.s32 $0xE600, s0  }
0x25: {  	s22 =	sadd.s32 $0x4800, s0;
	s9 =	smul.u32 $0x2710, s3;
	s17 =	sshrl.u32 s16, $0x3  }
0x26: {  	s7 =	simm.s32 $0x3;
	[dreg:$0x12] =	wrdreg s26;
	s26 =	sadd.s32 s12, s19  }
0x27: {  	s3 =	sadd.s32 s17, s22;
	s4 =	sadd.s32 s17, s21;
	s12 =	simm.s32 $0x1  }
0x28: {  	_ =	strace $0x8000004D;
	s15 =	sshrl.u32 s8, $0x2;
	s0 =	sshrl.u32 s9, $0x3  }
0x29: {  	s8 =	simm.s32 $0x80;
	s9 =	simm.s32 $0x50;
	s18 =	sadd.s32 s21, s0  }
0x2a: {  	s23 =	sadd.s32 s15, s19;
	s0 =	sadd.s32 s22, s0;
	[dreg:$0x13] =	wrdreg s18  }
0x2b: {  	s15 =	simm.s32 $0x0;
	[dreg:$0x14] =	wrdreg s0;
	s18 =	sadd.s32 $0xA0, s5  }
.LBB2_1:
0x2c: {  	s0 =	rddreg [dreg:$0x3]  }
0x2d: {  	[tilespmem:s6], [sflag:$0x3] =	stream.linear.gather [hbm4b:s0+s1], $0x2800, $0x38;
	[tilespmem:$0x19200] =	vst v63  }
0x2e: {  	_ =	swait.ge [sflag:s7], $0x2800  }
0x2f: {  	[sflag:s7] =	ssyncset.done $0x0  }
0x30: {  	[sflag:s7] =	ssyncadd.s32 $0xFFFFD800  }
0x31: {  	[spmem:s23] =	stream.linear.scatter [tilespmem:s6], [sflag:$0x3], $0x2800, $0x38;
	[tilespmem:$0x19200] =	vst v63  }
0x32: {  	_ =	swait.ge [sflag:s7], $0x2800  }
0x33: {  	[sflag:s7] =	ssyncset.done $0x0  }
0x34: {  	s5 =	rddreg [dreg:$0x4];
	[sflag:s7] =	ssyncadd.s32 $0xFFFFD800  }
0x35: {  	[tilespmem:s6], [sflag:$0x3] =	stream.linear.gather [hbm4b:s5+s1], $0x2800, $0x38;
	[tilespmem:$0x19200] =	vst v63  }
0x36: {  	_ =	swait.ge [sflag:s7], $0x2800  }
0x37: {  	[sflag:s7] =	ssyncset.done $0x0  }
0x38: {  	[sflag:s7] =	ssyncadd.s32 $0xFFFFD800  }
0x39: {  	[spmem:s24] =	stream.linear.scatter [tilespmem:s6], [sflag:$0x3], $0x2800, $0x38;
	[tilespmem:$0x19200] =	vst v63  }
0x3a: {  	_ =	swait.ge [sflag:s7], $0x2800  }
0x3b: {  	[sflag:s7] =	ssyncset.done $0x0  }
0x3c: {  	s16 =	rddreg [dreg:$0x5];
	[sflag:s7] =	ssyncadd.s32 $0xFFFFD800  }
0x3d: {  	[tilespmem:s6], [sflag:$0x3] =	stream.linear.gather [hbm4b:s16+s1], $0x2800, $0x38;
	[tilespmem:$0x19200] =	vst v63  }
0x3e: {  	_ =	swait.ge [sflag:s7], $0x2800  }
0x3f: {  	[sflag:s7] =	ssyncset.done $0x0  }
0x40: {  	[sflag:s7] =	ssyncadd.s32 $0xFFFFD800  }
0x41: {  	[spmem:s25] =	stream.linear.scatter [tilespmem:s6], [sflag:$0x3], $0x2800, $0x38;
	[tilespmem:$0x19200] =	vst v63  }
0x42: {  	_ =	swait.ge [sflag:s7], $0x2800  }
0x43: {  	[sflag:s7] =	ssyncset.done $0x0  }
0x44: {  	s17 =	rddreg [dreg:$0x6];
	[sflag:s7] =	ssyncadd.s32 $0xFFFFD800  }
0x45: {  	[tilespmem:s6], [sflag:$0x3] =	stream.linear.gather [hbm4b:s17+s1], $0x2800, $0x38;
	[tilespmem:$0x19200] =	vst v63  }
0x46: {  	_ =	swait.ge [sflag:s7], $0x2800  }
0x47: {  	[sflag:s7] =	ssyncset.done $0x0  }
0x48: {  	[sflag:s7] =	ssyncadd.s32 $0xFFFFD800  }
0x49: {  	[spmem:s26] =	stream.linear.scatter [tilespmem:s6], [sflag:$0x3], $0x2800, $0x38;
	[tilespmem:$0x19200] =	vst v63  }
0x4a: {  	_ =	swait.ge [sflag:s7], $0x2800  }
0x4b: {  	[sflag:s7] =	ssyncset.done $0x0  }
0x4c: {  	s5 =	rddreg [dreg:$0x7];
	[sflag:s7] =	ssyncadd.s32 $0xFFFFD800  }
0x4d: {  	[tilespmem:s6], [sflag:$0x3] =	stream.linear.gather [hbm4b:s5+s1], $0x2800, $0x38;
	[tilespmem:$0x19200] =	vst v63  }
0x4e: {  	_ =	swait.ge [sflag:s7], $0x2800  }
0x4f: {  	[sflag:s7] =	ssyncset.done $0x0  }
0x50: {  	[sflag:s7] =	ssyncadd.s32 $0xFFFFD800  }
0x51: {  	[spmem:s28] =	stream.linear.scatter [tilespmem:s6], [sflag:$0x3], $0x2800, $0x38;
	[tilespmem:$0x19200] =	vst v63  }
0x52: {  	_ =	swait.ge [sflag:s7], $0x2800  }
0x53: {  	[sflag:s7] =	ssyncset.done $0x0  }
0x54: {  	s16 =	rddreg [dreg:$0x8];
	[sflag:s7] =	ssyncadd.s32 $0xFFFFD800  }
0x55: {  	[tilespmem:s6], [sflag:$0x3] =	stream.linear.gather [hbm4b:s16+s1], $0x2800, $0x38;
	[tilespmem:$0x19200] =	vst v63  }
0x56: {  	_ =	swait.ge [sflag:s7], $0x2800  }
0x57: {  	[sflag:s7] =	ssyncset.done $0x0  }
0x58: {  	[sflag:s7] =	ssyncadd.s32 $0xFFFFD800  }
0x59: {  	[spmem:s29] =	stream.linear.scatter [tilespmem:s6], [sflag:$0x3], $0x2800, $0x38;
	[tilespmem:$0x19200] =	vst v63  }
0x5a: {  	_ =	swait.ge [sflag:s7], $0x2800  }
0x5b: {  	[sflag:s7] =	ssyncset.done $0x0  }
0x5c: {  	s17 =	rddreg [dreg:$0x9];
	[sflag:s7] =	ssyncadd.s32 $0xFFFFD800  }
0x5d: {  	[tilespmem:s6], [sflag:$0x3] =	stream.linear.gather [hbm4b:s17+s1], $0x2800, $0x38;
	[tilespmem:$0x19200] =	vst v63  }
0x5e: {  	_ =	swait.ge [sflag:s7], $0x2800  }
0x5f: {  	[sflag:s7] =	ssyncset.done $0x0  }
0x60: {  	[sflag:s7] =	ssyncadd.s32 $0xFFFFD800  }
0x61: {  	[spmem:s30] =	stream.linear.scatter [tilespmem:s6], [sflag:$0x3], $0x2800, $0x38;
	[tilespmem:$0x19200] =	vst v63  }
0x62: {  	_ =	swait.ge [sflag:s7], $0x2800  }
0x63: {  	[sflag:s7] =	ssyncset.done $0x0  }
0x64: {  	s5 =	rddreg [dreg:$0xa];
	[sflag:s7] =	ssyncadd.s32 $0xFFFFD800  }
0x65: {  	[tilespmem:s6], [sflag:$0x3] =	stream.linear.gather [hbm4b:s5+s1], $0x2800, $0x38;
	[tilespmem:$0x19200] =	vst v63  }
0x66: {  	_ =	swait.ge [sflag:s7], $0x2800  }
0x67: {  	[sflag:s7] =	ssyncset.done $0x0  }
0x68: {  	[sflag:s7] =	ssyncadd.s32 $0xFFFFD800  }
0x69: {  	[spmem:s31] =	stream.linear.scatter [tilespmem:s6], [sflag:$0x3], $0x2800, $0x38;
	[tilespmem:$0x19200] =	vst v63  }
0x6a: {  	_ =	swait.ge [sflag:s7], $0x2800  }
0x6b: {  	[sflag:s7] =	ssyncset.done $0x0  }
0x6c: {  	[sflag:s7] =	ssyncadd.s32 $0xFFFFD800  }
0x6d: {  	[bflag:$0x0] =	sbarrier.arrive $0xFFFF  }
0x6e: {  	s16 =	rddreg [dreg:$0x13]  }
0x6f: {  	[tilespmem:s1], [sflag:$0x3] =	stream.linear.gather [hbm4b:s16+s1], $0x50, $0x38;
	[tilespmem:$0x19200] =	vst v63  }
0x70: {  	_ =	swait.ge [sflag:s7], $0x50  }
0x71: {  	[sflag:s7] =	ssyncset.done $0x0  }
0x72: {  	s17 =	rddreg [dreg:$0x14];
	[sflag:s7] =	ssyncadd.s32 $0xFFFFFFB0  }
0x73: {  	[tilespmem:s8], [sflag:$0x3] =	stream.linear.gather [hbm4b:s17+s1], $0x50, $0x38;
	[tilespmem:$0x19200] =	vst v63  }
0x74: {  	_ =	swait.ge [sflag:s7], $0x50  }
0x75: {  	[sflag:s7] =	ssyncset.done $0x0  }
0x76: {  	[sflag:s7] =	ssyncadd.s32 $0xFFFFFFB0  }
0x77: {  	[tilespmem:s6], [sflag:$0x1] =	stream.indirect.gather [hbm4b:s20+s9], $0x80, s1, s9, $0xb8;
	[tilespmem:$0x19200] =	vst v63  }
0x78: {  	s5 =	sadd.s32 $0x0, s4  }
0x79: {  	[tilespmem:s10], [sflag:$0x3] =	stream.linear.gather [hbm4b:s5+s1], $0x50, $0x38;
	[tilespmem:$0x19200] =	vst v63  }
0x7a: {  	_ =	swait.ge [sflag:s7], $0x50  }
0x7b: {  	[sflag:s7] =	ssyncset.done $0x0  }
0x7c: {  	s0 =	sadd.s32 $0x0, s3;
	[sflag:s7] =	ssyncadd.s32 $0xFFFFFFB0  }
0x7d: {  	[tilespmem:s11], [sflag:$0x3] =	stream.linear.gather [hbm4b:s0+s1], $0x50, $0x38;
	[tilespmem:$0x19200] =	vst v63  }
0x7e: {  	_ =	swait.ge [sflag:s7], $0x50  }
0x7f: {  	[sflag:s7] =	ssyncset.done $0x0  }
0x80: {  	[sflag:s7] =	ssyncadd.s32 $0xFFFFFFB0  }
0x81: {  	_ =	swait.ge [sflag:s12], $0x2800  }
0x82: {  	[sflag:s12] =	ssyncset.done $0x0  }
0x83: {  	[sflag:s12] =	ssyncadd.s32 $0xFFFFD800  }
0x84: {  	[tilespmem:s13], [sflag:$0x2] =	stream.indirect.gather [hbm4b:s20+s9], $0x80, s10, s9, $0xb8;
	[tilespmem:$0x19200] =	vst v63  }
0x85: {  	_ = 	snop  }
0x86: {  	[spmem:s19] =	stream.indirect.scatter.add.f32 [tilespmem:s6], [sflag:$0x3], $0x80, s8, s9, $0xb8;
	[tilespmem:$0x19200] =	vst v63  }
0x87: {  	_ =	swait.ge [sflag:s7], $0x2800  }
0x88: {  	s16 =	sshrl.u32 s18, $0x3;
	[sflag:s7] =	ssyncset.done $0x0  }
0x89: {  	s17 =	sadd.s32 s21, s16;
	[sflag:s7] =	ssyncadd.s32 $0xFFFFD800  }
0x8a: {  	[tilespmem:s1], [sflag:$0x3] =	stream.linear.gather [hbm4b:s17+s1], $0x50, $0x38;
	[tilespmem:$0x19200] =	vst v63  }
0x8b: {  	_ =	swait.ge [sflag:s7], $0x50  }
0x8c: {  	[sflag:s7] =	ssyncset.done $0x0  }
0x8d: {  	s5 =	sadd.s32 s22, s16;
	[sflag:s7] =	ssyncadd.s32 $0xFFFFFFB0  }
0x8e: {  	[tilespmem:s8], [sflag:$0x3] =	stream.linear.gather [hbm4b:s5+s1], $0x50, $0x38;
	[tilespmem:$0x19200] =	vst v63  }
0x8f: {  	_ =	swait.ge [sflag:s7], $0x50  }
0x90: {  	[sflag:s7] =	ssyncset.done $0x0  }
0x91: {  	[sflag:s7] =	ssyncadd.s32 $0xFFFFFFB0  }
0x92: {  	_ =	swait.ge [sflag:s14], $0x2800  }
0x93: {  	[sflag:s14] =	ssyncset.done $0x0  }
0x94: {  	[sflag:s14] =	ssyncadd.s32 $0xFFFFD800  }
0x95: {  	[tilespmem:s6], [sflag:$0x1] =	stream.indirect.gather [hbm4b:s20+s9], $0x80, s1, s9, $0xb8;
	[tilespmem:$0x19200] =	vst v63  }
0x96: {  	_ = 	snop  }
0x97: {  	[spmem:s19] =	stream.indirect.scatter.add.f32 [tilespmem:s13], [sflag:$0x3], $0x80, s11, s9, $0xb8;
	[tilespmem:$0x19200] =	vst v63  }
0x98: {  	_ =	swait.ge [sflag:s7], $0x2800  }
0x99: {  	s17 =	simm.s32 $0x14;
	s5 =	smov.u32 s18;
	[sflag:s7] =	ssyncset.done $0x0  }
.LBB2_2:
0x9a: {  	p0 =	sne.s32 s17, $0x4C4;
	[sflag:s7] =	ssyncadd.s32 $0xFFFFD800;
	s5 =	sadd.s32 $0xA0, s5  }
0x9b: {  	s16 =	sadd.s32 s17, s4;
	s0 =	smov.u32 s17;
	s17 =	sadd.s32 $0x14, s17  }
0x9c: {  	[tilespmem:s10], [sflag:$0x3] =	stream.linear.gather [hbm4b:s16+s1], $0x50, $0x38;
	[tilespmem:$0x19200] =	vst v63  }
0x9d: {  	_ =	swait.ge [sflag:s7], $0x50  }
0x9e: {  	[sflag:s7] =	ssyncset.done $0x0  }
0x9f: {  	s0 =	sadd.s32 s0, s3;
	[sflag:s7] =	ssyncadd.s32 $0xFFFFFFB0  }
0xa0: {  	[tilespmem:s11], [sflag:$0x3] =	stream.linear.gather [hbm4b:s0+s1], $0x50, $0x38;
	[tilespmem:$0x19200] =	vst v63  }
0xa1: {  	_ =	swait.ge [sflag:s7], $0x50  }
0xa2: {  	[sflag:s7] =	ssyncset.done $0x0  }
0xa3: {  	[sflag:s7] =	ssyncadd.s32 $0xFFFFFFB0  }
0xa4: {  	_ =	swait.ge [sflag:s12], $0x2800  }
0xa5: {  	[sflag:s12] =	ssyncset.done $0x0  }
0xa6: {  	[sflag:s12] =	ssyncadd.s32 $0xFFFFD800  }
0xa7: {  	[tilespmem:s13], [sflag:$0x2] =	stream.indirect.gather [hbm4b:s20+s9], $0x80, s10, s9, $0xb8;
	[tilespmem:$0x19200] =	vst v63  }
0xa8: {  	_ = 	snop  }
0xa9: {  	[spmem:s19] =	stream.indirect.scatter.add.f32 [tilespmem:s6], [sflag:$0x3], $0x80, s8, s9, $0xb8;
	[tilespmem:$0x19200] =	vst v63  }
0xaa: {  	_ =	swait.ge [sflag:s7], $0x2800  }
0xab: {  	s0 =	sshrl.u32 s5, $0x3;
	[sflag:s7] =	ssyncset.done $0x0  }
0xac: {  	s16 =	sadd.s32 s21, s0;
	[sflag:s7] =	ssyncadd.s32 $0xFFFFD800  }
0xad: {  	[tilespmem:s1], [sflag:$0x3] =	stream.linear.gather [hbm4b:s16+s1], $0x50, $0x38;
	[tilespmem:$0x19200] =	vst v63  }
0xae: {  	_ =	swait.ge [sflag:s7], $0x50  }
0xaf: {  	[sflag:s7] =	ssyncset.done $0x0  }
0xb0: {  	s0 =	sadd.s32 s22, s0;
	[sflag:s7] =	ssyncadd.s32 $0xFFFFFFB0  }
0xb1: {  	[tilespmem:s8], [sflag:$0x3] =	stream.linear.gather [hbm4b:s0+s1], $0x50, $0x38;
	[tilespmem:$0x19200] =	vst v63  }
0xb2: {  	_ =	swait.ge [sflag:s7], $0x50  }
0xb3: {  	[sflag:s7] =	ssyncset.done $0x0  }
0xb4: {  	[sflag:s7] =	ssyncadd.s32 $0xFFFFFFB0  }
0xb5: {  	_ =	swait.ge [sflag:s14], $0x2800  }
0xb6: {  	[sflag:s14] =	ssyncset.done $0x0  }
0xb7: {  	[sflag:s14] =	ssyncadd.s32 $0xFFFFD800  }
0xb8: {  	[tilespmem:s6], [sflag:$0x1] =	stream.indirect.gather [hbm4b:s20+s9], $0x80, s1, s9, $0xb8;
	[tilespmem:$0x19200] =	vst v63  }
.Ltmp0:
0xb9: {  	_ = 	snop;
	(pc) =	sbr.rel @p0 .LBB2_2-.Ltmp0, $4  }
0xba: {  	_ = 	snop  }
0xbb: {  	[spmem:s19] =	stream.indirect.scatter.add.f32 [tilespmem:s13], [sflag:$0x3], $0x80, s11, s9, $0xb8;
	[tilespmem:$0x19200] =	vst v63  }
0xbc: {  	_ =	swait.ge [sflag:s7], $0x2800  }
0xbd: {  	[sflag:s7] =	ssyncset.done $0x0  }
0xbe: {  	[sflag:s7] =	ssyncadd.s32 $0xFFFFD800  }
0xbf: {  	_ =	swait.ge [sflag:s12], $0x2800  }
0xc0: {  	[sflag:s12] =	ssyncset.done $0x0  }
0xc1: {  	[sflag:s12] =	ssyncadd.s32 $0xFFFFD800  }
0xc2: {  	[spmem:s19] =	stream.indirect.scatter.add.f32 [tilespmem:s6], [sflag:$0x3], $0x80, s8, s9, $0xb8;
	[tilespmem:$0x19200] =	vst v63  }
0xc3: {  	_ =	swait.ge [sflag:s7], $0x2800  }
0xc4: {  	[sflag:s7] =	ssyncset.done $0x0  }
0xc5: {  	[sflag:s7] =	ssyncadd.s32 $0xFFFFD800  }
0xc6: {  	[bflag:$0x0] =	sbarrier.arrive $0xFFFF  }
0xc7: {  	[tilespmem:s6], [sflag:$0x3] =	stream.linear.gather [spmem:s23], $0x2800, $0x38;
	[tilespmem:$0x19200] =	vst v63  }
0xc8: {  	_ =	swait.ge [sflag:s7], $0x2800  }
0xc9: {  	[sflag:s7] =	ssyncset.done $0x0  }
0xca: {  	s0 =	rddreg [dreg:$0xb];
	[sflag:s7] =	ssyncadd.s32 $0xFFFFD800  }
0xcb: {  	[hbm4b:s0+s1] =	stream.linear.scatter [tilespmem:s6], [sflag:$0x3], $0x2800, $0x38;
	[tilespmem:$0x19200] =	vst v63  }
0xcc: {  	_ =	swait.ge [sflag:s7], $0x2800  }
0xcd: {  	[sflag:s7] =	ssyncset.done $0x0  }
0xce: {  	[sflag:s7] =	ssyncadd.s32 $0xFFFFD800  }
0xcf: {  	[tilespmem:s6], [sflag:$0x3] =	stream.linear.gather [spmem:s24], $0x2800, $0x38;
	[tilespmem:$0x19200] =	vst v63  }
0xd0: {  	_ =	swait.ge [sflag:s7], $0x2800  }
0xd1: {  	[sflag:s7] =	ssyncset.done $0x0  }
0xd2: {  	s17 =	rddreg [dreg:$0xc];
	[sflag:s7] =	ssyncadd.s32 $0xFFFFD800  }
0xd3: {  	[hbm4b:s17+s1] =	stream.linear.scatter [tilespmem:s6], [sflag:$0x3], $0x2800, $0x38;
	[tilespmem:$0x19200] =	vst v63  }
0xd4: {  	_ =	swait.ge [sflag:s7], $0x2800  }
0xd5: {  	[sflag:s7] =	ssyncset.done $0x0  }
0xd6: {  	[sflag:s7] =	ssyncadd.s32 $0xFFFFD800  }
0xd7: {  	[tilespmem:s6], [sflag:$0x3] =	stream.linear.gather [spmem:s25], $0x2800, $0x38;
	[tilespmem:$0x19200] =	vst v63  }
0xd8: {  	_ =	swait.ge [sflag:s7], $0x2800  }
0xd9: {  	[sflag:s7] =	ssyncset.done $0x0  }
0xda: {  	s5 =	rddreg [dreg:$0xd];
	[sflag:s7] =	ssyncadd.s32 $0xFFFFD800  }
0xdb: {  	[hbm4b:s5+s1] =	stream.linear.scatter [tilespmem:s6], [sflag:$0x3], $0x2800, $0x38;
	[tilespmem:$0x19200] =	vst v63  }
0xdc: {  	_ =	swait.ge [sflag:s7], $0x2800  }
0xdd: {  	[sflag:s7] =	ssyncset.done $0x0  }
0xde: {  	[sflag:s7] =	ssyncadd.s32 $0xFFFFD800  }
0xdf: {  	[tilespmem:s6], [sflag:$0x3] =	stream.linear.gather [spmem:s26], $0x2800, $0x38;
	[tilespmem:$0x19200] =	vst v63  }
0xe0: {  	_ =	swait.ge [sflag:s7], $0x2800  }
0xe1: {  	[sflag:s7] =	ssyncset.done $0x0  }
0xe2: {  	s16 =	rddreg [dreg:$0xe];
	[sflag:s7] =	ssyncadd.s32 $0xFFFFD800  }
0xe3: {  	[hbm4b:s16+s1] =	stream.linear.scatter [tilespmem:s6], [sflag:$0x3], $0x2800, $0x38;
	[tilespmem:$0x19200] =	vst v63  }
0xe4: {  	_ =	swait.ge [sflag:s7], $0x2800  }
0xe5: {  	[sflag:s7] =	ssyncset.done $0x0  }
0xe6: {  	[sflag:s7] =	ssyncadd.s32 $0xFFFFD800  }
0xe7: {  	[tilespmem:s6], [sflag:$0x3] =	stream.linear.gather [spmem:s28], $0x2800, $0x38;
	[tilespmem:$0x19200] =	vst v63  }
0xe8: {  	_ =	swait.ge [sflag:s7], $0x2800  }
0xe9: {  	[sflag:s7] =	ssyncset.done $0x0  }
0xea: {  	s17 =	rddreg [dreg:$0xf];
	[sflag:s7] =	ssyncadd.s32 $0xFFFFD800  }
0xeb: {  	[hbm4b:s17+s1] =	stream.linear.scatter [tilespmem:s6], [sflag:$0x3], $0x2800, $0x38;
	[tilespmem:$0x19200] =	vst v63  }
0xec: {  	_ =	swait.ge [sflag:s7], $0x2800  }
0xed: {  	[sflag:s7] =	ssyncset.done $0x0  }
0xee: {  	[sflag:s7] =	ssyncadd.s32 $0xFFFFD800  }
0xef: {  	[tilespmem:s6], [sflag:$0x3] =	stream.linear.gather [spmem:s29], $0x2800, $0x38;
	[tilespmem:$0x19200] =	vst v63  }
0xf0: {  	_ =	swait.ge [sflag:s7], $0x2800  }
0xf1: {  	[sflag:s7] =	ssyncset.done $0x0  }
0xf2: {  	s5 =	rddreg [dreg:$0x10];
	[sflag:s7] =	ssyncadd.s32 $0xFFFFD800  }
0xf3: {  	[hbm4b:s5+s1] =	stream.linear.scatter [tilespmem:s6], [sflag:$0x3], $0x2800, $0x38;
	[tilespmem:$0x19200] =	vst v63  }
0xf4: {  	_ =	swait.ge [sflag:s7], $0x2800  }
0xf5: {  	[sflag:s7] =	ssyncset.done $0x0  }
0xf6: {  	[sflag:s7] =	ssyncadd.s32 $0xFFFFD800  }
0xf7: {  	[tilespmem:s6], [sflag:$0x3] =	stream.linear.gather [spmem:s30], $0x2800, $0x38;
	[tilespmem:$0x19200] =	vst v63  }
0xf8: {  	_ =	swait.ge [sflag:s7], $0x2800  }
0xf9: {  	[sflag:s7] =	ssyncset.done $0x0  }
0xfa: {  	s16 =	rddreg [dreg:$0x11];
	[sflag:s7] =	ssyncadd.s32 $0xFFFFD800  }
0xfb: {  	[hbm4b:s16+s1] =	stream.linear.scatter [tilespmem:s6], [sflag:$0x3], $0x2800, $0x38;
	[tilespmem:$0x19200] =	vst v63  }
0xfc: {  	_ =	swait.ge [sflag:s7], $0x2800  }
0xfd: {  	[sflag:s7] =	ssyncset.done $0x0  }
0xfe: {  	[sflag:s7] =	ssyncadd.s32 $0xFFFFD800  }
0xff: {  	[tilespmem:s6], [sflag:$0x3] =	stream.linear.gather [spmem:s31], $0x2800, $0x38;
	[tilespmem:$0x19200] =	vst v63  }
0x100: {  	s15 =	sadd.s32 $0x1, s15;
	_ =	swait.ge [sflag:s7], $0x2800  }
0x101: {  	p0 =	sne.s32 s15, s2;
	[sflag:s7] =	ssyncset.done $0x0  }
.Ltmp1:
0x102: {  	s17 =	rddreg [dreg:$0x12];
	[sflag:s7] =	ssyncadd.s32 $0xFFFFD800;
	(pc) =	sbr.rel @p0 .LBB2_1-.Ltmp1, $4  }
0x103: {  	[hbm4b:s17+s1] =	stream.linear.scatter [tilespmem:s6], [sflag:$0x3], $0x2800, $0x38;
	[tilespmem:$0x19200] =	vst v63  }
0x104: {  	_ =	swait.ge [sflag:s7], $0x2800  }
0x105: {  	[sflag:s7] =	ssyncset.done $0x0  }
0x106: {  	[sflag:s7] =	ssyncadd.s32 $0xFFFFD800  }
0x107: {  	_ =	sfence.sel $0x180000  }
0x108: {  	[bflag:$0x0] =	sbarrier.arrive $0xFFFF  }
0x109: {  	_ =	strace $0x9000004D  }
0x10a: {  	s0 =	stileid.u32;
	[bflag:$0x2] =	sbarrier.arrive $0xFFFF  }
0x10b: {  	p0 =	sne.s32 s0, $0x0;
	s0 =	rddreg [dreg:$0x2]  }
0x10c: {  	s0 =	sadd.s32 @!p0 $0x100000, s0  }
0x10d: {  	[sflag:s0] =	ssyncadd.tile.s32 @!p0 $0x1;
	_ =	shalt  }
.Lfunc_end2:
_tile_overlayer_lowered:
.L_overlay_start_2:
0x10e: {  	(tag) =	ssettag $0x2  }
0x10f: {  	s0 =	rddreg [dreg:$0x0];
	s2 =	stileid.u32  }
0x110: {  	s1 =	rddreg [dreg:$0x1];
	p0 =	sne.s32 s2, $0x0  }
0x111: {  	s3 =	rddreg [dreg:$0x2];
	[bflag:$0x3] =	sbarrier.arrive $0xFFFF;
	s2 =	simm.s32 @!p0 $0x1C03  }
0x112: {  	[timem:s3], [sflag:s2] =	dma.local @!p0 [hbm:s0], s1  }
0x113: {  	s0 =	simm.s32 @!p0 $0x3  }
0x114: {  	_ =	swait.ge @!p0 [sflag:s0], s1  }
0x115: {  	s1 =	ssub.s32 @!p0 $0x0, s1;
	[sflag:s0] =	ssyncset.done @!p0 $0x0  }
0x116: {  	[sflag:s0] =	ssyncadd.s32 @!p0 s1  }
0x117: {  	[bflag:$0x3] =	sbarrier.arrive $0xFFFF  }
0x118: {  	_ =	shalt  }

</sc_bundles>
